<compile_context>
chip_gen: v7x
topology: tpu7x:2x2x1
jax: 0.10.2.dev20260603
libtpu: 0.0.44.dev20260713+nightly
codegen_flags: <defaults>
</compile_context>

<pallas_src>
import functools

import jax
import jax.numpy as jnp
from jax import lax
from jax.experimental import pallas as pl
from jax.experimental.pallas import tpu as pltpu
from jax.experimental.pallas import tpu_sc as plsc

C = 64
NBINS = C + 1
ALPHA_LO = 0.5 - 0.1
ALPHA_HI = 0.5 + 0.1
NC = 2
NS = 16
NW = NC * NS
L = 16
B_SC = 5120
BT = 1024


def _sc_body(B, E, R, row_base, x_hbm, lr_hbm, out_hbm,
             xt0, xt1, lrt, hist, ot, sem0, sem1):
    rows_per_w = B // NW
    nblocks = rows_per_w // R

    cid = lax.axis_index("c")
    sid = lax.axis_index("s")
    wid = sid * NC + cid
    row0 = wid * rows_per_w

    lane = lax.iota(jnp.int32, L)
    lane_out = lane * C
    ones = jnp.ones((L,), jnp.int32)
    zeros = jnp.zeros((L,), jnp.int32)
    center16 = jnp.full((L,), C * L, jnp.int32)

    pltpu.sync_copy(lr_hbm, lrt)

    for i in range((R * C) // L):
        ot[pl.ds(i * L, L)] = zeros

    def x_rows(b):
        return x_hbm.at[pl.ds(row_base + row0 + b * R, R)]

    def hist_step(xv, lrp):
        rb = lax.shift_right_logical(lrp, 16)
        lb = lrp & 0xFFFF
        below = xv <= ALPHA_LO
        above = xv >= ALPHA_HI
        sel16 = jnp.where(below, lb, jnp.where(above, rb, center16))
        plsc.addupdate_scatter(hist, [sel16 + lane], ones)

    def compute_block(bi, xt):
        for i in range(NBINS):
            hist[pl.ds(i * L, L)] = zeros

        def per_elem(e):
            col = lane + e
            lrp = plsc.load_gather(lrt, [col])
            xv = plsc.load_gather(xt, [lane, col])
            hist_step(xv, lrp)
        plsc.parallel_loop(0, E - L, unroll=8)(per_elem)

        for u in range(L):
            e = E - L + u
            col = lane + e
            lrp = plsc.load_gather(lrt, [col])
            colw = col - jnp.where(col >= E, E, 0)
            xv = plsc.load_gather(xt, [lane, colw])
            hist_step(xv, lrp)

        m = jnp.full((L,), -1, jnp.int32)
        am = zeros
        for c in range(C):
            v = hist[pl.ds(c * L, L)]
            better = v > m
            m = jnp.where(better, v, m)
            am = jnp.where(better, jnp.full((L,), c * L, jnp.int32), am)
        am = lax.shift_right_logical(am, 4)

        plsc.store_scatter(ot, [lane_out + am], ones)
        pltpu.sync_copy(ot, out_hbm.at[pl.ds((row0 + bi * R) * C, R * C)])
        plsc.store_scatter(ot, [lane_out + am], zeros)

    pltpu.async_copy(x_rows(0), xt0, sem0)

    def per_pair(g, _):
        b0 = g * 2
        pltpu.async_copy(x_rows(b0 + 1), xt1, sem1)
        pltpu.make_async_copy(x_rows(b0), xt0, sem0).wait()
        compute_block(b0, xt0)
        nxt = jnp.minimum(b0 + 2, nblocks - 1)
        pltpu.async_copy(x_rows(nxt), xt0, sem0)
        pltpu.make_async_copy(x_rows(b0 + 1), xt1, sem1).wait()
        compute_block(b0 + 1, xt1)
        return 0

    lax.fori_loop(0, nblocks // 2, per_pair, 0)
    pltpu.make_async_copy(x_rows(0), xt0, sem0).wait()


def _sc_call(x_full, lrp, row_base, b_sc):
    _, E = x_full.shape
    B = b_sc
    R = 16
    mesh = plsc.VectorSubcoreMesh(
        core_axis_name="c", subcore_axis_name="s",
        num_cores=NC, num_subcores=NS)
    run = pl.kernel(
        functools.partial(_sc_body, B, E, R, row_base),
        out_type=jax.ShapeDtypeStruct((B * C,), jnp.int32),
        mesh=mesh,
        compiler_params=pltpu.CompilerParams(needs_layout_passes=False),
        scratch_types=[
            pltpu.VMEM((R, E), jnp.float32),
            pltpu.VMEM((R, E), jnp.float32),
            pltpu.VMEM((E + L,), jnp.int32),
            pltpu.VMEM((NBINS * L,), jnp.int32),
            pltpu.VMEM((R * C,), jnp.int32),
            pltpu.SemaphoreType.DMA,
            pltpu.SemaphoreType.DMA,
        ],
    )
    return run(x_full, lrp).reshape(B, C)


def _tc_body(xref, lref, rref, oref):
    x = xref[...]
    below = (x <= ALPHA_LO).astype(jnp.bfloat16)
    above = (x >= ALPHA_HI).astype(jnp.bfloat16)
    counts = jnp.dot(below, lref[...], preferred_element_type=jnp.float32)
    counts = counts + jnp.dot(above, rref[...],
                              preferred_element_type=jnp.float32)
    ci = counts.astype(jnp.int32)
    score = ci * C + (C - 1 - lax.broadcasted_iota(jnp.int32, ci.shape, 1))
    mx = jnp.max(score, axis=1, keepdims=True)
    oref[...] = (score == mx).astype(jnp.int32)


def _tc_call(x_full, lmat, rmat, b_tc):
    _, E = x_full.shape
    return pl.pallas_call(
        _tc_body,
        grid=(b_tc // BT,),
        in_specs=[
            pl.BlockSpec((BT, E), lambda i: (i, 0)),
            pl.BlockSpec((E, C), lambda i: (0, 0)),
            pl.BlockSpec((E, C), lambda i: (0, 0)),
        ],
        out_specs=pl.BlockSpec((BT, C), lambda i: (i, 0)),
        out_shape=jax.ShapeDtypeStruct((b_tc, C), jnp.int32),
    )(x_full, lmat, rmat)


def kernel(x, perms):
    B, E = x.shape
    left16 = perms[:, 0].astype(jnp.int32) * L
    right16 = perms[:, 1].astype(jnp.int32) * L
    lrp = left16 | (right16 << 16)
    lrp = jnp.concatenate([lrp, lrp[:L]])
    cls = jnp.arange(C, dtype=jnp.int32)
    lmat = (perms[:, 0:1] == cls[None, :]).astype(jnp.bfloat16)
    rmat = (perms[:, 1:2] == cls[None, :]).astype(jnp.bfloat16)

    b_tc = B - B_SC
    out_sc = _sc_call(x, lrp, b_tc, B_SC)
    out_tc = _tc_call(x, lmat, rmat, b_tc)
    return jnp.concatenate([out_tc, out_sc], axis=0).astype(jnp.int64)

# --- scband reference (transcript-rebuilt; emitter-appended) ---
"""Pipeline reference for scband-center-thresholding-71339406787444 (READ-ONLY COPY).

The authoritative reference and input builder live on the scoring server;
editing this copy changes nothing except your own understanding.
"""

import jax, jax.numpy as jnp
import numpy as np
from itertools import combinations

NUM_CLASSES = 64
ALPHA = 0.1


def setup_inputs(seed: int = 0) -> dict:
    key = jax.random.key(seed)
    B = 16384
    E = NUM_CLASSES * (NUM_CLASSES - 1) // 2  # 2016
    x = jax.random.uniform(key, (B, E), dtype=jnp.float32)
    perms = jnp.asarray(np.array(list(combinations(range(NUM_CLASSES), 2)), dtype=np.int32))
    return {"x": x, "perms": perms}


def reference(x, perms):
    B, E = x.shape
    C = NUM_CLASSES
    left = perms[:, 0]
    right = perms[:, 1]
    center = jnp.full_like(left, C)
    left_exp = jnp.broadcast_to(left[None, :], (B, E))
    right_exp = jnp.broadcast_to(right[None, :], (B, E))
    center_exp = jnp.broadcast_to(center[None, :], (B, E))
    below = x <= 0.5 - ALPHA
    above = x >= 0.5 + ALPHA
    trinary = jnp.where(below, -1, jnp.where(above, 1, 0)).astype(jnp.int32)
    selected = jnp.where(trinary == -1, left_exp,
                         jnp.where(trinary == 0, center_exp, right_exp))
    # counts == F.one_hot(selected, C+1).sum(dim=1), computed via scatter-add
    counts = jnp.zeros((B, C + 1), jnp.int32).at[
        jnp.arange(B)[:, None], selected].add(1)[:, :C]
    preds = jnp.argmax(counts.astype(jnp.float32), axis=1)
    return jax.nn.one_hot(preds, C, dtype=jnp.int64)

if __name__ == "__main__":
    import jax
    _d = setup_inputs()
    print(jax.jit(kernel)(*tuple(_d.values())))

</pallas_src>

<mosaic_0001>
#map = affine_map<(d0, d1) -> (0, 0)>
#map1 = affine_map<(d0, d1) -> (0)>
module attributes {stable_mosaic.version = 14 : i64} {
  func.func @_sc_body(%arg0: i32, %arg1: i32, %arg2: memref<16384x2016xf32, #tpu.memory_space<hbm>>, %arg3: memref<2032xi32, #tpu.memory_space<hbm>>, %arg4: memref<327680xi32, #tpu.memory_space<hbm>>, %arg5: memref<16x2016xf32, #tpu.memory_space<vmem>>, %arg6: memref<16x2016xf32, #tpu.memory_space<vmem>>, %arg7: memref<2032xi32, #tpu.memory_space<vmem>>, %arg8: memref<1040xi32, #tpu.memory_space<vmem>>, %arg9: memref<1024xi32, #tpu.memory_space<vmem>>, %arg10: memref<!tpu.dma_semaphore, #tpu.memory_space<semaphore_mem>>, %arg11: memref<!tpu.dma_semaphore, #tpu.memory_space<semaphore_mem>>) attributes {dimension_semantics = [#tpu.dimension_semantics<core_parallel>, #tpu.dimension_semantics<subcore_parallel>], iteration_bounds = array<i64: 2, 16>, scalar_prefetch = 0 : i64, scratch_operands = 7 : i64, tpu.core_type = #tpu.core_type<sc_vector_subcore>, window_params = [{transform_indices = #map}, {transform_indices = #map1}, {transform_indices = #map1}]} {
    %mul3A = arith.constant 2 : i32
    %mul3A_0 = arith.muli %arg1, %mul3A : i32
    %add3A = arith.addi %mul3A_0, %arg0 : i32
    %mul3A_1 = arith.constant 160 : i32
    %mul3A_2 = arith.muli %add3A, %mul3A_1 : i32
    %iota3A = tpu.iota {dimensions = array<i32: 0>} : vector<16xi32>
    %mul3A_3 = arith.constant 64 : i32
    %mul3A_4 = vector.broadcast %mul3A_3 : i32 to vector<16xi32>
    %mul3A_5 = arith.muli %iota3A, %mul3A_4 : vector<16xi32>
    %broadcast_in_dim3A = arith.constant 1 : i32
    %broadcast_in_dim3A_6 = vector.broadcast %broadcast_in_dim3A : i32 to vector<16xi32>
    %broadcast_in_dim3A_7 = arith.constant 0 : i32
    %broadcast_in_dim3A_8 = vector.broadcast %broadcast_in_dim3A_7 : i32 to vector<16xi32>
    %broadcast_in_dim3A_9 = arith.constant 1024 : i32
    %broadcast_in_dim3A_10 = vector.broadcast %broadcast_in_dim3A_9 : i32 to vector<16xi32>
    "tpu.region"() ({
      %run_scoped3A = tpu.sem_alloc : memref<!tpu.dma_semaphore, #tpu.memory_space<semaphore_mem>>
      tpu.enqueue_dma source(%arg3 : memref<2032xi32, #tpu.memory_space<hbm>>) target(%arg7 : memref<2032xi32, #tpu.memory_space<vmem>>) target_semaphore(%run_scoped3A : memref<!tpu.dma_semaphore, #tpu.memory_space<semaphore_mem>>)
      tpu.wait_dma2 semaphore(%run_scoped3A : memref<!tpu.dma_semaphore, #tpu.memory_space<semaphore_mem>>) src(%arg3 : memref<2032xi32, #tpu.memory_space<hbm>>) dst(%arg7 : memref<2032xi32, #tpu.memory_space<vmem>>)
      tpu.yield
    }) : () -> ()
    %swap3A = arith.constant 0 : index
    %swap3A_11 = tpu.vector_load %arg9[%swap3A] {strides = array<i32>} : memref<1024xi32, #tpu.memory_space<vmem>>, vector<16xi32>,
    tpu.vector_store %arg9[%swap3A], %broadcast_in_dim3A_8 {strides = array<i32>} : memref<1024xi32, #tpu.memory_space<vmem>>, vector<16xi32>,
    %swap3A_12 = arith.constant 16 : index
    %swap3A_13 = tpu.vector_load %arg9[%swap3A_12] {strides = array<i32>} : memref<1024xi32, #tpu.memory_space<vmem>>, vector<16xi32>,
    tpu.vector_store %arg9[%swap3A_12], %broadcast_in_dim3A_8 {strides = array<i32>} : memref<1024xi32, #tpu.memory_space<vmem>>, vector<16xi32>,
    %swap3A_14 = arith.constant 32 : index
    %swap3A_15 = tpu.vector_load %arg9[%swap3A_14] {strides = array<i32>} : memref<1024xi32, #tpu.memory_space<vmem>>, vector<16xi32>,
    tpu.vector_store %arg9[%swap3A_14], %broadcast_in_dim3A_8 {strides = array<i32>} : memref<1024xi32, #tpu.memory_space<vmem>>, vector<16xi32>,
    %swap3A_16 = arith.constant 48 : index
    %swap3A_17 = tpu.vector_load %arg9[%swap3A_16] {strides = array<i32>} : memref<1024xi32, #tpu.memory_space<vmem>>, vector<16xi32>,
    tpu.vector_store %arg9[%swap3A_16], %broadcast_in_dim3A_8 {strides = array<i32>} : memref<1024xi32, #tpu.memory_space<vmem>>, vector<16xi32>,
    %swap3A_18 = arith.constant 64 : index
    %swap3A_19 = tpu.vector_load %arg9[%swap3A_18] {strides = array<i32>} : memref<1024xi32, #tpu.memory_space<vmem>>, vector<16xi32>,
    tpu.vector_store %arg9[%swap3A_18], %broadcast_in_dim3A_8 {strides = array<i32>} : memref<1024xi32, #tpu.memory_space<vmem>>, vector<16xi32>,
    %swap3A_20 = arith.constant 80 : index
    %swap3A_21 = tpu.vector_load %arg9[%swap3A_20] {strides = array<i32>} : memref<1024xi32, #tpu.memory_space<vmem>>, vector<16xi32>,
    tpu.vector_store %arg9[%swap3A_20], %broadcast_in_dim3A_8 {strides = array<i32>} : memref<1024xi32, #tpu.memory_space<vmem>>, vector<16xi32>,
    %swap3A_22 = arith.constant 96 : index
    %swap3A_23 = tpu.vector_load %arg9[%swap3A_22] {strides = array<i32>} : memref<1024xi32, #tpu.memory_space<vmem>>, vector<16xi32>,
    tpu.vector_store %arg9[%swap3A_22], %broadcast_in_dim3A_8 {strides = array<i32>} : memref<1024xi32, #tpu.memory_space<vmem>>, vector<16xi32>,
    %swap3A_24 = arith.constant 112 : index
    %swap3A_25 = tpu.vector_load %arg9[%swap3A_24] {strides = array<i32>} : memref<1024xi32, #tpu.memory_space<vmem>>, vector<16xi32>,
    tpu.vector_store %arg9[%swap3A_24], %broadcast_in_dim3A_8 {strides = array<i32>} : memref<1024xi32, #tpu.memory_space<vmem>>, vector<16xi32>,
    %swap3A_26 = arith.constant 128 : index
    %swap3A_27 = tpu.vector_load %arg9[%swap3A_26] {strides = array<i32>} : memref<1024xi32, #tpu.memory_space<vmem>>, vector<16xi32>,
    tpu.vector_store %arg9[%swap3A_26], %broadcast_in_dim3A_8 {strides = array<i32>} : memref<1024xi32, #tpu.memory_space<vmem>>, vector<16xi32>,
    %swap3A_28 = arith.constant 144 : index
    %swap3A_29 = tpu.vector_load %arg9[%swap3A_28] {strides = array<i32>} : memref<1024xi32, #tpu.memory_space<vmem>>, vector<16xi32>,
    tpu.vector_store %arg9[%swap3A_28], %broadcast_in_dim3A_8 {strides = array<i32>} : memref<1024xi32, #tpu.memory_space<vmem>>, vector<16xi32>,
    %swap3A_30 = arith.constant 160 : index
    %swap3A_31 = tpu.vector_load %arg9[%swap3A_30] {strides = array<i32>} : memref<1024xi32, #tpu.memory_space<vmem>>, vector<16xi32>,
    tpu.vector_store %arg9[%swap3A_30], %broadcast_in_dim3A_8 {strides = array<i32>} : memref<1024xi32, #tpu.memory_space<vmem>>, vector<16xi32>,
    %swap3A_32 = arith.constant 176 : index
    %swap3A_33 = tpu.vector_load %arg9[%swap3A_32] {strides = array<i32>} : memref<1024xi32, #tpu.memory_space<vmem>>, vector<16xi32>,
    tpu.vector_store %arg9[%swap3A_32], %broadcast_in_dim3A_8 {strides = array<i32>} : memref<1024xi32, #tpu.memory_space<vmem>>, vector<16xi32>,
    %swap3A_34 = arith.constant 192 : index
    %swap3A_35 = tpu.vector_load %arg9[%swap3A_34] {strides = array<i32>} : memref<1024xi32, #tpu.memory_space<vmem>>, vector<16xi32>,
    tpu.vector_store %arg9[%swap3A_34], %broadcast_in_dim3A_8 {strides = array<i32>} : memref<1024xi32, #tpu.memory_space<vmem>>, vector<16xi32>,
    %swap3A_36 = arith.constant 208 : index
    %swap3A_37 = tpu.vector_load %arg9[%swap3A_36] {strides = array<i32>} : memref<1024xi32, #tpu.memory_space<vmem>>, vector<16xi32>,
    tpu.vector_store %arg9[%swap3A_36], %broadcast_in_dim3A_8 {strides = array<i32>} : memref<1024xi32, #tpu.memory_space<vmem>>, vector<16xi32>,
    %swap3A_38 = arith.constant 224 : index
    %swap3A_39 = tpu.vector_load %arg9[%swap3A_38] {strides = array<i32>} : memref<1024xi32, #tpu.memory_space<vmem>>, vector<16xi32>,
    tpu.vector_store %arg9[%swap3A_38], %broadcast_in_dim3A_8 {strides = array<i32>} : memref<1024xi32, #tpu.memory_space<vmem>>, vector<16xi32>,
    %swap3A_40 = arith.constant 240 : index
    %swap3A_41 = tpu.vector_load %arg9[%swap3A_40] {strides = array<i32>} : memref<1024xi32, #tpu.memory_space<vmem>>, vector<16xi32>,
    tpu.vector_store %arg9[%swap3A_40], %broadcast_in_dim3A_8 {strides = array<i32>} : memref<1024xi32, #tpu.memory_space<vmem>>, vector<16xi32>,
    %swap3A_42 = arith.constant 256 : index
    %swap3A_43 = tpu.vector_load %arg9[%swap3A_42] {strides = array<i32>} : memref<1024xi32, #tpu.memory_space<vmem>>, vector<16xi32>,
    tpu.vector_store %arg9[%swap3A_42], %broadcast_in_dim3A_8 {strides = array<i32>} : memref<1024xi32, #tpu.memory_space<vmem>>, vector<16xi32>,
    %swap3A_44 = arith.constant 272 : index
    %swap3A_45 = tpu.vector_load %arg9[%swap3A_44] {strides = array<i32>} : memref<1024xi32, #tpu.memory_space<vmem>>, vector<16xi32>,
    tpu.vector_store %arg9[%swap3A_44], %broadcast_in_dim3A_8 {strides = array<i32>} : memref<1024xi32, #tpu.memory_space<vmem>>, vector<16xi32>,
    %swap3A_46 = arith.constant 288 : index
    %swap3A_47 = tpu.vector_load %arg9[%swap3A_46] {strides = array<i32>} : memref<1024xi32, #tpu.memory_space<vmem>>, vector<16xi32>,
    tpu.vector_store %arg9[%swap3A_46], %broadcast_in_dim3A_8 {strides = array<i32>} : memref<1024xi32, #tpu.memory_space<vmem>>, vector<16xi32>,
    %swap3A_48 = arith.constant 304 : index
    %swap3A_49 = tpu.vector_load %arg9[%swap3A_48] {strides = array<i32>} : memref<1024xi32, #tpu.memory_space<vmem>>, vector<16xi32>,
    tpu.vector_store %arg9[%swap3A_48], %broadcast_in_dim3A_8 {strides = array<i32>} : memref<1024xi32, #tpu.memory_space<vmem>>, vector<16xi32>,
    %swap3A_50 = arith.constant 320 : index
    %swap3A_51 = tpu.vector_load %arg9[%swap3A_50] {strides = array<i32>} : memref<1024xi32, #tpu.memory_space<vmem>>, vector<16xi32>,
    tpu.vector_store %arg9[%swap3A_50], %broadcast_in_dim3A_8 {strides = array<i32>} : memref<1024xi32, #tpu.memory_space<vmem>>, vector<16xi32>,
    %swap3A_52 = arith.constant 336 : index
    %swap3A_53 = tpu.vector_load %arg9[%swap3A_52] {strides = array<i32>} : memref<1024xi32, #tpu.memory_space<vmem>>, vector<16xi32>,
    tpu.vector_store %arg9[%swap3A_52], %broadcast_in_dim3A_8 {strides = array<i32>} : memref<1024xi32, #tpu.memory_space<vmem>>, vector<16xi32>,
    %swap3A_54 = arith.constant 352 : index
    %swap3A_55 = tpu.vector_load %arg9[%swap3A_54] {strides = array<i32>} : memref<1024xi32, #tpu.memory_space<vmem>>, vector<16xi32>,
    tpu.vector_store %arg9[%swap3A_54], %broadcast_in_dim3A_8 {strides = array<i32>} : memref<1024xi32, #tpu.memory_space<vmem>>, vector<16xi32>,
    %swap3A_56 = arith.constant 368 : index
    %swap3A_57 = tpu.vector_load %arg9[%swap3A_56] {strides = array<i32>} : memref<1024xi32, #tpu.memory_space<vmem>>, vector<16xi32>,
    tpu.vector_store %arg9[%swap3A_56], %broadcast_in_dim3A_8 {strides = array<i32>} : memref<1024xi32, #tpu.memory_space<vmem>>, vector<16xi32>,
    %swap3A_58 = arith.constant 384 : index
    %swap3A_59 = tpu.vector_load %arg9[%swap3A_58] {strides = array<i32>} : memref<1024xi32, #tpu.memory_space<vmem>>, vector<16xi32>,
    tpu.vector_store %arg9[%swap3A_58], %broadcast_in_dim3A_8 {strides = array<i32>} : memref<1024xi32, #tpu.memory_space<vmem>>, vector<16xi32>,
    %swap3A_60 = arith.constant 400 : index
    %swap3A_61 = tpu.vector_load %arg9[%swap3A_60] {strides = array<i32>} : memref<1024xi32, #tpu.memory_space<vmem>>, vector<16xi32>,
    tpu.vector_store %arg9[%swap3A_60], %broadcast_in_dim3A_8 {strides = array<i32>} : memref<1024xi32, #tpu.memory_space<vmem>>, vector<16xi32>,
    %swap3A_62 = arith.constant 416 : index
    %swap3A_63 = tpu.vector_load %arg9[%swap3A_62] {strides = array<i32>} : memref<1024xi32, #tpu.memory_space<vmem>>, vector<16xi32>,
    tpu.vector_store %arg9[%swap3A_62], %broadcast_in_dim3A_8 {strides = array<i32>} : memref<1024xi32, #tpu.memory_space<vmem>>, vector<16xi32>,
    %swap3A_64 = arith.constant 432 : index
    %swap3A_65 = tpu.vector_load %arg9[%swap3A_64] {strides = array<i32>} : memref<1024xi32, #tpu.memory_space<vmem>>, vector<16xi32>,
    tpu.vector_store %arg9[%swap3A_64], %broadcast_in_dim3A_8 {strides = array<i32>} : memref<1024xi32, #tpu.memory_space<vmem>>, vector<16xi32>,
    %swap3A_66 = arith.constant 448 : index
    %swap3A_67 = tpu.vector_load %arg9[%swap3A_66] {strides = array<i32>} : memref<1024xi32, #tpu.memory_space<vmem>>, vector<16xi32>,
    tpu.vector_store %arg9[%swap3A_66], %broadcast_in_dim3A_8 {strides = array<i32>} : memref<1024xi32, #tpu.memory_space<vmem>>, vector<16xi32>,
    %swap3A_68 = arith.constant 464 : index
    %swap3A_69 = tpu.vector_load %arg9[%swap3A_68] {strides = array<i32>} : memref<1024xi32, #tpu.memory_space<vmem>>, vector<16xi32>,
    tpu.vector_store %arg9[%swap3A_68], %broadcast_in_dim3A_8 {strides = array<i32>} : memref<1024xi32, #tpu.memory_space<vmem>>, vector<16xi32>,
    %swap3A_70 = arith.constant 480 : index
    %swap3A_71 = tpu.vector_load %arg9[%swap3A_70] {strides = array<i32>} : memref<1024xi32, #tpu.memory_space<vmem>>, vector<16xi32>,
    tpu.vector_store %arg9[%swap3A_70], %broadcast_in_dim3A_8 {strides = array<i32>} : memref<1024xi32, #tpu.memory_space<vmem>>, vector<16xi32>,
    %swap3A_72 = arith.constant 496 : index
    %swap3A_73 = tpu.vector_load %arg9[%swap3A_72] {strides = array<i32>} : memref<1024xi32, #tpu.memory_space<vmem>>, vector<16xi32>,
    tpu.vector_store %arg9[%swap3A_72], %broadcast_in_dim3A_8 {strides = array<i32>} : memref<1024xi32, #tpu.memory_space<vmem>>, vector<16xi32>,
    %swap3A_74 = arith.constant 512 : index
    %swap3A_75 = tpu.vector_load %arg9[%swap3A_74] {strides = array<i32>} : memref<1024xi32, #tpu.memory_space<vmem>>, vector<16xi32>,
    tpu.vector_store %arg9[%swap3A_74], %broadcast_in_dim3A_8 {strides = array<i32>} : memref<1024xi32, #tpu.memory_space<vmem>>, vector<16xi32>,
    %swap3A_76 = arith.constant 528 : index
    %swap3A_77 = tpu.vector_load %arg9[%swap3A_76] {strides = array<i32>} : memref<1024xi32, #tpu.memory_space<vmem>>, vector<16xi32>,
    tpu.vector_store %arg9[%swap3A_76], %broadcast_in_dim3A_8 {strides = array<i32>} : memref<1024xi32, #tpu.memory_space<vmem>>, vector<16xi32>,
    %swap3A_78 = arith.constant 544 : index
    %swap3A_79 = tpu.vector_load %arg9[%swap3A_78] {strides = array<i32>} : memref<1024xi32, #tpu.memory_space<vmem>>, vector<16xi32>,
    tpu.vector_store %arg9[%swap3A_78], %broadcast_in_dim3A_8 {strides = array<i32>} : memref<1024xi32, #tpu.memory_space<vmem>>, vector<16xi32>,
    %swap3A_80 = arith.constant 560 : index
    %swap3A_81 = tpu.vector_load %arg9[%swap3A_80] {strides = array<i32>} : memref<1024xi32, #tpu.memory_space<vmem>>, vector<16xi32>,
    tpu.vector_store %arg9[%swap3A_80], %broadcast_in_dim3A_8 {strides = array<i32>} : memref<1024xi32, #tpu.memory_space<vmem>>, vector<16xi32>,
    %swap3A_82 = arith.constant 576 : index
    %swap3A_83 = tpu.vector_load %arg9[%swap3A_82] {strides = array<i32>} : memref<1024xi32, #tpu.memory_space<vmem>>, vector<16xi32>,
    tpu.vector_store %arg9[%swap3A_82], %broadcast_in_dim3A_8 {strides = array<i32>} : memref<1024xi32, #tpu.memory_space<vmem>>, vector<16xi32>,
    %swap3A_84 = arith.constant 592 : index
    %swap3A_85 = tpu.vector_load %arg9[%swap3A_84] {strides = array<i32>} : memref<1024xi32, #tpu.memory_space<vmem>>, vector<16xi32>,
    tpu.vector_store %arg9[%swap3A_84], %broadcast_in_dim3A_8 {strides = array<i32>} : memref<1024xi32, #tpu.memory_space<vmem>>, vector<16xi32>,
    %swap3A_86 = arith.constant 608 : index
    %swap3A_87 = tpu.vector_load %arg9[%swap3A_86] {strides = array<i32>} : memref<1024xi32, #tpu.memory_space<vmem>>, vector<16xi32>,
    tpu.vector_store %arg9[%swap3A_86], %broadcast_in_dim3A_8 {strides = array<i32>} : memref<1024xi32, #tpu.memory_space<vmem>>, vector<16xi32>,
    %swap3A_88 = arith.constant 624 : index
    %swap3A_89 = tpu.vector_load %arg9[%swap3A_88] {strides = array<i32>} : memref<1024xi32, #tpu.memory_space<vmem>>, vector<16xi32>,
    tpu.vector_store %arg9[%swap3A_88], %broadcast_in_dim3A_8 {strides = array<i32>} : memref<1024xi32, #tpu.memory_space<vmem>>, vector<16xi32>,
    %swap3A_90 = arith.constant 640 : index
    %swap3A_91 = tpu.vector_load %arg9[%swap3A_90] {strides = array<i32>} : memref<1024xi32, #tpu.memory_space<vmem>>, vector<16xi32>,
    tpu.vector_store %arg9[%swap3A_90], %broadcast_in_dim3A_8 {strides = array<i32>} : memref<1024xi32, #tpu.memory_space<vmem>>, vector<16xi32>,
    %swap3A_92 = arith.constant 656 : index
    %swap3A_93 = tpu.vector_load %arg9[%swap3A_92] {strides = array<i32>} : memref<1024xi32, #tpu.memory_space<vmem>>, vector<16xi32>,
    tpu.vector_store %arg9[%swap3A_92], %broadcast_in_dim3A_8 {strides = array<i32>} : memref<1024xi32, #tpu.memory_space<vmem>>, vector<16xi32>,
    %swap3A_94 = arith.constant 672 : index
    %swap3A_95 = tpu.vector_load %arg9[%swap3A_94] {strides = array<i32>} : memref<1024xi32, #tpu.memory_space<vmem>>, vector<16xi32>,
    tpu.vector_store %arg9[%swap3A_94], %broadcast_in_dim3A_8 {strides = array<i32>} : memref<1024xi32, #tpu.memory_space<vmem>>, vector<16xi32>,
    %swap3A_96 = arith.constant 688 : index
    %swap3A_97 = tpu.vector_load %arg9[%swap3A_96] {strides = array<i32>} : memref<1024xi32, #tpu.memory_space<vmem>>, vector<16xi32>,
    tpu.vector_store %arg9[%swap3A_96], %broadcast_in_dim3A_8 {strides = array<i32>} : memref<1024xi32, #tpu.memory_space<vmem>>, vector<16xi32>,
    %swap3A_98 = arith.constant 704 : index
    %swap3A_99 = tpu.vector_load %arg9[%swap3A_98] {strides = array<i32>} : memref<1024xi32, #tpu.memory_space<vmem>>, vector<16xi32>,
    tpu.vector_store %arg9[%swap3A_98], %broadcast_in_dim3A_8 {strides = array<i32>} : memref<1024xi32, #tpu.memory_space<vmem>>, vector<16xi32>,
    %swap3A_100 = arith.constant 720 : index
    %swap3A_101 = tpu.vector_load %arg9[%swap3A_100] {strides = array<i32>} : memref<1024xi32, #tpu.memory_space<vmem>>, vector<16xi32>,
    tpu.vector_store %arg9[%swap3A_100], %broadcast_in_dim3A_8 {strides = array<i32>} : memref<1024xi32, #tpu.memory_space<vmem>>, vector<16xi32>,
    %swap3A_102 = arith.constant 736 : index
    %swap3A_103 = tpu.vector_load %arg9[%swap3A_102] {strides = array<i32>} : memref<1024xi32, #tpu.memory_space<vmem>>, vector<16xi32>,
    tpu.vector_store %arg9[%swap3A_102], %broadcast_in_dim3A_8 {strides = array<i32>} : memref<1024xi32, #tpu.memory_space<vmem>>, vector<16xi32>,
    %swap3A_104 = arith.constant 752 : index
    %swap3A_105 = tpu.vector_load %arg9[%swap3A_104] {strides = array<i32>} : memref<1024xi32, #tpu.memory_space<vmem>>, vector<16xi32>,
    tpu.vector_store %arg9[%swap3A_104], %broadcast_in_dim3A_8 {strides = array<i32>} : memref<1024xi32, #tpu.memory_space<vmem>>, vector<16xi32>,
    %swap3A_106 = arith.constant 768 : index
    %swap3A_107 = tpu.vector_load %arg9[%swap3A_106] {strides = array<i32>} : memref<1024xi32, #tpu.memory_space<vmem>>, vector<16xi32>,
    tpu.vector_store %arg9[%swap3A_106], %broadcast_in_dim3A_8 {strides = array<i32>} : memref<1024xi32, #tpu.memory_space<vmem>>, vector<16xi32>,
    %swap3A_108 = arith.constant 784 : index
    %swap3A_109 = tpu.vector_load %arg9[%swap3A_108] {strides = array<i32>} : memref<1024xi32, #tpu.memory_space<vmem>>, vector<16xi32>,
    tpu.vector_store %arg9[%swap3A_108], %broadcast_in_dim3A_8 {strides = array<i32>} : memref<1024xi32, #tpu.memory_space<vmem>>, vector<16xi32>,
    %swap3A_110 = arith.constant 800 : index
    %swap3A_111 = tpu.vector_load %arg9[%swap3A_110] {strides = array<i32>} : memref<1024xi32, #tpu.memory_space<vmem>>, vector<16xi32>,
    tpu.vector_store %arg9[%swap3A_110], %broadcast_in_dim3A_8 {strides = array<i32>} : memref<1024xi32, #tpu.memory_space<vmem>>, vector<16xi32>,
    %swap3A_112 = arith.constant 816 : index
    %swap3A_113 = tpu.vector_load %arg9[%swap3A_112] {strides = array<i32>} : memref<1024xi32, #tpu.memory_space<vmem>>, vector<16xi32>,
    tpu.vector_store %arg9[%swap3A_112], %broadcast_in_dim3A_8 {strides = array<i32>} : memref<1024xi32, #tpu.memory_space<vmem>>, vector<16xi32>,
    %swap3A_114 = arith.constant 832 : index
    %swap3A_115 = tpu.vector_load %arg9[%swap3A_114] {strides = array<i32>} : memref<1024xi32, #tpu.memory_space<vmem>>, vector<16xi32>,
    tpu.vector_store %arg9[%swap3A_114], %broadcast_in_dim3A_8 {strides = array<i32>} : memref<1024xi32, #tpu.memory_space<vmem>>, vector<16xi32>,
    %swap3A_116 = arith.constant 848 : index
    %swap3A_117 = tpu.vector_load %arg9[%swap3A_116] {strides = array<i32>} : memref<1024xi32, #tpu.memory_space<vmem>>, vector<16xi32>,
    tpu.vector_store %arg9[%swap3A_116], %broadcast_in_dim3A_8 {strides = array<i32>} : memref<1024xi32, #tpu.memory_space<vmem>>, vector<16xi32>,
    %swap3A_118 = arith.constant 864 : index
    %swap3A_119 = tpu.vector_load %arg9[%swap3A_118] {strides = array<i32>} : memref<1024xi32, #tpu.memory_space<vmem>>, vector<16xi32>,
    tpu.vector_store %arg9[%swap3A_118], %broadcast_in_dim3A_8 {strides = array<i32>} : memref<1024xi32, #tpu.memory_space<vmem>>, vector<16xi32>,
    %swap3A_120 = arith.constant 880 : index
    %swap3A_121 = tpu.vector_load %arg9[%swap3A_120] {strides = array<i32>} : memref<1024xi32, #tpu.memory_space<vmem>>, vector<16xi32>,
    tpu.vector_store %arg9[%swap3A_120], %broadcast_in_dim3A_8 {strides = array<i32>} : memref<1024xi32, #tpu.memory_space<vmem>>, vector<16xi32>,
    %swap3A_122 = arith.constant 896 : index
    %swap3A_123 = tpu.vector_load %arg9[%swap3A_122] {strides = array<i32>} : memref<1024xi32, #tpu.memory_space<vmem>>, vector<16xi32>,
    tpu.vector_store %arg9[%swap3A_122], %broadcast_in_dim3A_8 {strides = array<i32>} : memref<1024xi32, #tpu.memory_space<vmem>>, vector<16xi32>,
    %swap3A_124 = arith.constant 912 : index
    %swap3A_125 = tpu.vector_load %arg9[%swap3A_124] {strides = array<i32>} : memref<1024xi32, #tpu.memory_space<vmem>>, vector<16xi32>,
    tpu.vector_store %arg9[%swap3A_124], %broadcast_in_dim3A_8 {strides = array<i32>} : memref<1024xi32, #tpu.memory_space<vmem>>, vector<16xi32>,
    %swap3A_126 = arith.constant 928 : index
    %swap3A_127 = tpu.vector_load %arg9[%swap3A_126] {strides = array<i32>} : memref<1024xi32, #tpu.memory_space<vmem>>, vector<16xi32>,
    tpu.vector_store %arg9[%swap3A_126], %broadcast_in_dim3A_8 {strides = array<i32>} : memref<1024xi32, #tpu.memory_space<vmem>>, vector<16xi32>,
    %swap3A_128 = arith.constant 944 : index
    %swap3A_129 = tpu.vector_load %arg9[%swap3A_128] {strides = array<i32>} : memref<1024xi32, #tpu.memory_space<vmem>>, vector<16xi32>,
    tpu.vector_store %arg9[%swap3A_128], %broadcast_in_dim3A_8 {strides = array<i32>} : memref<1024xi32, #tpu.memory_space<vmem>>, vector<16xi32>,
    %swap3A_130 = arith.constant 960 : index
    %swap3A_131 = tpu.vector_load %arg9[%swap3A_130] {strides = array<i32>} : memref<1024xi32, #tpu.memory_space<vmem>>, vector<16xi32>,
    tpu.vector_store %arg9[%swap3A_130], %broadcast_in_dim3A_8 {strides = array<i32>} : memref<1024xi32, #tpu.memory_space<vmem>>, vector<16xi32>,
    %swap3A_132 = arith.constant 976 : index
    %swap3A_133 = tpu.vector_load %arg9[%swap3A_132] {strides = array<i32>} : memref<1024xi32, #tpu.memory_space<vmem>>, vector<16xi32>,
    tpu.vector_store %arg9[%swap3A_132], %broadcast_in_dim3A_8 {strides = array<i32>} : memref<1024xi32, #tpu.memory_space<vmem>>, vector<16xi32>,
    %swap3A_134 = arith.constant 992 : index
    %swap3A_135 = tpu.vector_load %arg9[%swap3A_134] {strides = array<i32>} : memref<1024xi32, #tpu.memory_space<vmem>>, vector<16xi32>,
    tpu.vector_store %arg9[%swap3A_134], %broadcast_in_dim3A_8 {strides = array<i32>} : memref<1024xi32, #tpu.memory_space<vmem>>, vector<16xi32>,
    %swap3A_136 = arith.constant 1008 : index
    %swap3A_137 = tpu.vector_load %arg9[%swap3A_136] {strides = array<i32>} : memref<1024xi32, #tpu.memory_space<vmem>>, vector<16xi32>,
    tpu.vector_store %arg9[%swap3A_136], %broadcast_in_dim3A_8 {strides = array<i32>} : memref<1024xi32, #tpu.memory_space<vmem>>, vector<16xi32>,
    %add3A_138 = arith.constant 11264 : i32
    %add3A_139 = arith.addi %add3A_138, %mul3A_2 : i32
    %add3A_140 = arith.constant 0 : i32
    %add3A_141 = arith.addi %add3A_139, %add3A_140 : i32
    %dma_start3A = arith.constant 0 : i32
    %dma_start3A_142 = tpu.memref_slice %arg2[%add3A_141, %dma_start3A] : memref<16384x2016xf32, #tpu.memory_space<hbm>> -> memref<16x2016xf32, #tpu.memory_space<hbm>>
    %dma_start3A_143 = arith.constant 0 : i32
    %dma_start3A_144 = tpu.memref_slice %arg2[%add3A_141, %dma_start3A_143] : memref<16384x2016xf32, #tpu.memory_space<hbm>> -> memref<16x2016xf32, #tpu.memory_space<hbm>>
    tpu.enqueue_dma source(%dma_start3A_144 : memref<16x2016xf32, #tpu.memory_space<hbm>>) target(%arg5 : memref<16x2016xf32, #tpu.memory_space<vmem>>) target_semaphore(%arg10 : memref<!tpu.dma_semaphore, #tpu.memory_space<semaphore_mem>>)
    %scan3A = arith.constant 0 : i32
    %scan3A_145 = arith.constant 0 : i32
    %scan3A_146 = arith.constant 5 : i32
    %scan3A_147 = arith.addi %scan3A_145, %scan3A_146 : i32
    %scan3A_148 = arith.constant 1 : i32
    %scan3A_149 = scf.for %scan3A_158 = %scan3A_145 to %scan3A_147 step %scan3A_148 iter_args(%scan3A_159 = %scan3A) -> (i32)  : i32 {
      %mul3A_160 = arith.constant 2 : i32
      %mul3A_161 = arith.muli %scan3A_158, %mul3A_160 : i32
      %add3A_162 = arith.constant 1 : i32
      %add3A_163 = arith.addi %mul3A_161, %add3A_162 : i32
      %add3A_164 = arith.constant 11264 : i32
      %add3A_165 = arith.addi %add3A_164, %mul3A_2 : i32
      %mul3A_166 = arith.constant 16 : i32
      %mul3A_167 = arith.muli %add3A_163, %mul3A_166 : i32
      %add3A_168 = arith.addi %add3A_165, %mul3A_167 : i32
      %dma_start3A_169 = arith.constant 0 : i32
      %dma_start3A_170 = tpu.memref_slice %arg2[%add3A_168, %dma_start3A_169] : memref<16384x2016xf32, #tpu.memory_space<hbm>> -> memref<16x2016xf32, #tpu.memory_space<hbm>>
      %dma_start3A_171 = arith.constant 0 : i32
      %dma_start3A_172 = tpu.memref_slice %arg2[%add3A_168, %dma_start3A_171] : memref<16384x2016xf32, #tpu.memory_space<hbm>> -> memref<16x2016xf32, #tpu.memory_space<hbm>>
      tpu.enqueue_dma source(%dma_start3A_172 : memref<16x2016xf32, #tpu.memory_space<hbm>>) target(%arg6 : memref<16x2016xf32, #tpu.memory_space<vmem>>) target_semaphore(%arg11 : memref<!tpu.dma_semaphore, #tpu.memory_space<semaphore_mem>>)
      %add3A_173 = arith.constant 11264 : i32
      %add3A_174 = arith.addi %add3A_173, %mul3A_2 : i32
      %mul3A_175 = arith.constant 16 : i32
      %mul3A_176 = arith.muli %mul3A_161, %mul3A_175 : i32
      %add3A_177 = arith.addi %add3A_174, %mul3A_176 : i32
      %dma_wait3A_178 = arith.constant 0 : i32
      %dma_wait3A_179 = tpu.memref_slice %arg2[%add3A_177, %dma_wait3A_178] : memref<16384x2016xf32, #tpu.memory_space<hbm>> -> memref<16x2016xf32, #tpu.memory_space<hbm>>
      %dma_wait3A_180 = arith.constant 0 : i32
      %dma_wait3A_181 = tpu.memref_slice %arg2[%add3A_177, %dma_wait3A_180] : memref<16384x2016xf32, #tpu.memory_space<hbm>> -> memref<16x2016xf32, #tpu.memory_space<hbm>>
      tpu.wait_dma2 semaphore(%arg10 : memref<!tpu.dma_semaphore, #tpu.memory_space<semaphore_mem>>) src(%dma_wait3A_181 : memref<16x2016xf32, #tpu.memory_space<hbm>>) dst(%arg5 : memref<16x2016xf32, #tpu.memory_space<vmem>>)
      %swap3A_182 = arith.constant 0 : index
      %swap3A_183 = tpu.vector_load %arg8[%swap3A_182] {strides = array<i32>} : memref<1040xi32, #tpu.memory_space<vmem>>, vector<16xi32>,
      tpu.vector_store %arg8[%swap3A_182], %broadcast_in_dim3A_8 {strides = array<i32>} : memref<1040xi32, #tpu.memory_space<vmem>>, vector<16xi32>,
      %swap3A_184 = arith.constant 16 : index
      %swap3A_185 = tpu.vector_load %arg8[%swap3A_184] {strides = array<i32>} : memref<1040xi32, #tpu.memory_space<vmem>>, vector<16xi32>,
      tpu.vector_store %arg8[%swap3A_184], %broadcast_in_dim3A_8 {strides = array<i32>} : memref<1040xi32, #tpu.memory_space<vmem>>, vector<16xi32>,
      %swap3A_186 = arith.constant 32 : index
      %swap3A_187 = tpu.vector_load %arg8[%swap3A_186] {strides = array<i32>} : memref<1040xi32, #tpu.memory_space<vmem>>, vector<16xi32>,
      tpu.vector_store %arg8[%swap3A_186], %broadcast_in_dim3A_8 {strides = array<i32>} : memref<1040xi32, #tpu.memory_space<vmem>>, vector<16xi32>,
      %swap3A_188 = arith.constant 48 : index
      %swap3A_189 = tpu.vector_load %arg8[%swap3A_188] {strides = array<i32>} : memref<1040xi32, #tpu.memory_space<vmem>>, vector<16xi32>,
      tpu.vector_store %arg8[%swap3A_188], %broadcast_in_dim3A_8 {strides = array<i32>} : memref<1040xi32, #tpu.memory_space<vmem>>, vector<16xi32>,
      %swap3A_190 = arith.constant 64 : index
      %swap3A_191 = tpu.vector_load %arg8[%swap3A_190] {strides = array<i32>} : memref<1040xi32, #tpu.memory_space<vmem>>, vector<16xi32>,
      tpu.vector_store %arg8[%swap3A_190], %broadcast_in_dim3A_8 {strides = array<i32>} : memref<1040xi32, #tpu.memory_space<vmem>>, vector<16xi32>,
      %swap3A_192 = arith.constant 80 : index
      %swap3A_193 = tpu.vector_load %arg8[%swap3A_192] {strides = array<i32>} : memref<1040xi32, #tpu.memory_space<vmem>>, vector<16xi32>,
      tpu.vector_store %arg8[%swap3A_192], %broadcast_in_dim3A_8 {strides = array<i32>} : memref<1040xi32, #tpu.memory_space<vmem>>, vector<16xi32>,
      %swap3A_194 = arith.constant 96 : index
      %swap3A_195 = tpu.vector_load %arg8[%swap3A_194] {strides = array<i32>} : memref<1040xi32, #tpu.memory_space<vmem>>, vector<16xi32>,
      tpu.vector_store %arg8[%swap3A_194], %broadcast_in_dim3A_8 {strides = array<i32>} : memref<1040xi32, #tpu.memory_space<vmem>>, vector<16xi32>,
      %swap3A_196 = arith.constant 112 : index
      %swap3A_197 = tpu.vector_load %arg8[%swap3A_196] {strides = array<i32>} : memref<1040xi32, #tpu.memory_space<vmem>>, vector<16xi32>,
      tpu.vector_store %arg8[%swap3A_196], %broadcast_in_dim3A_8 {strides = array<i32>} : memref<1040xi32, #tpu.memory_space<vmem>>, vector<16xi32>,
      %swap3A_198 = arith.constant 128 : index
      %swap3A_199 = tpu.vector_load %arg8[%swap3A_198] {strides = array<i32>} : memref<1040xi32, #tpu.memory_space<vmem>>, vector<16xi32>,
      tpu.vector_store %arg8[%swap3A_198], %broadcast_in_dim3A_8 {strides = array<i32>} : memref<1040xi32, #tpu.memory_space<vmem>>, vector<16xi32>,
      %swap3A_200 = arith.constant 144 : index
      %swap3A_201 = tpu.vector_load %arg8[%swap3A_200] {strides = array<i32>} : memref<1040xi32, #tpu.memory_space<vmem>>, vector<16xi32>,
      tpu.vector_store %arg8[%swap3A_200], %broadcast_in_dim3A_8 {strides = array<i32>} : memref<1040xi32, #tpu.memory_space<vmem>>, vector<16xi32>,
      %swap3A_202 = arith.constant 160 : index
      %swap3A_203 = tpu.vector_load %arg8[%swap3A_202] {strides = array<i32>} : memref<1040xi32, #tpu.memory_space<vmem>>, vector<16xi32>,
      tpu.vector_store %arg8[%swap3A_202], %broadcast_in_dim3A_8 {strides = array<i32>} : memref<1040xi32, #tpu.memory_space<vmem>>, vector<16xi32>,
      %swap3A_204 = arith.constant 176 : index
      %swap3A_205 = tpu.vector_load %arg8[%swap3A_204] {strides = array<i32>} : memref<1040xi32, #tpu.memory_space<vmem>>, vector<16xi32>,
      tpu.vector_store %arg8[%swap3A_204], %broadcast_in_dim3A_8 {strides = array<i32>} : memref<1040xi32, #tpu.memory_space<vmem>>, vector<16xi32>,
      %swap3A_206 = arith.constant 192 : index
      %swap3A_207 = tpu.vector_load %arg8[%swap3A_206] {strides = array<i32>} : memref<1040xi32, #tpu.memory_space<vmem>>, vector<16xi32>,
      tpu.vector_store %arg8[%swap3A_206], %broadcast_in_dim3A_8 {strides = array<i32>} : memref<1040xi32, #tpu.memory_space<vmem>>, vector<16xi32>,
      %swap3A_208 = arith.constant 208 : index
      %swap3A_209 = tpu.vector_load %arg8[%swap3A_208] {strides = array<i32>} : memref<1040xi32, #tpu.memory_space<vmem>>, vector<16xi32>,
      tpu.vector_store %arg8[%swap3A_208], %broadcast_in_dim3A_8 {strides = array<i32>} : memref<1040xi32, #tpu.memory_space<vmem>>, vector<16xi32>,
      %swap3A_210 = arith.constant 224 : index
      %swap3A_211 = tpu.vector_load %arg8[%swap3A_210] {strides = array<i32>} : memref<1040xi32, #tpu.memory_space<vmem>>, vector<16xi32>,
      tpu.vector_store %arg8[%swap3A_210], %broadcast_in_dim3A_8 {strides = array<i32>} : memref<1040xi32, #tpu.memory_space<vmem>>, vector<16xi32>,
      %swap3A_212 = arith.constant 240 : index
      %swap3A_213 = tpu.vector_load %arg8[%swap3A_212] {strides = array<i32>} : memref<1040xi32, #tpu.memory_space<vmem>>, vector<16xi32>,
      tpu.vector_store %arg8[%swap3A_212], %broadcast_in_dim3A_8 {strides = array<i32>} : memref<1040xi32, #tpu.memory_space<vmem>>, vector<16xi32>,
      %swap3A_214 = arith.constant 256 : index
      %swap3A_215 = tpu.vector_load %arg8[%swap3A_214] {strides = array<i32>} : memref<1040xi32, #tpu.memory_space<vmem>>, vector<16xi32>,
      tpu.vector_store %arg8[%swap3A_214], %broadcast_in_dim3A_8 {strides = array<i32>} : memref<1040xi32, #tpu.memory_space<vmem>>, vector<16xi32>,
      %swap3A_216 = arith.constant 272 : index
      %swap3A_217 = tpu.vector_load %arg8[%swap3A_216] {strides = array<i32>} : memref<1040xi32, #tpu.memory_space<vmem>>, vector<16xi32>,
      tpu.vector_store %arg8[%swap3A_216], %broadcast_in_dim3A_8 {strides = array<i32>} : memref<1040xi32, #tpu.memory_space<vmem>>, vector<16xi32>,
      %swap3A_218 = arith.constant 288 : index
      %swap3A_219 = tpu.vector_load %arg8[%swap3A_218] {strides = array<i32>} : memref<1040xi32, #tpu.memory_space<vmem>>, vector<16xi32>,
      tpu.vector_store %arg8[%swap3A_218], %broadcast_in_dim3A_8 {strides = array<i32>} : memref<1040xi32, #tpu.memory_space<vmem>>, vector<16xi32>,
      %swap3A_220 = arith.constant 304 : index
      %swap3A_221 = tpu.vector_load %arg8[%swap3A_220] {strides = array<i32>} : memref<1040xi32, #tpu.memory_space<vmem>>, vector<16xi32>,
      tpu.vector_store %arg8[%swap3A_220], %broadcast_in_dim3A_8 {strides = array<i32>} : memref<1040xi32, #tpu.memory_space<vmem>>, vector<16xi32>,
      %swap3A_222 = arith.constant 320 : index
      %swap3A_223 = tpu.vector_load %arg8[%swap3A_222] {strides = array<i32>} : memref<1040xi32, #tpu.memory_space<vmem>>, vector<16xi32>,
      tpu.vector_store %arg8[%swap3A_222], %broadcast_in_dim3A_8 {strides = array<i32>} : memref<1040xi32, #tpu.memory_space<vmem>>, vector<16xi32>,
      %swap3A_224 = arith.constant 336 : index
      %swap3A_225 = tpu.vector_load %arg8[%swap3A_224] {strides = array<i32>} : memref<1040xi32, #tpu.memory_space<vmem>>, vector<16xi32>,
      tpu.vector_store %arg8[%swap3A_224], %broadcast_in_dim3A_8 {strides = array<i32>} : memref<1040xi32, #tpu.memory_space<vmem>>, vector<16xi32>,
      %swap3A_226 = arith.constant 352 : index
      %swap3A_227 = tpu.vector_load %arg8[%swap3A_226] {strides = array<i32>} : memref<1040xi32, #tpu.memory_space<vmem>>, vector<16xi32>,
      tpu.vector_store %arg8[%swap3A_226], %broadcast_in_dim3A_8 {strides = array<i32>} : memref<1040xi32, #tpu.memory_space<vmem>>, vector<16xi32>,
      %swap3A_228 = arith.constant 368 : index
      %swap3A_229 = tpu.vector_load %arg8[%swap3A_228] {strides = array<i32>} : memref<1040xi32, #tpu.memory_space<vmem>>, vector<16xi32>,
      tpu.vector_store %arg8[%swap3A_228], %broadcast_in_dim3A_8 {strides = array<i32>} : memref<1040xi32, #tpu.memory_space<vmem>>, vector<16xi32>,
      %swap3A_230 = arith.constant 384 : index
      %swap3A_231 = tpu.vector_load %arg8[%swap3A_230] {strides = array<i32>} : memref<1040xi32, #tpu.memory_space<vmem>>, vector<16xi32>,
      tpu.vector_store %arg8[%swap3A_230], %broadcast_in_dim3A_8 {strides = array<i32>} : memref<1040xi32, #tpu.memory_space<vmem>>, vector<16xi32>,
      %swap3A_232 = arith.constant 400 : index
      %swap3A_233 = tpu.vector_load %arg8[%swap3A_232] {strides = array<i32>} : memref<1040xi32, #tpu.memory_space<vmem>>, vector<16xi32>,
      tpu.vector_store %arg8[%swap3A_232], %broadcast_in_dim3A_8 {strides = array<i32>} : memref<1040xi32, #tpu.memory_space<vmem>>, vector<16xi32>,
      %swap3A_234 = arith.constant 416 : index
      %swap3A_235 = tpu.vector_load %arg8[%swap3A_234] {strides = array<i32>} : memref<1040xi32, #tpu.memory_space<vmem>>, vector<16xi32>,
      tpu.vector_store %arg8[%swap3A_234], %broadcast_in_dim3A_8 {strides = array<i32>} : memref<1040xi32, #tpu.memory_space<vmem>>, vector<16xi32>,
      %swap3A_236 = arith.constant 432 : index
      %swap3A_237 = tpu.vector_load %arg8[%swap3A_236] {strides = array<i32>} : memref<1040xi32, #tpu.memory_space<vmem>>, vector<16xi32>,
      tpu.vector_store %arg8[%swap3A_236], %broadcast_in_dim3A_8 {strides = array<i32>} : memref<1040xi32, #tpu.memory_space<vmem>>, vector<16xi32>,
      %swap3A_238 = arith.constant 448 : index
      %swap3A_239 = tpu.vector_load %arg8[%swap3A_238] {strides = array<i32>} : memref<1040xi32, #tpu.memory_space<vmem>>, vector<16xi32>,
      tpu.vector_store %arg8[%swap3A_238], %broadcast_in_dim3A_8 {strides = array<i32>} : memref<1040xi32, #tpu.memory_space<vmem>>, vector<16xi32>,
      %swap3A_240 = arith.constant 464 : index
      %swap3A_241 = tpu.vector_load %arg8[%swap3A_240] {strides = array<i32>} : memref<1040xi32, #tpu.memory_space<vmem>>, vector<16xi32>,
      tpu.vector_store %arg8[%swap3A_240], %broadcast_in_dim3A_8 {strides = array<i32>} : memref<1040xi32, #tpu.memory_space<vmem>>, vector<16xi32>,
      %swap3A_242 = arith.constant 480 : index
      %swap3A_243 = tpu.vector_load %arg8[%swap3A_242] {strides = array<i32>} : memref<1040xi32, #tpu.memory_space<vmem>>, vector<16xi32>,
      tpu.vector_store %arg8[%swap3A_242], %broadcast_in_dim3A_8 {strides = array<i32>} : memref<1040xi32, #tpu.memory_space<vmem>>, vector<16xi32>,
      %swap3A_244 = arith.constant 496 : index
      %swap3A_245 = tpu.vector_load %arg8[%swap3A_244] {strides = array<i32>} : memref<1040xi32, #tpu.memory_space<vmem>>, vector<16xi32>,
      tpu.vector_store %arg8[%swap3A_244], %broadcast_in_dim3A_8 {strides = array<i32>} : memref<1040xi32, #tpu.memory_space<vmem>>, vector<16xi32>,
      %swap3A_246 = arith.constant 512 : index
      %swap3A_247 = tpu.vector_load %arg8[%swap3A_246] {strides = array<i32>} : memref<1040xi32, #tpu.memory_space<vmem>>, vector<16xi32>,
      tpu.vector_store %arg8[%swap3A_246], %broadcast_in_dim3A_8 {strides = array<i32>} : memref<1040xi32, #tpu.memory_space<vmem>>, vector<16xi32>,
      %swap3A_248 = arith.constant 528 : index
      %swap3A_249 = tpu.vector_load %arg8[%swap3A_248] {strides = array<i32>} : memref<1040xi32, #tpu.memory_space<vmem>>, vector<16xi32>,
      tpu.vector_store %arg8[%swap3A_248], %broadcast_in_dim3A_8 {strides = array<i32>} : memref<1040xi32, #tpu.memory_space<vmem>>, vector<16xi32>,
      %swap3A_250 = arith.constant 544 : index
      %swap3A_251 = tpu.vector_load %arg8[%swap3A_250] {strides = array<i32>} : memref<1040xi32, #tpu.memory_space<vmem>>, vector<16xi32>,
      tpu.vector_store %arg8[%swap3A_250], %broadcast_in_dim3A_8 {strides = array<i32>} : memref<1040xi32, #tpu.memory_space<vmem>>, vector<16xi32>,
      %swap3A_252 = arith.constant 560 : index
      %swap3A_253 = tpu.vector_load %arg8[%swap3A_252] {strides = array<i32>} : memref<1040xi32, #tpu.memory_space<vmem>>, vector<16xi32>,
      tpu.vector_store %arg8[%swap3A_252], %broadcast_in_dim3A_8 {strides = array<i32>} : memref<1040xi32, #tpu.memory_space<vmem>>, vector<16xi32>,
      %swap3A_254 = arith.constant 576 : index
      %swap3A_255 = tpu.vector_load %arg8[%swap3A_254] {strides = array<i32>} : memref<1040xi32, #tpu.memory_space<vmem>>, vector<16xi32>,
      tpu.vector_store %arg8[%swap3A_254], %broadcast_in_dim3A_8 {strides = array<i32>} : memref<1040xi32, #tpu.memory_space<vmem>>, vector<16xi32>,
      %swap3A_256 = arith.constant 592 : index
      %swap3A_257 = tpu.vector_load %arg8[%swap3A_256] {strides = array<i32>} : memref<1040xi32, #tpu.memory_space<vmem>>, vector<16xi32>,
      tpu.vector_store %arg8[%swap3A_256], %broadcast_in_dim3A_8 {strides = array<i32>} : memref<1040xi32, #tpu.memory_space<vmem>>, vector<16xi32>,
      %swap3A_258 = arith.constant 608 : index
      %swap3A_259 = tpu.vector_load %arg8[%swap3A_258] {strides = array<i32>} : memref<1040xi32, #tpu.memory_space<vmem>>, vector<16xi32>,
      tpu.vector_store %arg8[%swap3A_258], %broadcast_in_dim3A_8 {strides = array<i32>} : memref<1040xi32, #tpu.memory_space<vmem>>, vector<16xi32>,
      %swap3A_260 = arith.constant 624 : index
      %swap3A_261 = tpu.vector_load %arg8[%swap3A_260] {strides = array<i32>} : memref<1040xi32, #tpu.memory_space<vmem>>, vector<16xi32>,
      tpu.vector_store %arg8[%swap3A_260], %broadcast_in_dim3A_8 {strides = array<i32>} : memref<1040xi32, #tpu.memory_space<vmem>>, vector<16xi32>,
      %swap3A_262 = arith.constant 640 : index
      %swap3A_263 = tpu.vector_load %arg8[%swap3A_262] {strides = array<i32>} : memref<1040xi32, #tpu.memory_space<vmem>>, vector<16xi32>,
      tpu.vector_store %arg8[%swap3A_262], %broadcast_in_dim3A_8 {strides = array<i32>} : memref<1040xi32, #tpu.memory_space<vmem>>, vector<16xi32>,
      %swap3A_264 = arith.constant 656 : index
      %swap3A_265 = tpu.vector_load %arg8[%swap3A_264] {strides = array<i32>} : memref<1040xi32, #tpu.memory_space<vmem>>, vector<16xi32>,
      tpu.vector_store %arg8[%swap3A_264], %broadcast_in_dim3A_8 {strides = array<i32>} : memref<1040xi32, #tpu.memory_space<vmem>>, vector<16xi32>,
      %swap3A_266 = arith.constant 672 : index
      %swap3A_267 = tpu.vector_load %arg8[%swap3A_266] {strides = array<i32>} : memref<1040xi32, #tpu.memory_space<vmem>>, vector<16xi32>,
      tpu.vector_store %arg8[%swap3A_266], %broadcast_in_dim3A_8 {strides = array<i32>} : memref<1040xi32, #tpu.memory_space<vmem>>, vector<16xi32>,
      %swap3A_268 = arith.constant 688 : index
      %swap3A_269 = tpu.vector_load %arg8[%swap3A_268] {strides = array<i32>} : memref<1040xi32, #tpu.memory_space<vmem>>, vector<16xi32>,
      tpu.vector_store %arg8[%swap3A_268], %broadcast_in_dim3A_8 {strides = array<i32>} : memref<1040xi32, #tpu.memory_space<vmem>>, vector<16xi32>,
      %swap3A_270 = arith.constant 704 : index
      %swap3A_271 = tpu.vector_load %arg8[%swap3A_270] {strides = array<i32>} : memref<1040xi32, #tpu.memory_space<vmem>>, vector<16xi32>,
      tpu.vector_store %arg8[%swap3A_270], %broadcast_in_dim3A_8 {strides = array<i32>} : memref<1040xi32, #tpu.memory_space<vmem>>, vector<16xi32>,
      %swap3A_272 = arith.constant 720 : index
      %swap3A_273 = tpu.vector_load %arg8[%swap3A_272] {strides = array<i32>} : memref<1040xi32, #tpu.memory_space<vmem>>, vector<16xi32>,
      tpu.vector_store %arg8[%swap3A_272], %broadcast_in_dim3A_8 {strides = array<i32>} : memref<1040xi32, #tpu.memory_space<vmem>>, vector<16xi32>,
      %swap3A_274 = arith.constant 736 : index
      %swap3A_275 = tpu.vector_load %arg8[%swap3A_274] {strides = array<i32>} : memref<1040xi32, #tpu.memory_space<vmem>>, vector<16xi32>,
      tpu.vector_store %arg8[%swap3A_274], %broadcast_in_dim3A_8 {strides = array<i32>} : memref<1040xi32, #tpu.memory_space<vmem>>, vector<16xi32>,
      %swap3A_276 = arith.constant 752 : index
      %swap3A_277 = tpu.vector_load %arg8[%swap3A_276] {strides = array<i32>} : memref<1040xi32, #tpu.memory_space<vmem>>, vector<16xi32>,
      tpu.vector_store %arg8[%swap3A_276], %broadcast_in_dim3A_8 {strides = array<i32>} : memref<1040xi32, #tpu.memory_space<vmem>>, vector<16xi32>,
      %swap3A_278 = arith.constant 768 : index
      %swap3A_279 = tpu.vector_load %arg8[%swap3A_278] {strides = array<i32>} : memref<1040xi32, #tpu.memory_space<vmem>>, vector<16xi32>,
      tpu.vector_store %arg8[%swap3A_278], %broadcast_in_dim3A_8 {strides = array<i32>} : memref<1040xi32, #tpu.memory_space<vmem>>, vector<16xi32>,
      %swap3A_280 = arith.constant 784 : index
      %swap3A_281 = tpu.vector_load %arg8[%swap3A_280] {strides = array<i32>} : memref<1040xi32, #tpu.memory_space<vmem>>, vector<16xi32>,
      tpu.vector_store %arg8[%swap3A_280], %broadcast_in_dim3A_8 {strides = array<i32>} : memref<1040xi32, #tpu.memory_space<vmem>>, vector<16xi32>,
      %swap3A_282 = arith.constant 800 : index
      %swap3A_283 = tpu.vector_load %arg8[%swap3A_282] {strides = array<i32>} : memref<1040xi32, #tpu.memory_space<vmem>>, vector<16xi32>,
      tpu.vector_store %arg8[%swap3A_282], %broadcast_in_dim3A_8 {strides = array<i32>} : memref<1040xi32, #tpu.memory_space<vmem>>, vector<16xi32>,
      %swap3A_284 = arith.constant 816 : index
      %swap3A_285 = tpu.vector_load %arg8[%swap3A_284] {strides = array<i32>} : memref<1040xi32, #tpu.memory_space<vmem>>, vector<16xi32>,
      tpu.vector_store %arg8[%swap3A_284], %broadcast_in_dim3A_8 {strides = array<i32>} : memref<1040xi32, #tpu.memory_space<vmem>>, vector<16xi32>,
      %swap3A_286 = arith.constant 832 : index
      %swap3A_287 = tpu.vector_load %arg8[%swap3A_286] {strides = array<i32>} : memref<1040xi32, #tpu.memory_space<vmem>>, vector<16xi32>,
      tpu.vector_store %arg8[%swap3A_286], %broadcast_in_dim3A_8 {strides = array<i32>} : memref<1040xi32, #tpu.memory_space<vmem>>, vector<16xi32>,
      %swap3A_288 = arith.constant 848 : index
      %swap3A_289 = tpu.vector_load %arg8[%swap3A_288] {strides = array<i32>} : memref<1040xi32, #tpu.memory_space<vmem>>, vector<16xi32>,
      tpu.vector_store %arg8[%swap3A_288], %broadcast_in_dim3A_8 {strides = array<i32>} : memref<1040xi32, #tpu.memory_space<vmem>>, vector<16xi32>,
      %swap3A_290 = arith.constant 864 : index
      %swap3A_291 = tpu.vector_load %arg8[%swap3A_290] {strides = array<i32>} : memref<1040xi32, #tpu.memory_space<vmem>>, vector<16xi32>,
      tpu.vector_store %arg8[%swap3A_290], %broadcast_in_dim3A_8 {strides = array<i32>} : memref<1040xi32, #tpu.memory_space<vmem>>, vector<16xi32>,
      %swap3A_292 = arith.constant 880 : index
      %swap3A_293 = tpu.vector_load %arg8[%swap3A_292] {strides = array<i32>} : memref<1040xi32, #tpu.memory_space<vmem>>, vector<16xi32>,
      tpu.vector_store %arg8[%swap3A_292], %broadcast_in_dim3A_8 {strides = array<i32>} : memref<1040xi32, #tpu.memory_space<vmem>>, vector<16xi32>,
      %swap3A_294 = arith.constant 896 : index
      %swap3A_295 = tpu.vector_load %arg8[%swap3A_294] {strides = array<i32>} : memref<1040xi32, #tpu.memory_space<vmem>>, vector<16xi32>,
      tpu.vector_store %arg8[%swap3A_294], %broadcast_in_dim3A_8 {strides = array<i32>} : memref<1040xi32, #tpu.memory_space<vmem>>, vector<16xi32>,
      %swap3A_296 = arith.constant 912 : index
      %swap3A_297 = tpu.vector_load %arg8[%swap3A_296] {strides = array<i32>} : memref<1040xi32, #tpu.memory_space<vmem>>, vector<16xi32>,
      tpu.vector_store %arg8[%swap3A_296], %broadcast_in_dim3A_8 {strides = array<i32>} : memref<1040xi32, #tpu.memory_space<vmem>>, vector<16xi32>,
      %swap3A_298 = arith.constant 928 : index
      %swap3A_299 = tpu.vector_load %arg8[%swap3A_298] {strides = array<i32>} : memref<1040xi32, #tpu.memory_space<vmem>>, vector<16xi32>,
      tpu.vector_store %arg8[%swap3A_298], %broadcast_in_dim3A_8 {strides = array<i32>} : memref<1040xi32, #tpu.memory_space<vmem>>, vector<16xi32>,
      %swap3A_300 = arith.constant 944 : index
      %swap3A_301 = tpu.vector_load %arg8[%swap3A_300] {strides = array<i32>} : memref<1040xi32, #tpu.memory_space<vmem>>, vector<16xi32>,
      tpu.vector_store %arg8[%swap3A_300], %broadcast_in_dim3A_8 {strides = array<i32>} : memref<1040xi32, #tpu.memory_space<vmem>>, vector<16xi32>,
      %swap3A_302 = arith.constant 960 : index
      %swap3A_303 = tpu.vector_load %arg8[%swap3A_302] {strides = array<i32>} : memref<1040xi32, #tpu.memory_space<vmem>>, vector<16xi32>,
      tpu.vector_store %arg8[%swap3A_302], %broadcast_in_dim3A_8 {strides = array<i32>} : memref<1040xi32, #tpu.memory_space<vmem>>, vector<16xi32>,
      %swap3A_304 = arith.constant 976 : index
      %swap3A_305 = tpu.vector_load %arg8[%swap3A_304] {strides = array<i32>} : memref<1040xi32, #tpu.memory_space<vmem>>, vector<16xi32>,
      tpu.vector_store %arg8[%swap3A_304], %broadcast_in_dim3A_8 {strides = array<i32>} : memref<1040xi32, #tpu.memory_space<vmem>>, vector<16xi32>,
      %swap3A_306 = arith.constant 992 : index
      %swap3A_307 = tpu.vector_load %arg8[%swap3A_306] {strides = array<i32>} : memref<1040xi32, #tpu.memory_space<vmem>>, vector<16xi32>,
      tpu.vector_store %arg8[%swap3A_306], %broadcast_in_dim3A_8 {strides = array<i32>} : memref<1040xi32, #tpu.memory_space<vmem>>, vector<16xi32>,
      %swap3A_308 = arith.constant 1008 : index
      %swap3A_309 = tpu.vector_load %arg8[%swap3A_308] {strides = array<i32>} : memref<1040xi32, #tpu.memory_space<vmem>>, vector<16xi32>,
      tpu.vector_store %arg8[%swap3A_308], %broadcast_in_dim3A_8 {strides = array<i32>} : memref<1040xi32, #tpu.memory_space<vmem>>, vector<16xi32>,
      %swap3A_310 = arith.constant 1024 : index
      %swap3A_311 = tpu.vector_load %arg8[%swap3A_310] {strides = array<i32>} : memref<1040xi32, #tpu.memory_space<vmem>>, vector<16xi32>,
      tpu.vector_store %arg8[%swap3A_310], %broadcast_in_dim3A_8 {strides = array<i32>} : memref<1040xi32, #tpu.memory_space<vmem>>, vector<16xi32>,
      %parallel_loop3A = arith.constant 0 : i32
      %parallel_loop3A_312 = arith.constant 2000 : i32
      %parallel_loop3A_313 = arith.constant 1 : i32
      scf.for %parallel_loop3A_2311 = %parallel_loop3A to %parallel_loop3A_312 step %parallel_loop3A_313  : i32 {
        %parallel_loop3A_2312 = vector.broadcast %parallel_loop3A_2311 : i32 to vector<16xi32>
        %parallel_loop3A_2313 = arith.addi %iota3A, %parallel_loop3A_2312 : vector<16xi32>
        %parallel_loop3A_2314 = tpu.vector_load_idx %arg7[%parallel_loop3A_2313] : memref<2032xi32, #tpu.memory_space<vmem>>[vector<16xi32>], vector<16xi32>,
        %parallel_loop3A_2315 = tpu.vector_load_idx %arg5[%iota3A, %parallel_loop3A_2313] : memref<16x2016xf32, #tpu.memory_space<vmem>>[vector<16xi32>, vector<16xi32>], vector<16xf32>,
        %parallel_loop3A_2316 = arith.constant 16 : i32
        %parallel_loop3A_2317 = vector.broadcast %parallel_loop3A_2316 : i32 to vector<16xi32>
        %parallel_loop3A_2318 = arith.shrui %parallel_loop3A_2314, %parallel_loop3A_2317 : vector<16xi32>
        %parallel_loop3A_2319 = arith.constant 65535 : i32
        %parallel_loop3A_2320 = vector.broadcast %parallel_loop3A_2319 : i32 to vector<16xi32>
        %parallel_loop3A_2321 = arith.andi %parallel_loop3A_2314, %parallel_loop3A_2320 : vector<16xi32>
        %parallel_loop3A_2322 = arith.constant 4.000000e-01 : f32
        %parallel_loop3A_2323 = vector.broadcast %parallel_loop3A_2322 : f32 to vector<16xf32>
        %parallel_loop3A_2324 = arith.cmpf ole, %parallel_loop3A_2315, %parallel_loop3A_2323 : vector<16xf32>
        %parallel_loop3A_2325 = arith.constant 6.000000e-01 : f32
        %parallel_loop3A_2326 = vector.broadcast %parallel_loop3A_2325 : f32 to vector<16xf32>
        %parallel_loop3A_2327 = arith.cmpf oge, %parallel_loop3A_2315, %parallel_loop3A_2326 : vector<16xf32>
        %parallel_loop3A_2328 = arith.select %parallel_loop3A_2327, %parallel_loop3A_2318, %broadcast_in_dim3A_10 : vector<16xi1>, vector<16xi32>
        %parallel_loop3A_2329 = arith.select %parallel_loop3A_2324, %parallel_loop3A_2321, %parallel_loop3A_2328 : vector<16xi1>, vector<16xi32>
        %parallel_loop3A_2330 = arith.addi %parallel_loop3A_2329, %iota3A : vector<16xi32>
        tpu.vector_store_idx %arg8[%parallel_loop3A_2330], %broadcast_in_dim3A_6 {add = true} : memref<1040xi32, #tpu.memory_space<vmem>>[vector<16xi32>], vector<16xi32>,
      } {sc.loop_unroll_factor = 8 : i64, sc.parallel_access}
      %add3A_314 = arith.constant 2000 : i32
      %add3A_315 = vector.broadcast %add3A_314 : i32 to vector<16xi32>
      %add3A_316 = arith.addi %iota3A, %add3A_315 : vector<16xi32>
      %gather3A = tpu.vector_load_idx %arg7[%add3A_316] : memref<2032xi32, #tpu.memory_space<vmem>>[vector<16xi32>], vector<16xi32>,
      %ge3A = arith.constant 2016 : i32
      %ge3A_317 = vector.broadcast %ge3A : i32 to vector<16xi32>
      %ge3A_318 = arith.cmpi sge, %add3A_316, %ge3A_317 : vector<16xi32>
      %jit3A = arith.constant 2016 : i32
      %jit3A_319 = arith.constant 0 : i32
      %broadcast_in_dim3A_320 = vector.broadcast %jit3A : i32 to vector<16xi32>
      %broadcast_in_dim3A_321 = vector.broadcast %jit3A_319 : i32 to vector<16xi32>
      %select_n3A = arith.select %ge3A_318, %broadcast_in_dim3A_320, %broadcast_in_dim3A_321 : vector<16xi1>, vector<16xi32>
      %sub3A = arith.subi %add3A_316, %select_n3A : vector<16xi32>
      %gather3A_322 = tpu.vector_load_idx %arg5[%iota3A, %sub3A] : memref<16x2016xf32, #tpu.memory_space<vmem>>[vector<16xi32>, vector<16xi32>], vector<16xf32>,
      %shift_right_logical3A = arith.constant 16 : i32
      %shift_right_logical3A_323 = vector.broadcast %shift_right_logical3A : i32 to vector<16xi32>
      %shift_right_logical3A_324 = arith.shrui %gather3A, %shift_right_logical3A_323 : vector<16xi32>
      %and3A = arith.constant 65535 : i32
      %and3A_325 = vector.broadcast %and3A : i32 to vector<16xi32>
      %and3A_326 = arith.andi %gather3A, %and3A_325 : vector<16xi32>
      %le3A = arith.constant 4.000000e-01 : f32
      %le3A_327 = vector.broadcast %le3A : f32 to vector<16xf32>
      %le3A_328 = arith.cmpf ole, %gather3A_322, %le3A_327 : vector<16xf32>
      %ge3A_329 = arith.constant 6.000000e-01 : f32
      %ge3A_330 = vector.broadcast %ge3A_329 : f32 to vector<16xf32>
      %ge3A_331 = arith.cmpf oge, %gather3A_322, %ge3A_330 : vector<16xf32>
      %select_n3A_332 = arith.select %ge3A_331, %shift_right_logical3A_324, %broadcast_in_dim3A_10 : vector<16xi1>, vector<16xi32>
      %select_n3A_333 = arith.select %le3A_328, %and3A_326, %select_n3A_332 : vector<16xi1>, vector<16xi32>
      %add3A_334 = arith.addi %select_n3A_333, %iota3A : vector<16xi32>
      tpu.vector_store_idx %arg8[%add3A_334], %broadcast_in_dim3A_6 {add = true} : memref<1040xi32, #tpu.memory_space<vmem>>[vector<16xi32>], vector<16xi32>,
      %add3A_335 = arith.constant 2001 : i32
      %add3A_336 = vector.broadcast %add3A_335 : i32 to vector<16xi32>
      %add3A_337 = arith.addi %iota3A, %add3A_336 : vector<16xi32>
      %gather3A_338 = tpu.vector_load_idx %arg7[%add3A_337] : memref<2032xi32, #tpu.memory_space<vmem>>[vector<16xi32>], vector<16xi32>,
      %ge3A_339 = arith.constant 2016 : i32
      %ge3A_340 = vector.broadcast %ge3A_339 : i32 to vector<16xi32>
      %ge3A_341 = arith.cmpi sge, %add3A_337, %ge3A_340 : vector<16xi32>
      %jit3A_342 = arith.constant 2016 : i32
      %jit3A_343 = arith.constant 0 : i32
      %broadcast_in_dim3A_344 = vector.broadcast %jit3A_342 : i32 to vector<16xi32>
      %broadcast_in_dim3A_345 = vector.broadcast %jit3A_343 : i32 to vector<16xi32>
      %select_n3A_346 = arith.select %ge3A_341, %broadcast_in_dim3A_344, %broadcast_in_dim3A_345 : vector<16xi1>, vector<16xi32>
      %sub3A_347 = arith.subi %add3A_337, %select_n3A_346 : vector<16xi32>
      %gather3A_348 = tpu.vector_load_idx %arg5[%iota3A, %sub3A_347] : memref<16x2016xf32, #tpu.memory_space<vmem>>[vector<16xi32>, vector<16xi32>], vector<16xf32>,
      %shift_right_logical3A_349 = arith.constant 16 : i32
      %shift_right_logical3A_350 = vector.broadcast %shift_right_logical3A_349 : i32 to vector<16xi32>
      %shift_right_logical3A_351 = arith.shrui %gather3A_338, %shift_right_logical3A_350 : vector<16xi32>
      %and3A_352 = arith.constant 65535 : i32
      %and3A_353 = vector.broadcast %and3A_352 : i32 to vector<16xi32>
      %and3A_354 = arith.andi %gather3A_338, %and3A_353 : vector<16xi32>
      %le3A_355 = arith.constant 4.000000e-01 : f32
      %le3A_356 = vector.broadcast %le3A_355 : f32 to vector<16xf32>
      %le3A_357 = arith.cmpf ole, %gather3A_348, %le3A_356 : vector<16xf32>
      %ge3A_358 = arith.constant 6.000000e-01 : f32
      %ge3A_359 = vector.broadcast %ge3A_358 : f32 to vector<16xf32>
      %ge3A_360 = arith.cmpf oge, %gather3A_348, %ge3A_359 : vector<16xf32>
      %select_n3A_361 = arith.select %ge3A_360, %shift_right_logical3A_351, %broadcast_in_dim3A_10 : vector<16xi1>, vector<16xi32>
      %select_n3A_362 = arith.select %le3A_357, %and3A_354, %select_n3A_361 : vector<16xi1>, vector<16xi32>
      %add3A_363 = arith.addi %select_n3A_362, %iota3A : vector<16xi32>
      tpu.vector_store_idx %arg8[%add3A_363], %broadcast_in_dim3A_6 {add = true} : memref<1040xi32, #tpu.memory_space<vmem>>[vector<16xi32>], vector<16xi32>,
      %add3A_364 = arith.constant 2002 : i32
      %add3A_365 = vector.broadcast %add3A_364 : i32 to vector<16xi32>
      %add3A_366 = arith.addi %iota3A, %add3A_365 : vector<16xi32>
      %gather3A_367 = tpu.vector_load_idx %arg7[%add3A_366] : memref<2032xi32, #tpu.memory_space<vmem>>[vector<16xi32>], vector<16xi32>,
      %ge3A_368 = arith.constant 2016 : i32
      %ge3A_369 = vector.broadcast %ge3A_368 : i32 to vector<16xi32>
      %ge3A_370 = arith.cmpi sge, %add3A_366, %ge3A_369 : vector<16xi32>
      %jit3A_371 = arith.constant 2016 : i32
      %jit3A_372 = arith.constant 0 : i32
      %broadcast_in_dim3A_373 = vector.broadcast %jit3A_371 : i32 to vector<16xi32>
      %broadcast_in_dim3A_374 = vector.broadcast %jit3A_372 : i32 to vector<16xi32>
      %select_n3A_375 = arith.select %ge3A_370, %broadcast_in_dim3A_373, %broadcast_in_dim3A_374 : vector<16xi1>, vector<16xi32>
      %sub3A_376 = arith.subi %add3A_366, %select_n3A_375 : vector<16xi32>
      %gather3A_377 = tpu.vector_load_idx %arg5[%iota3A, %sub3A_376] : memref<16x2016xf32, #tpu.memory_space<vmem>>[vector<16xi32>, vector<16xi32>], vector<16xf32>,
      %shift_right_logical3A_378 = arith.constant 16 : i32
      %shift_right_logical3A_379 = vector.broadcast %shift_right_logical3A_378 : i32 to vector<16xi32>
      %shift_right_logical3A_380 = arith.shrui %gather3A_367, %shift_right_logical3A_379 : vector<16xi32>
      %and3A_381 = arith.constant 65535 : i32
      %and3A_382 = vector.broadcast %and3A_381 : i32 to vector<16xi32>
      %and3A_383 = arith.andi %gather3A_367, %and3A_382 : vector<16xi32>
      %le3A_384 = arith.constant 4.000000e-01 : f32
      %le3A_385 = vector.broadcast %le3A_384 : f32 to vector<16xf32>
      %le3A_386 = arith.cmpf ole, %gather3A_377, %le3A_385 : vector<16xf32>
      %ge3A_387 = arith.constant 6.000000e-01 : f32
      %ge3A_388 = vector.broadcast %ge3A_387 : f32 to vector<16xf32>
      %ge3A_389 = arith.cmpf oge, %gather3A_377, %ge3A_388 : vector<16xf32>
      %select_n3A_390 = arith.select %ge3A_389, %shift_right_logical3A_380, %broadcast_in_dim3A_10 : vector<16xi1>, vector<16xi32>
      %select_n3A_391 = arith.select %le3A_386, %and3A_383, %select_n3A_390 : vector<16xi1>, vector<16xi32>
      %add3A_392 = arith.addi %select_n3A_391, %iota3A : vector<16xi32>
      tpu.vector_store_idx %arg8[%add3A_392], %broadcast_in_dim3A_6 {add = true} : memref<1040xi32, #tpu.memory_space<vmem>>[vector<16xi32>], vector<16xi32>,
      %add3A_393 = arith.constant 2003 : i32
      %add3A_394 = vector.broadcast %add3A_393 : i32 to vector<16xi32>
      %add3A_395 = arith.addi %iota3A, %add3A_394 : vector<16xi32>
      %gather3A_396 = tpu.vector_load_idx %arg7[%add3A_395] : memref<2032xi32, #tpu.memory_space<vmem>>[vector<16xi32>], vector<16xi32>,
      %ge3A_397 = arith.constant 2016 : i32
      %ge3A_398 = vector.broadcast %ge3A_397 : i32 to vector<16xi32>
      %ge3A_399 = arith.cmpi sge, %add3A_395, %ge3A_398 : vector<16xi32>
      %jit3A_400 = arith.constant 2016 : i32
      %jit3A_401 = arith.constant 0 : i32
      %broadcast_in_dim3A_402 = vector.broadcast %jit3A_400 : i32 to vector<16xi32>
      %broadcast_in_dim3A_403 = vector.broadcast %jit3A_401 : i32 to vector<16xi32>
      %select_n3A_404 = arith.select %ge3A_399, %broadcast_in_dim3A_402, %broadcast_in_dim3A_403 : vector<16xi1>, vector<16xi32>
      %sub3A_405 = arith.subi %add3A_395, %select_n3A_404 : vector<16xi32>
      %gather3A_406 = tpu.vector_load_idx %arg5[%iota3A, %sub3A_405] : memref<16x2016xf32, #tpu.memory_space<vmem>>[vector<16xi32>, vector<16xi32>], vector<16xf32>,
      %shift_right_logical3A_407 = arith.constant 16 : i32
      %shift_right_logical3A_408 = vector.broadcast %shift_right_logical3A_407 : i32 to vector<16xi32>
      %shift_right_logical3A_409 = arith.shrui %gather3A_396, %shift_right_logical3A_408 : vector<16xi32>
      %and3A_410 = arith.constant 65535 : i32
      %and3A_411 = vector.broadcast %and3A_410 : i32 to vector<16xi32>
      %and3A_412 = arith.andi %gather3A_396, %and3A_411 : vector<16xi32>
      %le3A_413 = arith.constant 4.000000e-01 : f32
      %le3A_414 = vector.broadcast %le3A_413 : f32 to vector<16xf32>
      %le3A_415 = arith.cmpf ole, %gather3A_406, %le3A_414 : vector<16xf32>
      %ge3A_416 = arith.constant 6.000000e-01 : f32
      %ge3A_417 = vector.broadcast %ge3A_416 : f32 to vector<16xf32>
      %ge3A_418 = arith.cmpf oge, %gather3A_406, %ge3A_417 : vector<16xf32>
      %select_n3A_419 = arith.select %ge3A_418, %shift_right_logical3A_409, %broadcast_in_dim3A_10 : vector<16xi1>, vector<16xi32>
      %select_n3A_420 = arith.select %le3A_415, %and3A_412, %select_n3A_419 : vector<16xi1>, vector<16xi32>
      %add3A_421 = arith.addi %select_n3A_420, %iota3A : vector<16xi32>
      tpu.vector_store_idx %arg8[%add3A_421], %broadcast_in_dim3A_6 {add = true} : memref<1040xi32, #tpu.memory_space<vmem>>[vector<16xi32>], vector<16xi32>,
      %add3A_422 = arith.constant 2004 : i32
      %add3A_423 = vector.broadcast %add3A_422 : i32 to vector<16xi32>
      %add3A_424 = arith.addi %iota3A, %add3A_423 : vector<16xi32>
      %gather3A_425 = tpu.vector_load_idx %arg7[%add3A_424] : memref<2032xi32, #tpu.memory_space<vmem>>[vector<16xi32>], vector<16xi32>,
      %ge3A_426 = arith.constant 2016 : i32
      %ge3A_427 = vector.broadcast %ge3A_426 : i32 to vector<16xi32>
      %ge3A_428 = arith.cmpi sge, %add3A_424, %ge3A_427 : vector<16xi32>
      %jit3A_429 = arith.constant 2016 : i32
      %jit3A_430 = arith.constant 0 : i32
      %broadcast_in_dim3A_431 = vector.broadcast %jit3A_429 : i32 to vector<16xi32>
      %broadcast_in_dim3A_432 = vector.broadcast %jit3A_430 : i32 to vector<16xi32>
      %select_n3A_433 = arith.select %ge3A_428, %broadcast_in_dim3A_431, %broadcast_in_dim3A_432 : vector<16xi1>, vector<16xi32>
      %sub3A_434 = arith.subi %add3A_424, %select_n3A_433 : vector<16xi32>
      %gather3A_435 = tpu.vector_load_idx %arg5[%iota3A, %sub3A_434] : memref<16x2016xf32, #tpu.memory_space<vmem>>[vector<16xi32>, vector<16xi32>], vector<16xf32>,
      %shift_right_logical3A_436 = arith.constant 16 : i32
      %shift_right_logical3A_437 = vector.broadcast %shift_right_logical3A_436 : i32 to vector<16xi32>
      %shift_right_logical3A_438 = arith.shrui %gather3A_425, %shift_right_logical3A_437 : vector<16xi32>
      %and3A_439 = arith.constant 65535 : i32
      %and3A_440 = vector.broadcast %and3A_439 : i32 to vector<16xi32>
      %and3A_441 = arith.andi %gather3A_425, %and3A_440 : vector<16xi32>
      %le3A_442 = arith.constant 4.000000e-01 : f32
      %le3A_443 = vector.broadcast %le3A_442 : f32 to vector<16xf32>
      %le3A_444 = arith.cmpf ole, %gather3A_435, %le3A_443 : vector<16xf32>
      %ge3A_445 = arith.constant 6.000000e-01 : f32
      %ge3A_446 = vector.broadcast %ge3A_445 : f32 to vector<16xf32>
      %ge3A_447 = arith.cmpf oge, %gather3A_435, %ge3A_446 : vector<16xf32>
      %select_n3A_448 = arith.select %ge3A_447, %shift_right_logical3A_438, %broadcast_in_dim3A_10 : vector<16xi1>, vector<16xi32>
      %select_n3A_449 = arith.select %le3A_444, %and3A_441, %select_n3A_448 : vector<16xi1>, vector<16xi32>
      %add3A_450 = arith.addi %select_n3A_449, %iota3A : vector<16xi32>
      tpu.vector_store_idx %arg8[%add3A_450], %broadcast_in_dim3A_6 {add = true} : memref<1040xi32, #tpu.memory_space<vmem>>[vector<16xi32>], vector<16xi32>,
      %add3A_451 = arith.constant 2005 : i32
      %add3A_452 = vector.broadcast %add3A_451 : i32 to vector<16xi32>
      %add3A_453 = arith.addi %iota3A, %add3A_452 : vector<16xi32>
      %gather3A_454 = tpu.vector_load_idx %arg7[%add3A_453] : memref<2032xi32, #tpu.memory_space<vmem>>[vector<16xi32>], vector<16xi32>,
      %ge3A_455 = arith.constant 2016 : i32
      %ge3A_456 = vector.broadcast %ge3A_455 : i32 to vector<16xi32>
      %ge3A_457 = arith.cmpi sge, %add3A_453, %ge3A_456 : vector<16xi32>
      %jit3A_458 = arith.constant 2016 : i32
      %jit3A_459 = arith.constant 0 : i32
      %broadcast_in_dim3A_460 = vector.broadcast %jit3A_458 : i32 to vector<16xi32>
      %broadcast_in_dim3A_461 = vector.broadcast %jit3A_459 : i32 to vector<16xi32>
      %select_n3A_462 = arith.select %ge3A_457, %broadcast_in_dim3A_460, %broadcast_in_dim3A_461 : vector<16xi1>, vector<16xi32>
      %sub3A_463 = arith.subi %add3A_453, %select_n3A_462 : vector<16xi32>
      %gather3A_464 = tpu.vector_load_idx %arg5[%iota3A, %sub3A_463] : memref<16x2016xf32, #tpu.memory_space<vmem>>[vector<16xi32>, vector<16xi32>], vector<16xf32>,
      %shift_right_logical3A_465 = arith.constant 16 : i32
      %shift_right_logical3A_466 = vector.broadcast %shift_right_logical3A_465 : i32 to vector<16xi32>
      %shift_right_logical3A_467 = arith.shrui %gather3A_454, %shift_right_logical3A_466 : vector<16xi32>
      %and3A_468 = arith.constant 65535 : i32
      %and3A_469 = vector.broadcast %and3A_468 : i32 to vector<16xi32>
      %and3A_470 = arith.andi %gather3A_454, %and3A_469 : vector<16xi32>
      %le3A_471 = arith.constant 4.000000e-01 : f32
      %le3A_472 = vector.broadcast %le3A_471 : f32 to vector<16xf32>
      %le3A_473 = arith.cmpf ole, %gather3A_464, %le3A_472 : vector<16xf32>
      %ge3A_474 = arith.constant 6.000000e-01 : f32
      %ge3A_475 = vector.broadcast %ge3A_474 : f32 to vector<16xf32>
      %ge3A_476 = arith.cmpf oge, %gather3A_464, %ge3A_475 : vector<16xf32>
      %select_n3A_477 = arith.select %ge3A_476, %shift_right_logical3A_467, %broadcast_in_dim3A_10 : vector<16xi1>, vector<16xi32>
      %select_n3A_478 = arith.select %le3A_473, %and3A_470, %select_n3A_477 : vector<16xi1>, vector<16xi32>
      %add3A_479 = arith.addi %select_n3A_478, %iota3A : vector<16xi32>
      tpu.vector_store_idx %arg8[%add3A_479], %broadcast_in_dim3A_6 {add = true} : memref<1040xi32, #tpu.memory_space<vmem>>[vector<16xi32>], vector<16xi32>,
      %add3A_480 = arith.constant 2006 : i32
      %add3A_481 = vector.broadcast %add3A_480 : i32 to vector<16xi32>
      %add3A_482 = arith.addi %iota3A, %add3A_481 : vector<16xi32>
      %gather3A_483 = tpu.vector_load_idx %arg7[%add3A_482] : memref<2032xi32, #tpu.memory_space<vmem>>[vector<16xi32>], vector<16xi32>,
      %ge3A_484 = arith.constant 2016 : i32
      %ge3A_485 = vector.broadcast %ge3A_484 : i32 to vector<16xi32>
      %ge3A_486 = arith.cmpi sge, %add3A_482, %ge3A_485 : vector<16xi32>
      %jit3A_487 = arith.constant 2016 : i32
      %jit3A_488 = arith.constant 0 : i32
      %broadcast_in_dim3A_489 = vector.broadcast %jit3A_487 : i32 to vector<16xi32>
      %broadcast_in_dim3A_490 = vector.broadcast %jit3A_488 : i32 to vector<16xi32>
      %select_n3A_491 = arith.select %ge3A_486, %broadcast_in_dim3A_489, %broadcast_in_dim3A_490 : vector<16xi1>, vector<16xi32>
      %sub3A_492 = arith.subi %add3A_482, %select_n3A_491 : vector<16xi32>
      %gather3A_493 = tpu.vector_load_idx %arg5[%iota3A, %sub3A_492] : memref<16x2016xf32, #tpu.memory_space<vmem>>[vector<16xi32>, vector<16xi32>], vector<16xf32>,
      %shift_right_logical3A_494 = arith.constant 16 : i32
      %shift_right_logical3A_495 = vector.broadcast %shift_right_logical3A_494 : i32 to vector<16xi32>
      %shift_right_logical3A_496 = arith.shrui %gather3A_483, %shift_right_logical3A_495 : vector<16xi32>
      %and3A_497 = arith.constant 65535 : i32
      %and3A_498 = vector.broadcast %and3A_497 : i32 to vector<16xi32>
      %and3A_499 = arith.andi %gather3A_483, %and3A_498 : vector<16xi32>
      %le3A_500 = arith.constant 4.000000e-01 : f32
      %le3A_501 = vector.broadcast %le3A_500 : f32 to vector<16xf32>
      %le3A_502 = arith.cmpf ole, %gather3A_493, %le3A_501 : vector<16xf32>
      %ge3A_503 = arith.constant 6.000000e-01 : f32
      %ge3A_504 = vector.broadcast %ge3A_503 : f32 to vector<16xf32>
      %ge3A_505 = arith.cmpf oge, %gather3A_493, %ge3A_504 : vector<16xf32>
      %select_n3A_506 = arith.select %ge3A_505, %shift_right_logical3A_496, %broadcast_in_dim3A_10 : vector<16xi1>, vector<16xi32>
      %select_n3A_507 = arith.select %le3A_502, %and3A_499, %select_n3A_506 : vector<16xi1>, vector<16xi32>
      %add3A_508 = arith.addi %select_n3A_507, %iota3A : vector<16xi32>
      tpu.vector_store_idx %arg8[%add3A_508], %broadcast_in_dim3A_6 {add = true} : memref<1040xi32, #tpu.memory_space<vmem>>[vector<16xi32>], vector<16xi32>,
      %add3A_509 = arith.constant 2007 : i32
      %add3A_510 = vector.broadcast %add3A_509 : i32 to vector<16xi32>
      %add3A_511 = arith.addi %iota3A, %add3A_510 : vector<16xi32>
      %gather3A_512 = tpu.vector_load_idx %arg7[%add3A_511] : memref<2032xi32, #tpu.memory_space<vmem>>[vector<16xi32>], vector<16xi32>,
      %ge3A_513 = arith.constant 2016 : i32
      %ge3A_514 = vector.broadcast %ge3A_513 : i32 to vector<16xi32>
      %ge3A_515 = arith.cmpi sge, %add3A_511, %ge3A_514 : vector<16xi32>
      %jit3A_516 = arith.constant 2016 : i32
      %jit3A_517 = arith.constant 0 : i32
      %broadcast_in_dim3A_518 = vector.broadcast %jit3A_516 : i32 to vector<16xi32>
      %broadcast_in_dim3A_519 = vector.broadcast %jit3A_517 : i32 to vector<16xi32>
      %select_n3A_520 = arith.select %ge3A_515, %broadcast_in_dim3A_518, %broadcast_in_dim3A_519 : vector<16xi1>, vector<16xi32>
      %sub3A_521 = arith.subi %add3A_511, %select_n3A_520 : vector<16xi32>
      %gather3A_522 = tpu.vector_load_idx %arg5[%iota3A, %sub3A_521] : memref<16x2016xf32, #tpu.memory_space<vmem>>[vector<16xi32>, vector<16xi32>], vector<16xf32>,
      %shift_right_logical3A_523 = arith.constant 16 : i32
      %shift_right_logical3A_524 = vector.broadcast %shift_right_logical3A_523 : i32 to vector<16xi32>
      %shift_right_logical3A_525 = arith.shrui %gather3A_512, %shift_right_logical3A_524 : vector<16xi32>
      %and3A_526 = arith.constant 65535 : i32
      %and3A_527 = vector.broadcast %and3A_526 : i32 to vector<16xi32>
      %and3A_528 = arith.andi %gather3A_512, %and3A_527 : vector<16xi32>
      %le3A_529 = arith.constant 4.000000e-01 : f32
      %le3A_530 = vector.broadcast %le3A_529 : f32 to vector<16xf32>
      %le3A_531 = arith.cmpf ole, %gather3A_522, %le3A_530 : vector<16xf32>
      %ge3A_532 = arith.constant 6.000000e-01 : f32
      %ge3A_533 = vector.broadcast %ge3A_532 : f32 to vector<16xf32>
      %ge3A_534 = arith.cmpf oge, %gather3A_522, %ge3A_533 : vector<16xf32>
      %select_n3A_535 = arith.select %ge3A_534, %shift_right_logical3A_525, %broadcast_in_dim3A_10 : vector<16xi1>, vector<16xi32>
      %select_n3A_536 = arith.select %le3A_531, %and3A_528, %select_n3A_535 : vector<16xi1>, vector<16xi32>
      %add3A_537 = arith.addi %select_n3A_536, %iota3A : vector<16xi32>
      tpu.vector_store_idx %arg8[%add3A_537], %broadcast_in_dim3A_6 {add = true} : memref<1040xi32, #tpu.memory_space<vmem>>[vector<16xi32>], vector<16xi32>,
      %add3A_538 = arith.constant 2008 : i32
      %add3A_539 = vector.broadcast %add3A_538 : i32 to vector<16xi32>
      %add3A_540 = arith.addi %iota3A, %add3A_539 : vector<16xi32>
      %gather3A_541 = tpu.vector_load_idx %arg7[%add3A_540] : memref<2032xi32, #tpu.memory_space<vmem>>[vector<16xi32>], vector<16xi32>,
      %ge3A_542 = arith.constant 2016 : i32
      %ge3A_543 = vector.broadcast %ge3A_542 : i32 to vector<16xi32>
      %ge3A_544 = arith.cmpi sge, %add3A_540, %ge3A_543 : vector<16xi32>
      %jit3A_545 = arith.constant 2016 : i32
      %jit3A_546 = arith.constant 0 : i32
      %broadcast_in_dim3A_547 = vector.broadcast %jit3A_545 : i32 to vector<16xi32>
      %broadcast_in_dim3A_548 = vector.broadcast %jit3A_546 : i32 to vector<16xi32>
      %select_n3A_549 = arith.select %ge3A_544, %broadcast_in_dim3A_547, %broadcast_in_dim3A_548 : vector<16xi1>, vector<16xi32>
      %sub3A_550 = arith.subi %add3A_540, %select_n3A_549 : vector<16xi32>
      %gather3A_551 = tpu.vector_load_idx %arg5[%iota3A, %sub3A_550] : memref<16x2016xf32, #tpu.memory_space<vmem>>[vector<16xi32>, vector<16xi32>], vector<16xf32>,
      %shift_right_logical3A_552 = arith.constant 16 : i32
      %shift_right_logical3A_553 = vector.broadcast %shift_right_logical3A_552 : i32 to vector<16xi32>
      %shift_right_logical3A_554 = arith.shrui %gather3A_541, %shift_right_logical3A_553 : vector<16xi32>
      %and3A_555 = arith.constant 65535 : i32
      %and3A_556 = vector.broadcast %and3A_555 : i32 to vector<16xi32>
      %and3A_557 = arith.andi %gather3A_541, %and3A_556 : vector<16xi32>
      %le3A_558 = arith.constant 4.000000e-01 : f32
      %le3A_559 = vector.broadcast %le3A_558 : f32 to vector<16xf32>
      %le3A_560 = arith.cmpf ole, %gather3A_551, %le3A_559 : vector<16xf32>
      %ge3A_561 = arith.constant 6.000000e-01 : f32
      %ge3A_562 = vector.broadcast %ge3A_561 : f32 to vector<16xf32>
      %ge3A_563 = arith.cmpf oge, %gather3A_551, %ge3A_562 : vector<16xf32>
      %select_n3A_564 = arith.select %ge3A_563, %shift_right_logical3A_554, %broadcast_in_dim3A_10 : vector<16xi1>, vector<16xi32>
      %select_n3A_565 = arith.select %le3A_560, %and3A_557, %select_n3A_564 : vector<16xi1>, vector<16xi32>
      %add3A_566 = arith.addi %select_n3A_565, %iota3A : vector<16xi32>
      tpu.vector_store_idx %arg8[%add3A_566], %broadcast_in_dim3A_6 {add = true} : memref<1040xi32, #tpu.memory_space<vmem>>[vector<16xi32>], vector<16xi32>,
      %add3A_567 = arith.constant 2009 : i32
      %add3A_568 = vector.broadcast %add3A_567 : i32 to vector<16xi32>
      %add3A_569 = arith.addi %iota3A, %add3A_568 : vector<16xi32>
      %gather3A_570 = tpu.vector_load_idx %arg7[%add3A_569] : memref<2032xi32, #tpu.memory_space<vmem>>[vector<16xi32>], vector<16xi32>,
      %ge3A_571 = arith.constant 2016 : i32
      %ge3A_572 = vector.broadcast %ge3A_571 : i32 to vector<16xi32>
      %ge3A_573 = arith.cmpi sge, %add3A_569, %ge3A_572 : vector<16xi32>
      %jit3A_574 = arith.constant 2016 : i32
      %jit3A_575 = arith.constant 0 : i32
      %broadcast_in_dim3A_576 = vector.broadcast %jit3A_574 : i32 to vector<16xi32>
      %broadcast_in_dim3A_577 = vector.broadcast %jit3A_575 : i32 to vector<16xi32>
      %select_n3A_578 = arith.select %ge3A_573, %broadcast_in_dim3A_576, %broadcast_in_dim3A_577 : vector<16xi1>, vector<16xi32>
      %sub3A_579 = arith.subi %add3A_569, %select_n3A_578 : vector<16xi32>
      %gather3A_580 = tpu.vector_load_idx %arg5[%iota3A, %sub3A_579] : memref<16x2016xf32, #tpu.memory_space<vmem>>[vector<16xi32>, vector<16xi32>], vector<16xf32>,
      %shift_right_logical3A_581 = arith.constant 16 : i32
      %shift_right_logical3A_582 = vector.broadcast %shift_right_logical3A_581 : i32 to vector<16xi32>
      %shift_right_logical3A_583 = arith.shrui %gather3A_570, %shift_right_logical3A_582 : vector<16xi32>
      %and3A_584 = arith.constant 65535 : i32
      %and3A_585 = vector.broadcast %and3A_584 : i32 to vector<16xi32>
      %and3A_586 = arith.andi %gather3A_570, %and3A_585 : vector<16xi32>
      %le3A_587 = arith.constant 4.000000e-01 : f32
      %le3A_588 = vector.broadcast %le3A_587 : f32 to vector<16xf32>
      %le3A_589 = arith.cmpf ole, %gather3A_580, %le3A_588 : vector<16xf32>
      %ge3A_590 = arith.constant 6.000000e-01 : f32
      %ge3A_591 = vector.broadcast %ge3A_590 : f32 to vector<16xf32>
      %ge3A_592 = arith.cmpf oge, %gather3A_580, %ge3A_591 : vector<16xf32>
      %select_n3A_593 = arith.select %ge3A_592, %shift_right_logical3A_583, %broadcast_in_dim3A_10 : vector<16xi1>, vector<16xi32>
      %select_n3A_594 = arith.select %le3A_589, %and3A_586, %select_n3A_593 : vector<16xi1>, vector<16xi32>
      %add3A_595 = arith.addi %select_n3A_594, %iota3A : vector<16xi32>
      tpu.vector_store_idx %arg8[%add3A_595], %broadcast_in_dim3A_6 {add = true} : memref<1040xi32, #tpu.memory_space<vmem>>[vector<16xi32>], vector<16xi32>,
      %add3A_596 = arith.constant 2010 : i32
      %add3A_597 = vector.broadcast %add3A_596 : i32 to vector<16xi32>
      %add3A_598 = arith.addi %iota3A, %add3A_597 : vector<16xi32>
      %gather3A_599 = tpu.vector_load_idx %arg7[%add3A_598] : memref<2032xi32, #tpu.memory_space<vmem>>[vector<16xi32>], vector<16xi32>,
      %ge3A_600 = arith.constant 2016 : i32
      %ge3A_601 = vector.broadcast %ge3A_600 : i32 to vector<16xi32>
      %ge3A_602 = arith.cmpi sge, %add3A_598, %ge3A_601 : vector<16xi32>
      %jit3A_603 = arith.constant 2016 : i32
      %jit3A_604 = arith.constant 0 : i32
      %broadcast_in_dim3A_605 = vector.broadcast %jit3A_603 : i32 to vector<16xi32>
      %broadcast_in_dim3A_606 = vector.broadcast %jit3A_604 : i32 to vector<16xi32>
      %select_n3A_607 = arith.select %ge3A_602, %broadcast_in_dim3A_605, %broadcast_in_dim3A_606 : vector<16xi1>, vector<16xi32>
      %sub3A_608 = arith.subi %add3A_598, %select_n3A_607 : vector<16xi32>
      %gather3A_609 = tpu.vector_load_idx %arg5[%iota3A, %sub3A_608] : memref<16x2016xf32, #tpu.memory_space<vmem>>[vector<16xi32>, vector<16xi32>], vector<16xf32>,
      %shift_right_logical3A_610 = arith.constant 16 : i32
      %shift_right_logical3A_611 = vector.broadcast %shift_right_logical3A_610 : i32 to vector<16xi32>
      %shift_right_logical3A_612 = arith.shrui %gather3A_599, %shift_right_logical3A_611 : vector<16xi32>
      %and3A_613 = arith.constant 65535 : i32
      %and3A_614 = vector.broadcast %and3A_613 : i32 to vector<16xi32>
      %and3A_615 = arith.andi %gather3A_599, %and3A_614 : vector<16xi32>
      %le3A_616 = arith.constant 4.000000e-01 : f32
      %le3A_617 = vector.broadcast %le3A_616 : f32 to vector<16xf32>
      %le3A_618 = arith.cmpf ole, %gather3A_609, %le3A_617 : vector<16xf32>
      %ge3A_619 = arith.constant 6.000000e-01 : f32
      %ge3A_620 = vector.broadcast %ge3A_619 : f32 to vector<16xf32>
      %ge3A_621 = arith.cmpf oge, %gather3A_609, %ge3A_620 : vector<16xf32>
      %select_n3A_622 = arith.select %ge3A_621, %shift_right_logical3A_612, %broadcast_in_dim3A_10 : vector<16xi1>, vector<16xi32>
      %select_n3A_623 = arith.select %le3A_618, %and3A_615, %select_n3A_622 : vector<16xi1>, vector<16xi32>
      %add3A_624 = arith.addi %select_n3A_623, %iota3A : vector<16xi32>
      tpu.vector_store_idx %arg8[%add3A_624], %broadcast_in_dim3A_6 {add = true} : memref<1040xi32, #tpu.memory_space<vmem>>[vector<16xi32>], vector<16xi32>,
      %add3A_625 = arith.constant 2011 : i32
      %add3A_626 = vector.broadcast %add3A_625 : i32 to vector<16xi32>
      %add3A_627 = arith.addi %iota3A, %add3A_626 : vector<16xi32>
      %gather3A_628 = tpu.vector_load_idx %arg7[%add3A_627] : memref<2032xi32, #tpu.memory_space<vmem>>[vector<16xi32>], vector<16xi32>,
      %ge3A_629 = arith.constant 2016 : i32
      %ge3A_630 = vector.broadcast %ge3A_629 : i32 to vector<16xi32>
      %ge3A_631 = arith.cmpi sge, %add3A_627, %ge3A_630 : vector<16xi32>
      %jit3A_632 = arith.constant 2016 : i32
      %jit3A_633 = arith.constant 0 : i32
      %broadcast_in_dim3A_634 = vector.broadcast %jit3A_632 : i32 to vector<16xi32>
      %broadcast_in_dim3A_635 = vector.broadcast %jit3A_633 : i32 to vector<16xi32>
      %select_n3A_636 = arith.select %ge3A_631, %broadcast_in_dim3A_634, %broadcast_in_dim3A_635 : vector<16xi1>, vector<16xi32>
      %sub3A_637 = arith.subi %add3A_627, %select_n3A_636 : vector<16xi32>
      %gather3A_638 = tpu.vector_load_idx %arg5[%iota3A, %sub3A_637] : memref<16x2016xf32, #tpu.memory_space<vmem>>[vector<16xi32>, vector<16xi32>], vector<16xf32>,
      %shift_right_logical3A_639 = arith.constant 16 : i32
      %shift_right_logical3A_640 = vector.broadcast %shift_right_logical3A_639 : i32 to vector<16xi32>
      %shift_right_logical3A_641 = arith.shrui %gather3A_628, %shift_right_logical3A_640 : vector<16xi32>
      %and3A_642 = arith.constant 65535 : i32
      %and3A_643 = vector.broadcast %and3A_642 : i32 to vector<16xi32>
      %and3A_644 = arith.andi %gather3A_628, %and3A_643 : vector<16xi32>
      %le3A_645 = arith.constant 4.000000e-01 : f32
      %le3A_646 = vector.broadcast %le3A_645 : f32 to vector<16xf32>
      %le3A_647 = arith.cmpf ole, %gather3A_638, %le3A_646 : vector<16xf32>
      %ge3A_648 = arith.constant 6.000000e-01 : f32
      %ge3A_649 = vector.broadcast %ge3A_648 : f32 to vector<16xf32>
      %ge3A_650 = arith.cmpf oge, %gather3A_638, %ge3A_649 : vector<16xf32>
      %select_n3A_651 = arith.select %ge3A_650, %shift_right_logical3A_641, %broadcast_in_dim3A_10 : vector<16xi1>, vector<16xi32>
      %select_n3A_652 = arith.select %le3A_647, %and3A_644, %select_n3A_651 : vector<16xi1>, vector<16xi32>
      %add3A_653 = arith.addi %select_n3A_652, %iota3A : vector<16xi32>
      tpu.vector_store_idx %arg8[%add3A_653], %broadcast_in_dim3A_6 {add = true} : memref<1040xi32, #tpu.memory_space<vmem>>[vector<16xi32>], vector<16xi32>,
      %add3A_654 = arith.constant 2012 : i32
      %add3A_655 = vector.broadcast %add3A_654 : i32 to vector<16xi32>
      %add3A_656 = arith.addi %iota3A, %add3A_655 : vector<16xi32>
      %gather3A_657 = tpu.vector_load_idx %arg7[%add3A_656] : memref<2032xi32, #tpu.memory_space<vmem>>[vector<16xi32>], vector<16xi32>,
      %ge3A_658 = arith.constant 2016 : i32
      %ge3A_659 = vector.broadcast %ge3A_658 : i32 to vector<16xi32>
      %ge3A_660 = arith.cmpi sge, %add3A_656, %ge3A_659 : vector<16xi32>
      %jit3A_661 = arith.constant 2016 : i32
      %jit3A_662 = arith.constant 0 : i32
      %broadcast_in_dim3A_663 = vector.broadcast %jit3A_661 : i32 to vector<16xi32>
      %broadcast_in_dim3A_664 = vector.broadcast %jit3A_662 : i32 to vector<16xi32>
      %select_n3A_665 = arith.select %ge3A_660, %broadcast_in_dim3A_663, %broadcast_in_dim3A_664 : vector<16xi1>, vector<16xi32>
      %sub3A_666 = arith.subi %add3A_656, %select_n3A_665 : vector<16xi32>
      %gather3A_667 = tpu.vector_load_idx %arg5[%iota3A, %sub3A_666] : memref<16x2016xf32, #tpu.memory_space<vmem>>[vector<16xi32>, vector<16xi32>], vector<16xf32>,
      %shift_right_logical3A_668 = arith.constant 16 : i32
      %shift_right_logical3A_669 = vector.broadcast %shift_right_logical3A_668 : i32 to vector<16xi32>
      %shift_right_logical3A_670 = arith.shrui %gather3A_657, %shift_right_logical3A_669 : vector<16xi32>
      %and3A_671 = arith.constant 65535 : i32
      %and3A_672 = vector.broadcast %and3A_671 : i32 to vector<16xi32>
      %and3A_673 = arith.andi %gather3A_657, %and3A_672 : vector<16xi32>
      %le3A_674 = arith.constant 4.000000e-01 : f32
      %le3A_675 = vector.broadcast %le3A_674 : f32 to vector<16xf32>
      %le3A_676 = arith.cmpf ole, %gather3A_667, %le3A_675 : vector<16xf32>
      %ge3A_677 = arith.constant 6.000000e-01 : f32
      %ge3A_678 = vector.broadcast %ge3A_677 : f32 to vector<16xf32>
      %ge3A_679 = arith.cmpf oge, %gather3A_667, %ge3A_678 : vector<16xf32>
      %select_n3A_680 = arith.select %ge3A_679, %shift_right_logical3A_670, %broadcast_in_dim3A_10 : vector<16xi1>, vector<16xi32>
      %select_n3A_681 = arith.select %le3A_676, %and3A_673, %select_n3A_680 : vector<16xi1>, vector<16xi32>
      %add3A_682 = arith.addi %select_n3A_681, %iota3A : vector<16xi32>
      tpu.vector_store_idx %arg8[%add3A_682], %broadcast_in_dim3A_6 {add = true} : memref<1040xi32, #tpu.memory_space<vmem>>[vector<16xi32>], vector<16xi32>,
      %add3A_683 = arith.constant 2013 : i32
      %add3A_684 = vector.broadcast %add3A_683 : i32 to vector<16xi32>
      %add3A_685 = arith.addi %iota3A, %add3A_684 : vector<16xi32>
      %gather3A_686 = tpu.vector_load_idx %arg7[%add3A_685] : memref<2032xi32, #tpu.memory_space<vmem>>[vector<16xi32>], vector<16xi32>,
      %ge3A_687 = arith.constant 2016 : i32
      %ge3A_688 = vector.broadcast %ge3A_687 : i32 to vector<16xi32>
      %ge3A_689 = arith.cmpi sge, %add3A_685, %ge3A_688 : vector<16xi32>
      %jit3A_690 = arith.constant 2016 : i32
      %jit3A_691 = arith.constant 0 : i32
      %broadcast_in_dim3A_692 = vector.broadcast %jit3A_690 : i32 to vector<16xi32>
      %broadcast_in_dim3A_693 = vector.broadcast %jit3A_691 : i32 to vector<16xi32>
      %select_n3A_694 = arith.select %ge3A_689, %broadcast_in_dim3A_692, %broadcast_in_dim3A_693 : vector<16xi1>, vector<16xi32>
      %sub3A_695 = arith.subi %add3A_685, %select_n3A_694 : vector<16xi32>
      %gather3A_696 = tpu.vector_load_idx %arg5[%iota3A, %sub3A_695] : memref<16x2016xf32, #tpu.memory_space<vmem>>[vector<16xi32>, vector<16xi32>], vector<16xf32>,
      %shift_right_logical3A_697 = arith.constant 16 : i32
      %shift_right_logical3A_698 = vector.broadcast %shift_right_logical3A_697 : i32 to vector<16xi32>
      %shift_right_logical3A_699 = arith.shrui %gather3A_686, %shift_right_logical3A_698 : vector<16xi32>
      %and3A_700 = arith.constant 65535 : i32
      %and3A_701 = vector.broadcast %and3A_700 : i32 to vector<16xi32>
      %and3A_702 = arith.andi %gather3A_686, %and3A_701 : vector<16xi32>
      %le3A_703 = arith.constant 4.000000e-01 : f32
      %le3A_704 = vector.broadcast %le3A_703 : f32 to vector<16xf32>
      %le3A_705 = arith.cmpf ole, %gather3A_696, %le3A_704 : vector<16xf32>
      %ge3A_706 = arith.constant 6.000000e-01 : f32
      %ge3A_707 = vector.broadcast %ge3A_706 : f32 to vector<16xf32>
      %ge3A_708 = arith.cmpf oge, %gather3A_696, %ge3A_707 : vector<16xf32>
      %select_n3A_709 = arith.select %ge3A_708, %shift_right_logical3A_699, %broadcast_in_dim3A_10 : vector<16xi1>, vector<16xi32>
      %select_n3A_710 = arith.select %le3A_705, %and3A_702, %select_n3A_709 : vector<16xi1>, vector<16xi32>
      %add3A_711 = arith.addi %select_n3A_710, %iota3A : vector<16xi32>
      tpu.vector_store_idx %arg8[%add3A_711], %broadcast_in_dim3A_6 {add = true} : memref<1040xi32, #tpu.memory_space<vmem>>[vector<16xi32>], vector<16xi32>,
      %add3A_712 = arith.constant 2014 : i32
      %add3A_713 = vector.broadcast %add3A_712 : i32 to vector<16xi32>
      %add3A_714 = arith.addi %iota3A, %add3A_713 : vector<16xi32>
      %gather3A_715 = tpu.vector_load_idx %arg7[%add3A_714] : memref<2032xi32, #tpu.memory_space<vmem>>[vector<16xi32>], vector<16xi32>,
      %ge3A_716 = arith.constant 2016 : i32
      %ge3A_717 = vector.broadcast %ge3A_716 : i32 to vector<16xi32>
      %ge3A_718 = arith.cmpi sge, %add3A_714, %ge3A_717 : vector<16xi32>
      %jit3A_719 = arith.constant 2016 : i32
      %jit3A_720 = arith.constant 0 : i32
      %broadcast_in_dim3A_721 = vector.broadcast %jit3A_719 : i32 to vector<16xi32>
      %broadcast_in_dim3A_722 = vector.broadcast %jit3A_720 : i32 to vector<16xi32>
      %select_n3A_723 = arith.select %ge3A_718, %broadcast_in_dim3A_721, %broadcast_in_dim3A_722 : vector<16xi1>, vector<16xi32>
      %sub3A_724 = arith.subi %add3A_714, %select_n3A_723 : vector<16xi32>
      %gather3A_725 = tpu.vector_load_idx %arg5[%iota3A, %sub3A_724] : memref<16x2016xf32, #tpu.memory_space<vmem>>[vector<16xi32>, vector<16xi32>], vector<16xf32>,
      %shift_right_logical3A_726 = arith.constant 16 : i32
      %shift_right_logical3A_727 = vector.broadcast %shift_right_logical3A_726 : i32 to vector<16xi32>
      %shift_right_logical3A_728 = arith.shrui %gather3A_715, %shift_right_logical3A_727 : vector<16xi32>
      %and3A_729 = arith.constant 65535 : i32
      %and3A_730 = vector.broadcast %and3A_729 : i32 to vector<16xi32>
      %and3A_731 = arith.andi %gather3A_715, %and3A_730 : vector<16xi32>
      %le3A_732 = arith.constant 4.000000e-01 : f32
      %le3A_733 = vector.broadcast %le3A_732 : f32 to vector<16xf32>
      %le3A_734 = arith.cmpf ole, %gather3A_725, %le3A_733 : vector<16xf32>
      %ge3A_735 = arith.constant 6.000000e-01 : f32
      %ge3A_736 = vector.broadcast %ge3A_735 : f32 to vector<16xf32>
      %ge3A_737 = arith.cmpf oge, %gather3A_725, %ge3A_736 : vector<16xf32>
      %select_n3A_738 = arith.select %ge3A_737, %shift_right_logical3A_728, %broadcast_in_dim3A_10 : vector<16xi1>, vector<16xi32>
      %select_n3A_739 = arith.select %le3A_734, %and3A_731, %select_n3A_738 : vector<16xi1>, vector<16xi32>
      %add3A_740 = arith.addi %select_n3A_739, %iota3A : vector<16xi32>
      tpu.vector_store_idx %arg8[%add3A_740], %broadcast_in_dim3A_6 {add = true} : memref<1040xi32, #tpu.memory_space<vmem>>[vector<16xi32>], vector<16xi32>,
      %add3A_741 = arith.constant 2015 : i32
      %add3A_742 = vector.broadcast %add3A_741 : i32 to vector<16xi32>
      %add3A_743 = arith.addi %iota3A, %add3A_742 : vector<16xi32>
      %gather3A_744 = tpu.vector_load_idx %arg7[%add3A_743] : memref<2032xi32, #tpu.memory_space<vmem>>[vector<16xi32>], vector<16xi32>,
      %ge3A_745 = arith.constant 2016 : i32
      %ge3A_746 = vector.broadcast %ge3A_745 : i32 to vector<16xi32>
      %ge3A_747 = arith.cmpi sge, %add3A_743, %ge3A_746 : vector<16xi32>
      %jit3A_748 = arith.constant 2016 : i32
      %jit3A_749 = arith.constant 0 : i32
      %broadcast_in_dim3A_750 = vector.broadcast %jit3A_748 : i32 to vector<16xi32>
      %broadcast_in_dim3A_751 = vector.broadcast %jit3A_749 : i32 to vector<16xi32>
      %select_n3A_752 = arith.select %ge3A_747, %broadcast_in_dim3A_750, %broadcast_in_dim3A_751 : vector<16xi1>, vector<16xi32>
      %sub3A_753 = arith.subi %add3A_743, %select_n3A_752 : vector<16xi32>
      %gather3A_754 = tpu.vector_load_idx %arg5[%iota3A, %sub3A_753] : memref<16x2016xf32, #tpu.memory_space<vmem>>[vector<16xi32>, vector<16xi32>], vector<16xf32>,
      %shift_right_logical3A_755 = arith.constant 16 : i32
      %shift_right_logical3A_756 = vector.broadcast %shift_right_logical3A_755 : i32 to vector<16xi32>
      %shift_right_logical3A_757 = arith.shrui %gather3A_744, %shift_right_logical3A_756 : vector<16xi32>
      %and3A_758 = arith.constant 65535 : i32
      %and3A_759 = vector.broadcast %and3A_758 : i32 to vector<16xi32>
      %and3A_760 = arith.andi %gather3A_744, %and3A_759 : vector<16xi32>
      %le3A_761 = arith.constant 4.000000e-01 : f32
      %le3A_762 = vector.broadcast %le3A_761 : f32 to vector<16xf32>
      %le3A_763 = arith.cmpf ole, %gather3A_754, %le3A_762 : vector<16xf32>
      %ge3A_764 = arith.constant 6.000000e-01 : f32
      %ge3A_765 = vector.broadcast %ge3A_764 : f32 to vector<16xf32>
      %ge3A_766 = arith.cmpf oge, %gather3A_754, %ge3A_765 : vector<16xf32>
      %select_n3A_767 = arith.select %ge3A_766, %shift_right_logical3A_757, %broadcast_in_dim3A_10 : vector<16xi1>, vector<16xi32>
      %select_n3A_768 = arith.select %le3A_763, %and3A_760, %select_n3A_767 : vector<16xi1>, vector<16xi32>
      %add3A_769 = arith.addi %select_n3A_768, %iota3A : vector<16xi32>
      tpu.vector_store_idx %arg8[%add3A_769], %broadcast_in_dim3A_6 {add = true} : memref<1040xi32, #tpu.memory_space<vmem>>[vector<16xi32>], vector<16xi32>,
      %broadcast_in_dim3A_770 = arith.constant -1 : i32
      %broadcast_in_dim3A_771 = vector.broadcast %broadcast_in_dim3A_770 : i32 to vector<16xi32>
      %get3A = arith.constant 0 : index
      %get3A_772 = tpu.vector_load %arg8[%get3A] {strides = array<i32>} : memref<1040xi32, #tpu.memory_space<vmem>>, vector<16xi32>,
      %gt3A = arith.cmpi sgt, %get3A_772, %broadcast_in_dim3A_771 : vector<16xi32>
      %select_n3A_773 = arith.select %gt3A, %get3A_772, %broadcast_in_dim3A_771 : vector<16xi1>, vector<16xi32>
      %broadcast_in_dim3A_774 = arith.constant 0 : i32
      %broadcast_in_dim3A_775 = vector.broadcast %broadcast_in_dim3A_774 : i32 to vector<16xi32>
      %select_n3A_776 = arith.select %gt3A, %broadcast_in_dim3A_775, %broadcast_in_dim3A_8 : vector<16xi1>, vector<16xi32>
      %get3A_777 = arith.constant 16 : index
      %get3A_778 = tpu.vector_load %arg8[%get3A_777] {strides = array<i32>} : memref<1040xi32, #tpu.memory_space<vmem>>, vector<16xi32>,
      %gt3A_779 = arith.cmpi sgt, %get3A_778, %select_n3A_773 : vector<16xi32>
      %select_n3A_780 = arith.select %gt3A_779, %get3A_778, %select_n3A_773 : vector<16xi1>, vector<16xi32>
      %broadcast_in_dim3A_781 = arith.constant 16 : i32
      %broadcast_in_dim3A_782 = vector.broadcast %broadcast_in_dim3A_781 : i32 to vector<16xi32>
      %select_n3A_783 = arith.select %gt3A_779, %broadcast_in_dim3A_782, %select_n3A_776 : vector<16xi1>, vector<16xi32>
      %get3A_784 = arith.constant 32 : index
      %get3A_785 = tpu.vector_load %arg8[%get3A_784] {strides = array<i32>} : memref<1040xi32, #tpu.memory_space<vmem>>, vector<16xi32>,
      %gt3A_786 = arith.cmpi sgt, %get3A_785, %select_n3A_780 : vector<16xi32>
      %select_n3A_787 = arith.select %gt3A_786, %get3A_785, %select_n3A_780 : vector<16xi1>, vector<16xi32>
      %broadcast_in_dim3A_788 = arith.constant 32 : i32
      %broadcast_in_dim3A_789 = vector.broadcast %broadcast_in_dim3A_788 : i32 to vector<16xi32>
      %select_n3A_790 = arith.select %gt3A_786, %broadcast_in_dim3A_789, %select_n3A_783 : vector<16xi1>, vector<16xi32>
      %get3A_791 = arith.constant 48 : index
      %get3A_792 = tpu.vector_load %arg8[%get3A_791] {strides = array<i32>} : memref<1040xi32, #tpu.memory_space<vmem>>, vector<16xi32>,
      %gt3A_793 = arith.cmpi sgt, %get3A_792, %select_n3A_787 : vector<16xi32>
      %select_n3A_794 = arith.select %gt3A_793, %get3A_792, %select_n3A_787 : vector<16xi1>, vector<16xi32>
      %broadcast_in_dim3A_795 = arith.constant 48 : i32
      %broadcast_in_dim3A_796 = vector.broadcast %broadcast_in_dim3A_795 : i32 to vector<16xi32>
      %select_n3A_797 = arith.select %gt3A_793, %broadcast_in_dim3A_796, %select_n3A_790 : vector<16xi1>, vector<16xi32>
      %get3A_798 = arith.constant 64 : index
      %get3A_799 = tpu.vector_load %arg8[%get3A_798] {strides = array<i32>} : memref<1040xi32, #tpu.memory_space<vmem>>, vector<16xi32>,
      %gt3A_800 = arith.cmpi sgt, %get3A_799, %select_n3A_794 : vector<16xi32>
      %select_n3A_801 = arith.select %gt3A_800, %get3A_799, %select_n3A_794 : vector<16xi1>, vector<16xi32>
      %broadcast_in_dim3A_802 = arith.constant 64 : i32
      %broadcast_in_dim3A_803 = vector.broadcast %broadcast_in_dim3A_802 : i32 to vector<16xi32>
      %select_n3A_804 = arith.select %gt3A_800, %broadcast_in_dim3A_803, %select_n3A_797 : vector<16xi1>, vector<16xi32>
      %get3A_805 = arith.constant 80 : index
      %get3A_806 = tpu.vector_load %arg8[%get3A_805] {strides = array<i32>} : memref<1040xi32, #tpu.memory_space<vmem>>, vector<16xi32>,
      %gt3A_807 = arith.cmpi sgt, %get3A_806, %select_n3A_801 : vector<16xi32>
      %select_n3A_808 = arith.select %gt3A_807, %get3A_806, %select_n3A_801 : vector<16xi1>, vector<16xi32>
      %broadcast_in_dim3A_809 = arith.constant 80 : i32
      %broadcast_in_dim3A_810 = vector.broadcast %broadcast_in_dim3A_809 : i32 to vector<16xi32>
      %select_n3A_811 = arith.select %gt3A_807, %broadcast_in_dim3A_810, %select_n3A_804 : vector<16xi1>, vector<16xi32>
      %get3A_812 = arith.constant 96 : index
      %get3A_813 = tpu.vector_load %arg8[%get3A_812] {strides = array<i32>} : memref<1040xi32, #tpu.memory_space<vmem>>, vector<16xi32>,
      %gt3A_814 = arith.cmpi sgt, %get3A_813, %select_n3A_808 : vector<16xi32>
      %select_n3A_815 = arith.select %gt3A_814, %get3A_813, %select_n3A_808 : vector<16xi1>, vector<16xi32>
      %broadcast_in_dim3A_816 = arith.constant 96 : i32
      %broadcast_in_dim3A_817 = vector.broadcast %broadcast_in_dim3A_816 : i32 to vector<16xi32>
      %select_n3A_818 = arith.select %gt3A_814, %broadcast_in_dim3A_817, %select_n3A_811 : vector<16xi1>, vector<16xi32>
      %get3A_819 = arith.constant 112 : index
      %get3A_820 = tpu.vector_load %arg8[%get3A_819] {strides = array<i32>} : memref<1040xi32, #tpu.memory_space<vmem>>, vector<16xi32>,
      %gt3A_821 = arith.cmpi sgt, %get3A_820, %select_n3A_815 : vector<16xi32>
      %select_n3A_822 = arith.select %gt3A_821, %get3A_820, %select_n3A_815 : vector<16xi1>, vector<16xi32>
      %broadcast_in_dim3A_823 = arith.constant 112 : i32
      %broadcast_in_dim3A_824 = vector.broadcast %broadcast_in_dim3A_823 : i32 to vector<16xi32>
      %select_n3A_825 = arith.select %gt3A_821, %broadcast_in_dim3A_824, %select_n3A_818 : vector<16xi1>, vector<16xi32>
      %get3A_826 = arith.constant 128 : index
      %get3A_827 = tpu.vector_load %arg8[%get3A_826] {strides = array<i32>} : memref<1040xi32, #tpu.memory_space<vmem>>, vector<16xi32>,
      %gt3A_828 = arith.cmpi sgt, %get3A_827, %select_n3A_822 : vector<16xi32>
      %select_n3A_829 = arith.select %gt3A_828, %get3A_827, %select_n3A_822 : vector<16xi1>, vector<16xi32>
      %broadcast_in_dim3A_830 = arith.constant 128 : i32
      %broadcast_in_dim3A_831 = vector.broadcast %broadcast_in_dim3A_830 : i32 to vector<16xi32>
      %select_n3A_832 = arith.select %gt3A_828, %broadcast_in_dim3A_831, %select_n3A_825 : vector<16xi1>, vector<16xi32>
      %get3A_833 = arith.constant 144 : index
      %get3A_834 = tpu.vector_load %arg8[%get3A_833] {strides = array<i32>} : memref<1040xi32, #tpu.memory_space<vmem>>, vector<16xi32>,
      %gt3A_835 = arith.cmpi sgt, %get3A_834, %select_n3A_829 : vector<16xi32>
      %select_n3A_836 = arith.select %gt3A_835, %get3A_834, %select_n3A_829 : vector<16xi1>, vector<16xi32>
      %broadcast_in_dim3A_837 = arith.constant 144 : i32
      %broadcast_in_dim3A_838 = vector.broadcast %broadcast_in_dim3A_837 : i32 to vector<16xi32>
      %select_n3A_839 = arith.select %gt3A_835, %broadcast_in_dim3A_838, %select_n3A_832 : vector<16xi1>, vector<16xi32>
      %get3A_840 = arith.constant 160 : index
      %get3A_841 = tpu.vector_load %arg8[%get3A_840] {strides = array<i32>} : memref<1040xi32, #tpu.memory_space<vmem>>, vector<16xi32>,
      %gt3A_842 = arith.cmpi sgt, %get3A_841, %select_n3A_836 : vector<16xi32>
      %select_n3A_843 = arith.select %gt3A_842, %get3A_841, %select_n3A_836 : vector<16xi1>, vector<16xi32>
      %broadcast_in_dim3A_844 = arith.constant 160 : i32
      %broadcast_in_dim3A_845 = vector.broadcast %broadcast_in_dim3A_844 : i32 to vector<16xi32>
      %select_n3A_846 = arith.select %gt3A_842, %broadcast_in_dim3A_845, %select_n3A_839 : vector<16xi1>, vector<16xi32>
      %get3A_847 = arith.constant 176 : index
      %get3A_848 = tpu.vector_load %arg8[%get3A_847] {strides = array<i32>} : memref<1040xi32, #tpu.memory_space<vmem>>, vector<16xi32>,
      %gt3A_849 = arith.cmpi sgt, %get3A_848, %select_n3A_843 : vector<16xi32>
      %select_n3A_850 = arith.select %gt3A_849, %get3A_848, %select_n3A_843 : vector<16xi1>, vector<16xi32>
      %broadcast_in_dim3A_851 = arith.constant 176 : i32
      %broadcast_in_dim3A_852 = vector.broadcast %broadcast_in_dim3A_851 : i32 to vector<16xi32>
      %select_n3A_853 = arith.select %gt3A_849, %broadcast_in_dim3A_852, %select_n3A_846 : vector<16xi1>, vector<16xi32>
      %get3A_854 = arith.constant 192 : index
      %get3A_855 = tpu.vector_load %arg8[%get3A_854] {strides = array<i32>} : memref<1040xi32, #tpu.memory_space<vmem>>, vector<16xi32>,
      %gt3A_856 = arith.cmpi sgt, %get3A_855, %select_n3A_850 : vector<16xi32>
      %select_n3A_857 = arith.select %gt3A_856, %get3A_855, %select_n3A_850 : vector<16xi1>, vector<16xi32>
      %broadcast_in_dim3A_858 = arith.constant 192 : i32
      %broadcast_in_dim3A_859 = vector.broadcast %broadcast_in_dim3A_858 : i32 to vector<16xi32>
      %select_n3A_860 = arith.select %gt3A_856, %broadcast_in_dim3A_859, %select_n3A_853 : vector<16xi1>, vector<16xi32>
      %get3A_861 = arith.constant 208 : index
      %get3A_862 = tpu.vector_load %arg8[%get3A_861] {strides = array<i32>} : memref<1040xi32, #tpu.memory_space<vmem>>, vector<16xi32>,
      %gt3A_863 = arith.cmpi sgt, %get3A_862, %select_n3A_857 : vector<16xi32>
      %select_n3A_864 = arith.select %gt3A_863, %get3A_862, %select_n3A_857 : vector<16xi1>, vector<16xi32>
      %broadcast_in_dim3A_865 = arith.constant 208 : i32
      %broadcast_in_dim3A_866 = vector.broadcast %broadcast_in_dim3A_865 : i32 to vector<16xi32>
      %select_n3A_867 = arith.select %gt3A_863, %broadcast_in_dim3A_866, %select_n3A_860 : vector<16xi1>, vector<16xi32>
      %get3A_868 = arith.constant 224 : index
      %get3A_869 = tpu.vector_load %arg8[%get3A_868] {strides = array<i32>} : memref<1040xi32, #tpu.memory_space<vmem>>, vector<16xi32>,
      %gt3A_870 = arith.cmpi sgt, %get3A_869, %select_n3A_864 : vector<16xi32>
      %select_n3A_871 = arith.select %gt3A_870, %get3A_869, %select_n3A_864 : vector<16xi1>, vector<16xi32>
      %broadcast_in_dim3A_872 = arith.constant 224 : i32
      %broadcast_in_dim3A_873 = vector.broadcast %broadcast_in_dim3A_872 : i32 to vector<16xi32>
      %select_n3A_874 = arith.select %gt3A_870, %broadcast_in_dim3A_873, %select_n3A_867 : vector<16xi1>, vector<16xi32>
      %get3A_875 = arith.constant 240 : index
      %get3A_876 = tpu.vector_load %arg8[%get3A_875] {strides = array<i32>} : memref<1040xi32, #tpu.memory_space<vmem>>, vector<16xi32>,
      %gt3A_877 = arith.cmpi sgt, %get3A_876, %select_n3A_871 : vector<16xi32>
      %select_n3A_878 = arith.select %gt3A_877, %get3A_876, %select_n3A_871 : vector<16xi1>, vector<16xi32>
      %broadcast_in_dim3A_879 = arith.constant 240 : i32
      %broadcast_in_dim3A_880 = vector.broadcast %broadcast_in_dim3A_879 : i32 to vector<16xi32>
      %select_n3A_881 = arith.select %gt3A_877, %broadcast_in_dim3A_880, %select_n3A_874 : vector<16xi1>, vector<16xi32>
      %get3A_882 = arith.constant 256 : index
      %get3A_883 = tpu.vector_load %arg8[%get3A_882] {strides = array<i32>} : memref<1040xi32, #tpu.memory_space<vmem>>, vector<16xi32>,
      %gt3A_884 = arith.cmpi sgt, %get3A_883, %select_n3A_878 : vector<16xi32>
      %select_n3A_885 = arith.select %gt3A_884, %get3A_883, %select_n3A_878 : vector<16xi1>, vector<16xi32>
      %broadcast_in_dim3A_886 = arith.constant 256 : i32
      %broadcast_in_dim3A_887 = vector.broadcast %broadcast_in_dim3A_886 : i32 to vector<16xi32>
      %select_n3A_888 = arith.select %gt3A_884, %broadcast_in_dim3A_887, %select_n3A_881 : vector<16xi1>, vector<16xi32>
      %get3A_889 = arith.constant 272 : index
      %get3A_890 = tpu.vector_load %arg8[%get3A_889] {strides = array<i32>} : memref<1040xi32, #tpu.memory_space<vmem>>, vector<16xi32>,
      %gt3A_891 = arith.cmpi sgt, %get3A_890, %select_n3A_885 : vector<16xi32>
      %select_n3A_892 = arith.select %gt3A_891, %get3A_890, %select_n3A_885 : vector<16xi1>, vector<16xi32>
      %broadcast_in_dim3A_893 = arith.constant 272 : i32
      %broadcast_in_dim3A_894 = vector.broadcast %broadcast_in_dim3A_893 : i32 to vector<16xi32>
      %select_n3A_895 = arith.select %gt3A_891, %broadcast_in_dim3A_894, %select_n3A_888 : vector<16xi1>, vector<16xi32>
      %get3A_896 = arith.constant 288 : index
      %get3A_897 = tpu.vector_load %arg8[%get3A_896] {strides = array<i32>} : memref<1040xi32, #tpu.memory_space<vmem>>, vector<16xi32>,
      %gt3A_898 = arith.cmpi sgt, %get3A_897, %select_n3A_892 : vector<16xi32>
      %select_n3A_899 = arith.select %gt3A_898, %get3A_897, %select_n3A_892 : vector<16xi1>, vector<16xi32>
      %broadcast_in_dim3A_900 = arith.constant 288 : i32
      %broadcast_in_dim3A_901 = vector.broadcast %broadcast_in_dim3A_900 : i32 to vector<16xi32>
      %select_n3A_902 = arith.select %gt3A_898, %broadcast_in_dim3A_901, %select_n3A_895 : vector<16xi1>, vector<16xi32>
      %get3A_903 = arith.constant 304 : index
      %get3A_904 = tpu.vector_load %arg8[%get3A_903] {strides = array<i32>} : memref<1040xi32, #tpu.memory_space<vmem>>, vector<16xi32>,
      %gt3A_905 = arith.cmpi sgt, %get3A_904, %select_n3A_899 : vector<16xi32>
      %select_n3A_906 = arith.select %gt3A_905, %get3A_904, %select_n3A_899 : vector<16xi1>, vector<16xi32>
      %broadcast_in_dim3A_907 = arith.constant 304 : i32
      %broadcast_in_dim3A_908 = vector.broadcast %broadcast_in_dim3A_907 : i32 to vector<16xi32>
      %select_n3A_909 = arith.select %gt3A_905, %broadcast_in_dim3A_908, %select_n3A_902 : vector<16xi1>, vector<16xi32>
      %get3A_910 = arith.constant 320 : index
      %get3A_911 = tpu.vector_load %arg8[%get3A_910] {strides = array<i32>} : memref<1040xi32, #tpu.memory_space<vmem>>, vector<16xi32>,
      %gt3A_912 = arith.cmpi sgt, %get3A_911, %select_n3A_906 : vector<16xi32>
      %select_n3A_913 = arith.select %gt3A_912, %get3A_911, %select_n3A_906 : vector<16xi1>, vector<16xi32>
      %broadcast_in_dim3A_914 = arith.constant 320 : i32
      %broadcast_in_dim3A_915 = vector.broadcast %broadcast_in_dim3A_914 : i32 to vector<16xi32>
      %select_n3A_916 = arith.select %gt3A_912, %broadcast_in_dim3A_915, %select_n3A_909 : vector<16xi1>, vector<16xi32>
      %get3A_917 = arith.constant 336 : index
      %get3A_918 = tpu.vector_load %arg8[%get3A_917] {strides = array<i32>} : memref<1040xi32, #tpu.memory_space<vmem>>, vector<16xi32>,
      %gt3A_919 = arith.cmpi sgt, %get3A_918, %select_n3A_913 : vector<16xi32>
      %select_n3A_920 = arith.select %gt3A_919, %get3A_918, %select_n3A_913 : vector<16xi1>, vector<16xi32>
      %broadcast_in_dim3A_921 = arith.constant 336 : i32
      %broadcast_in_dim3A_922 = vector.broadcast %broadcast_in_dim3A_921 : i32 to vector<16xi32>
      %select_n3A_923 = arith.select %gt3A_919, %broadcast_in_dim3A_922, %select_n3A_916 : vector<16xi1>, vector<16xi32>
      %get3A_924 = arith.constant 352 : index
      %get3A_925 = tpu.vector_load %arg8[%get3A_924] {strides = array<i32>} : memref<1040xi32, #tpu.memory_space<vmem>>, vector<16xi32>,
      %gt3A_926 = arith.cmpi sgt, %get3A_925, %select_n3A_920 : vector<16xi32>
      %select_n3A_927 = arith.select %gt3A_926, %get3A_925, %select_n3A_920 : vector<16xi1>, vector<16xi32>
      %broadcast_in_dim3A_928 = arith.constant 352 : i32
      %broadcast_in_dim3A_929 = vector.broadcast %broadcast_in_dim3A_928 : i32 to vector<16xi32>
      %select_n3A_930 = arith.select %gt3A_926, %broadcast_in_dim3A_929, %select_n3A_923 : vector<16xi1>, vector<16xi32>
      %get3A_931 = arith.constant 368 : index
      %get3A_932 = tpu.vector_load %arg8[%get3A_931] {strides = array<i32>} : memref<1040xi32, #tpu.memory_space<vmem>>, vector<16xi32>,
      %gt3A_933 = arith.cmpi sgt, %get3A_932, %select_n3A_927 : vector<16xi32>
      %select_n3A_934 = arith.select %gt3A_933, %get3A_932, %select_n3A_927 : vector<16xi1>, vector<16xi32>
      %broadcast_in_dim3A_935 = arith.constant 368 : i32
      %broadcast_in_dim3A_936 = vector.broadcast %broadcast_in_dim3A_935 : i32 to vector<16xi32>
      %select_n3A_937 = arith.select %gt3A_933, %broadcast_in_dim3A_936, %select_n3A_930 : vector<16xi1>, vector<16xi32>
      %get3A_938 = arith.constant 384 : index
      %get3A_939 = tpu.vector_load %arg8[%get3A_938] {strides = array<i32>} : memref<1040xi32, #tpu.memory_space<vmem>>, vector<16xi32>,
      %gt3A_940 = arith.cmpi sgt, %get3A_939, %select_n3A_934 : vector<16xi32>
      %select_n3A_941 = arith.select %gt3A_940, %get3A_939, %select_n3A_934 : vector<16xi1>, vector<16xi32>
      %broadcast_in_dim3A_942 = arith.constant 384 : i32
      %broadcast_in_dim3A_943 = vector.broadcast %broadcast_in_dim3A_942 : i32 to vector<16xi32>
      %select_n3A_944 = arith.select %gt3A_940, %broadcast_in_dim3A_943, %select_n3A_937 : vector<16xi1>, vector<16xi32>
      %get3A_945 = arith.constant 400 : index
      %get3A_946 = tpu.vector_load %arg8[%get3A_945] {strides = array<i32>} : memref<1040xi32, #tpu.memory_space<vmem>>, vector<16xi32>,
      %gt3A_947 = arith.cmpi sgt, %get3A_946, %select_n3A_941 : vector<16xi32>
      %select_n3A_948 = arith.select %gt3A_947, %get3A_946, %select_n3A_941 : vector<16xi1>, vector<16xi32>
      %broadcast_in_dim3A_949 = arith.constant 400 : i32
      %broadcast_in_dim3A_950 = vector.broadcast %broadcast_in_dim3A_949 : i32 to vector<16xi32>
      %select_n3A_951 = arith.select %gt3A_947, %broadcast_in_dim3A_950, %select_n3A_944 : vector<16xi1>, vector<16xi32>
      %get3A_952 = arith.constant 416 : index
      %get3A_953 = tpu.vector_load %arg8[%get3A_952] {strides = array<i32>} : memref<1040xi32, #tpu.memory_space<vmem>>, vector<16xi32>,
      %gt3A_954 = arith.cmpi sgt, %get3A_953, %select_n3A_948 : vector<16xi32>
      %select_n3A_955 = arith.select %gt3A_954, %get3A_953, %select_n3A_948 : vector<16xi1>, vector<16xi32>
      %broadcast_in_dim3A_956 = arith.constant 416 : i32
      %broadcast_in_dim3A_957 = vector.broadcast %broadcast_in_dim3A_956 : i32 to vector<16xi32>
      %select_n3A_958 = arith.select %gt3A_954, %broadcast_in_dim3A_957, %select_n3A_951 : vector<16xi1>, vector<16xi32>
      %get3A_959 = arith.constant 432 : index
      %get3A_960 = tpu.vector_load %arg8[%get3A_959] {strides = array<i32>} : memref<1040xi32, #tpu.memory_space<vmem>>, vector<16xi32>,
      %gt3A_961 = arith.cmpi sgt, %get3A_960, %select_n3A_955 : vector<16xi32>
      %select_n3A_962 = arith.select %gt3A_961, %get3A_960, %select_n3A_955 : vector<16xi1>, vector<16xi32>
      %broadcast_in_dim3A_963 = arith.constant 432 : i32
      %broadcast_in_dim3A_964 = vector.broadcast %broadcast_in_dim3A_963 : i32 to vector<16xi32>
      %select_n3A_965 = arith.select %gt3A_961, %broadcast_in_dim3A_964, %select_n3A_958 : vector<16xi1>, vector<16xi32>
      %get3A_966 = arith.constant 448 : index
      %get3A_967 = tpu.vector_load %arg8[%get3A_966] {strides = array<i32>} : memref<1040xi32, #tpu.memory_space<vmem>>, vector<16xi32>,
      %gt3A_968 = arith.cmpi sgt, %get3A_967, %select_n3A_962 : vector<16xi32>
      %select_n3A_969 = arith.select %gt3A_968, %get3A_967, %select_n3A_962 : vector<16xi1>, vector<16xi32>
      %broadcast_in_dim3A_970 = arith.constant 448 : i32
      %broadcast_in_dim3A_971 = vector.broadcast %broadcast_in_dim3A_970 : i32 to vector<16xi32>
      %select_n3A_972 = arith.select %gt3A_968, %broadcast_in_dim3A_971, %select_n3A_965 : vector<16xi1>, vector<16xi32>
      %get3A_973 = arith.constant 464 : index
      %get3A_974 = tpu.vector_load %arg8[%get3A_973] {strides = array<i32>} : memref<1040xi32, #tpu.memory_space<vmem>>, vector<16xi32>,
      %gt3A_975 = arith.cmpi sgt, %get3A_974, %select_n3A_969 : vector<16xi32>
      %select_n3A_976 = arith.select %gt3A_975, %get3A_974, %select_n3A_969 : vector<16xi1>, vector<16xi32>
      %broadcast_in_dim3A_977 = arith.constant 464 : i32
      %broadcast_in_dim3A_978 = vector.broadcast %broadcast_in_dim3A_977 : i32 to vector<16xi32>
      %select_n3A_979 = arith.select %gt3A_975, %broadcast_in_dim3A_978, %select_n3A_972 : vector<16xi1>, vector<16xi32>
      %get3A_980 = arith.constant 480 : index
      %get3A_981 = tpu.vector_load %arg8[%get3A_980] {strides = array<i32>} : memref<1040xi32, #tpu.memory_space<vmem>>, vector<16xi32>,
      %gt3A_982 = arith.cmpi sgt, %get3A_981, %select_n3A_976 : vector<16xi32>
      %select_n3A_983 = arith.select %gt3A_982, %get3A_981, %select_n3A_976 : vector<16xi1>, vector<16xi32>
      %broadcast_in_dim3A_984 = arith.constant 480 : i32
      %broadcast_in_dim3A_985 = vector.broadcast %broadcast_in_dim3A_984 : i32 to vector<16xi32>
      %select_n3A_986 = arith.select %gt3A_982, %broadcast_in_dim3A_985, %select_n3A_979 : vector<16xi1>, vector<16xi32>
      %get3A_987 = arith.constant 496 : index
      %get3A_988 = tpu.vector_load %arg8[%get3A_987] {strides = array<i32>} : memref<1040xi32, #tpu.memory_space<vmem>>, vector<16xi32>,
      %gt3A_989 = arith.cmpi sgt, %get3A_988, %select_n3A_983 : vector<16xi32>
      %select_n3A_990 = arith.select %gt3A_989, %get3A_988, %select_n3A_983 : vector<16xi1>, vector<16xi32>
      %broadcast_in_dim3A_991 = arith.constant 496 : i32
      %broadcast_in_dim3A_992 = vector.broadcast %broadcast_in_dim3A_991 : i32 to vector<16xi32>
      %select_n3A_993 = arith.select %gt3A_989, %broadcast_in_dim3A_992, %select_n3A_986 : vector<16xi1>, vector<16xi32>
      %get3A_994 = arith.constant 512 : index
      %get3A_995 = tpu.vector_load %arg8[%get3A_994] {strides = array<i32>} : memref<1040xi32, #tpu.memory_space<vmem>>, vector<16xi32>,
      %gt3A_996 = arith.cmpi sgt, %get3A_995, %select_n3A_990 : vector<16xi32>
      %select_n3A_997 = arith.select %gt3A_996, %get3A_995, %select_n3A_990 : vector<16xi1>, vector<16xi32>
      %broadcast_in_dim3A_998 = arith.constant 512 : i32
      %broadcast_in_dim3A_999 = vector.broadcast %broadcast_in_dim3A_998 : i32 to vector<16xi32>
      %select_n3A_1000 = arith.select %gt3A_996, %broadcast_in_dim3A_999, %select_n3A_993 : vector<16xi1>, vector<16xi32>
      %get3A_1001 = arith.constant 528 : index
      %get3A_1002 = tpu.vector_load %arg8[%get3A_1001] {strides = array<i32>} : memref<1040xi32, #tpu.memory_space<vmem>>, vector<16xi32>,
      %gt3A_1003 = arith.cmpi sgt, %get3A_1002, %select_n3A_997 : vector<16xi32>
      %select_n3A_1004 = arith.select %gt3A_1003, %get3A_1002, %select_n3A_997 : vector<16xi1>, vector<16xi32>
      %broadcast_in_dim3A_1005 = arith.constant 528 : i32
      %broadcast_in_dim3A_1006 = vector.broadcast %broadcast_in_dim3A_1005 : i32 to vector<16xi32>
      %select_n3A_1007 = arith.select %gt3A_1003, %broadcast_in_dim3A_1006, %select_n3A_1000 : vector<16xi1>, vector<16xi32>
      %get3A_1008 = arith.constant 544 : index
      %get3A_1009 = tpu.vector_load %arg8[%get3A_1008] {strides = array<i32>} : memref<1040xi32, #tpu.memory_space<vmem>>, vector<16xi32>,
      %gt3A_1010 = arith.cmpi sgt, %get3A_1009, %select_n3A_1004 : vector<16xi32>
      %select_n3A_1011 = arith.select %gt3A_1010, %get3A_1009, %select_n3A_1004 : vector<16xi1>, vector<16xi32>
      %broadcast_in_dim3A_1012 = arith.constant 544 : i32
      %broadcast_in_dim3A_1013 = vector.broadcast %broadcast_in_dim3A_1012 : i32 to vector<16xi32>
      %select_n3A_1014 = arith.select %gt3A_1010, %broadcast_in_dim3A_1013, %select_n3A_1007 : vector<16xi1>, vector<16xi32>
      %get3A_1015 = arith.constant 560 : index
      %get3A_1016 = tpu.vector_load %arg8[%get3A_1015] {strides = array<i32>} : memref<1040xi32, #tpu.memory_space<vmem>>, vector<16xi32>,
      %gt3A_1017 = arith.cmpi sgt, %get3A_1016, %select_n3A_1011 : vector<16xi32>
      %select_n3A_1018 = arith.select %gt3A_1017, %get3A_1016, %select_n3A_1011 : vector<16xi1>, vector<16xi32>
      %broadcast_in_dim3A_1019 = arith.constant 560 : i32
      %broadcast_in_dim3A_1020 = vector.broadcast %broadcast_in_dim3A_1019 : i32 to vector<16xi32>
      %select_n3A_1021 = arith.select %gt3A_1017, %broadcast_in_dim3A_1020, %select_n3A_1014 : vector<16xi1>, vector<16xi32>
      %get3A_1022 = arith.constant 576 : index
      %get3A_1023 = tpu.vector_load %arg8[%get3A_1022] {strides = array<i32>} : memref<1040xi32, #tpu.memory_space<vmem>>, vector<16xi32>,
      %gt3A_1024 = arith.cmpi sgt, %get3A_1023, %select_n3A_1018 : vector<16xi32>
      %select_n3A_1025 = arith.select %gt3A_1024, %get3A_1023, %select_n3A_1018 : vector<16xi1>, vector<16xi32>
      %broadcast_in_dim3A_1026 = arith.constant 576 : i32
      %broadcast_in_dim3A_1027 = vector.broadcast %broadcast_in_dim3A_1026 : i32 to vector<16xi32>
      %select_n3A_1028 = arith.select %gt3A_1024, %broadcast_in_dim3A_1027, %select_n3A_1021 : vector<16xi1>, vector<16xi32>
      %get3A_1029 = arith.constant 592 : index
      %get3A_1030 = tpu.vector_load %arg8[%get3A_1029] {strides = array<i32>} : memref<1040xi32, #tpu.memory_space<vmem>>, vector<16xi32>,
      %gt3A_1031 = arith.cmpi sgt, %get3A_1030, %select_n3A_1025 : vector<16xi32>
      %select_n3A_1032 = arith.select %gt3A_1031, %get3A_1030, %select_n3A_1025 : vector<16xi1>, vector<16xi32>
      %broadcast_in_dim3A_1033 = arith.constant 592 : i32
      %broadcast_in_dim3A_1034 = vector.broadcast %broadcast_in_dim3A_1033 : i32 to vector<16xi32>
      %select_n3A_1035 = arith.select %gt3A_1031, %broadcast_in_dim3A_1034, %select_n3A_1028 : vector<16xi1>, vector<16xi32>
      %get3A_1036 = arith.constant 608 : index
      %get3A_1037 = tpu.vector_load %arg8[%get3A_1036] {strides = array<i32>} : memref<1040xi32, #tpu.memory_space<vmem>>, vector<16xi32>,
      %gt3A_1038 = arith.cmpi sgt, %get3A_1037, %select_n3A_1032 : vector<16xi32>
      %select_n3A_1039 = arith.select %gt3A_1038, %get3A_1037, %select_n3A_1032 : vector<16xi1>, vector<16xi32>
      %broadcast_in_dim3A_1040 = arith.constant 608 : i32
      %broadcast_in_dim3A_1041 = vector.broadcast %broadcast_in_dim3A_1040 : i32 to vector<16xi32>
      %select_n3A_1042 = arith.select %gt3A_1038, %broadcast_in_dim3A_1041, %select_n3A_1035 : vector<16xi1>, vector<16xi32>
      %get3A_1043 = arith.constant 624 : index
      %get3A_1044 = tpu.vector_load %arg8[%get3A_1043] {strides = array<i32>} : memref<1040xi32, #tpu.memory_space<vmem>>, vector<16xi32>,
      %gt3A_1045 = arith.cmpi sgt, %get3A_1044, %select_n3A_1039 : vector<16xi32>
      %select_n3A_1046 = arith.select %gt3A_1045, %get3A_1044, %select_n3A_1039 : vector<16xi1>, vector<16xi32>
      %broadcast_in_dim3A_1047 = arith.constant 624 : i32
      %broadcast_in_dim3A_1048 = vector.broadcast %broadcast_in_dim3A_1047 : i32 to vector<16xi32>
      %select_n3A_1049 = arith.select %gt3A_1045, %broadcast_in_dim3A_1048, %select_n3A_1042 : vector<16xi1>, vector<16xi32>
      %get3A_1050 = arith.constant 640 : index
      %get3A_1051 = tpu.vector_load %arg8[%get3A_1050] {strides = array<i32>} : memref<1040xi32, #tpu.memory_space<vmem>>, vector<16xi32>,
      %gt3A_1052 = arith.cmpi sgt, %get3A_1051, %select_n3A_1046 : vector<16xi32>
      %select_n3A_1053 = arith.select %gt3A_1052, %get3A_1051, %select_n3A_1046 : vector<16xi1>, vector<16xi32>
      %broadcast_in_dim3A_1054 = arith.constant 640 : i32
      %broadcast_in_dim3A_1055 = vector.broadcast %broadcast_in_dim3A_1054 : i32 to vector<16xi32>
      %select_n3A_1056 = arith.select %gt3A_1052, %broadcast_in_dim3A_1055, %select_n3A_1049 : vector<16xi1>, vector<16xi32>
      %get3A_1057 = arith.constant 656 : index
      %get3A_1058 = tpu.vector_load %arg8[%get3A_1057] {strides = array<i32>} : memref<1040xi32, #tpu.memory_space<vmem>>, vector<16xi32>,
      %gt3A_1059 = arith.cmpi sgt, %get3A_1058, %select_n3A_1053 : vector<16xi32>
      %select_n3A_1060 = arith.select %gt3A_1059, %get3A_1058, %select_n3A_1053 : vector<16xi1>, vector<16xi32>
      %broadcast_in_dim3A_1061 = arith.constant 656 : i32
      %broadcast_in_dim3A_1062 = vector.broadcast %broadcast_in_dim3A_1061 : i32 to vector<16xi32>
      %select_n3A_1063 = arith.select %gt3A_1059, %broadcast_in_dim3A_1062, %select_n3A_1056 : vector<16xi1>, vector<16xi32>
      %get3A_1064 = arith.constant 672 : index
      %get3A_1065 = tpu.vector_load %arg8[%get3A_1064] {strides = array<i32>} : memref<1040xi32, #tpu.memory_space<vmem>>, vector<16xi32>,
      %gt3A_1066 = arith.cmpi sgt, %get3A_1065, %select_n3A_1060 : vector<16xi32>
      %select_n3A_1067 = arith.select %gt3A_1066, %get3A_1065, %select_n3A_1060 : vector<16xi1>, vector<16xi32>
      %broadcast_in_dim3A_1068 = arith.constant 672 : i32
      %broadcast_in_dim3A_1069 = vector.broadcast %broadcast_in_dim3A_1068 : i32 to vector<16xi32>
      %select_n3A_1070 = arith.select %gt3A_1066, %broadcast_in_dim3A_1069, %select_n3A_1063 : vector<16xi1>, vector<16xi32>
      %get3A_1071 = arith.constant 688 : index
      %get3A_1072 = tpu.vector_load %arg8[%get3A_1071] {strides = array<i32>} : memref<1040xi32, #tpu.memory_space<vmem>>, vector<16xi32>,
      %gt3A_1073 = arith.cmpi sgt, %get3A_1072, %select_n3A_1067 : vector<16xi32>
      %select_n3A_1074 = arith.select %gt3A_1073, %get3A_1072, %select_n3A_1067 : vector<16xi1>, vector<16xi32>
      %broadcast_in_dim3A_1075 = arith.constant 688 : i32
      %broadcast_in_dim3A_1076 = vector.broadcast %broadcast_in_dim3A_1075 : i32 to vector<16xi32>
      %select_n3A_1077 = arith.select %gt3A_1073, %broadcast_in_dim3A_1076, %select_n3A_1070 : vector<16xi1>, vector<16xi32>
      %get3A_1078 = arith.constant 704 : index
      %get3A_1079 = tpu.vector_load %arg8[%get3A_1078] {strides = array<i32>} : memref<1040xi32, #tpu.memory_space<vmem>>, vector<16xi32>,
      %gt3A_1080 = arith.cmpi sgt, %get3A_1079, %select_n3A_1074 : vector<16xi32>
      %select_n3A_1081 = arith.select %gt3A_1080, %get3A_1079, %select_n3A_1074 : vector<16xi1>, vector<16xi32>
      %broadcast_in_dim3A_1082 = arith.constant 704 : i32
      %broadcast_in_dim3A_1083 = vector.broadcast %broadcast_in_dim3A_1082 : i32 to vector<16xi32>
      %select_n3A_1084 = arith.select %gt3A_1080, %broadcast_in_dim3A_1083, %select_n3A_1077 : vector<16xi1>, vector<16xi32>
      %get3A_1085 = arith.constant 720 : index
      %get3A_1086 = tpu.vector_load %arg8[%get3A_1085] {strides = array<i32>} : memref<1040xi32, #tpu.memory_space<vmem>>, vector<16xi32>,
      %gt3A_1087 = arith.cmpi sgt, %get3A_1086, %select_n3A_1081 : vector<16xi32>
      %select_n3A_1088 = arith.select %gt3A_1087, %get3A_1086, %select_n3A_1081 : vector<16xi1>, vector<16xi32>
      %broadcast_in_dim3A_1089 = arith.constant 720 : i32
      %broadcast_in_dim3A_1090 = vector.broadcast %broadcast_in_dim3A_1089 : i32 to vector<16xi32>
      %select_n3A_1091 = arith.select %gt3A_1087, %broadcast_in_dim3A_1090, %select_n3A_1084 : vector<16xi1>, vector<16xi32>
      %get3A_1092 = arith.constant 736 : index
      %get3A_1093 = tpu.vector_load %arg8[%get3A_1092] {strides = array<i32>} : memref<1040xi32, #tpu.memory_space<vmem>>, vector<16xi32>,
      %gt3A_1094 = arith.cmpi sgt, %get3A_1093, %select_n3A_1088 : vector<16xi32>
      %select_n3A_1095 = arith.select %gt3A_1094, %get3A_1093, %select_n3A_1088 : vector<16xi1>, vector<16xi32>
      %broadcast_in_dim3A_1096 = arith.constant 736 : i32
      %broadcast_in_dim3A_1097 = vector.broadcast %broadcast_in_dim3A_1096 : i32 to vector<16xi32>
      %select_n3A_1098 = arith.select %gt3A_1094, %broadcast_in_dim3A_1097, %select_n3A_1091 : vector<16xi1>, vector<16xi32>
      %get3A_1099 = arith.constant 752 : index
      %get3A_1100 = tpu.vector_load %arg8[%get3A_1099] {strides = array<i32>} : memref<1040xi32, #tpu.memory_space<vmem>>, vector<16xi32>,
      %gt3A_1101 = arith.cmpi sgt, %get3A_1100, %select_n3A_1095 : vector<16xi32>
      %select_n3A_1102 = arith.select %gt3A_1101, %get3A_1100, %select_n3A_1095 : vector<16xi1>, vector<16xi32>
      %broadcast_in_dim3A_1103 = arith.constant 752 : i32
      %broadcast_in_dim3A_1104 = vector.broadcast %broadcast_in_dim3A_1103 : i32 to vector<16xi32>
      %select_n3A_1105 = arith.select %gt3A_1101, %broadcast_in_dim3A_1104, %select_n3A_1098 : vector<16xi1>, vector<16xi32>
      %get3A_1106 = arith.constant 768 : index
      %get3A_1107 = tpu.vector_load %arg8[%get3A_1106] {strides = array<i32>} : memref<1040xi32, #tpu.memory_space<vmem>>, vector<16xi32>,
      %gt3A_1108 = arith.cmpi sgt, %get3A_1107, %select_n3A_1102 : vector<16xi32>
      %select_n3A_1109 = arith.select %gt3A_1108, %get3A_1107, %select_n3A_1102 : vector<16xi1>, vector<16xi32>
      %broadcast_in_dim3A_1110 = arith.constant 768 : i32
      %broadcast_in_dim3A_1111 = vector.broadcast %broadcast_in_dim3A_1110 : i32 to vector<16xi32>
      %select_n3A_1112 = arith.select %gt3A_1108, %broadcast_in_dim3A_1111, %select_n3A_1105 : vector<16xi1>, vector<16xi32>
      %get3A_1113 = arith.constant 784 : index
      %get3A_1114 = tpu.vector_load %arg8[%get3A_1113] {strides = array<i32>} : memref<1040xi32, #tpu.memory_space<vmem>>, vector<16xi32>,
      %gt3A_1115 = arith.cmpi sgt, %get3A_1114, %select_n3A_1109 : vector<16xi32>
      %select_n3A_1116 = arith.select %gt3A_1115, %get3A_1114, %select_n3A_1109 : vector<16xi1>, vector<16xi32>
      %broadcast_in_dim3A_1117 = arith.constant 784 : i32
      %broadcast_in_dim3A_1118 = vector.broadcast %broadcast_in_dim3A_1117 : i32 to vector<16xi32>
      %select_n3A_1119 = arith.select %gt3A_1115, %broadcast_in_dim3A_1118, %select_n3A_1112 : vector<16xi1>, vector<16xi32>
      %get3A_1120 = arith.constant 800 : index
      %get3A_1121 = tpu.vector_load %arg8[%get3A_1120] {strides = array<i32>} : memref<1040xi32, #tpu.memory_space<vmem>>, vector<16xi32>,
      %gt3A_1122 = arith.cmpi sgt, %get3A_1121, %select_n3A_1116 : vector<16xi32>
      %select_n3A_1123 = arith.select %gt3A_1122, %get3A_1121, %select_n3A_1116 : vector<16xi1>, vector<16xi32>
      %broadcast_in_dim3A_1124 = arith.constant 800 : i32
      %broadcast_in_dim3A_1125 = vector.broadcast %broadcast_in_dim3A_1124 : i32 to vector<16xi32>
      %select_n3A_1126 = arith.select %gt3A_1122, %broadcast_in_dim3A_1125, %select_n3A_1119 : vector<16xi1>, vector<16xi32>
      %get3A_1127 = arith.constant 816 : index
      %get3A_1128 = tpu.vector_load %arg8[%get3A_1127] {strides = array<i32>} : memref<1040xi32, #tpu.memory_space<vmem>>, vector<16xi32>,
      %gt3A_1129 = arith.cmpi sgt, %get3A_1128, %select_n3A_1123 : vector<16xi32>
      %select_n3A_1130 = arith.select %gt3A_1129, %get3A_1128, %select_n3A_1123 : vector<16xi1>, vector<16xi32>
      %broadcast_in_dim3A_1131 = arith.constant 816 : i32
      %broadcast_in_dim3A_1132 = vector.broadcast %broadcast_in_dim3A_1131 : i32 to vector<16xi32>
      %select_n3A_1133 = arith.select %gt3A_1129, %broadcast_in_dim3A_1132, %select_n3A_1126 : vector<16xi1>, vector<16xi32>
      %get3A_1134 = arith.constant 832 : index
      %get3A_1135 = tpu.vector_load %arg8[%get3A_1134] {strides = array<i32>} : memref<1040xi32, #tpu.memory_space<vmem>>, vector<16xi32>,
      %gt3A_1136 = arith.cmpi sgt, %get3A_1135, %select_n3A_1130 : vector<16xi32>
      %select_n3A_1137 = arith.select %gt3A_1136, %get3A_1135, %select_n3A_1130 : vector<16xi1>, vector<16xi32>
      %broadcast_in_dim3A_1138 = arith.constant 832 : i32
      %broadcast_in_dim3A_1139 = vector.broadcast %broadcast_in_dim3A_1138 : i32 to vector<16xi32>
      %select_n3A_1140 = arith.select %gt3A_1136, %broadcast_in_dim3A_1139, %select_n3A_1133 : vector<16xi1>, vector<16xi32>
      %get3A_1141 = arith.constant 848 : index
      %get3A_1142 = tpu.vector_load %arg8[%get3A_1141] {strides = array<i32>} : memref<1040xi32, #tpu.memory_space<vmem>>, vector<16xi32>,
      %gt3A_1143 = arith.cmpi sgt, %get3A_1142, %select_n3A_1137 : vector<16xi32>
      %select_n3A_1144 = arith.select %gt3A_1143, %get3A_1142, %select_n3A_1137 : vector<16xi1>, vector<16xi32>
      %broadcast_in_dim3A_1145 = arith.constant 848 : i32
      %broadcast_in_dim3A_1146 = vector.broadcast %broadcast_in_dim3A_1145 : i32 to vector<16xi32>
      %select_n3A_1147 = arith.select %gt3A_1143, %broadcast_in_dim3A_1146, %select_n3A_1140 : vector<16xi1>, vector<16xi32>
      %get3A_1148 = arith.constant 864 : index
      %get3A_1149 = tpu.vector_load %arg8[%get3A_1148] {strides = array<i32>} : memref<1040xi32, #tpu.memory_space<vmem>>, vector<16xi32>,
      %gt3A_1150 = arith.cmpi sgt, %get3A_1149, %select_n3A_1144 : vector<16xi32>
      %select_n3A_1151 = arith.select %gt3A_1150, %get3A_1149, %select_n3A_1144 : vector<16xi1>, vector<16xi32>
      %broadcast_in_dim3A_1152 = arith.constant 864 : i32
      %broadcast_in_dim3A_1153 = vector.broadcast %broadcast_in_dim3A_1152 : i32 to vector<16xi32>
      %select_n3A_1154 = arith.select %gt3A_1150, %broadcast_in_dim3A_1153, %select_n3A_1147 : vector<16xi1>, vector<16xi32>
      %get3A_1155 = arith.constant 880 : index
      %get3A_1156 = tpu.vector_load %arg8[%get3A_1155] {strides = array<i32>} : memref<1040xi32, #tpu.memory_space<vmem>>, vector<16xi32>,
      %gt3A_1157 = arith.cmpi sgt, %get3A_1156, %select_n3A_1151 : vector<16xi32>
      %select_n3A_1158 = arith.select %gt3A_1157, %get3A_1156, %select_n3A_1151 : vector<16xi1>, vector<16xi32>
      %broadcast_in_dim3A_1159 = arith.constant 880 : i32
      %broadcast_in_dim3A_1160 = vector.broadcast %broadcast_in_dim3A_1159 : i32 to vector<16xi32>
      %select_n3A_1161 = arith.select %gt3A_1157, %broadcast_in_dim3A_1160, %select_n3A_1154 : vector<16xi1>, vector<16xi32>
      %get3A_1162 = arith.constant 896 : index
      %get3A_1163 = tpu.vector_load %arg8[%get3A_1162] {strides = array<i32>} : memref<1040xi32, #tpu.memory_space<vmem>>, vector<16xi32>,
      %gt3A_1164 = arith.cmpi sgt, %get3A_1163, %select_n3A_1158 : vector<16xi32>
      %select_n3A_1165 = arith.select %gt3A_1164, %get3A_1163, %select_n3A_1158 : vector<16xi1>, vector<16xi32>
      %broadcast_in_dim3A_1166 = arith.constant 896 : i32
      %broadcast_in_dim3A_1167 = vector.broadcast %broadcast_in_dim3A_1166 : i32 to vector<16xi32>
      %select_n3A_1168 = arith.select %gt3A_1164, %broadcast_in_dim3A_1167, %select_n3A_1161 : vector<16xi1>, vector<16xi32>
      %get3A_1169 = arith.constant 912 : index
      %get3A_1170 = tpu.vector_load %arg8[%get3A_1169] {strides = array<i32>} : memref<1040xi32, #tpu.memory_space<vmem>>, vector<16xi32>,
      %gt3A_1171 = arith.cmpi sgt, %get3A_1170, %select_n3A_1165 : vector<16xi32>
      %select_n3A_1172 = arith.select %gt3A_1171, %get3A_1170, %select_n3A_1165 : vector<16xi1>, vector<16xi32>
      %broadcast_in_dim3A_1173 = arith.constant 912 : i32
      %broadcast_in_dim3A_1174 = vector.broadcast %broadcast_in_dim3A_1173 : i32 to vector<16xi32>
      %select_n3A_1175 = arith.select %gt3A_1171, %broadcast_in_dim3A_1174, %select_n3A_1168 : vector<16xi1>, vector<16xi32>
      %get3A_1176 = arith.constant 928 : index
      %get3A_1177 = tpu.vector_load %arg8[%get3A_1176] {strides = array<i32>} : memref<1040xi32, #tpu.memory_space<vmem>>, vector<16xi32>,
      %gt3A_1178 = arith.cmpi sgt, %get3A_1177, %select_n3A_1172 : vector<16xi32>
      %select_n3A_1179 = arith.select %gt3A_1178, %get3A_1177, %select_n3A_1172 : vector<16xi1>, vector<16xi32>
      %broadcast_in_dim3A_1180 = arith.constant 928 : i32
      %broadcast_in_dim3A_1181 = vector.broadcast %broadcast_in_dim3A_1180 : i32 to vector<16xi32>
      %select_n3A_1182 = arith.select %gt3A_1178, %broadcast_in_dim3A_1181, %select_n3A_1175 : vector<16xi1>, vector<16xi32>
      %get3A_1183 = arith.constant 944 : index
      %get3A_1184 = tpu.vector_load %arg8[%get3A_1183] {strides = array<i32>} : memref<1040xi32, #tpu.memory_space<vmem>>, vector<16xi32>,
      %gt3A_1185 = arith.cmpi sgt, %get3A_1184, %select_n3A_1179 : vector<16xi32>
      %select_n3A_1186 = arith.select %gt3A_1185, %get3A_1184, %select_n3A_1179 : vector<16xi1>, vector<16xi32>
      %broadcast_in_dim3A_1187 = arith.constant 944 : i32
      %broadcast_in_dim3A_1188 = vector.broadcast %broadcast_in_dim3A_1187 : i32 to vector<16xi32>
      %select_n3A_1189 = arith.select %gt3A_1185, %broadcast_in_dim3A_1188, %select_n3A_1182 : vector<16xi1>, vector<16xi32>
      %get3A_1190 = arith.constant 960 : index
      %get3A_1191 = tpu.vector_load %arg8[%get3A_1190] {strides = array<i32>} : memref<1040xi32, #tpu.memory_space<vmem>>, vector<16xi32>,
      %gt3A_1192 = arith.cmpi sgt, %get3A_1191, %select_n3A_1186 : vector<16xi32>
      %select_n3A_1193 = arith.select %gt3A_1192, %get3A_1191, %select_n3A_1186 : vector<16xi1>, vector<16xi32>
      %broadcast_in_dim3A_1194 = arith.constant 960 : i32
      %broadcast_in_dim3A_1195 = vector.broadcast %broadcast_in_dim3A_1194 : i32 to vector<16xi32>
      %select_n3A_1196 = arith.select %gt3A_1192, %broadcast_in_dim3A_1195, %select_n3A_1189 : vector<16xi1>, vector<16xi32>
      %get3A_1197 = arith.constant 976 : index
      %get3A_1198 = tpu.vector_load %arg8[%get3A_1197] {strides = array<i32>} : memref<1040xi32, #tpu.memory_space<vmem>>, vector<16xi32>,
      %gt3A_1199 = arith.cmpi sgt, %get3A_1198, %select_n3A_1193 : vector<16xi32>
      %select_n3A_1200 = arith.select %gt3A_1199, %get3A_1198, %select_n3A_1193 : vector<16xi1>, vector<16xi32>
      %broadcast_in_dim3A_1201 = arith.constant 976 : i32
      %broadcast_in_dim3A_1202 = vector.broadcast %broadcast_in_dim3A_1201 : i32 to vector<16xi32>
      %select_n3A_1203 = arith.select %gt3A_1199, %broadcast_in_dim3A_1202, %select_n3A_1196 : vector<16xi1>, vector<16xi32>
      %get3A_1204 = arith.constant 992 : index
      %get3A_1205 = tpu.vector_load %arg8[%get3A_1204] {strides = array<i32>} : memref<1040xi32, #tpu.memory_space<vmem>>, vector<16xi32>,
      %gt3A_1206 = arith.cmpi sgt, %get3A_1205, %select_n3A_1200 : vector<16xi32>
      %select_n3A_1207 = arith.select %gt3A_1206, %get3A_1205, %select_n3A_1200 : vector<16xi1>, vector<16xi32>
      %broadcast_in_dim3A_1208 = arith.constant 992 : i32
      %broadcast_in_dim3A_1209 = vector.broadcast %broadcast_in_dim3A_1208 : i32 to vector<16xi32>
      %select_n3A_1210 = arith.select %gt3A_1206, %broadcast_in_dim3A_1209, %select_n3A_1203 : vector<16xi1>, vector<16xi32>
      %get3A_1211 = arith.constant 1008 : index
      %get3A_1212 = tpu.vector_load %arg8[%get3A_1211] {strides = array<i32>} : memref<1040xi32, #tpu.memory_space<vmem>>, vector<16xi32>,
      %gt3A_1213 = arith.cmpi sgt, %get3A_1212, %select_n3A_1207 : vector<16xi32>
      %select_n3A_1214 = arith.select %gt3A_1213, %get3A_1212, %select_n3A_1207 : vector<16xi1>, vector<16xi32>
      %broadcast_in_dim3A_1215 = arith.constant 1008 : i32
      %broadcast_in_dim3A_1216 = vector.broadcast %broadcast_in_dim3A_1215 : i32 to vector<16xi32>
      %select_n3A_1217 = arith.select %gt3A_1213, %broadcast_in_dim3A_1216, %select_n3A_1210 : vector<16xi1>, vector<16xi32>
      %shift_right_logical3A_1218 = arith.constant 4 : i32
      %shift_right_logical3A_1219 = vector.broadcast %shift_right_logical3A_1218 : i32 to vector<16xi32>
      %shift_right_logical3A_1220 = arith.shrui %select_n3A_1217, %shift_right_logical3A_1219 : vector<16xi32>
      %add3A_1221 = arith.addi %mul3A_5, %shift_right_logical3A_1220 : vector<16xi32>
      tpu.vector_store_idx %arg9[%add3A_1221], %broadcast_in_dim3A_6 : memref<1024xi32, #tpu.memory_space<vmem>>[vector<16xi32>], vector<16xi32>,
      %mul3A_1222 = arith.constant 16 : i32
      %mul3A_1223 = arith.muli %mul3A_161, %mul3A_1222 : i32
      %add3A_1224 = arith.addi %mul3A_2, %mul3A_1223 : i32
      %mul3A_1225 = arith.constant 64 : i32
      %mul3A_1226 = arith.muli %add3A_1224, %mul3A_1225 : i32
      "tpu.region"() ({
        %run_scoped3A = tpu.sem_alloc : memref<!tpu.dma_semaphore, #tpu.memory_space<semaphore_mem>>
        %dma_start3A_2311 = tpu.memref_slice %arg4[%mul3A_1226] : memref<327680xi32, #tpu.memory_space<hbm>> -> memref<1024xi32, #tpu.memory_space<hbm>>
        %dma_start3A_2312 = tpu.memref_slice %arg4[%mul3A_1226] : memref<327680xi32, #tpu.memory_space<hbm>> -> memref<1024xi32, #tpu.memory_space<hbm>>
        tpu.enqueue_dma source(%arg9 : memref<1024xi32, #tpu.memory_space<vmem>>) target(%dma_start3A_2312 : memref<1024xi32, #tpu.memory_space<hbm>>) target_semaphore(%run_scoped3A : memref<!tpu.dma_semaphore, #tpu.memory_space<semaphore_mem>>)
        %dma_wait3A_2313 = tpu.memref_slice %arg4[%mul3A_1226] : memref<327680xi32, #tpu.memory_space<hbm>> -> memref<1024xi32, #tpu.memory_space<hbm>>
        %dma_wait3A_2314 = tpu.memref_slice %arg4[%mul3A_1226] : memref<327680xi32, #tpu.memory_space<hbm>> -> memref<1024xi32, #tpu.memory_space<hbm>>
        tpu.wait_dma2 semaphore(%run_scoped3A : memref<!tpu.dma_semaphore, #tpu.memory_space<semaphore_mem>>) src(%arg9 : memref<1024xi32, #tpu.memory_space<vmem>>) dst(%dma_wait3A_2314 : memref<1024xi32, #tpu.memory_space<hbm>>)
        tpu.yield
      }) : () -> ()
      %add3A_1227 = arith.addi %mul3A_5, %shift_right_logical3A_1220 : vector<16xi32>
      tpu.vector_store_idx %arg9[%add3A_1227], %broadcast_in_dim3A_8 : memref<1024xi32, #tpu.memory_space<vmem>>[vector<16xi32>], vector<16xi32>,
      %add3A_1228 = arith.constant 2 : i32
      %add3A_1229 = arith.addi %mul3A_161, %add3A_1228 : i32
      %min3A = arith.constant 9 : i32
      %min3A_1230 = arith.minsi %add3A_1229, %min3A : i32
      %add3A_1231 = arith.constant 11264 : i32
      %add3A_1232 = arith.addi %add3A_1231, %mul3A_2 : i32
      %mul3A_1233 = arith.constant 16 : i32
      %mul3A_1234 = arith.muli %min3A_1230, %mul3A_1233 : i32
      %add3A_1235 = arith.addi %add3A_1232, %mul3A_1234 : i32
      %dma_start3A_1236 = arith.constant 0 : i32
      %dma_start3A_1237 = tpu.memref_slice %arg2[%add3A_1235, %dma_start3A_1236] : memref<16384x2016xf32, #tpu.memory_space<hbm>> -> memref<16x2016xf32, #tpu.memory_space<hbm>>
      %dma_start3A_1238 = arith.constant 0 : i32
      %dma_start3A_1239 = tpu.memref_slice %arg2[%add3A_1235, %dma_start3A_1238] : memref<16384x2016xf32, #tpu.memory_space<hbm>> -> memref<16x2016xf32, #tpu.memory_space<hbm>>
      tpu.enqueue_dma source(%dma_start3A_1239 : memref<16x2016xf32, #tpu.memory_space<hbm>>) target(%arg5 : memref<16x2016xf32, #tpu.memory_space<vmem>>) target_semaphore(%arg10 : memref<!tpu.dma_semaphore, #tpu.memory_space<semaphore_mem>>)
      %add3A_1240 = arith.constant 1 : i32
      %add3A_1241 = arith.addi %mul3A_161, %add3A_1240 : i32
      %add3A_1242 = arith.constant 11264 : i32
      %add3A_1243 = arith.addi %add3A_1242, %mul3A_2 : i32
      %mul3A_1244 = arith.constant 16 : i32
      %mul3A_1245 = arith.muli %add3A_1241, %mul3A_1244 : i32
      %add3A_1246 = arith.addi %add3A_1243, %mul3A_1245 : i32
      %dma_wait3A_1247 = arith.constant 0 : i32
      %dma_wait3A_1248 = tpu.memref_slice %arg2[%add3A_1246, %dma_wait3A_1247] : memref<16384x2016xf32, #tpu.memory_space<hbm>> -> memref<16x2016xf32, #tpu.memory_space<hbm>>
      %dma_wait3A_1249 = arith.constant 0 : i32
      %dma_wait3A_1250 = tpu.memref_slice %arg2[%add3A_1246, %dma_wait3A_1249] : memref<16384x2016xf32, #tpu.memory_space<hbm>> -> memref<16x2016xf32, #tpu.memory_space<hbm>>
      tpu.wait_dma2 semaphore(%arg11 : memref<!tpu.dma_semaphore, #tpu.memory_space<semaphore_mem>>) src(%dma_wait3A_1250 : memref<16x2016xf32, #tpu.memory_space<hbm>>) dst(%arg6 : memref<16x2016xf32, #tpu.memory_space<vmem>>)
      %add3A_1251 = arith.constant 1 : i32
      %add3A_1252 = arith.addi %mul3A_161, %add3A_1251 : i32
      %swap3A_1253 = arith.constant 0 : index
      %swap3A_1254 = tpu.vector_load %arg8[%swap3A_1253] {strides = array<i32>} : memref<1040xi32, #tpu.memory_space<vmem>>, vector<16xi32>,
      tpu.vector_store %arg8[%swap3A_1253], %broadcast_in_dim3A_8 {strides = array<i32>} : memref<1040xi32, #tpu.memory_space<vmem>>, vector<16xi32>,
      %swap3A_1255 = arith.constant 16 : index
      %swap3A_1256 = tpu.vector_load %arg8[%swap3A_1255] {strides = array<i32>} : memref<1040xi32, #tpu.memory_space<vmem>>, vector<16xi32>,
      tpu.vector_store %arg8[%swap3A_1255], %broadcast_in_dim3A_8 {strides = array<i32>} : memref<1040xi32, #tpu.memory_space<vmem>>, vector<16xi32>,
      %swap3A_1257 = arith.constant 32 : index
      %swap3A_1258 = tpu.vector_load %arg8[%swap3A_1257] {strides = array<i32>} : memref<1040xi32, #tpu.memory_space<vmem>>, vector<16xi32>,
      tpu.vector_store %arg8[%swap3A_1257], %broadcast_in_dim3A_8 {strides = array<i32>} : memref<1040xi32, #tpu.memory_space<vmem>>, vector<16xi32>,
      %swap3A_1259 = arith.constant 48 : index
      %swap3A_1260 = tpu.vector_load %arg8[%swap3A_1259] {strides = array<i32>} : memref<1040xi32, #tpu.memory_space<vmem>>, vector<16xi32>,
      tpu.vector_store %arg8[%swap3A_1259], %broadcast_in_dim3A_8 {strides = array<i32>} : memref<1040xi32, #tpu.memory_space<vmem>>, vector<16xi32>,
      %swap3A_1261 = arith.constant 64 : index
      %swap3A_1262 = tpu.vector_load %arg8[%swap3A_1261] {strides = array<i32>} : memref<1040xi32, #tpu.memory_space<vmem>>, vector<16xi32>,
      tpu.vector_store %arg8[%swap3A_1261], %broadcast_in_dim3A_8 {strides = array<i32>} : memref<1040xi32, #tpu.memory_space<vmem>>, vector<16xi32>,
      %swap3A_1263 = arith.constant 80 : index
      %swap3A_1264 = tpu.vector_load %arg8[%swap3A_1263] {strides = array<i32>} : memref<1040xi32, #tpu.memory_space<vmem>>, vector<16xi32>,
      tpu.vector_store %arg8[%swap3A_1263], %broadcast_in_dim3A_8 {strides = array<i32>} : memref<1040xi32, #tpu.memory_space<vmem>>, vector<16xi32>,
      %swap3A_1265 = arith.constant 96 : index
      %swap3A_1266 = tpu.vector_load %arg8[%swap3A_1265] {strides = array<i32>} : memref<1040xi32, #tpu.memory_space<vmem>>, vector<16xi32>,
      tpu.vector_store %arg8[%swap3A_1265], %broadcast_in_dim3A_8 {strides = array<i32>} : memref<1040xi32, #tpu.memory_space<vmem>>, vector<16xi32>,
      %swap3A_1267 = arith.constant 112 : index
      %swap3A_1268 = tpu.vector_load %arg8[%swap3A_1267] {strides = array<i32>} : memref<1040xi32, #tpu.memory_space<vmem>>, vector<16xi32>,
      tpu.vector_store %arg8[%swap3A_1267], %broadcast_in_dim3A_8 {strides = array<i32>} : memref<1040xi32, #tpu.memory_space<vmem>>, vector<16xi32>,
      %swap3A_1269 = arith.constant 128 : index
      %swap3A_1270 = tpu.vector_load %arg8[%swap3A_1269] {strides = array<i32>} : memref<1040xi32, #tpu.memory_space<vmem>>, vector<16xi32>,
      tpu.vector_store %arg8[%swap3A_1269], %broadcast_in_dim3A_8 {strides = array<i32>} : memref<1040xi32, #tpu.memory_space<vmem>>, vector<16xi32>,
      %swap3A_1271 = arith.constant 144 : index
      %swap3A_1272 = tpu.vector_load %arg8[%swap3A_1271] {strides = array<i32>} : memref<1040xi32, #tpu.memory_space<vmem>>, vector<16xi32>,
      tpu.vector_store %arg8[%swap3A_1271], %broadcast_in_dim3A_8 {strides = array<i32>} : memref<1040xi32, #tpu.memory_space<vmem>>, vector<16xi32>,
      %swap3A_1273 = arith.constant 160 : index
      %swap3A_1274 = tpu.vector_load %arg8[%swap3A_1273] {strides = array<i32>} : memref<1040xi32, #tpu.memory_space<vmem>>, vector<16xi32>,
      tpu.vector_store %arg8[%swap3A_1273], %broadcast_in_dim3A_8 {strides = array<i32>} : memref<1040xi32, #tpu.memory_space<vmem>>, vector<16xi32>,
      %swap3A_1275 = arith.constant 176 : index
      %swap3A_1276 = tpu.vector_load %arg8[%swap3A_1275] {strides = array<i32>} : memref<1040xi32, #tpu.memory_space<vmem>>, vector<16xi32>,
      tpu.vector_store %arg8[%swap3A_1275], %broadcast_in_dim3A_8 {strides = array<i32>} : memref<1040xi32, #tpu.memory_space<vmem>>, vector<16xi32>,
      %swap3A_1277 = arith.constant 192 : index
      %swap3A_1278 = tpu.vector_load %arg8[%swap3A_1277] {strides = array<i32>} : memref<1040xi32, #tpu.memory_space<vmem>>, vector<16xi32>,
      tpu.vector_store %arg8[%swap3A_1277], %broadcast_in_dim3A_8 {strides = array<i32>} : memref<1040xi32, #tpu.memory_space<vmem>>, vector<16xi32>,
      %swap3A_1279 = arith.constant 208 : index
      %swap3A_1280 = tpu.vector_load %arg8[%swap3A_1279] {strides = array<i32>} : memref<1040xi32, #tpu.memory_space<vmem>>, vector<16xi32>,
      tpu.vector_store %arg8[%swap3A_1279], %broadcast_in_dim3A_8 {strides = array<i32>} : memref<1040xi32, #tpu.memory_space<vmem>>, vector<16xi32>,
      %swap3A_1281 = arith.constant 224 : index
      %swap3A_1282 = tpu.vector_load %arg8[%swap3A_1281] {strides = array<i32>} : memref<1040xi32, #tpu.memory_space<vmem>>, vector<16xi32>,
      tpu.vector_store %arg8[%swap3A_1281], %broadcast_in_dim3A_8 {strides = array<i32>} : memref<1040xi32, #tpu.memory_space<vmem>>, vector<16xi32>,
      %swap3A_1283 = arith.constant 240 : index
      %swap3A_1284 = tpu.vector_load %arg8[%swap3A_1283] {strides = array<i32>} : memref<1040xi32, #tpu.memory_space<vmem>>, vector<16xi32>,
      tpu.vector_store %arg8[%swap3A_1283], %broadcast_in_dim3A_8 {strides = array<i32>} : memref<1040xi32, #tpu.memory_space<vmem>>, vector<16xi32>,
      %swap3A_1285 = arith.constant 256 : index
      %swap3A_1286 = tpu.vector_load %arg8[%swap3A_1285] {strides = array<i32>} : memref<1040xi32, #tpu.memory_space<vmem>>, vector<16xi32>,
      tpu.vector_store %arg8[%swap3A_1285], %broadcast_in_dim3A_8 {strides = array<i32>} : memref<1040xi32, #tpu.memory_space<vmem>>, vector<16xi32>,
      %swap3A_1287 = arith.constant 272 : index
      %swap3A_1288 = tpu.vector_load %arg8[%swap3A_1287] {strides = array<i32>} : memref<1040xi32, #tpu.memory_space<vmem>>, vector<16xi32>,
      tpu.vector_store %arg8[%swap3A_1287], %broadcast_in_dim3A_8 {strides = array<i32>} : memref<1040xi32, #tpu.memory_space<vmem>>, vector<16xi32>,
      %swap3A_1289 = arith.constant 288 : index
      %swap3A_1290 = tpu.vector_load %arg8[%swap3A_1289] {strides = array<i32>} : memref<1040xi32, #tpu.memory_space<vmem>>, vector<16xi32>,
      tpu.vector_store %arg8[%swap3A_1289], %broadcast_in_dim3A_8 {strides = array<i32>} : memref<1040xi32, #tpu.memory_space<vmem>>, vector<16xi32>,
      %swap3A_1291 = arith.constant 304 : index
      %swap3A_1292 = tpu.vector_load %arg8[%swap3A_1291] {strides = array<i32>} : memref<1040xi32, #tpu.memory_space<vmem>>, vector<16xi32>,
      tpu.vector_store %arg8[%swap3A_1291], %broadcast_in_dim3A_8 {strides = array<i32>} : memref<1040xi32, #tpu.memory_space<vmem>>, vector<16xi32>,
      %swap3A_1293 = arith.constant 320 : index
      %swap3A_1294 = tpu.vector_load %arg8[%swap3A_1293] {strides = array<i32>} : memref<1040xi32, #tpu.memory_space<vmem>>, vector<16xi32>,
      tpu.vector_store %arg8[%swap3A_1293], %broadcast_in_dim3A_8 {strides = array<i32>} : memref<1040xi32, #tpu.memory_space<vmem>>, vector<16xi32>,
      %swap3A_1295 = arith.constant 336 : index
      %swap3A_1296 = tpu.vector_load %arg8[%swap3A_1295] {strides = array<i32>} : memref<1040xi32, #tpu.memory_space<vmem>>, vector<16xi32>,
      tpu.vector_store %arg8[%swap3A_1295], %broadcast_in_dim3A_8 {strides = array<i32>} : memref<1040xi32, #tpu.memory_space<vmem>>, vector<16xi32>,
      %swap3A_1297 = arith.constant 352 : index
      %swap3A_1298 = tpu.vector_load %arg8[%swap3A_1297] {strides = array<i32>} : memref<1040xi32, #tpu.memory_space<vmem>>, vector<16xi32>,
      tpu.vector_store %arg8[%swap3A_1297], %broadcast_in_dim3A_8 {strides = array<i32>} : memref<1040xi32, #tpu.memory_space<vmem>>, vector<16xi32>,
      %swap3A_1299 = arith.constant 368 : index
      %swap3A_1300 = tpu.vector_load %arg8[%swap3A_1299] {strides = array<i32>} : memref<1040xi32, #tpu.memory_space<vmem>>, vector<16xi32>,
      tpu.vector_store %arg8[%swap3A_1299], %broadcast_in_dim3A_8 {strides = array<i32>} : memref<1040xi32, #tpu.memory_space<vmem>>, vector<16xi32>,
      %swap3A_1301 = arith.constant 384 : index
      %swap3A_1302 = tpu.vector_load %arg8[%swap3A_1301] {strides = array<i32>} : memref<1040xi32, #tpu.memory_space<vmem>>, vector<16xi32>,
      tpu.vector_store %arg8[%swap3A_1301], %broadcast_in_dim3A_8 {strides = array<i32>} : memref<1040xi32, #tpu.memory_space<vmem>>, vector<16xi32>,
      %swap3A_1303 = arith.constant 400 : index
      %swap3A_1304 = tpu.vector_load %arg8[%swap3A_1303] {strides = array<i32>} : memref<1040xi32, #tpu.memory_space<vmem>>, vector<16xi32>,
      tpu.vector_store %arg8[%swap3A_1303], %broadcast_in_dim3A_8 {strides = array<i32>} : memref<1040xi32, #tpu.memory_space<vmem>>, vector<16xi32>,
      %swap3A_1305 = arith.constant 416 : index
      %swap3A_1306 = tpu.vector_load %arg8[%swap3A_1305] {strides = array<i32>} : memref<1040xi32, #tpu.memory_space<vmem>>, vector<16xi32>,
      tpu.vector_store %arg8[%swap3A_1305], %broadcast_in_dim3A_8 {strides = array<i32>} : memref<1040xi32, #tpu.memory_space<vmem>>, vector<16xi32>,
      %swap3A_1307 = arith.constant 432 : index
      %swap3A_1308 = tpu.vector_load %arg8[%swap3A_1307] {strides = array<i32>} : memref<1040xi32, #tpu.memory_space<vmem>>, vector<16xi32>,
      tpu.vector_store %arg8[%swap3A_1307], %broadcast_in_dim3A_8 {strides = array<i32>} : memref<1040xi32, #tpu.memory_space<vmem>>, vector<16xi32>,
      %swap3A_1309 = arith.constant 448 : index
      %swap3A_1310 = tpu.vector_load %arg8[%swap3A_1309] {strides = array<i32>} : memref<1040xi32, #tpu.memory_space<vmem>>, vector<16xi32>,
      tpu.vector_store %arg8[%swap3A_1309], %broadcast_in_dim3A_8 {strides = array<i32>} : memref<1040xi32, #tpu.memory_space<vmem>>, vector<16xi32>,
      %swap3A_1311 = arith.constant 464 : index
      %swap3A_1312 = tpu.vector_load %arg8[%swap3A_1311] {strides = array<i32>} : memref<1040xi32, #tpu.memory_space<vmem>>, vector<16xi32>,
      tpu.vector_store %arg8[%swap3A_1311], %broadcast_in_dim3A_8 {strides = array<i32>} : memref<1040xi32, #tpu.memory_space<vmem>>, vector<16xi32>,
      %swap3A_1313 = arith.constant 480 : index
      %swap3A_1314 = tpu.vector_load %arg8[%swap3A_1313] {strides = array<i32>} : memref<1040xi32, #tpu.memory_space<vmem>>, vector<16xi32>,
      tpu.vector_store %arg8[%swap3A_1313], %broadcast_in_dim3A_8 {strides = array<i32>} : memref<1040xi32, #tpu.memory_space<vmem>>, vector<16xi32>,
      %swap3A_1315 = arith.constant 496 : index
      %swap3A_1316 = tpu.vector_load %arg8[%swap3A_1315] {strides = array<i32>} : memref<1040xi32, #tpu.memory_space<vmem>>, vector<16xi32>,
      tpu.vector_store %arg8[%swap3A_1315], %broadcast_in_dim3A_8 {strides = array<i32>} : memref<1040xi32, #tpu.memory_space<vmem>>, vector<16xi32>,
      %swap3A_1317 = arith.constant 512 : index
      %swap3A_1318 = tpu.vector_load %arg8[%swap3A_1317] {strides = array<i32>} : memref<1040xi32, #tpu.memory_space<vmem>>, vector<16xi32>,
      tpu.vector_store %arg8[%swap3A_1317], %broadcast_in_dim3A_8 {strides = array<i32>} : memref<1040xi32, #tpu.memory_space<vmem>>, vector<16xi32>,
      %swap3A_1319 = arith.constant 528 : index
      %swap3A_1320 = tpu.vector_load %arg8[%swap3A_1319] {strides = array<i32>} : memref<1040xi32, #tpu.memory_space<vmem>>, vector<16xi32>,
      tpu.vector_store %arg8[%swap3A_1319], %broadcast_in_dim3A_8 {strides = array<i32>} : memref<1040xi32, #tpu.memory_space<vmem>>, vector<16xi32>,
      %swap3A_1321 = arith.constant 544 : index
      %swap3A_1322 = tpu.vector_load %arg8[%swap3A_1321] {strides = array<i32>} : memref<1040xi32, #tpu.memory_space<vmem>>, vector<16xi32>,
      tpu.vector_store %arg8[%swap3A_1321], %broadcast_in_dim3A_8 {strides = array<i32>} : memref<1040xi32, #tpu.memory_space<vmem>>, vector<16xi32>,
      %swap3A_1323 = arith.constant 560 : index
      %swap3A_1324 = tpu.vector_load %arg8[%swap3A_1323] {strides = array<i32>} : memref<1040xi32, #tpu.memory_space<vmem>>, vector<16xi32>,
      tpu.vector_store %arg8[%swap3A_1323], %broadcast_in_dim3A_8 {strides = array<i32>} : memref<1040xi32, #tpu.memory_space<vmem>>, vector<16xi32>,
      %swap3A_1325 = arith.constant 576 : index
      %swap3A_1326 = tpu.vector_load %arg8[%swap3A_1325] {strides = array<i32>} : memref<1040xi32, #tpu.memory_space<vmem>>, vector<16xi32>,
      tpu.vector_store %arg8[%swap3A_1325], %broadcast_in_dim3A_8 {strides = array<i32>} : memref<1040xi32, #tpu.memory_space<vmem>>, vector<16xi32>,
      %swap3A_1327 = arith.constant 592 : index
      %swap3A_1328 = tpu.vector_load %arg8[%swap3A_1327] {strides = array<i32>} : memref<1040xi32, #tpu.memory_space<vmem>>, vector<16xi32>,
      tpu.vector_store %arg8[%swap3A_1327], %broadcast_in_dim3A_8 {strides = array<i32>} : memref<1040xi32, #tpu.memory_space<vmem>>, vector<16xi32>,
      %swap3A_1329 = arith.constant 608 : index
      %swap3A_1330 = tpu.vector_load %arg8[%swap3A_1329] {strides = array<i32>} : memref<1040xi32, #tpu.memory_space<vmem>>, vector<16xi32>,
      tpu.vector_store %arg8[%swap3A_1329], %broadcast_in_dim3A_8 {strides = array<i32>} : memref<1040xi32, #tpu.memory_space<vmem>>, vector<16xi32>,
      %swap3A_1331 = arith.constant 624 : index
      %swap3A_1332 = tpu.vector_load %arg8[%swap3A_1331] {strides = array<i32>} : memref<1040xi32, #tpu.memory_space<vmem>>, vector<16xi32>,
      tpu.vector_store %arg8[%swap3A_1331], %broadcast_in_dim3A_8 {strides = array<i32>} : memref<1040xi32, #tpu.memory_space<vmem>>, vector<16xi32>,
      %swap3A_1333 = arith.constant 640 : index
      %swap3A_1334 = tpu.vector_load %arg8[%swap3A_1333] {strides = array<i32>} : memref<1040xi32, #tpu.memory_space<vmem>>, vector<16xi32>,
      tpu.vector_store %arg8[%swap3A_1333], %broadcast_in_dim3A_8 {strides = array<i32>} : memref<1040xi32, #tpu.memory_space<vmem>>, vector<16xi32>,
      %swap3A_1335 = arith.constant 656 : index
      %swap3A_1336 = tpu.vector_load %arg8[%swap3A_1335] {strides = array<i32>} : memref<1040xi32, #tpu.memory_space<vmem>>, vector<16xi32>,
      tpu.vector_store %arg8[%swap3A_1335], %broadcast_in_dim3A_8 {strides = array<i32>} : memref<1040xi32, #tpu.memory_space<vmem>>, vector<16xi32>,
      %swap3A_1337 = arith.constant 672 : index
      %swap3A_1338 = tpu.vector_load %arg8[%swap3A_1337] {strides = array<i32>} : memref<1040xi32, #tpu.memory_space<vmem>>, vector<16xi32>,
      tpu.vector_store %arg8[%swap3A_1337], %broadcast_in_dim3A_8 {strides = array<i32>} : memref<1040xi32, #tpu.memory_space<vmem>>, vector<16xi32>,
      %swap3A_1339 = arith.constant 688 : index
      %swap3A_1340 = tpu.vector_load %arg8[%swap3A_1339] {strides = array<i32>} : memref<1040xi32, #tpu.memory_space<vmem>>, vector<16xi32>,
      tpu.vector_store %arg8[%swap3A_1339], %broadcast_in_dim3A_8 {strides = array<i32>} : memref<1040xi32, #tpu.memory_space<vmem>>, vector<16xi32>,
      %swap3A_1341 = arith.constant 704 : index
      %swap3A_1342 = tpu.vector_load %arg8[%swap3A_1341] {strides = array<i32>} : memref<1040xi32, #tpu.memory_space<vmem>>, vector<16xi32>,
      tpu.vector_store %arg8[%swap3A_1341], %broadcast_in_dim3A_8 {strides = array<i32>} : memref<1040xi32, #tpu.memory_space<vmem>>, vector<16xi32>,
      %swap3A_1343 = arith.constant 720 : index
      %swap3A_1344 = tpu.vector_load %arg8[%swap3A_1343] {strides = array<i32>} : memref<1040xi32, #tpu.memory_space<vmem>>, vector<16xi32>,
      tpu.vector_store %arg8[%swap3A_1343], %broadcast_in_dim3A_8 {strides = array<i32>} : memref<1040xi32, #tpu.memory_space<vmem>>, vector<16xi32>,
      %swap3A_1345 = arith.constant 736 : index
      %swap3A_1346 = tpu.vector_load %arg8[%swap3A_1345] {strides = array<i32>} : memref<1040xi32, #tpu.memory_space<vmem>>, vector<16xi32>,
      tpu.vector_store %arg8[%swap3A_1345], %broadcast_in_dim3A_8 {strides = array<i32>} : memref<1040xi32, #tpu.memory_space<vmem>>, vector<16xi32>,
      %swap3A_1347 = arith.constant 752 : index
      %swap3A_1348 = tpu.vector_load %arg8[%swap3A_1347] {strides = array<i32>} : memref<1040xi32, #tpu.memory_space<vmem>>, vector<16xi32>,
      tpu.vector_store %arg8[%swap3A_1347], %broadcast_in_dim3A_8 {strides = array<i32>} : memref<1040xi32, #tpu.memory_space<vmem>>, vector<16xi32>,
      %swap3A_1349 = arith.constant 768 : index
      %swap3A_1350 = tpu.vector_load %arg8[%swap3A_1349] {strides = array<i32>} : memref<1040xi32, #tpu.memory_space<vmem>>, vector<16xi32>,
      tpu.vector_store %arg8[%swap3A_1349], %broadcast_in_dim3A_8 {strides = array<i32>} : memref<1040xi32, #tpu.memory_space<vmem>>, vector<16xi32>,
      %swap3A_1351 = arith.constant 784 : index
      %swap3A_1352 = tpu.vector_load %arg8[%swap3A_1351] {strides = array<i32>} : memref<1040xi32, #tpu.memory_space<vmem>>, vector<16xi32>,
      tpu.vector_store %arg8[%swap3A_1351], %broadcast_in_dim3A_8 {strides = array<i32>} : memref<1040xi32, #tpu.memory_space<vmem>>, vector<16xi32>,
      %swap3A_1353 = arith.constant 800 : index
      %swap3A_1354 = tpu.vector_load %arg8[%swap3A_1353] {strides = array<i32>} : memref<1040xi32, #tpu.memory_space<vmem>>, vector<16xi32>,
      tpu.vector_store %arg8[%swap3A_1353], %broadcast_in_dim3A_8 {strides = array<i32>} : memref<1040xi32, #tpu.memory_space<vmem>>, vector<16xi32>,
      %swap3A_1355 = arith.constant 816 : index
      %swap3A_1356 = tpu.vector_load %arg8[%swap3A_1355] {strides = array<i32>} : memref<1040xi32, #tpu.memory_space<vmem>>, vector<16xi32>,
      tpu.vector_store %arg8[%swap3A_1355], %broadcast_in_dim3A_8 {strides = array<i32>} : memref<1040xi32, #tpu.memory_space<vmem>>, vector<16xi32>,
      %swap3A_1357 = arith.constant 832 : index
      %swap3A_1358 = tpu.vector_load %arg8[%swap3A_1357] {strides = array<i32>} : memref<1040xi32, #tpu.memory_space<vmem>>, vector<16xi32>,
      tpu.vector_store %arg8[%swap3A_1357], %broadcast_in_dim3A_8 {strides = array<i32>} : memref<1040xi32, #tpu.memory_space<vmem>>, vector<16xi32>,
      %swap3A_1359 = arith.constant 848 : index
      %swap3A_1360 = tpu.vector_load %arg8[%swap3A_1359] {strides = array<i32>} : memref<1040xi32, #tpu.memory_space<vmem>>, vector<16xi32>,
      tpu.vector_store %arg8[%swap3A_1359], %broadcast_in_dim3A_8 {strides = array<i32>} : memref<1040xi32, #tpu.memory_space<vmem>>, vector<16xi32>,
      %swap3A_1361 = arith.constant 864 : index
      %swap3A_1362 = tpu.vector_load %arg8[%swap3A_1361] {strides = array<i32>} : memref<1040xi32, #tpu.memory_space<vmem>>, vector<16xi32>,
      tpu.vector_store %arg8[%swap3A_1361], %broadcast_in_dim3A_8 {strides = array<i32>} : memref<1040xi32, #tpu.memory_space<vmem>>, vector<16xi32>,
      %swap3A_1363 = arith.constant 880 : index
      %swap3A_1364 = tpu.vector_load %arg8[%swap3A_1363] {strides = array<i32>} : memref<1040xi32, #tpu.memory_space<vmem>>, vector<16xi32>,
      tpu.vector_store %arg8[%swap3A_1363], %broadcast_in_dim3A_8 {strides = array<i32>} : memref<1040xi32, #tpu.memory_space<vmem>>, vector<16xi32>,
      %swap3A_1365 = arith.constant 896 : index
      %swap3A_1366 = tpu.vector_load %arg8[%swap3A_1365] {strides = array<i32>} : memref<1040xi32, #tpu.memory_space<vmem>>, vector<16xi32>,
      tpu.vector_store %arg8[%swap3A_1365], %broadcast_in_dim3A_8 {strides = array<i32>} : memref<1040xi32, #tpu.memory_space<vmem>>, vector<16xi32>,
      %swap3A_1367 = arith.constant 912 : index
      %swap3A_1368 = tpu.vector_load %arg8[%swap3A_1367] {strides = array<i32>} : memref<1040xi32, #tpu.memory_space<vmem>>, vector<16xi32>,
      tpu.vector_store %arg8[%swap3A_1367], %broadcast_in_dim3A_8 {strides = array<i32>} : memref<1040xi32, #tpu.memory_space<vmem>>, vector<16xi32>,
      %swap3A_1369 = arith.constant 928 : index
      %swap3A_1370 = tpu.vector_load %arg8[%swap3A_1369] {strides = array<i32>} : memref<1040xi32, #tpu.memory_space<vmem>>, vector<16xi32>,
      tpu.vector_store %arg8[%swap3A_1369], %broadcast_in_dim3A_8 {strides = array<i32>} : memref<1040xi32, #tpu.memory_space<vmem>>, vector<16xi32>,
      %swap3A_1371 = arith.constant 944 : index
      %swap3A_1372 = tpu.vector_load %arg8[%swap3A_1371] {strides = array<i32>} : memref<1040xi32, #tpu.memory_space<vmem>>, vector<16xi32>,
      tpu.vector_store %arg8[%swap3A_1371], %broadcast_in_dim3A_8 {strides = array<i32>} : memref<1040xi32, #tpu.memory_space<vmem>>, vector<16xi32>,
      %swap3A_1373 = arith.constant 960 : index
      %swap3A_1374 = tpu.vector_load %arg8[%swap3A_1373] {strides = array<i32>} : memref<1040xi32, #tpu.memory_space<vmem>>, vector<16xi32>,
      tpu.vector_store %arg8[%swap3A_1373], %broadcast_in_dim3A_8 {strides = array<i32>} : memref<1040xi32, #tpu.memory_space<vmem>>, vector<16xi32>,
      %swap3A_1375 = arith.constant 976 : index
      %swap3A_1376 = tpu.vector_load %arg8[%swap3A_1375] {strides = array<i32>} : memref<1040xi32, #tpu.memory_space<vmem>>, vector<16xi32>,
      tpu.vector_store %arg8[%swap3A_1375], %broadcast_in_dim3A_8 {strides = array<i32>} : memref<1040xi32, #tpu.memory_space<vmem>>, vector<16xi32>,
      %swap3A_1377 = arith.constant 992 : index
      %swap3A_1378 = tpu.vector_load %arg8[%swap3A_1377] {strides = array<i32>} : memref<1040xi32, #tpu.memory_space<vmem>>, vector<16xi32>,
      tpu.vector_store %arg8[%swap3A_1377], %broadcast_in_dim3A_8 {strides = array<i32>} : memref<1040xi32, #tpu.memory_space<vmem>>, vector<16xi32>,
      %swap3A_1379 = arith.constant 1008 : index
      %swap3A_1380 = tpu.vector_load %arg8[%swap3A_1379] {strides = array<i32>} : memref<1040xi32, #tpu.memory_space<vmem>>, vector<16xi32>,
      tpu.vector_store %arg8[%swap3A_1379], %broadcast_in_dim3A_8 {strides = array<i32>} : memref<1040xi32, #tpu.memory_space<vmem>>, vector<16xi32>,
      %swap3A_1381 = arith.constant 1024 : index
      %swap3A_1382 = tpu.vector_load %arg8[%swap3A_1381] {strides = array<i32>} : memref<1040xi32, #tpu.memory_space<vmem>>, vector<16xi32>,
      tpu.vector_store %arg8[%swap3A_1381], %broadcast_in_dim3A_8 {strides = array<i32>} : memref<1040xi32, #tpu.memory_space<vmem>>, vector<16xi32>,
      %parallel_loop3A_1383 = arith.constant 0 : i32
      %parallel_loop3A_1384 = arith.constant 2000 : i32
      %parallel_loop3A_1385 = arith.constant 1 : i32
      scf.for %parallel_loop3A_2311 = %parallel_loop3A_1383 to %parallel_loop3A_1384 step %parallel_loop3A_1385  : i32 {
        %parallel_loop3A_2312 = vector.broadcast %parallel_loop3A_2311 : i32 to vector<16xi32>
        %parallel_loop3A_2313 = arith.addi %iota3A, %parallel_loop3A_2312 : vector<16xi32>
        %parallel_loop3A_2314 = tpu.vector_load_idx %arg7[%parallel_loop3A_2313] : memref<2032xi32, #tpu.memory_space<vmem>>[vector<16xi32>], vector<16xi32>,
        %parallel_loop3A_2315 = tpu.vector_load_idx %arg6[%iota3A, %parallel_loop3A_2313] : memref<16x2016xf32, #tpu.memory_space<vmem>>[vector<16xi32>, vector<16xi32>], vector<16xf32>,
        %parallel_loop3A_2316 = arith.constant 16 : i32
        %parallel_loop3A_2317 = vector.broadcast %parallel_loop3A_2316 : i32 to vector<16xi32>
        %parallel_loop3A_2318 = arith.shrui %parallel_loop3A_2314, %parallel_loop3A_2317 : vector<16xi32>
        %parallel_loop3A_2319 = arith.constant 65535 : i32
        %parallel_loop3A_2320 = vector.broadcast %parallel_loop3A_2319 : i32 to vector<16xi32>
        %parallel_loop3A_2321 = arith.andi %parallel_loop3A_2314, %parallel_loop3A_2320 : vector<16xi32>
        %parallel_loop3A_2322 = arith.constant 4.000000e-01 : f32
        %parallel_loop3A_2323 = vector.broadcast %parallel_loop3A_2322 : f32 to vector<16xf32>
        %parallel_loop3A_2324 = arith.cmpf ole, %parallel_loop3A_2315, %parallel_loop3A_2323 : vector<16xf32>
        %parallel_loop3A_2325 = arith.constant 6.000000e-01 : f32
        %parallel_loop3A_2326 = vector.broadcast %parallel_loop3A_2325 : f32 to vector<16xf32>
        %parallel_loop3A_2327 = arith.cmpf oge, %parallel_loop3A_2315, %parallel_loop3A_2326 : vector<16xf32>
        %parallel_loop3A_2328 = arith.select %parallel_loop3A_2327, %parallel_loop3A_2318, %broadcast_in_dim3A_10 : vector<16xi1>, vector<16xi32>
        %parallel_loop3A_2329 = arith.select %parallel_loop3A_2324, %parallel_loop3A_2321, %parallel_loop3A_2328 : vector<16xi1>, vector<16xi32>
        %parallel_loop3A_2330 = arith.addi %parallel_loop3A_2329, %iota3A : vector<16xi32>
        tpu.vector_store_idx %arg8[%parallel_loop3A_2330], %broadcast_in_dim3A_6 {add = true} : memref<1040xi32, #tpu.memory_space<vmem>>[vector<16xi32>], vector<16xi32>,
      } {sc.loop_unroll_factor = 8 : i64, sc.parallel_access}
      %add3A_1386 = arith.constant 2000 : i32
      %add3A_1387 = vector.broadcast %add3A_1386 : i32 to vector<16xi32>
      %add3A_1388 = arith.addi %iota3A, %add3A_1387 : vector<16xi32>
      %gather3A_1389 = tpu.vector_load_idx %arg7[%add3A_1388] : memref<2032xi32, #tpu.memory_space<vmem>>[vector<16xi32>], vector<16xi32>,
      %ge3A_1390 = arith.constant 2016 : i32
      %ge3A_1391 = vector.broadcast %ge3A_1390 : i32 to vector<16xi32>
      %ge3A_1392 = arith.cmpi sge, %add3A_1388, %ge3A_1391 : vector<16xi32>
      %jit3A_1393 = arith.constant 2016 : i32
      %jit3A_1394 = arith.constant 0 : i32
      %broadcast_in_dim3A_1395 = vector.broadcast %jit3A_1393 : i32 to vector<16xi32>
      %broadcast_in_dim3A_1396 = vector.broadcast %jit3A_1394 : i32 to vector<16xi32>
      %select_n3A_1397 = arith.select %ge3A_1392, %broadcast_in_dim3A_1395, %broadcast_in_dim3A_1396 : vector<16xi1>, vector<16xi32>
      %sub3A_1398 = arith.subi %add3A_1388, %select_n3A_1397 : vector<16xi32>
      %gather3A_1399 = tpu.vector_load_idx %arg6[%iota3A, %sub3A_1398] : memref<16x2016xf32, #tpu.memory_space<vmem>>[vector<16xi32>, vector<16xi32>], vector<16xf32>,
      %shift_right_logical3A_1400 = arith.constant 16 : i32
      %shift_right_logical3A_1401 = vector.broadcast %shift_right_logical3A_1400 : i32 to vector<16xi32>
      %shift_right_logical3A_1402 = arith.shrui %gather3A_1389, %shift_right_logical3A_1401 : vector<16xi32>
      %and3A_1403 = arith.constant 65535 : i32
      %and3A_1404 = vector.broadcast %and3A_1403 : i32 to vector<16xi32>
      %and3A_1405 = arith.andi %gather3A_1389, %and3A_1404 : vector<16xi32>
      %le3A_1406 = arith.constant 4.000000e-01 : f32
      %le3A_1407 = vector.broadcast %le3A_1406 : f32 to vector<16xf32>
      %le3A_1408 = arith.cmpf ole, %gather3A_1399, %le3A_1407 : vector<16xf32>
      %ge3A_1409 = arith.constant 6.000000e-01 : f32
      %ge3A_1410 = vector.broadcast %ge3A_1409 : f32 to vector<16xf32>
      %ge3A_1411 = arith.cmpf oge, %gather3A_1399, %ge3A_1410 : vector<16xf32>
      %select_n3A_1412 = arith.select %ge3A_1411, %shift_right_logical3A_1402, %broadcast_in_dim3A_10 : vector<16xi1>, vector<16xi32>
      %select_n3A_1413 = arith.select %le3A_1408, %and3A_1405, %select_n3A_1412 : vector<16xi1>, vector<16xi32>
      %add3A_1414 = arith.addi %select_n3A_1413, %iota3A : vector<16xi32>
      tpu.vector_store_idx %arg8[%add3A_1414], %broadcast_in_dim3A_6 {add = true} : memref<1040xi32, #tpu.memory_space<vmem>>[vector<16xi32>], vector<16xi32>,
      %add3A_1415 = arith.constant 2001 : i32
      %add3A_1416 = vector.broadcast %add3A_1415 : i32 to vector<16xi32>
      %add3A_1417 = arith.addi %iota3A, %add3A_1416 : vector<16xi32>
      %gather3A_1418 = tpu.vector_load_idx %arg7[%add3A_1417] : memref<2032xi32, #tpu.memory_space<vmem>>[vector<16xi32>], vector<16xi32>,
      %ge3A_1419 = arith.constant 2016 : i32
      %ge3A_1420 = vector.broadcast %ge3A_1419 : i32 to vector<16xi32>
      %ge3A_1421 = arith.cmpi sge, %add3A_1417, %ge3A_1420 : vector<16xi32>
      %jit3A_1422 = arith.constant 2016 : i32
      %jit3A_1423 = arith.constant 0 : i32
      %broadcast_in_dim3A_1424 = vector.broadcast %jit3A_1422 : i32 to vector<16xi32>
      %broadcast_in_dim3A_1425 = vector.broadcast %jit3A_1423 : i32 to vector<16xi32>
      %select_n3A_1426 = arith.select %ge3A_1421, %broadcast_in_dim3A_1424, %broadcast_in_dim3A_1425 : vector<16xi1>, vector<16xi32>
      %sub3A_1427 = arith.subi %add3A_1417, %select_n3A_1426 : vector<16xi32>
      %gather3A_1428 = tpu.vector_load_idx %arg6[%iota3A, %sub3A_1427] : memref<16x2016xf32, #tpu.memory_space<vmem>>[vector<16xi32>, vector<16xi32>], vector<16xf32>,
      %shift_right_logical3A_1429 = arith.constant 16 : i32
      %shift_right_logical3A_1430 = vector.broadcast %shift_right_logical3A_1429 : i32 to vector<16xi32>
      %shift_right_logical3A_1431 = arith.shrui %gather3A_1418, %shift_right_logical3A_1430 : vector<16xi32>
      %and3A_1432 = arith.constant 65535 : i32
      %and3A_1433 = vector.broadcast %and3A_1432 : i32 to vector<16xi32>
      %and3A_1434 = arith.andi %gather3A_1418, %and3A_1433 : vector<16xi32>
      %le3A_1435 = arith.constant 4.000000e-01 : f32
      %le3A_1436 = vector.broadcast %le3A_1435 : f32 to vector<16xf32>
      %le3A_1437 = arith.cmpf ole, %gather3A_1428, %le3A_1436 : vector<16xf32>
      %ge3A_1438 = arith.constant 6.000000e-01 : f32
      %ge3A_1439 = vector.broadcast %ge3A_1438 : f32 to vector<16xf32>
      %ge3A_1440 = arith.cmpf oge, %gather3A_1428, %ge3A_1439 : vector<16xf32>
      %select_n3A_1441 = arith.select %ge3A_1440, %shift_right_logical3A_1431, %broadcast_in_dim3A_10 : vector<16xi1>, vector<16xi32>
      %select_n3A_1442 = arith.select %le3A_1437, %and3A_1434, %select_n3A_1441 : vector<16xi1>, vector<16xi32>
      %add3A_1443 = arith.addi %select_n3A_1442, %iota3A : vector<16xi32>
      tpu.vector_store_idx %arg8[%add3A_1443], %broadcast_in_dim3A_6 {add = true} : memref<1040xi32, #tpu.memory_space<vmem>>[vector<16xi32>], vector<16xi32>,
      %add3A_1444 = arith.constant 2002 : i32
      %add3A_1445 = vector.broadcast %add3A_1444 : i32 to vector<16xi32>
      %add3A_1446 = arith.addi %iota3A, %add3A_1445 : vector<16xi32>
      %gather3A_1447 = tpu.vector_load_idx %arg7[%add3A_1446] : memref<2032xi32, #tpu.memory_space<vmem>>[vector<16xi32>], vector<16xi32>,
      %ge3A_1448 = arith.constant 2016 : i32
      %ge3A_1449 = vector.broadcast %ge3A_1448 : i32 to vector<16xi32>
      %ge3A_1450 = arith.cmpi sge, %add3A_1446, %ge3A_1449 : vector<16xi32>
      %jit3A_1451 = arith.constant 2016 : i32
      %jit3A_1452 = arith.constant 0 : i32
      %broadcast_in_dim3A_1453 = vector.broadcast %jit3A_1451 : i32 to vector<16xi32>
      %broadcast_in_dim3A_1454 = vector.broadcast %jit3A_1452 : i32 to vector<16xi32>
      %select_n3A_1455 = arith.select %ge3A_1450, %broadcast_in_dim3A_1453, %broadcast_in_dim3A_1454 : vector<16xi1>, vector<16xi32>
      %sub3A_1456 = arith.subi %add3A_1446, %select_n3A_1455 : vector<16xi32>
      %gather3A_1457 = tpu.vector_load_idx %arg6[%iota3A, %sub3A_1456] : memref<16x2016xf32, #tpu.memory_space<vmem>>[vector<16xi32>, vector<16xi32>], vector<16xf32>,
      %shift_right_logical3A_1458 = arith.constant 16 : i32
      %shift_right_logical3A_1459 = vector.broadcast %shift_right_logical3A_1458 : i32 to vector<16xi32>
      %shift_right_logical3A_1460 = arith.shrui %gather3A_1447, %shift_right_logical3A_1459 : vector<16xi32>
      %and3A_1461 = arith.constant 65535 : i32
      %and3A_1462 = vector.broadcast %and3A_1461 : i32 to vector<16xi32>
      %and3A_1463 = arith.andi %gather3A_1447, %and3A_1462 : vector<16xi32>
      %le3A_1464 = arith.constant 4.000000e-01 : f32
      %le3A_1465 = vector.broadcast %le3A_1464 : f32 to vector<16xf32>
      %le3A_1466 = arith.cmpf ole, %gather3A_1457, %le3A_1465 : vector<16xf32>
      %ge3A_1467 = arith.constant 6.000000e-01 : f32
      %ge3A_1468 = vector.broadcast %ge3A_1467 : f32 to vector<16xf32>
      %ge3A_1469 = arith.cmpf oge, %gather3A_1457, %ge3A_1468 : vector<16xf32>
      %select_n3A_1470 = arith.select %ge3A_1469, %shift_right_logical3A_1460, %broadcast_in_dim3A_10 : vector<16xi1>, vector<16xi32>
      %select_n3A_1471 = arith.select %le3A_1466, %and3A_1463, %select_n3A_1470 : vector<16xi1>, vector<16xi32>
      %add3A_1472 = arith.addi %select_n3A_1471, %iota3A : vector<16xi32>
      tpu.vector_store_idx %arg8[%add3A_1472], %broadcast_in_dim3A_6 {add = true} : memref<1040xi32, #tpu.memory_space<vmem>>[vector<16xi32>], vector<16xi32>,
      %add3A_1473 = arith.constant 2003 : i32
      %add3A_1474 = vector.broadcast %add3A_1473 : i32 to vector<16xi32>
      %add3A_1475 = arith.addi %iota3A, %add3A_1474 : vector<16xi32>
      %gather3A_1476 = tpu.vector_load_idx %arg7[%add3A_1475] : memref<2032xi32, #tpu.memory_space<vmem>>[vector<16xi32>], vector<16xi32>,
      %ge3A_1477 = arith.constant 2016 : i32
      %ge3A_1478 = vector.broadcast %ge3A_1477 : i32 to vector<16xi32>
      %ge3A_1479 = arith.cmpi sge, %add3A_1475, %ge3A_1478 : vector<16xi32>
      %jit3A_1480 = arith.constant 2016 : i32
      %jit3A_1481 = arith.constant 0 : i32
      %broadcast_in_dim3A_1482 = vector.broadcast %jit3A_1480 : i32 to vector<16xi32>
      %broadcast_in_dim3A_1483 = vector.broadcast %jit3A_1481 : i32 to vector<16xi32>
      %select_n3A_1484 = arith.select %ge3A_1479, %broadcast_in_dim3A_1482, %broadcast_in_dim3A_1483 : vector<16xi1>, vector<16xi32>
      %sub3A_1485 = arith.subi %add3A_1475, %select_n3A_1484 : vector<16xi32>
      %gather3A_1486 = tpu.vector_load_idx %arg6[%iota3A, %sub3A_1485] : memref<16x2016xf32, #tpu.memory_space<vmem>>[vector<16xi32>, vector<16xi32>], vector<16xf32>,
      %shift_right_logical3A_1487 = arith.constant 16 : i32
      %shift_right_logical3A_1488 = vector.broadcast %shift_right_logical3A_1487 : i32 to vector<16xi32>
      %shift_right_logical3A_1489 = arith.shrui %gather3A_1476, %shift_right_logical3A_1488 : vector<16xi32>
      %and3A_1490 = arith.constant 65535 : i32
      %and3A_1491 = vector.broadcast %and3A_1490 : i32 to vector<16xi32>
      %and3A_1492 = arith.andi %gather3A_1476, %and3A_1491 : vector<16xi32>
      %le3A_1493 = arith.constant 4.000000e-01 : f32
      %le3A_1494 = vector.broadcast %le3A_1493 : f32 to vector<16xf32>
      %le3A_1495 = arith.cmpf ole, %gather3A_1486, %le3A_1494 : vector<16xf32>
      %ge3A_1496 = arith.constant 6.000000e-01 : f32
      %ge3A_1497 = vector.broadcast %ge3A_1496 : f32 to vector<16xf32>
      %ge3A_1498 = arith.cmpf oge, %gather3A_1486, %ge3A_1497 : vector<16xf32>
      %select_n3A_1499 = arith.select %ge3A_1498, %shift_right_logical3A_1489, %broadcast_in_dim3A_10 : vector<16xi1>, vector<16xi32>
      %select_n3A_1500 = arith.select %le3A_1495, %and3A_1492, %select_n3A_1499 : vector<16xi1>, vector<16xi32>
      %add3A_1501 = arith.addi %select_n3A_1500, %iota3A : vector<16xi32>
      tpu.vector_store_idx %arg8[%add3A_1501], %broadcast_in_dim3A_6 {add = true} : memref<1040xi32, #tpu.memory_space<vmem>>[vector<16xi32>], vector<16xi32>,
      %add3A_1502 = arith.constant 2004 : i32
      %add3A_1503 = vector.broadcast %add3A_1502 : i32 to vector<16xi32>
      %add3A_1504 = arith.addi %iota3A, %add3A_1503 : vector<16xi32>
      %gather3A_1505 = tpu.vector_load_idx %arg7[%add3A_1504] : memref<2032xi32, #tpu.memory_space<vmem>>[vector<16xi32>], vector<16xi32>,
      %ge3A_1506 = arith.constant 2016 : i32
      %ge3A_1507 = vector.broadcast %ge3A_1506 : i32 to vector<16xi32>
      %ge3A_1508 = arith.cmpi sge, %add3A_1504, %ge3A_1507 : vector<16xi32>
      %jit3A_1509 = arith.constant 2016 : i32
      %jit3A_1510 = arith.constant 0 : i32
      %broadcast_in_dim3A_1511 = vector.broadcast %jit3A_1509 : i32 to vector<16xi32>
      %broadcast_in_dim3A_1512 = vector.broadcast %jit3A_1510 : i32 to vector<16xi32>
      %select_n3A_1513 = arith.select %ge3A_1508, %broadcast_in_dim3A_1511, %broadcast_in_dim3A_1512 : vector<16xi1>, vector<16xi32>
      %sub3A_1514 = arith.subi %add3A_1504, %select_n3A_1513 : vector<16xi32>
      %gather3A_1515 = tpu.vector_load_idx %arg6[%iota3A, %sub3A_1514] : memref<16x2016xf32, #tpu.memory_space<vmem>>[vector<16xi32>, vector<16xi32>], vector<16xf32>,
      %shift_right_logical3A_1516 = arith.constant 16 : i32
      %shift_right_logical3A_1517 = vector.broadcast %shift_right_logical3A_1516 : i32 to vector<16xi32>
      %shift_right_logical3A_1518 = arith.shrui %gather3A_1505, %shift_right_logical3A_1517 : vector<16xi32>
      %and3A_1519 = arith.constant 65535 : i32
      %and3A_1520 = vector.broadcast %and3A_1519 : i32 to vector<16xi32>
      %and3A_1521 = arith.andi %gather3A_1505, %and3A_1520 : vector<16xi32>
      %le3A_1522 = arith.constant 4.000000e-01 : f32
      %le3A_1523 = vector.broadcast %le3A_1522 : f32 to vector<16xf32>
      %le3A_1524 = arith.cmpf ole, %gather3A_1515, %le3A_1523 : vector<16xf32>
      %ge3A_1525 = arith.constant 6.000000e-01 : f32
      %ge3A_1526 = vector.broadcast %ge3A_1525 : f32 to vector<16xf32>
      %ge3A_1527 = arith.cmpf oge, %gather3A_1515, %ge3A_1526 : vector<16xf32>
      %select_n3A_1528 = arith.select %ge3A_1527, %shift_right_logical3A_1518, %broadcast_in_dim3A_10 : vector<16xi1>, vector<16xi32>
      %select_n3A_1529 = arith.select %le3A_1524, %and3A_1521, %select_n3A_1528 : vector<16xi1>, vector<16xi32>
      %add3A_1530 = arith.addi %select_n3A_1529, %iota3A : vector<16xi32>
      tpu.vector_store_idx %arg8[%add3A_1530], %broadcast_in_dim3A_6 {add = true} : memref<1040xi32, #tpu.memory_space<vmem>>[vector<16xi32>], vector<16xi32>,
      %add3A_1531 = arith.constant 2005 : i32
      %add3A_1532 = vector.broadcast %add3A_1531 : i32 to vector<16xi32>
      %add3A_1533 = arith.addi %iota3A, %add3A_1532 : vector<16xi32>
      %gather3A_1534 = tpu.vector_load_idx %arg7[%add3A_1533] : memref<2032xi32, #tpu.memory_space<vmem>>[vector<16xi32>], vector<16xi32>,
      %ge3A_1535 = arith.constant 2016 : i32
      %ge3A_1536 = vector.broadcast %ge3A_1535 : i32 to vector<16xi32>
      %ge3A_1537 = arith.cmpi sge, %add3A_1533, %ge3A_1536 : vector<16xi32>
      %jit3A_1538 = arith.constant 2016 : i32
      %jit3A_1539 = arith.constant 0 : i32
      %broadcast_in_dim3A_1540 = vector.broadcast %jit3A_1538 : i32 to vector<16xi32>
      %broadcast_in_dim3A_1541 = vector.broadcast %jit3A_1539 : i32 to vector<16xi32>
      %select_n3A_1542 = arith.select %ge3A_1537, %broadcast_in_dim3A_1540, %broadcast_in_dim3A_1541 : vector<16xi1>, vector<16xi32>
      %sub3A_1543 = arith.subi %add3A_1533, %select_n3A_1542 : vector<16xi32>
      %gather3A_1544 = tpu.vector_load_idx %arg6[%iota3A, %sub3A_1543] : memref<16x2016xf32, #tpu.memory_space<vmem>>[vector<16xi32>, vector<16xi32>], vector<16xf32>,
      %shift_right_logical3A_1545 = arith.constant 16 : i32
      %shift_right_logical3A_1546 = vector.broadcast %shift_right_logical3A_1545 : i32 to vector<16xi32>
      %shift_right_logical3A_1547 = arith.shrui %gather3A_1534, %shift_right_logical3A_1546 : vector<16xi32>
      %and3A_1548 = arith.constant 65535 : i32
      %and3A_1549 = vector.broadcast %and3A_1548 : i32 to vector<16xi32>
      %and3A_1550 = arith.andi %gather3A_1534, %and3A_1549 : vector<16xi32>
      %le3A_1551 = arith.constant 4.000000e-01 : f32
      %le3A_1552 = vector.broadcast %le3A_1551 : f32 to vector<16xf32>
      %le3A_1553 = arith.cmpf ole, %gather3A_1544, %le3A_1552 : vector<16xf32>
      %ge3A_1554 = arith.constant 6.000000e-01 : f32
      %ge3A_1555 = vector.broadcast %ge3A_1554 : f32 to vector<16xf32>
      %ge3A_1556 = arith.cmpf oge, %gather3A_1544, %ge3A_1555 : vector<16xf32>
      %select_n3A_1557 = arith.select %ge3A_1556, %shift_right_logical3A_1547, %broadcast_in_dim3A_10 : vector<16xi1>, vector<16xi32>
      %select_n3A_1558 = arith.select %le3A_1553, %and3A_1550, %select_n3A_1557 : vector<16xi1>, vector<16xi32>
      %add3A_1559 = arith.addi %select_n3A_1558, %iota3A : vector<16xi32>
      tpu.vector_store_idx %arg8[%add3A_1559], %broadcast_in_dim3A_6 {add = true} : memref<1040xi32, #tpu.memory_space<vmem>>[vector<16xi32>], vector<16xi32>,
      %add3A_1560 = arith.constant 2006 : i32
      %add3A_1561 = vector.broadcast %add3A_1560 : i32 to vector<16xi32>
      %add3A_1562 = arith.addi %iota3A, %add3A_1561 : vector<16xi32>
      %gather3A_1563 = tpu.vector_load_idx %arg7[%add3A_1562] : memref<2032xi32, #tpu.memory_space<vmem>>[vector<16xi32>], vector<16xi32>,
      %ge3A_1564 = arith.constant 2016 : i32
      %ge3A_1565 = vector.broadcast %ge3A_1564 : i32 to vector<16xi32>
      %ge3A_1566 = arith.cmpi sge, %add3A_1562, %ge3A_1565 : vector<16xi32>
      %jit3A_1567 = arith.constant 2016 : i32
      %jit3A_1568 = arith.constant 0 : i32
      %broadcast_in_dim3A_1569 = vector.broadcast %jit3A_1567 : i32 to vector<16xi32>
      %broadcast_in_dim3A_1570 = vector.broadcast %jit3A_1568 : i32 to vector<16xi32>
      %select_n3A_1571 = arith.select %ge3A_1566, %broadcast_in_dim3A_1569, %broadcast_in_dim3A_1570 : vector<16xi1>, vector<16xi32>
      %sub3A_1572 = arith.subi %add3A_1562, %select_n3A_1571 : vector<16xi32>
      %gather3A_1573 = tpu.vector_load_idx %arg6[%iota3A, %sub3A_1572] : memref<16x2016xf32, #tpu.memory_space<vmem>>[vector<16xi32>, vector<16xi32>], vector<16xf32>,
      %shift_right_logical3A_1574 = arith.constant 16 : i32
      %shift_right_logical3A_1575 = vector.broadcast %shift_right_logical3A_1574 : i32 to vector<16xi32>
      %shift_right_logical3A_1576 = arith.shrui %gather3A_1563, %shift_right_logical3A_1575 : vector<16xi32>
      %and3A_1577 = arith.constant 65535 : i32
      %and3A_1578 = vector.broadcast %and3A_1577 : i32 to vector<16xi32>
      %and3A_1579 = arith.andi %gather3A_1563, %and3A_1578 : vector<16xi32>
      %le3A_1580 = arith.constant 4.000000e-01 : f32
      %le3A_1581 = vector.broadcast %le3A_1580 : f32 to vector<16xf32>
      %le3A_1582 = arith.cmpf ole, %gather3A_1573, %le3A_1581 : vector<16xf32>
      %ge3A_1583 = arith.constant 6.000000e-01 : f32
      %ge3A_1584 = vector.broadcast %ge3A_1583 : f32 to vector<16xf32>
      %ge3A_1585 = arith.cmpf oge, %gather3A_1573, %ge3A_1584 : vector<16xf32>
      %select_n3A_1586 = arith.select %ge3A_1585, %shift_right_logical3A_1576, %broadcast_in_dim3A_10 : vector<16xi1>, vector<16xi32>
      %select_n3A_1587 = arith.select %le3A_1582, %and3A_1579, %select_n3A_1586 : vector<16xi1>, vector<16xi32>
      %add3A_1588 = arith.addi %select_n3A_1587, %iota3A : vector<16xi32>
      tpu.vector_store_idx %arg8[%add3A_1588], %broadcast_in_dim3A_6 {add = true} : memref<1040xi32, #tpu.memory_space<vmem>>[vector<16xi32>], vector<16xi32>,
      %add3A_1589 = arith.constant 2007 : i32
      %add3A_1590 = vector.broadcast %add3A_1589 : i32 to vector<16xi32>
      %add3A_1591 = arith.addi %iota3A, %add3A_1590 : vector<16xi32>
      %gather3A_1592 = tpu.vector_load_idx %arg7[%add3A_1591] : memref<2032xi32, #tpu.memory_space<vmem>>[vector<16xi32>], vector<16xi32>,
      %ge3A_1593 = arith.constant 2016 : i32
      %ge3A_1594 = vector.broadcast %ge3A_1593 : i32 to vector<16xi32>
      %ge3A_1595 = arith.cmpi sge, %add3A_1591, %ge3A_1594 : vector<16xi32>
      %jit3A_1596 = arith.constant 2016 : i32
      %jit3A_1597 = arith.constant 0 : i32
      %broadcast_in_dim3A_1598 = vector.broadcast %jit3A_1596 : i32 to vector<16xi32>
      %broadcast_in_dim3A_1599 = vector.broadcast %jit3A_1597 : i32 to vector<16xi32>
      %select_n3A_1600 = arith.select %ge3A_1595, %broadcast_in_dim3A_1598, %broadcast_in_dim3A_1599 : vector<16xi1>, vector<16xi32>
      %sub3A_1601 = arith.subi %add3A_1591, %select_n3A_1600 : vector<16xi32>
      %gather3A_1602 = tpu.vector_load_idx %arg6[%iota3A, %sub3A_1601] : memref<16x2016xf32, #tpu.memory_space<vmem>>[vector<16xi32>, vector<16xi32>], vector<16xf32>,
      %shift_right_logical3A_1603 = arith.constant 16 : i32
      %shift_right_logical3A_1604 = vector.broadcast %shift_right_logical3A_1603 : i32 to vector<16xi32>
      %shift_right_logical3A_1605 = arith.shrui %gather3A_1592, %shift_right_logical3A_1604 : vector<16xi32>
      %and3A_1606 = arith.constant 65535 : i32
      %and3A_1607 = vector.broadcast %and3A_1606 : i32 to vector<16xi32>
      %and3A_1608 = arith.andi %gather3A_1592, %and3A_1607 : vector<16xi32>
      %le3A_1609 = arith.constant 4.000000e-01 : f32
      %le3A_1610 = vector.broadcast %le3A_1609 : f32 to vector<16xf32>
      %le3A_1611 = arith.cmpf ole, %gather3A_1602, %le3A_1610 : vector<16xf32>
      %ge3A_1612 = arith.constant 6.000000e-01 : f32
      %ge3A_1613 = vector.broadcast %ge3A_1612 : f32 to vector<16xf32>
      %ge3A_1614 = arith.cmpf oge, %gather3A_1602, %ge3A_1613 : vector<16xf32>
      %select_n3A_1615 = arith.select %ge3A_1614, %shift_right_logical3A_1605, %broadcast_in_dim3A_10 : vector<16xi1>, vector<16xi32>
      %select_n3A_1616 = arith.select %le3A_1611, %and3A_1608, %select_n3A_1615 : vector<16xi1>, vector<16xi32>
      %add3A_1617 = arith.addi %select_n3A_1616, %iota3A : vector<16xi32>
      tpu.vector_store_idx %arg8[%add3A_1617], %broadcast_in_dim3A_6 {add = true} : memref<1040xi32, #tpu.memory_space<vmem>>[vector<16xi32>], vector<16xi32>,
      %add3A_1618 = arith.constant 2008 : i32
      %add3A_1619 = vector.broadcast %add3A_1618 : i32 to vector<16xi32>
      %add3A_1620 = arith.addi %iota3A, %add3A_1619 : vector<16xi32>
      %gather3A_1621 = tpu.vector_load_idx %arg7[%add3A_1620] : memref<2032xi32, #tpu.memory_space<vmem>>[vector<16xi32>], vector<16xi32>,
      %ge3A_1622 = arith.constant 2016 : i32
      %ge3A_1623 = vector.broadcast %ge3A_1622 : i32 to vector<16xi32>
      %ge3A_1624 = arith.cmpi sge, %add3A_1620, %ge3A_1623 : vector<16xi32>
      %jit3A_1625 = arith.constant 2016 : i32
      %jit3A_1626 = arith.constant 0 : i32
      %broadcast_in_dim3A_1627 = vector.broadcast %jit3A_1625 : i32 to vector<16xi32>
      %broadcast_in_dim3A_1628 = vector.broadcast %jit3A_1626 : i32 to vector<16xi32>
      %select_n3A_1629 = arith.select %ge3A_1624, %broadcast_in_dim3A_1627, %broadcast_in_dim3A_1628 : vector<16xi1>, vector<16xi32>
      %sub3A_1630 = arith.subi %add3A_1620, %select_n3A_1629 : vector<16xi32>
      %gather3A_1631 = tpu.vector_load_idx %arg6[%iota3A, %sub3A_1630] : memref<16x2016xf32, #tpu.memory_space<vmem>>[vector<16xi32>, vector<16xi32>], vector<16xf32>,
      %shift_right_logical3A_1632 = arith.constant 16 : i32
      %shift_right_logical3A_1633 = vector.broadcast %shift_right_logical3A_1632 : i32 to vector<16xi32>
      %shift_right_logical3A_1634 = arith.shrui %gather3A_1621, %shift_right_logical3A_1633 : vector<16xi32>
      %and3A_1635 = arith.constant 65535 : i32
      %and3A_1636 = vector.broadcast %and3A_1635 : i32 to vector<16xi32>
      %and3A_1637 = arith.andi %gather3A_1621, %and3A_1636 : vector<16xi32>
      %le3A_1638 = arith.constant 4.000000e-01 : f32
      %le3A_1639 = vector.broadcast %le3A_1638 : f32 to vector<16xf32>
      %le3A_1640 = arith.cmpf ole, %gather3A_1631, %le3A_1639 : vector<16xf32>
      %ge3A_1641 = arith.constant 6.000000e-01 : f32
      %ge3A_1642 = vector.broadcast %ge3A_1641 : f32 to vector<16xf32>
      %ge3A_1643 = arith.cmpf oge, %gather3A_1631, %ge3A_1642 : vector<16xf32>
      %select_n3A_1644 = arith.select %ge3A_1643, %shift_right_logical3A_1634, %broadcast_in_dim3A_10 : vector<16xi1>, vector<16xi32>
      %select_n3A_1645 = arith.select %le3A_1640, %and3A_1637, %select_n3A_1644 : vector<16xi1>, vector<16xi32>
      %add3A_1646 = arith.addi %select_n3A_1645, %iota3A : vector<16xi32>
      tpu.vector_store_idx %arg8[%add3A_1646], %broadcast_in_dim3A_6 {add = true} : memref<1040xi32, #tpu.memory_space<vmem>>[vector<16xi32>], vector<16xi32>,
      %add3A_1647 = arith.constant 2009 : i32
      %add3A_1648 = vector.broadcast %add3A_1647 : i32 to vector<16xi32>
      %add3A_1649 = arith.addi %iota3A, %add3A_1648 : vector<16xi32>
      %gather3A_1650 = tpu.vector_load_idx %arg7[%add3A_1649] : memref<2032xi32, #tpu.memory_space<vmem>>[vector<16xi32>], vector<16xi32>,
      %ge3A_1651 = arith.constant 2016 : i32
      %ge3A_1652 = vector.broadcast %ge3A_1651 : i32 to vector<16xi32>
      %ge3A_1653 = arith.cmpi sge, %add3A_1649, %ge3A_1652 : vector<16xi32>
      %jit3A_1654 = arith.constant 2016 : i32
      %jit3A_1655 = arith.constant 0 : i32
      %broadcast_in_dim3A_1656 = vector.broadcast %jit3A_1654 : i32 to vector<16xi32>
      %broadcast_in_dim3A_1657 = vector.broadcast %jit3A_1655 : i32 to vector<16xi32>
      %select_n3A_1658 = arith.select %ge3A_1653, %broadcast_in_dim3A_1656, %broadcast_in_dim3A_1657 : vector<16xi1>, vector<16xi32>
      %sub3A_1659 = arith.subi %add3A_1649, %select_n3A_1658 : vector<16xi32>
      %gather3A_1660 = tpu.vector_load_idx %arg6[%iota3A, %sub3A_1659] : memref<16x2016xf32, #tpu.memory_space<vmem>>[vector<16xi32>, vector<16xi32>], vector<16xf32>,
      %shift_right_logical3A_1661 = arith.constant 16 : i32
      %shift_right_logical3A_1662 = vector.broadcast %shift_right_logical3A_1661 : i32 to vector<16xi32>
      %shift_right_logical3A_1663 = arith.shrui %gather3A_1650, %shift_right_logical3A_1662 : vector<16xi32>
      %and3A_1664 = arith.constant 65535 : i32
      %and3A_1665 = vector.broadcast %and3A_1664 : i32 to vector<16xi32>
      %and3A_1666 = arith.andi %gather3A_1650, %and3A_1665 : vector<16xi32>
      %le3A_1667 = arith.constant 4.000000e-01 : f32
      %le3A_1668 = vector.broadcast %le3A_1667 : f32 to vector<16xf32>
      %le3A_1669 = arith.cmpf ole, %gather3A_1660, %le3A_1668 : vector<16xf32>
      %ge3A_1670 = arith.constant 6.000000e-01 : f32
      %ge3A_1671 = vector.broadcast %ge3A_1670 : f32 to vector<16xf32>
      %ge3A_1672 = arith.cmpf oge, %gather3A_1660, %ge3A_1671 : vector<16xf32>
      %select_n3A_1673 = arith.select %ge3A_1672, %shift_right_logical3A_1663, %broadcast_in_dim3A_10 : vector<16xi1>, vector<16xi32>
      %select_n3A_1674 = arith.select %le3A_1669, %and3A_1666, %select_n3A_1673 : vector<16xi1>, vector<16xi32>
      %add3A_1675 = arith.addi %select_n3A_1674, %iota3A : vector<16xi32>
      tpu.vector_store_idx %arg8[%add3A_1675], %broadcast_in_dim3A_6 {add = true} : memref<1040xi32, #tpu.memory_space<vmem>>[vector<16xi32>], vector<16xi32>,
      %add3A_1676 = arith.constant 2010 : i32
      %add3A_1677 = vector.broadcast %add3A_1676 : i32 to vector<16xi32>
      %add3A_1678 = arith.addi %iota3A, %add3A_1677 : vector<16xi32>
      %gather3A_1679 = tpu.vector_load_idx %arg7[%add3A_1678] : memref<2032xi32, #tpu.memory_space<vmem>>[vector<16xi32>], vector<16xi32>,
      %ge3A_1680 = arith.constant 2016 : i32
      %ge3A_1681 = vector.broadcast %ge3A_1680 : i32 to vector<16xi32>
      %ge3A_1682 = arith.cmpi sge, %add3A_1678, %ge3A_1681 : vector<16xi32>
      %jit3A_1683 = arith.constant 2016 : i32
      %jit3A_1684 = arith.constant 0 : i32
      %broadcast_in_dim3A_1685 = vector.broadcast %jit3A_1683 : i32 to vector<16xi32>
      %broadcast_in_dim3A_1686 = vector.broadcast %jit3A_1684 : i32 to vector<16xi32>
      %select_n3A_1687 = arith.select %ge3A_1682, %broadcast_in_dim3A_1685, %broadcast_in_dim3A_1686 : vector<16xi1>, vector<16xi32>
      %sub3A_1688 = arith.subi %add3A_1678, %select_n3A_1687 : vector<16xi32>
      %gather3A_1689 = tpu.vector_load_idx %arg6[%iota3A, %sub3A_1688] : memref<16x2016xf32, #tpu.memory_space<vmem>>[vector<16xi32>, vector<16xi32>], vector<16xf32>,
      %shift_right_logical3A_1690 = arith.constant 16 : i32
      %shift_right_logical3A_1691 = vector.broadcast %shift_right_logical3A_1690 : i32 to vector<16xi32>
      %shift_right_logical3A_1692 = arith.shrui %gather3A_1679, %shift_right_logical3A_1691 : vector<16xi32>
      %and3A_1693 = arith.constant 65535 : i32
      %and3A_1694 = vector.broadcast %and3A_1693 : i32 to vector<16xi32>
      %and3A_1695 = arith.andi %gather3A_1679, %and3A_1694 : vector<16xi32>
      %le3A_1696 = arith.constant 4.000000e-01 : f32
      %le3A_1697 = vector.broadcast %le3A_1696 : f32 to vector<16xf32>
      %le3A_1698 = arith.cmpf ole, %gather3A_1689, %le3A_1697 : vector<16xf32>
      %ge3A_1699 = arith.constant 6.000000e-01 : f32
      %ge3A_1700 = vector.broadcast %ge3A_1699 : f32 to vector<16xf32>
      %ge3A_1701 = arith.cmpf oge, %gather3A_1689, %ge3A_1700 : vector<16xf32>
      %select_n3A_1702 = arith.select %ge3A_1701, %shift_right_logical3A_1692, %broadcast_in_dim3A_10 : vector<16xi1>, vector<16xi32>
      %select_n3A_1703 = arith.select %le3A_1698, %and3A_1695, %select_n3A_1702 : vector<16xi1>, vector<16xi32>
      %add3A_1704 = arith.addi %select_n3A_1703, %iota3A : vector<16xi32>
      tpu.vector_store_idx %arg8[%add3A_1704], %broadcast_in_dim3A_6 {add = true} : memref<1040xi32, #tpu.memory_space<vmem>>[vector<16xi32>], vector<16xi32>,
      %add3A_1705 = arith.constant 2011 : i32
      %add3A_1706 = vector.broadcast %add3A_1705 : i32 to vector<16xi32>
      %add3A_1707 = arith.addi %iota3A, %add3A_1706 : vector<16xi32>
      %gather3A_1708 = tpu.vector_load_idx %arg7[%add3A_1707] : memref<2032xi32, #tpu.memory_space<vmem>>[vector<16xi32>], vector<16xi32>,
      %ge3A_1709 = arith.constant 2016 : i32
      %ge3A_1710 = vector.broadcast %ge3A_1709 : i32 to vector<16xi32>
      %ge3A_1711 = arith.cmpi sge, %add3A_1707, %ge3A_1710 : vector<16xi32>
      %jit3A_1712 = arith.constant 2016 : i32
      %jit3A_1713 = arith.constant 0 : i32
      %broadcast_in_dim3A_1714 = vector.broadcast %jit3A_1712 : i32 to vector<16xi32>
      %broadcast_in_dim3A_1715 = vector.broadcast %jit3A_1713 : i32 to vector<16xi32>
      %select_n3A_1716 = arith.select %ge3A_1711, %broadcast_in_dim3A_1714, %broadcast_in_dim3A_1715 : vector<16xi1>, vector<16xi32>
      %sub3A_1717 = arith.subi %add3A_1707, %select_n3A_1716 : vector<16xi32>
      %gather3A_1718 = tpu.vector_load_idx %arg6[%iota3A, %sub3A_1717] : memref<16x2016xf32, #tpu.memory_space<vmem>>[vector<16xi32>, vector<16xi32>], vector<16xf32>,
      %shift_right_logical3A_1719 = arith.constant 16 : i32
      %shift_right_logical3A_1720 = vector.broadcast %shift_right_logical3A_1719 : i32 to vector<16xi32>
      %shift_right_logical3A_1721 = arith.shrui %gather3A_1708, %shift_right_logical3A_1720 : vector<16xi32>
      %and3A_1722 = arith.constant 65535 : i32
      %and3A_1723 = vector.broadcast %and3A_1722 : i32 to vector<16xi32>
      %and3A_1724 = arith.andi %gather3A_1708, %and3A_1723 : vector<16xi32>
      %le3A_1725 = arith.constant 4.000000e-01 : f32
      %le3A_1726 = vector.broadcast %le3A_1725 : f32 to vector<16xf32>
      %le3A_1727 = arith.cmpf ole, %gather3A_1718, %le3A_1726 : vector<16xf32>
      %ge3A_1728 = arith.constant 6.000000e-01 : f32
      %ge3A_1729 = vector.broadcast %ge3A_1728 : f32 to vector<16xf32>
      %ge3A_1730 = arith.cmpf oge, %gather3A_1718, %ge3A_1729 : vector<16xf32>
      %select_n3A_1731 = arith.select %ge3A_1730, %shift_right_logical3A_1721, %broadcast_in_dim3A_10 : vector<16xi1>, vector<16xi32>
      %select_n3A_1732 = arith.select %le3A_1727, %and3A_1724, %select_n3A_1731 : vector<16xi1>, vector<16xi32>
      %add3A_1733 = arith.addi %select_n3A_1732, %iota3A : vector<16xi32>
      tpu.vector_store_idx %arg8[%add3A_1733], %broadcast_in_dim3A_6 {add = true} : memref<1040xi32, #tpu.memory_space<vmem>>[vector<16xi32>], vector<16xi32>,
      %add3A_1734 = arith.constant 2012 : i32
      %add3A_1735 = vector.broadcast %add3A_1734 : i32 to vector<16xi32>
      %add3A_1736 = arith.addi %iota3A, %add3A_1735 : vector<16xi32>
      %gather3A_1737 = tpu.vector_load_idx %arg7[%add3A_1736] : memref<2032xi32, #tpu.memory_space<vmem>>[vector<16xi32>], vector<16xi32>,
      %ge3A_1738 = arith.constant 2016 : i32
      %ge3A_1739 = vector.broadcast %ge3A_1738 : i32 to vector<16xi32>
      %ge3A_1740 = arith.cmpi sge, %add3A_1736, %ge3A_1739 : vector<16xi32>
      %jit3A_1741 = arith.constant 2016 : i32
      %jit3A_1742 = arith.constant 0 : i32
      %broadcast_in_dim3A_1743 = vector.broadcast %jit3A_1741 : i32 to vector<16xi32>
      %broadcast_in_dim3A_1744 = vector.broadcast %jit3A_1742 : i32 to vector<16xi32>
      %select_n3A_1745 = arith.select %ge3A_1740, %broadcast_in_dim3A_1743, %broadcast_in_dim3A_1744 : vector<16xi1>, vector<16xi32>
      %sub3A_1746 = arith.subi %add3A_1736, %select_n3A_1745 : vector<16xi32>
      %gather3A_1747 = tpu.vector_load_idx %arg6[%iota3A, %sub3A_1746] : memref<16x2016xf32, #tpu.memory_space<vmem>>[vector<16xi32>, vector<16xi32>], vector<16xf32>,
      %shift_right_logical3A_1748 = arith.constant 16 : i32
      %shift_right_logical3A_1749 = vector.broadcast %shift_right_logical3A_1748 : i32 to vector<16xi32>
      %shift_right_logical3A_1750 = arith.shrui %gather3A_1737, %shift_right_logical3A_1749 : vector<16xi32>
      %and3A_1751 = arith.constant 65535 : i32
      %and3A_1752 = vector.broadcast %and3A_1751 : i32 to vector<16xi32>
      %and3A_1753 = arith.andi %gather3A_1737, %and3A_1752 : vector<16xi32>
      %le3A_1754 = arith.constant 4.000000e-01 : f32
      %le3A_1755 = vector.broadcast %le3A_1754 : f32 to vector<16xf32>
      %le3A_1756 = arith.cmpf ole, %gather3A_1747, %le3A_1755 : vector<16xf32>
      %ge3A_1757 = arith.constant 6.000000e-01 : f32
      %ge3A_1758 = vector.broadcast %ge3A_1757 : f32 to vector<16xf32>
      %ge3A_1759 = arith.cmpf oge, %gather3A_1747, %ge3A_1758 : vector<16xf32>
      %select_n3A_1760 = arith.select %ge3A_1759, %shift_right_logical3A_1750, %broadcast_in_dim3A_10 : vector<16xi1>, vector<16xi32>
      %select_n3A_1761 = arith.select %le3A_1756, %and3A_1753, %select_n3A_1760 : vector<16xi1>, vector<16xi32>
      %add3A_1762 = arith.addi %select_n3A_1761, %iota3A : vector<16xi32>
      tpu.vector_store_idx %arg8[%add3A_1762], %broadcast_in_dim3A_6 {add = true} : memref<1040xi32, #tpu.memory_space<vmem>>[vector<16xi32>], vector<16xi32>,
      %add3A_1763 = arith.constant 2013 : i32
      %add3A_1764 = vector.broadcast %add3A_1763 : i32 to vector<16xi32>
      %add3A_1765 = arith.addi %iota3A, %add3A_1764 : vector<16xi32>
      %gather3A_1766 = tpu.vector_load_idx %arg7[%add3A_1765] : memref<2032xi32, #tpu.memory_space<vmem>>[vector<16xi32>], vector<16xi32>,
      %ge3A_1767 = arith.constant 2016 : i32
      %ge3A_1768 = vector.broadcast %ge3A_1767 : i32 to vector<16xi32>
      %ge3A_1769 = arith.cmpi sge, %add3A_1765, %ge3A_1768 : vector<16xi32>
      %jit3A_1770 = arith.constant 2016 : i32
      %jit3A_1771 = arith.constant 0 : i32
      %broadcast_in_dim3A_1772 = vector.broadcast %jit3A_1770 : i32 to vector<16xi32>
      %broadcast_in_dim3A_1773 = vector.broadcast %jit3A_1771 : i32 to vector<16xi32>
      %select_n3A_1774 = arith.select %ge3A_1769, %broadcast_in_dim3A_1772, %broadcast_in_dim3A_1773 : vector<16xi1>, vector<16xi32>
      %sub3A_1775 = arith.subi %add3A_1765, %select_n3A_1774 : vector<16xi32>
      %gather3A_1776 = tpu.vector_load_idx %arg6[%iota3A, %sub3A_1775] : memref<16x2016xf32, #tpu.memory_space<vmem>>[vector<16xi32>, vector<16xi32>], vector<16xf32>,
      %shift_right_logical3A_1777 = arith.constant 16 : i32
      %shift_right_logical3A_1778 = vector.broadcast %shift_right_logical3A_1777 : i32 to vector<16xi32>
      %shift_right_logical3A_1779 = arith.shrui %gather3A_1766, %shift_right_logical3A_1778 : vector<16xi32>
      %and3A_1780 = arith.constant 65535 : i32
      %and3A_1781 = vector.broadcast %and3A_1780 : i32 to vector<16xi32>
      %and3A_1782 = arith.andi %gather3A_1766, %and3A_1781 : vector<16xi32>
      %le3A_1783 = arith.constant 4.000000e-01 : f32
      %le3A_1784 = vector.broadcast %le3A_1783 : f32 to vector<16xf32>
      %le3A_1785 = arith.cmpf ole, %gather3A_1776, %le3A_1784 : vector<16xf32>
      %ge3A_1786 = arith.constant 6.000000e-01 : f32
      %ge3A_1787 = vector.broadcast %ge3A_1786 : f32 to vector<16xf32>
      %ge3A_1788 = arith.cmpf oge, %gather3A_1776, %ge3A_1787 : vector<16xf32>
      %select_n3A_1789 = arith.select %ge3A_1788, %shift_right_logical3A_1779, %broadcast_in_dim3A_10 : vector<16xi1>, vector<16xi32>
      %select_n3A_1790 = arith.select %le3A_1785, %and3A_1782, %select_n3A_1789 : vector<16xi1>, vector<16xi32>
      %add3A_1791 = arith.addi %select_n3A_1790, %iota3A : vector<16xi32>
      tpu.vector_store_idx %arg8[%add3A_1791], %broadcast_in_dim3A_6 {add = true} : memref<1040xi32, #tpu.memory_space<vmem>>[vector<16xi32>], vector<16xi32>,
      %add3A_1792 = arith.constant 2014 : i32
      %add3A_1793 = vector.broadcast %add3A_1792 : i32 to vector<16xi32>
      %add3A_1794 = arith.addi %iota3A, %add3A_1793 : vector<16xi32>
      %gather3A_1795 = tpu.vector_load_idx %arg7[%add3A_1794] : memref<2032xi32, #tpu.memory_space<vmem>>[vector<16xi32>], vector<16xi32>,
      %ge3A_1796 = arith.constant 2016 : i32
      %ge3A_1797 = vector.broadcast %ge3A_1796 : i32 to vector<16xi32>
      %ge3A_1798 = arith.cmpi sge, %add3A_1794, %ge3A_1797 : vector<16xi32>
      %jit3A_1799 = arith.constant 2016 : i32
      %jit3A_1800 = arith.constant 0 : i32
      %broadcast_in_dim3A_1801 = vector.broadcast %jit3A_1799 : i32 to vector<16xi32>
      %broadcast_in_dim3A_1802 = vector.broadcast %jit3A_1800 : i32 to vector<16xi32>
      %select_n3A_1803 = arith.select %ge3A_1798, %broadcast_in_dim3A_1801, %broadcast_in_dim3A_1802 : vector<16xi1>, vector<16xi32>
      %sub3A_1804 = arith.subi %add3A_1794, %select_n3A_1803 : vector<16xi32>
      %gather3A_1805 = tpu.vector_load_idx %arg6[%iota3A, %sub3A_1804] : memref<16x2016xf32, #tpu.memory_space<vmem>>[vector<16xi32>, vector<16xi32>], vector<16xf32>,
      %shift_right_logical3A_1806 = arith.constant 16 : i32
      %shift_right_logical3A_1807 = vector.broadcast %shift_right_logical3A_1806 : i32 to vector<16xi32>
      %shift_right_logical3A_1808 = arith.shrui %gather3A_1795, %shift_right_logical3A_1807 : vector<16xi32>
      %and3A_1809 = arith.constant 65535 : i32
      %and3A_1810 = vector.broadcast %and3A_1809 : i32 to vector<16xi32>
      %and3A_1811 = arith.andi %gather3A_1795, %and3A_1810 : vector<16xi32>
      %le3A_1812 = arith.constant 4.000000e-01 : f32
      %le3A_1813 = vector.broadcast %le3A_1812 : f32 to vector<16xf32>
      %le3A_1814 = arith.cmpf ole, %gather3A_1805, %le3A_1813 : vector<16xf32>
      %ge3A_1815 = arith.constant 6.000000e-01 : f32
      %ge3A_1816 = vector.broadcast %ge3A_1815 : f32 to vector<16xf32>
      %ge3A_1817 = arith.cmpf oge, %gather3A_1805, %ge3A_1816 : vector<16xf32>
      %select_n3A_1818 = arith.select %ge3A_1817, %shift_right_logical3A_1808, %broadcast_in_dim3A_10 : vector<16xi1>, vector<16xi32>
      %select_n3A_1819 = arith.select %le3A_1814, %and3A_1811, %select_n3A_1818 : vector<16xi1>, vector<16xi32>
      %add3A_1820 = arith.addi %select_n3A_1819, %iota3A : vector<16xi32>
      tpu.vector_store_idx %arg8[%add3A_1820], %broadcast_in_dim3A_6 {add = true} : memref<1040xi32, #tpu.memory_space<vmem>>[vector<16xi32>], vector<16xi32>,
      %add3A_1821 = arith.constant 2015 : i32
      %add3A_1822 = vector.broadcast %add3A_1821 : i32 to vector<16xi32>
      %add3A_1823 = arith.addi %iota3A, %add3A_1822 : vector<16xi32>
      %gather3A_1824 = tpu.vector_load_idx %arg7[%add3A_1823] : memref<2032xi32, #tpu.memory_space<vmem>>[vector<16xi32>], vector<16xi32>,
      %ge3A_1825 = arith.constant 2016 : i32
      %ge3A_1826 = vector.broadcast %ge3A_1825 : i32 to vector<16xi32>
      %ge3A_1827 = arith.cmpi sge, %add3A_1823, %ge3A_1826 : vector<16xi32>
      %jit3A_1828 = arith.constant 2016 : i32
      %jit3A_1829 = arith.constant 0 : i32
      %broadcast_in_dim3A_1830 = vector.broadcast %jit3A_1828 : i32 to vector<16xi32>
      %broadcast_in_dim3A_1831 = vector.broadcast %jit3A_1829 : i32 to vector<16xi32>
      %select_n3A_1832 = arith.select %ge3A_1827, %broadcast_in_dim3A_1830, %broadcast_in_dim3A_1831 : vector<16xi1>, vector<16xi32>
      %sub3A_1833 = arith.subi %add3A_1823, %select_n3A_1832 : vector<16xi32>
      %gather3A_1834 = tpu.vector_load_idx %arg6[%iota3A, %sub3A_1833] : memref<16x2016xf32, #tpu.memory_space<vmem>>[vector<16xi32>, vector<16xi32>], vector<16xf32>,
      %shift_right_logical3A_1835 = arith.constant 16 : i32
      %shift_right_logical3A_1836 = vector.broadcast %shift_right_logical3A_1835 : i32 to vector<16xi32>
      %shift_right_logical3A_1837 = arith.shrui %gather3A_1824, %shift_right_logical3A_1836 : vector<16xi32>
      %and3A_1838 = arith.constant 65535 : i32
      %and3A_1839 = vector.broadcast %and3A_1838 : i32 to vector<16xi32>
      %and3A_1840 = arith.andi %gather3A_1824, %and3A_1839 : vector<16xi32>
      %le3A_1841 = arith.constant 4.000000e-01 : f32
      %le3A_1842 = vector.broadcast %le3A_1841 : f32 to vector<16xf32>
      %le3A_1843 = arith.cmpf ole, %gather3A_1834, %le3A_1842 : vector<16xf32>
      %ge3A_1844 = arith.constant 6.000000e-01 : f32
      %ge3A_1845 = vector.broadcast %ge3A_1844 : f32 to vector<16xf32>
      %ge3A_1846 = arith.cmpf oge, %gather3A_1834, %ge3A_1845 : vector<16xf32>
      %select_n3A_1847 = arith.select %ge3A_1846, %shift_right_logical3A_1837, %broadcast_in_dim3A_10 : vector<16xi1>, vector<16xi32>
      %select_n3A_1848 = arith.select %le3A_1843, %and3A_1840, %select_n3A_1847 : vector<16xi1>, vector<16xi32>
      %add3A_1849 = arith.addi %select_n3A_1848, %iota3A : vector<16xi32>
      tpu.vector_store_idx %arg8[%add3A_1849], %broadcast_in_dim3A_6 {add = true} : memref<1040xi32, #tpu.memory_space<vmem>>[vector<16xi32>], vector<16xi32>,
      %broadcast_in_dim3A_1850 = arith.constant -1 : i32
      %broadcast_in_dim3A_1851 = vector.broadcast %broadcast_in_dim3A_1850 : i32 to vector<16xi32>
      %get3A_1852 = arith.constant 0 : index
      %get3A_1853 = tpu.vector_load %arg8[%get3A_1852] {strides = array<i32>} : memref<1040xi32, #tpu.memory_space<vmem>>, vector<16xi32>,
      %gt3A_1854 = arith.cmpi sgt, %get3A_1853, %broadcast_in_dim3A_1851 : vector<16xi32>
      %select_n3A_1855 = arith.select %gt3A_1854, %get3A_1853, %broadcast_in_dim3A_1851 : vector<16xi1>, vector<16xi32>
      %broadcast_in_dim3A_1856 = arith.constant 0 : i32
      %broadcast_in_dim3A_1857 = vector.broadcast %broadcast_in_dim3A_1856 : i32 to vector<16xi32>
      %select_n3A_1858 = arith.select %gt3A_1854, %broadcast_in_dim3A_1857, %broadcast_in_dim3A_8 : vector<16xi1>, vector<16xi32>
      %get3A_1859 = arith.constant 16 : index
      %get3A_1860 = tpu.vector_load %arg8[%get3A_1859] {strides = array<i32>} : memref<1040xi32, #tpu.memory_space<vmem>>, vector<16xi32>,
      %gt3A_1861 = arith.cmpi sgt, %get3A_1860, %select_n3A_1855 : vector<16xi32>
      %select_n3A_1862 = arith.select %gt3A_1861, %get3A_1860, %select_n3A_1855 : vector<16xi1>, vector<16xi32>
      %broadcast_in_dim3A_1863 = arith.constant 16 : i32
      %broadcast_in_dim3A_1864 = vector.broadcast %broadcast_in_dim3A_1863 : i32 to vector<16xi32>
      %select_n3A_1865 = arith.select %gt3A_1861, %broadcast_in_dim3A_1864, %select_n3A_1858 : vector<16xi1>, vector<16xi32>
      %get3A_1866 = arith.constant 32 : index
      %get3A_1867 = tpu.vector_load %arg8[%get3A_1866] {strides = array<i32>} : memref<1040xi32, #tpu.memory_space<vmem>>, vector<16xi32>,
      %gt3A_1868 = arith.cmpi sgt, %get3A_1867, %select_n3A_1862 : vector<16xi32>
      %select_n3A_1869 = arith.select %gt3A_1868, %get3A_1867, %select_n3A_1862 : vector<16xi1>, vector<16xi32>
      %broadcast_in_dim3A_1870 = arith.constant 32 : i32
      %broadcast_in_dim3A_1871 = vector.broadcast %broadcast_in_dim3A_1870 : i32 to vector<16xi32>
      %select_n3A_1872 = arith.select %gt3A_1868, %broadcast_in_dim3A_1871, %select_n3A_1865 : vector<16xi1>, vector<16xi32>
      %get3A_1873 = arith.constant 48 : index
      %get3A_1874 = tpu.vector_load %arg8[%get3A_1873] {strides = array<i32>} : memref<1040xi32, #tpu.memory_space<vmem>>, vector<16xi32>,
      %gt3A_1875 = arith.cmpi sgt, %get3A_1874, %select_n3A_1869 : vector<16xi32>
      %select_n3A_1876 = arith.select %gt3A_1875, %get3A_1874, %select_n3A_1869 : vector<16xi1>, vector<16xi32>
      %broadcast_in_dim3A_1877 = arith.constant 48 : i32
      %broadcast_in_dim3A_1878 = vector.broadcast %broadcast_in_dim3A_1877 : i32 to vector<16xi32>
      %select_n3A_1879 = arith.select %gt3A_1875, %broadcast_in_dim3A_1878, %select_n3A_1872 : vector<16xi1>, vector<16xi32>
      %get3A_1880 = arith.constant 64 : index
      %get3A_1881 = tpu.vector_load %arg8[%get3A_1880] {strides = array<i32>} : memref<1040xi32, #tpu.memory_space<vmem>>, vector<16xi32>,
      %gt3A_1882 = arith.cmpi sgt, %get3A_1881, %select_n3A_1876 : vector<16xi32>
      %select_n3A_1883 = arith.select %gt3A_1882, %get3A_1881, %select_n3A_1876 : vector<16xi1>, vector<16xi32>
      %broadcast_in_dim3A_1884 = arith.constant 64 : i32
      %broadcast_in_dim3A_1885 = vector.broadcast %broadcast_in_dim3A_1884 : i32 to vector<16xi32>
      %select_n3A_1886 = arith.select %gt3A_1882, %broadcast_in_dim3A_1885, %select_n3A_1879 : vector<16xi1>, vector<16xi32>
      %get3A_1887 = arith.constant 80 : index
      %get3A_1888 = tpu.vector_load %arg8[%get3A_1887] {strides = array<i32>} : memref<1040xi32, #tpu.memory_space<vmem>>, vector<16xi32>,
      %gt3A_1889 = arith.cmpi sgt, %get3A_1888, %select_n3A_1883 : vector<16xi32>
      %select_n3A_1890 = arith.select %gt3A_1889, %get3A_1888, %select_n3A_1883 : vector<16xi1>, vector<16xi32>
      %broadcast_in_dim3A_1891 = arith.constant 80 : i32
      %broadcast_in_dim3A_1892 = vector.broadcast %broadcast_in_dim3A_1891 : i32 to vector<16xi32>
      %select_n3A_1893 = arith.select %gt3A_1889, %broadcast_in_dim3A_1892, %select_n3A_1886 : vector<16xi1>, vector<16xi32>
      %get3A_1894 = arith.constant 96 : index
      %get3A_1895 = tpu.vector_load %arg8[%get3A_1894] {strides = array<i32>} : memref<1040xi32, #tpu.memory_space<vmem>>, vector<16xi32>,
      %gt3A_1896 = arith.cmpi sgt, %get3A_1895, %select_n3A_1890 : vector<16xi32>
      %select_n3A_1897 = arith.select %gt3A_1896, %get3A_1895, %select_n3A_1890 : vector<16xi1>, vector<16xi32>
      %broadcast_in_dim3A_1898 = arith.constant 96 : i32
      %broadcast_in_dim3A_1899 = vector.broadcast %broadcast_in_dim3A_1898 : i32 to vector<16xi32>
      %select_n3A_1900 = arith.select %gt3A_1896, %broadcast_in_dim3A_1899, %select_n3A_1893 : vector<16xi1>, vector<16xi32>
      %get3A_1901 = arith.constant 112 : index
      %get3A_1902 = tpu.vector_load %arg8[%get3A_1901] {strides = array<i32>} : memref<1040xi32, #tpu.memory_space<vmem>>, vector<16xi32>,
      %gt3A_1903 = arith.cmpi sgt, %get3A_1902, %select_n3A_1897 : vector<16xi32>
      %select_n3A_1904 = arith.select %gt3A_1903, %get3A_1902, %select_n3A_1897 : vector<16xi1>, vector<16xi32>
      %broadcast_in_dim3A_1905 = arith.constant 112 : i32
      %broadcast_in_dim3A_1906 = vector.broadcast %broadcast_in_dim3A_1905 : i32 to vector<16xi32>
      %select_n3A_1907 = arith.select %gt3A_1903, %broadcast_in_dim3A_1906, %select_n3A_1900 : vector<16xi1>, vector<16xi32>
      %get3A_1908 = arith.constant 128 : index
      %get3A_1909 = tpu.vector_load %arg8[%get3A_1908] {strides = array<i32>} : memref<1040xi32, #tpu.memory_space<vmem>>, vector<16xi32>,
      %gt3A_1910 = arith.cmpi sgt, %get3A_1909, %select_n3A_1904 : vector<16xi32>
      %select_n3A_1911 = arith.select %gt3A_1910, %get3A_1909, %select_n3A_1904 : vector<16xi1>, vector<16xi32>
      %broadcast_in_dim3A_1912 = arith.constant 128 : i32
      %broadcast_in_dim3A_1913 = vector.broadcast %broadcast_in_dim3A_1912 : i32 to vector<16xi32>
      %select_n3A_1914 = arith.select %gt3A_1910, %broadcast_in_dim3A_1913, %select_n3A_1907 : vector<16xi1>, vector<16xi32>
      %get3A_1915 = arith.constant 144 : index
      %get3A_1916 = tpu.vector_load %arg8[%get3A_1915] {strides = array<i32>} : memref<1040xi32, #tpu.memory_space<vmem>>, vector<16xi32>,
      %gt3A_1917 = arith.cmpi sgt, %get3A_1916, %select_n3A_1911 : vector<16xi32>
      %select_n3A_1918 = arith.select %gt3A_1917, %get3A_1916, %select_n3A_1911 : vector<16xi1>, vector<16xi32>
      %broadcast_in_dim3A_1919 = arith.constant 144 : i32
      %broadcast_in_dim3A_1920 = vector.broadcast %broadcast_in_dim3A_1919 : i32 to vector<16xi32>
      %select_n3A_1921 = arith.select %gt3A_1917, %broadcast_in_dim3A_1920, %select_n3A_1914 : vector<16xi1>, vector<16xi32>
      %get3A_1922 = arith.constant 160 : index
      %get3A_1923 = tpu.vector_load %arg8[%get3A_1922] {strides = array<i32>} : memref<1040xi32, #tpu.memory_space<vmem>>, vector<16xi32>,
      %gt3A_1924 = arith.cmpi sgt, %get3A_1923, %select_n3A_1918 : vector<16xi32>
      %select_n3A_1925 = arith.select %gt3A_1924, %get3A_1923, %select_n3A_1918 : vector<16xi1>, vector<16xi32>
      %broadcast_in_dim3A_1926 = arith.constant 160 : i32
      %broadcast_in_dim3A_1927 = vector.broadcast %broadcast_in_dim3A_1926 : i32 to vector<16xi32>
      %select_n3A_1928 = arith.select %gt3A_1924, %broadcast_in_dim3A_1927, %select_n3A_1921 : vector<16xi1>, vector<16xi32>
      %get3A_1929 = arith.constant 176 : index
      %get3A_1930 = tpu.vector_load %arg8[%get3A_1929] {strides = array<i32>} : memref<1040xi32, #tpu.memory_space<vmem>>, vector<16xi32>,
      %gt3A_1931 = arith.cmpi sgt, %get3A_1930, %select_n3A_1925 : vector<16xi32>
      %select_n3A_1932 = arith.select %gt3A_1931, %get3A_1930, %select_n3A_1925 : vector<16xi1>, vector<16xi32>
      %broadcast_in_dim3A_1933 = arith.constant 176 : i32
      %broadcast_in_dim3A_1934 = vector.broadcast %broadcast_in_dim3A_1933 : i32 to vector<16xi32>
      %select_n3A_1935 = arith.select %gt3A_1931, %broadcast_in_dim3A_1934, %select_n3A_1928 : vector<16xi1>, vector<16xi32>
      %get3A_1936 = arith.constant 192 : index
      %get3A_1937 = tpu.vector_load %arg8[%get3A_1936] {strides = array<i32>} : memref<1040xi32, #tpu.memory_space<vmem>>, vector<16xi32>,
      %gt3A_1938 = arith.cmpi sgt, %get3A_1937, %select_n3A_1932 : vector<16xi32>
      %select_n3A_1939 = arith.select %gt3A_1938, %get3A_1937, %select_n3A_1932 : vector<16xi1>, vector<16xi32>
      %broadcast_in_dim3A_1940 = arith.constant 192 : i32
      %broadcast_in_dim3A_1941 = vector.broadcast %broadcast_in_dim3A_1940 : i32 to vector<16xi32>
      %select_n3A_1942 = arith.select %gt3A_1938, %broadcast_in_dim3A_1941, %select_n3A_1935 : vector<16xi1>, vector<16xi32>
      %get3A_1943 = arith.constant 208 : index
      %get3A_1944 = tpu.vector_load %arg8[%get3A_1943] {strides = array<i32>} : memref<1040xi32, #tpu.memory_space<vmem>>, vector<16xi32>,
      %gt3A_1945 = arith.cmpi sgt, %get3A_1944, %select_n3A_1939 : vector<16xi32>
      %select_n3A_1946 = arith.select %gt3A_1945, %get3A_1944, %select_n3A_1939 : vector<16xi1>, vector<16xi32>
      %broadcast_in_dim3A_1947 = arith.constant 208 : i32
      %broadcast_in_dim3A_1948 = vector.broadcast %broadcast_in_dim3A_1947 : i32 to vector<16xi32>
      %select_n3A_1949 = arith.select %gt3A_1945, %broadcast_in_dim3A_1948, %select_n3A_1942 : vector<16xi1>, vector<16xi32>
      %get3A_1950 = arith.constant 224 : index
      %get3A_1951 = tpu.vector_load %arg8[%get3A_1950] {strides = array<i32>} : memref<1040xi32, #tpu.memory_space<vmem>>, vector<16xi32>,
      %gt3A_1952 = arith.cmpi sgt, %get3A_1951, %select_n3A_1946 : vector<16xi32>
      %select_n3A_1953 = arith.select %gt3A_1952, %get3A_1951, %select_n3A_1946 : vector<16xi1>, vector<16xi32>
      %broadcast_in_dim3A_1954 = arith.constant 224 : i32
      %broadcast_in_dim3A_1955 = vector.broadcast %broadcast_in_dim3A_1954 : i32 to vector<16xi32>
      %select_n3A_1956 = arith.select %gt3A_1952, %broadcast_in_dim3A_1955, %select_n3A_1949 : vector<16xi1>, vector<16xi32>
      %get3A_1957 = arith.constant 240 : index
      %get3A_1958 = tpu.vector_load %arg8[%get3A_1957] {strides = array<i32>} : memref<1040xi32, #tpu.memory_space<vmem>>, vector<16xi32>,
      %gt3A_1959 = arith.cmpi sgt, %get3A_1958, %select_n3A_1953 : vector<16xi32>
      %select_n3A_1960 = arith.select %gt3A_1959, %get3A_1958, %select_n3A_1953 : vector<16xi1>, vector<16xi32>
      %broadcast_in_dim3A_1961 = arith.constant 240 : i32
      %broadcast_in_dim3A_1962 = vector.broadcast %broadcast_in_dim3A_1961 : i32 to vector<16xi32>
      %select_n3A_1963 = arith.select %gt3A_1959, %broadcast_in_dim3A_1962, %select_n3A_1956 : vector<16xi1>, vector<16xi32>
      %get3A_1964 = arith.constant 256 : index
      %get3A_1965 = tpu.vector_load %arg8[%get3A_1964] {strides = array<i32>} : memref<1040xi32, #tpu.memory_space<vmem>>, vector<16xi32>,
      %gt3A_1966 = arith.cmpi sgt, %get3A_1965, %select_n3A_1960 : vector<16xi32>
      %select_n3A_1967 = arith.select %gt3A_1966, %get3A_1965, %select_n3A_1960 : vector<16xi1>, vector<16xi32>
      %broadcast_in_dim3A_1968 = arith.constant 256 : i32
      %broadcast_in_dim3A_1969 = vector.broadcast %broadcast_in_dim3A_1968 : i32 to vector<16xi32>
      %select_n3A_1970 = arith.select %gt3A_1966, %broadcast_in_dim3A_1969, %select_n3A_1963 : vector<16xi1>, vector<16xi32>
      %get3A_1971 = arith.constant 272 : index
      %get3A_1972 = tpu.vector_load %arg8[%get3A_1971] {strides = array<i32>} : memref<1040xi32, #tpu.memory_space<vmem>>, vector<16xi32>,
      %gt3A_1973 = arith.cmpi sgt, %get3A_1972, %select_n3A_1967 : vector<16xi32>
      %select_n3A_1974 = arith.select %gt3A_1973, %get3A_1972, %select_n3A_1967 : vector<16xi1>, vector<16xi32>
      %broadcast_in_dim3A_1975 = arith.constant 272 : i32
      %broadcast_in_dim3A_1976 = vector.broadcast %broadcast_in_dim3A_1975 : i32 to vector<16xi32>
      %select_n3A_1977 = arith.select %gt3A_1973, %broadcast_in_dim3A_1976, %select_n3A_1970 : vector<16xi1>, vector<16xi32>
      %get3A_1978 = arith.constant 288 : index
      %get3A_1979 = tpu.vector_load %arg8[%get3A_1978] {strides = array<i32>} : memref<1040xi32, #tpu.memory_space<vmem>>, vector<16xi32>,
      %gt3A_1980 = arith.cmpi sgt, %get3A_1979, %select_n3A_1974 : vector<16xi32>
      %select_n3A_1981 = arith.select %gt3A_1980, %get3A_1979, %select_n3A_1974 : vector<16xi1>, vector<16xi32>
      %broadcast_in_dim3A_1982 = arith.constant 288 : i32
      %broadcast_in_dim3A_1983 = vector.broadcast %broadcast_in_dim3A_1982 : i32 to vector<16xi32>
      %select_n3A_1984 = arith.select %gt3A_1980, %broadcast_in_dim3A_1983, %select_n3A_1977 : vector<16xi1>, vector<16xi32>
      %get3A_1985 = arith.constant 304 : index
      %get3A_1986 = tpu.vector_load %arg8[%get3A_1985] {strides = array<i32>} : memref<1040xi32, #tpu.memory_space<vmem>>, vector<16xi32>,
      %gt3A_1987 = arith.cmpi sgt, %get3A_1986, %select_n3A_1981 : vector<16xi32>
      %select_n3A_1988 = arith.select %gt3A_1987, %get3A_1986, %select_n3A_1981 : vector<16xi1>, vector<16xi32>
      %broadcast_in_dim3A_1989 = arith.constant 304 : i32
      %broadcast_in_dim3A_1990 = vector.broadcast %broadcast_in_dim3A_1989 : i32 to vector<16xi32>
      %select_n3A_1991 = arith.select %gt3A_1987, %broadcast_in_dim3A_1990, %select_n3A_1984 : vector<16xi1>, vector<16xi32>
      %get3A_1992 = arith.constant 320 : index
      %get3A_1993 = tpu.vector_load %arg8[%get3A_1992] {strides = array<i32>} : memref<1040xi32, #tpu.memory_space<vmem>>, vector<16xi32>,
      %gt3A_1994 = arith.cmpi sgt, %get3A_1993, %select_n3A_1988 : vector<16xi32>
      %select_n3A_1995 = arith.select %gt3A_1994, %get3A_1993, %select_n3A_1988 : vector<16xi1>, vector<16xi32>
      %broadcast_in_dim3A_1996 = arith.constant 320 : i32
      %broadcast_in_dim3A_1997 = vector.broadcast %broadcast_in_dim3A_1996 : i32 to vector<16xi32>
      %select_n3A_1998 = arith.select %gt3A_1994, %broadcast_in_dim3A_1997, %select_n3A_1991 : vector<16xi1>, vector<16xi32>
      %get3A_1999 = arith.constant 336 : index
      %get3A_2000 = tpu.vector_load %arg8[%get3A_1999] {strides = array<i32>} : memref<1040xi32, #tpu.memory_space<vmem>>, vector<16xi32>,
      %gt3A_2001 = arith.cmpi sgt, %get3A_2000, %select_n3A_1995 : vector<16xi32>
      %select_n3A_2002 = arith.select %gt3A_2001, %get3A_2000, %select_n3A_1995 : vector<16xi1>, vector<16xi32>
      %broadcast_in_dim3A_2003 = arith.constant 336 : i32
      %broadcast_in_dim3A_2004 = vector.broadcast %broadcast_in_dim3A_2003 : i32 to vector<16xi32>
      %select_n3A_2005 = arith.select %gt3A_2001, %broadcast_in_dim3A_2004, %select_n3A_1998 : vector<16xi1>, vector<16xi32>
      %get3A_2006 = arith.constant 352 : index
      %get3A_2007 = tpu.vector_load %arg8[%get3A_2006] {strides = array<i32>} : memref<1040xi32, #tpu.memory_space<vmem>>, vector<16xi32>,
      %gt3A_2008 = arith.cmpi sgt, %get3A_2007, %select_n3A_2002 : vector<16xi32>
      %select_n3A_2009 = arith.select %gt3A_2008, %get3A_2007, %select_n3A_2002 : vector<16xi1>, vector<16xi32>
      %broadcast_in_dim3A_2010 = arith.constant 352 : i32
      %broadcast_in_dim3A_2011 = vector.broadcast %broadcast_in_dim3A_2010 : i32 to vector<16xi32>
      %select_n3A_2012 = arith.select %gt3A_2008, %broadcast_in_dim3A_2011, %select_n3A_2005 : vector<16xi1>, vector<16xi32>
      %get3A_2013 = arith.constant 368 : index
      %get3A_2014 = tpu.vector_load %arg8[%get3A_2013] {strides = array<i32>} : memref<1040xi32, #tpu.memory_space<vmem>>, vector<16xi32>,
      %gt3A_2015 = arith.cmpi sgt, %get3A_2014, %select_n3A_2009 : vector<16xi32>
      %select_n3A_2016 = arith.select %gt3A_2015, %get3A_2014, %select_n3A_2009 : vector<16xi1>, vector<16xi32>
      %broadcast_in_dim3A_2017 = arith.constant 368 : i32
      %broadcast_in_dim3A_2018 = vector.broadcast %broadcast_in_dim3A_2017 : i32 to vector<16xi32>
      %select_n3A_2019 = arith.select %gt3A_2015, %broadcast_in_dim3A_2018, %select_n3A_2012 : vector<16xi1>, vector<16xi32>
      %get3A_2020 = arith.constant 384 : index
      %get3A_2021 = tpu.vector_load %arg8[%get3A_2020] {strides = array<i32>} : memref<1040xi32, #tpu.memory_space<vmem>>, vector<16xi32>,
      %gt3A_2022 = arith.cmpi sgt, %get3A_2021, %select_n3A_2016 : vector<16xi32>
      %select_n3A_2023 = arith.select %gt3A_2022, %get3A_2021, %select_n3A_2016 : vector<16xi1>, vector<16xi32>
      %broadcast_in_dim3A_2024 = arith.constant 384 : i32
      %broadcast_in_dim3A_2025 = vector.broadcast %broadcast_in_dim3A_2024 : i32 to vector<16xi32>
      %select_n3A_2026 = arith.select %gt3A_2022, %broadcast_in_dim3A_2025, %select_n3A_2019 : vector<16xi1>, vector<16xi32>
      %get3A_2027 = arith.constant 400 : index
      %get3A_2028 = tpu.vector_load %arg8[%get3A_2027] {strides = array<i32>} : memref<1040xi32, #tpu.memory_space<vmem>>, vector<16xi32>,
      %gt3A_2029 = arith.cmpi sgt, %get3A_2028, %select_n3A_2023 : vector<16xi32>
      %select_n3A_2030 = arith.select %gt3A_2029, %get3A_2028, %select_n3A_2023 : vector<16xi1>, vector<16xi32>
      %broadcast_in_dim3A_2031 = arith.constant 400 : i32
      %broadcast_in_dim3A_2032 = vector.broadcast %broadcast_in_dim3A_2031 : i32 to vector<16xi32>
      %select_n3A_2033 = arith.select %gt3A_2029, %broadcast_in_dim3A_2032, %select_n3A_2026 : vector<16xi1>, vector<16xi32>
      %get3A_2034 = arith.constant 416 : index
      %get3A_2035 = tpu.vector_load %arg8[%get3A_2034] {strides = array<i32>} : memref<1040xi32, #tpu.memory_space<vmem>>, vector<16xi32>,
      %gt3A_2036 = arith.cmpi sgt, %get3A_2035, %select_n3A_2030 : vector<16xi32>
      %select_n3A_2037 = arith.select %gt3A_2036, %get3A_2035, %select_n3A_2030 : vector<16xi1>, vector<16xi32>
      %broadcast_in_dim3A_2038 = arith.constant 416 : i32
      %broadcast_in_dim3A_2039 = vector.broadcast %broadcast_in_dim3A_2038 : i32 to vector<16xi32>
      %select_n3A_2040 = arith.select %gt3A_2036, %broadcast_in_dim3A_2039, %select_n3A_2033 : vector<16xi1>, vector<16xi32>
      %get3A_2041 = arith.constant 432 : index
      %get3A_2042 = tpu.vector_load %arg8[%get3A_2041] {strides = array<i32>} : memref<1040xi32, #tpu.memory_space<vmem>>, vector<16xi32>,
      %gt3A_2043 = arith.cmpi sgt, %get3A_2042, %select_n3A_2037 : vector<16xi32>
      %select_n3A_2044 = arith.select %gt3A_2043, %get3A_2042, %select_n3A_2037 : vector<16xi1>, vector<16xi32>
      %broadcast_in_dim3A_2045 = arith.constant 432 : i32
      %broadcast_in_dim3A_2046 = vector.broadcast %broadcast_in_dim3A_2045 : i32 to vector<16xi32>
      %select_n3A_2047 = arith.select %gt3A_2043, %broadcast_in_dim3A_2046, %select_n3A_2040 : vector<16xi1>, vector<16xi32>
      %get3A_2048 = arith.constant 448 : index
      %get3A_2049 = tpu.vector_load %arg8[%get3A_2048] {strides = array<i32>} : memref<1040xi32, #tpu.memory_space<vmem>>, vector<16xi32>,
      %gt3A_2050 = arith.cmpi sgt, %get3A_2049, %select_n3A_2044 : vector<16xi32>
      %select_n3A_2051 = arith.select %gt3A_2050, %get3A_2049, %select_n3A_2044 : vector<16xi1>, vector<16xi32>
      %broadcast_in_dim3A_2052 = arith.constant 448 : i32
      %broadcast_in_dim3A_2053 = vector.broadcast %broadcast_in_dim3A_2052 : i32 to vector<16xi32>
      %select_n3A_2054 = arith.select %gt3A_2050, %broadcast_in_dim3A_2053, %select_n3A_2047 : vector<16xi1>, vector<16xi32>
      %get3A_2055 = arith.constant 464 : index
      %get3A_2056 = tpu.vector_load %arg8[%get3A_2055] {strides = array<i32>} : memref<1040xi32, #tpu.memory_space<vmem>>, vector<16xi32>,
      %gt3A_2057 = arith.cmpi sgt, %get3A_2056, %select_n3A_2051 : vector<16xi32>
      %select_n3A_2058 = arith.select %gt3A_2057, %get3A_2056, %select_n3A_2051 : vector<16xi1>, vector<16xi32>
      %broadcast_in_dim3A_2059 = arith.constant 464 : i32
      %broadcast_in_dim3A_2060 = vector.broadcast %broadcast_in_dim3A_2059 : i32 to vector<16xi32>
      %select_n3A_2061 = arith.select %gt3A_2057, %broadcast_in_dim3A_2060, %select_n3A_2054 : vector<16xi1>, vector<16xi32>
      %get3A_2062 = arith.constant 480 : index
      %get3A_2063 = tpu.vector_load %arg8[%get3A_2062] {strides = array<i32>} : memref<1040xi32, #tpu.memory_space<vmem>>, vector<16xi32>,
      %gt3A_2064 = arith.cmpi sgt, %get3A_2063, %select_n3A_2058 : vector<16xi32>
      %select_n3A_2065 = arith.select %gt3A_2064, %get3A_2063, %select_n3A_2058 : vector<16xi1>, vector<16xi32>
      %broadcast_in_dim3A_2066 = arith.constant 480 : i32
      %broadcast_in_dim3A_2067 = vector.broadcast %broadcast_in_dim3A_2066 : i32 to vector<16xi32>
      %select_n3A_2068 = arith.select %gt3A_2064, %broadcast_in_dim3A_2067, %select_n3A_2061 : vector<16xi1>, vector<16xi32>
      %get3A_2069 = arith.constant 496 : index
      %get3A_2070 = tpu.vector_load %arg8[%get3A_2069] {strides = array<i32>} : memref<1040xi32, #tpu.memory_space<vmem>>, vector<16xi32>,
      %gt3A_2071 = arith.cmpi sgt, %get3A_2070, %select_n3A_2065 : vector<16xi32>
      %select_n3A_2072 = arith.select %gt3A_2071, %get3A_2070, %select_n3A_2065 : vector<16xi1>, vector<16xi32>
      %broadcast_in_dim3A_2073 = arith.constant 496 : i32
      %broadcast_in_dim3A_2074 = vector.broadcast %broadcast_in_dim3A_2073 : i32 to vector<16xi32>
      %select_n3A_2075 = arith.select %gt3A_2071, %broadcast_in_dim3A_2074, %select_n3A_2068 : vector<16xi1>, vector<16xi32>
      %get3A_2076 = arith.constant 512 : index
      %get3A_2077 = tpu.vector_load %arg8[%get3A_2076] {strides = array<i32>} : memref<1040xi32, #tpu.memory_space<vmem>>, vector<16xi32>,
      %gt3A_2078 = arith.cmpi sgt, %get3A_2077, %select_n3A_2072 : vector<16xi32>
      %select_n3A_2079 = arith.select %gt3A_2078, %get3A_2077, %select_n3A_2072 : vector<16xi1>, vector<16xi32>
      %broadcast_in_dim3A_2080 = arith.constant 512 : i32
      %broadcast_in_dim3A_2081 = vector.broadcast %broadcast_in_dim3A_2080 : i32 to vector<16xi32>
      %select_n3A_2082 = arith.select %gt3A_2078, %broadcast_in_dim3A_2081, %select_n3A_2075 : vector<16xi1>, vector<16xi32>
      %get3A_2083 = arith.constant 528 : index
      %get3A_2084 = tpu.vector_load %arg8[%get3A_2083] {strides = array<i32>} : memref<1040xi32, #tpu.memory_space<vmem>>, vector<16xi32>,
      %gt3A_2085 = arith.cmpi sgt, %get3A_2084, %select_n3A_2079 : vector<16xi32>
      %select_n3A_2086 = arith.select %gt3A_2085, %get3A_2084, %select_n3A_2079 : vector<16xi1>, vector<16xi32>
      %broadcast_in_dim3A_2087 = arith.constant 528 : i32
      %broadcast_in_dim3A_2088 = vector.broadcast %broadcast_in_dim3A_2087 : i32 to vector<16xi32>
      %select_n3A_2089 = arith.select %gt3A_2085, %broadcast_in_dim3A_2088, %select_n3A_2082 : vector<16xi1>, vector<16xi32>
      %get3A_2090 = arith.constant 544 : index
      %get3A_2091 = tpu.vector_load %arg8[%get3A_2090] {strides = array<i32>} : memref<1040xi32, #tpu.memory_space<vmem>>, vector<16xi32>,
      %gt3A_2092 = arith.cmpi sgt, %get3A_2091, %select_n3A_2086 : vector<16xi32>
      %select_n3A_2093 = arith.select %gt3A_2092, %get3A_2091, %select_n3A_2086 : vector<16xi1>, vector<16xi32>
      %broadcast_in_dim3A_2094 = arith.constant 544 : i32
      %broadcast_in_dim3A_2095 = vector.broadcast %broadcast_in_dim3A_2094 : i32 to vector<16xi32>
      %select_n3A_2096 = arith.select %gt3A_2092, %broadcast_in_dim3A_2095, %select_n3A_2089 : vector<16xi1>, vector<16xi32>
      %get3A_2097 = arith.constant 560 : index
      %get3A_2098 = tpu.vector_load %arg8[%get3A_2097] {strides = array<i32>} : memref<1040xi32, #tpu.memory_space<vmem>>, vector<16xi32>,
      %gt3A_2099 = arith.cmpi sgt, %get3A_2098, %select_n3A_2093 : vector<16xi32>
      %select_n3A_2100 = arith.select %gt3A_2099, %get3A_2098, %select_n3A_2093 : vector<16xi1>, vector<16xi32>
      %broadcast_in_dim3A_2101 = arith.constant 560 : i32
      %broadcast_in_dim3A_2102 = vector.broadcast %broadcast_in_dim3A_2101 : i32 to vector<16xi32>
      %select_n3A_2103 = arith.select %gt3A_2099, %broadcast_in_dim3A_2102, %select_n3A_2096 : vector<16xi1>, vector<16xi32>
      %get3A_2104 = arith.constant 576 : index
      %get3A_2105 = tpu.vector_load %arg8[%get3A_2104] {strides = array<i32>} : memref<1040xi32, #tpu.memory_space<vmem>>, vector<16xi32>,
      %gt3A_2106 = arith.cmpi sgt, %get3A_2105, %select_n3A_2100 : vector<16xi32>
      %select_n3A_2107 = arith.select %gt3A_2106, %get3A_2105, %select_n3A_2100 : vector<16xi1>, vector<16xi32>
      %broadcast_in_dim3A_2108 = arith.constant 576 : i32
      %broadcast_in_dim3A_2109 = vector.broadcast %broadcast_in_dim3A_2108 : i32 to vector<16xi32>
      %select_n3A_2110 = arith.select %gt3A_2106, %broadcast_in_dim3A_2109, %select_n3A_2103 : vector<16xi1>, vector<16xi32>
      %get3A_2111 = arith.constant 592 : index
      %get3A_2112 = tpu.vector_load %arg8[%get3A_2111] {strides = array<i32>} : memref<1040xi32, #tpu.memory_space<vmem>>, vector<16xi32>,
      %gt3A_2113 = arith.cmpi sgt, %get3A_2112, %select_n3A_2107 : vector<16xi32>
      %select_n3A_2114 = arith.select %gt3A_2113, %get3A_2112, %select_n3A_2107 : vector<16xi1>, vector<16xi32>
      %broadcast_in_dim3A_2115 = arith.constant 592 : i32
      %broadcast_in_dim3A_2116 = vector.broadcast %broadcast_in_dim3A_2115 : i32 to vector<16xi32>
      %select_n3A_2117 = arith.select %gt3A_2113, %broadcast_in_dim3A_2116, %select_n3A_2110 : vector<16xi1>, vector<16xi32>
      %get3A_2118 = arith.constant 608 : index
      %get3A_2119 = tpu.vector_load %arg8[%get3A_2118] {strides = array<i32>} : memref<1040xi32, #tpu.memory_space<vmem>>, vector<16xi32>,
      %gt3A_2120 = arith.cmpi sgt, %get3A_2119, %select_n3A_2114 : vector<16xi32>
      %select_n3A_2121 = arith.select %gt3A_2120, %get3A_2119, %select_n3A_2114 : vector<16xi1>, vector<16xi32>
      %broadcast_in_dim3A_2122 = arith.constant 608 : i32
      %broadcast_in_dim3A_2123 = vector.broadcast %broadcast_in_dim3A_2122 : i32 to vector<16xi32>
      %select_n3A_2124 = arith.select %gt3A_2120, %broadcast_in_dim3A_2123, %select_n3A_2117 : vector<16xi1>, vector<16xi32>
      %get3A_2125 = arith.constant 624 : index
      %get3A_2126 = tpu.vector_load %arg8[%get3A_2125] {strides = array<i32>} : memref<1040xi32, #tpu.memory_space<vmem>>, vector<16xi32>,
      %gt3A_2127 = arith.cmpi sgt, %get3A_2126, %select_n3A_2121 : vector<16xi32>
      %select_n3A_2128 = arith.select %gt3A_2127, %get3A_2126, %select_n3A_2121 : vector<16xi1>, vector<16xi32>
      %broadcast_in_dim3A_2129 = arith.constant 624 : i32
      %broadcast_in_dim3A_2130 = vector.broadcast %broadcast_in_dim3A_2129 : i32 to vector<16xi32>
      %select_n3A_2131 = arith.select %gt3A_2127, %broadcast_in_dim3A_2130, %select_n3A_2124 : vector<16xi1>, vector<16xi32>
      %get3A_2132 = arith.constant 640 : index
      %get3A_2133 = tpu.vector_load %arg8[%get3A_2132] {strides = array<i32>} : memref<1040xi32, #tpu.memory_space<vmem>>, vector<16xi32>,
      %gt3A_2134 = arith.cmpi sgt, %get3A_2133, %select_n3A_2128 : vector<16xi32>
      %select_n3A_2135 = arith.select %gt3A_2134, %get3A_2133, %select_n3A_2128 : vector<16xi1>, vector<16xi32>
      %broadcast_in_dim3A_2136 = arith.constant 640 : i32
      %broadcast_in_dim3A_2137 = vector.broadcast %broadcast_in_dim3A_2136 : i32 to vector<16xi32>
      %select_n3A_2138 = arith.select %gt3A_2134, %broadcast_in_dim3A_2137, %select_n3A_2131 : vector<16xi1>, vector<16xi32>
      %get3A_2139 = arith.constant 656 : index
      %get3A_2140 = tpu.vector_load %arg8[%get3A_2139] {strides = array<i32>} : memref<1040xi32, #tpu.memory_space<vmem>>, vector<16xi32>,
      %gt3A_2141 = arith.cmpi sgt, %get3A_2140, %select_n3A_2135 : vector<16xi32>
      %select_n3A_2142 = arith.select %gt3A_2141, %get3A_2140, %select_n3A_2135 : vector<16xi1>, vector<16xi32>
      %broadcast_in_dim3A_2143 = arith.constant 656 : i32
      %broadcast_in_dim3A_2144 = vector.broadcast %broadcast_in_dim3A_2143 : i32 to vector<16xi32>
      %select_n3A_2145 = arith.select %gt3A_2141, %broadcast_in_dim3A_2144, %select_n3A_2138 : vector<16xi1>, vector<16xi32>
      %get3A_2146 = arith.constant 672 : index
      %get3A_2147 = tpu.vector_load %arg8[%get3A_2146] {strides = array<i32>} : memref<1040xi32, #tpu.memory_space<vmem>>, vector<16xi32>,
      %gt3A_2148 = arith.cmpi sgt, %get3A_2147, %select_n3A_2142 : vector<16xi32>
      %select_n3A_2149 = arith.select %gt3A_2148, %get3A_2147, %select_n3A_2142 : vector<16xi1>, vector<16xi32>
      %broadcast_in_dim3A_2150 = arith.constant 672 : i32
      %broadcast_in_dim3A_2151 = vector.broadcast %broadcast_in_dim3A_2150 : i32 to vector<16xi32>
      %select_n3A_2152 = arith.select %gt3A_2148, %broadcast_in_dim3A_2151, %select_n3A_2145 : vector<16xi1>, vector<16xi32>
      %get3A_2153 = arith.constant 688 : index
      %get3A_2154 = tpu.vector_load %arg8[%get3A_2153] {strides = array<i32>} : memref<1040xi32, #tpu.memory_space<vmem>>, vector<16xi32>,
      %gt3A_2155 = arith.cmpi sgt, %get3A_2154, %select_n3A_2149 : vector<16xi32>
      %select_n3A_2156 = arith.select %gt3A_2155, %get3A_2154, %select_n3A_2149 : vector<16xi1>, vector<16xi32>
      %broadcast_in_dim3A_2157 = arith.constant 688 : i32
      %broadcast_in_dim3A_2158 = vector.broadcast %broadcast_in_dim3A_2157 : i32 to vector<16xi32>
      %select_n3A_2159 = arith.select %gt3A_2155, %broadcast_in_dim3A_2158, %select_n3A_2152 : vector<16xi1>, vector<16xi32>
      %get3A_2160 = arith.constant 704 : index
      %get3A_2161 = tpu.vector_load %arg8[%get3A_2160] {strides = array<i32>} : memref<1040xi32, #tpu.memory_space<vmem>>, vector<16xi32>,
      %gt3A_2162 = arith.cmpi sgt, %get3A_2161, %select_n3A_2156 : vector<16xi32>
      %select_n3A_2163 = arith.select %gt3A_2162, %get3A_2161, %select_n3A_2156 : vector<16xi1>, vector<16xi32>
      %broadcast_in_dim3A_2164 = arith.constant 704 : i32
      %broadcast_in_dim3A_2165 = vector.broadcast %broadcast_in_dim3A_2164 : i32 to vector<16xi32>
      %select_n3A_2166 = arith.select %gt3A_2162, %broadcast_in_dim3A_2165, %select_n3A_2159 : vector<16xi1>, vector<16xi32>
      %get3A_2167 = arith.constant 720 : index
      %get3A_2168 = tpu.vector_load %arg8[%get3A_2167] {strides = array<i32>} : memref<1040xi32, #tpu.memory_space<vmem>>, vector<16xi32>,
      %gt3A_2169 = arith.cmpi sgt, %get3A_2168, %select_n3A_2163 : vector<16xi32>
      %select_n3A_2170 = arith.select %gt3A_2169, %get3A_2168, %select_n3A_2163 : vector<16xi1>, vector<16xi32>
      %broadcast_in_dim3A_2171 = arith.constant 720 : i32
      %broadcast_in_dim3A_2172 = vector.broadcast %broadcast_in_dim3A_2171 : i32 to vector<16xi32>
      %select_n3A_2173 = arith.select %gt3A_2169, %broadcast_in_dim3A_2172, %select_n3A_2166 : vector<16xi1>, vector<16xi32>
      %get3A_2174 = arith.constant 736 : index
      %get3A_2175 = tpu.vector_load %arg8[%get3A_2174] {strides = array<i32>} : memref<1040xi32, #tpu.memory_space<vmem>>, vector<16xi32>,
      %gt3A_2176 = arith.cmpi sgt, %get3A_2175, %select_n3A_2170 : vector<16xi32>
      %select_n3A_2177 = arith.select %gt3A_2176, %get3A_2175, %select_n3A_2170 : vector<16xi1>, vector<16xi32>
      %broadcast_in_dim3A_2178 = arith.constant 736 : i32
      %broadcast_in_dim3A_2179 = vector.broadcast %broadcast_in_dim3A_2178 : i32 to vector<16xi32>
      %select_n3A_2180 = arith.select %gt3A_2176, %broadcast_in_dim3A_2179, %select_n3A_2173 : vector<16xi1>, vector<16xi32>
      %get3A_2181 = arith.constant 752 : index
      %get3A_2182 = tpu.vector_load %arg8[%get3A_2181] {strides = array<i32>} : memref<1040xi32, #tpu.memory_space<vmem>>, vector<16xi32>,
      %gt3A_2183 = arith.cmpi sgt, %get3A_2182, %select_n3A_2177 : vector<16xi32>
      %select_n3A_2184 = arith.select %gt3A_2183, %get3A_2182, %select_n3A_2177 : vector<16xi1>, vector<16xi32>
      %broadcast_in_dim3A_2185 = arith.constant 752 : i32
      %broadcast_in_dim3A_2186 = vector.broadcast %broadcast_in_dim3A_2185 : i32 to vector<16xi32>
      %select_n3A_2187 = arith.select %gt3A_2183, %broadcast_in_dim3A_2186, %select_n3A_2180 : vector<16xi1>, vector<16xi32>
      %get3A_2188 = arith.constant 768 : index
      %get3A_2189 = tpu.vector_load %arg8[%get3A_2188] {strides = array<i32>} : memref<1040xi32, #tpu.memory_space<vmem>>, vector<16xi32>,
      %gt3A_2190 = arith.cmpi sgt, %get3A_2189, %select_n3A_2184 : vector<16xi32>
      %select_n3A_2191 = arith.select %gt3A_2190, %get3A_2189, %select_n3A_2184 : vector<16xi1>, vector<16xi32>
      %broadcast_in_dim3A_2192 = arith.constant 768 : i32
      %broadcast_in_dim3A_2193 = vector.broadcast %broadcast_in_dim3A_2192 : i32 to vector<16xi32>
      %select_n3A_2194 = arith.select %gt3A_2190, %broadcast_in_dim3A_2193, %select_n3A_2187 : vector<16xi1>, vector<16xi32>
      %get3A_2195 = arith.constant 784 : index
      %get3A_2196 = tpu.vector_load %arg8[%get3A_2195] {strides = array<i32>} : memref<1040xi32, #tpu.memory_space<vmem>>, vector<16xi32>,
      %gt3A_2197 = arith.cmpi sgt, %get3A_2196, %select_n3A_2191 : vector<16xi32>
      %select_n3A_2198 = arith.select %gt3A_2197, %get3A_2196, %select_n3A_2191 : vector<16xi1>, vector<16xi32>
      %broadcast_in_dim3A_2199 = arith.constant 784 : i32
      %broadcast_in_dim3A_2200 = vector.broadcast %broadcast_in_dim3A_2199 : i32 to vector<16xi32>
      %select_n3A_2201 = arith.select %gt3A_2197, %broadcast_in_dim3A_2200, %select_n3A_2194 : vector<16xi1>, vector<16xi32>
      %get3A_2202 = arith.constant 800 : index
      %get3A_2203 = tpu.vector_load %arg8[%get3A_2202] {strides = array<i32>} : memref<1040xi32, #tpu.memory_space<vmem>>, vector<16xi32>,
      %gt3A_2204 = arith.cmpi sgt, %get3A_2203, %select_n3A_2198 : vector<16xi32>
      %select_n3A_2205 = arith.select %gt3A_2204, %get3A_2203, %select_n3A_2198 : vector<16xi1>, vector<16xi32>
      %broadcast_in_dim3A_2206 = arith.constant 800 : i32
      %broadcast_in_dim3A_2207 = vector.broadcast %broadcast_in_dim3A_2206 : i32 to vector<16xi32>
      %select_n3A_2208 = arith.select %gt3A_2204, %broadcast_in_dim3A_2207, %select_n3A_2201 : vector<16xi1>, vector<16xi32>
      %get3A_2209 = arith.constant 816 : index
      %get3A_2210 = tpu.vector_load %arg8[%get3A_2209] {strides = array<i32>} : memref<1040xi32, #tpu.memory_space<vmem>>, vector<16xi32>,
      %gt3A_2211 = arith.cmpi sgt, %get3A_2210, %select_n3A_2205 : vector<16xi32>
      %select_n3A_2212 = arith.select %gt3A_2211, %get3A_2210, %select_n3A_2205 : vector<16xi1>, vector<16xi32>
      %broadcast_in_dim3A_2213 = arith.constant 816 : i32
      %broadcast_in_dim3A_2214 = vector.broadcast %broadcast_in_dim3A_2213 : i32 to vector<16xi32>
      %select_n3A_2215 = arith.select %gt3A_2211, %broadcast_in_dim3A_2214, %select_n3A_2208 : vector<16xi1>, vector<16xi32>
      %get3A_2216 = arith.constant 832 : index
      %get3A_2217 = tpu.vector_load %arg8[%get3A_2216] {strides = array<i32>} : memref<1040xi32, #tpu.memory_space<vmem>>, vector<16xi32>,
      %gt3A_2218 = arith.cmpi sgt, %get3A_2217, %select_n3A_2212 : vector<16xi32>
      %select_n3A_2219 = arith.select %gt3A_2218, %get3A_2217, %select_n3A_2212 : vector<16xi1>, vector<16xi32>
      %broadcast_in_dim3A_2220 = arith.constant 832 : i32
      %broadcast_in_dim3A_2221 = vector.broadcast %broadcast_in_dim3A_2220 : i32 to vector<16xi32>
      %select_n3A_2222 = arith.select %gt3A_2218, %broadcast_in_dim3A_2221, %select_n3A_2215 : vector<16xi1>, vector<16xi32>
      %get3A_2223 = arith.constant 848 : index
      %get3A_2224 = tpu.vector_load %arg8[%get3A_2223] {strides = array<i32>} : memref<1040xi32, #tpu.memory_space<vmem>>, vector<16xi32>,
      %gt3A_2225 = arith.cmpi sgt, %get3A_2224, %select_n3A_2219 : vector<16xi32>
      %select_n3A_2226 = arith.select %gt3A_2225, %get3A_2224, %select_n3A_2219 : vector<16xi1>, vector<16xi32>
      %broadcast_in_dim3A_2227 = arith.constant 848 : i32
      %broadcast_in_dim3A_2228 = vector.broadcast %broadcast_in_dim3A_2227 : i32 to vector<16xi32>
      %select_n3A_2229 = arith.select %gt3A_2225, %broadcast_in_dim3A_2228, %select_n3A_2222 : vector<16xi1>, vector<16xi32>
      %get3A_2230 = arith.constant 864 : index
      %get3A_2231 = tpu.vector_load %arg8[%get3A_2230] {strides = array<i32>} : memref<1040xi32, #tpu.memory_space<vmem>>, vector<16xi32>,
      %gt3A_2232 = arith.cmpi sgt, %get3A_2231, %select_n3A_2226 : vector<16xi32>
      %select_n3A_2233 = arith.select %gt3A_2232, %get3A_2231, %select_n3A_2226 : vector<16xi1>, vector<16xi32>
      %broadcast_in_dim3A_2234 = arith.constant 864 : i32
      %broadcast_in_dim3A_2235 = vector.broadcast %broadcast_in_dim3A_2234 : i32 to vector<16xi32>
      %select_n3A_2236 = arith.select %gt3A_2232, %broadcast_in_dim3A_2235, %select_n3A_2229 : vector<16xi1>, vector<16xi32>
      %get3A_2237 = arith.constant 880 : index
      %get3A_2238 = tpu.vector_load %arg8[%get3A_2237] {strides = array<i32>} : memref<1040xi32, #tpu.memory_space<vmem>>, vector<16xi32>,
      %gt3A_2239 = arith.cmpi sgt, %get3A_2238, %select_n3A_2233 : vector<16xi32>
      %select_n3A_2240 = arith.select %gt3A_2239, %get3A_2238, %select_n3A_2233 : vector<16xi1>, vector<16xi32>
      %broadcast_in_dim3A_2241 = arith.constant 880 : i32
      %broadcast_in_dim3A_2242 = vector.broadcast %broadcast_in_dim3A_2241 : i32 to vector<16xi32>
      %select_n3A_2243 = arith.select %gt3A_2239, %broadcast_in_dim3A_2242, %select_n3A_2236 : vector<16xi1>, vector<16xi32>
      %get3A_2244 = arith.constant 896 : index
      %get3A_2245 = tpu.vector_load %arg8[%get3A_2244] {strides = array<i32>} : memref<1040xi32, #tpu.memory_space<vmem>>, vector<16xi32>,
      %gt3A_2246 = arith.cmpi sgt, %get3A_2245, %select_n3A_2240 : vector<16xi32>
      %select_n3A_2247 = arith.select %gt3A_2246, %get3A_2245, %select_n3A_2240 : vector<16xi1>, vector<16xi32>
      %broadcast_in_dim3A_2248 = arith.constant 896 : i32
      %broadcast_in_dim3A_2249 = vector.broadcast %broadcast_in_dim3A_2248 : i32 to vector<16xi32>
      %select_n3A_2250 = arith.select %gt3A_2246, %broadcast_in_dim3A_2249, %select_n3A_2243 : vector<16xi1>, vector<16xi32>
      %get3A_2251 = arith.constant 912 : index
      %get3A_2252 = tpu.vector_load %arg8[%get3A_2251] {strides = array<i32>} : memref<1040xi32, #tpu.memory_space<vmem>>, vector<16xi32>,
      %gt3A_2253 = arith.cmpi sgt, %get3A_2252, %select_n3A_2247 : vector<16xi32>
      %select_n3A_2254 = arith.select %gt3A_2253, %get3A_2252, %select_n3A_2247 : vector<16xi1>, vector<16xi32>
      %broadcast_in_dim3A_2255 = arith.constant 912 : i32
      %broadcast_in_dim3A_2256 = vector.broadcast %broadcast_in_dim3A_2255 : i32 to vector<16xi32>
      %select_n3A_2257 = arith.select %gt3A_2253, %broadcast_in_dim3A_2256, %select_n3A_2250 : vector<16xi1>, vector<16xi32>
      %get3A_2258 = arith.constant 928 : index
      %get3A_2259 = tpu.vector_load %arg8[%get3A_2258] {strides = array<i32>} : memref<1040xi32, #tpu.memory_space<vmem>>, vector<16xi32>,
      %gt3A_2260 = arith.cmpi sgt, %get3A_2259, %select_n3A_2254 : vector<16xi32>
      %select_n3A_2261 = arith.select %gt3A_2260, %get3A_2259, %select_n3A_2254 : vector<16xi1>, vector<16xi32>
      %broadcast_in_dim3A_2262 = arith.constant 928 : i32
      %broadcast_in_dim3A_2263 = vector.broadcast %broadcast_in_dim3A_2262 : i32 to vector<16xi32>
      %select_n3A_2264 = arith.select %gt3A_2260, %broadcast_in_dim3A_2263, %select_n3A_2257 : vector<16xi1>, vector<16xi32>
      %get3A_2265 = arith.constant 944 : index
      %get3A_2266 = tpu.vector_load %arg8[%get3A_2265] {strides = array<i32>} : memref<1040xi32, #tpu.memory_space<vmem>>, vector<16xi32>,
      %gt3A_2267 = arith.cmpi sgt, %get3A_2266, %select_n3A_2261 : vector<16xi32>
      %select_n3A_2268 = arith.select %gt3A_2267, %get3A_2266, %select_n3A_2261 : vector<16xi1>, vector<16xi32>
      %broadcast_in_dim3A_2269 = arith.constant 944 : i32
      %broadcast_in_dim3A_2270 = vector.broadcast %broadcast_in_dim3A_2269 : i32 to vector<16xi32>
      %select_n3A_2271 = arith.select %gt3A_2267, %broadcast_in_dim3A_2270, %select_n3A_2264 : vector<16xi1>, vector<16xi32>
      %get3A_2272 = arith.constant 960 : index
      %get3A_2273 = tpu.vector_load %arg8[%get3A_2272] {strides = array<i32>} : memref<1040xi32, #tpu.memory_space<vmem>>, vector<16xi32>,
      %gt3A_2274 = arith.cmpi sgt, %get3A_2273, %select_n3A_2268 : vector<16xi32>
      %select_n3A_2275 = arith.select %gt3A_2274, %get3A_2273, %select_n3A_2268 : vector<16xi1>, vector<16xi32>
      %broadcast_in_dim3A_2276 = arith.constant 960 : i32
      %broadcast_in_dim3A_2277 = vector.broadcast %broadcast_in_dim3A_2276 : i32 to vector<16xi32>
      %select_n3A_2278 = arith.select %gt3A_2274, %broadcast_in_dim3A_2277, %select_n3A_2271 : vector<16xi1>, vector<16xi32>
      %get3A_2279 = arith.constant 976 : index
      %get3A_2280 = tpu.vector_load %arg8[%get3A_2279] {strides = array<i32>} : memref<1040xi32, #tpu.memory_space<vmem>>, vector<16xi32>,
      %gt3A_2281 = arith.cmpi sgt, %get3A_2280, %select_n3A_2275 : vector<16xi32>
      %select_n3A_2282 = arith.select %gt3A_2281, %get3A_2280, %select_n3A_2275 : vector<16xi1>, vector<16xi32>
      %broadcast_in_dim3A_2283 = arith.constant 976 : i32
      %broadcast_in_dim3A_2284 = vector.broadcast %broadcast_in_dim3A_2283 : i32 to vector<16xi32>
      %select_n3A_2285 = arith.select %gt3A_2281, %broadcast_in_dim3A_2284, %select_n3A_2278 : vector<16xi1>, vector<16xi32>
      %get3A_2286 = arith.constant 992 : index
      %get3A_2287 = tpu.vector_load %arg8[%get3A_2286] {strides = array<i32>} : memref<1040xi32, #tpu.memory_space<vmem>>, vector<16xi32>,
      %gt3A_2288 = arith.cmpi sgt, %get3A_2287, %select_n3A_2282 : vector<16xi32>
      %select_n3A_2289 = arith.select %gt3A_2288, %get3A_2287, %select_n3A_2282 : vector<16xi1>, vector<16xi32>
      %broadcast_in_dim3A_2290 = arith.constant 992 : i32
      %broadcast_in_dim3A_2291 = vector.broadcast %broadcast_in_dim3A_2290 : i32 to vector<16xi32>
      %select_n3A_2292 = arith.select %gt3A_2288, %broadcast_in_dim3A_2291, %select_n3A_2285 : vector<16xi1>, vector<16xi32>
      %get3A_2293 = arith.constant 1008 : index
      %get3A_2294 = tpu.vector_load %arg8[%get3A_2293] {strides = array<i32>} : memref<1040xi32, #tpu.memory_space<vmem>>, vector<16xi32>,
      %gt3A_2295 = arith.cmpi sgt, %get3A_2294, %select_n3A_2289 : vector<16xi32>
      %select_n3A_2296 = arith.select %gt3A_2295, %get3A_2294, %select_n3A_2289 : vector<16xi1>, vector<16xi32>
      %broadcast_in_dim3A_2297 = arith.constant 1008 : i32
      %broadcast_in_dim3A_2298 = vector.broadcast %broadcast_in_dim3A_2297 : i32 to vector<16xi32>
      %select_n3A_2299 = arith.select %gt3A_2295, %broadcast_in_dim3A_2298, %select_n3A_2292 : vector<16xi1>, vector<16xi32>
      %shift_right_logical3A_2300 = arith.constant 4 : i32
      %shift_right_logical3A_2301 = vector.broadcast %shift_right_logical3A_2300 : i32 to vector<16xi32>
      %shift_right_logical3A_2302 = arith.shrui %select_n3A_2299, %shift_right_logical3A_2301 : vector<16xi32>
      %add3A_2303 = arith.addi %mul3A_5, %shift_right_logical3A_2302 : vector<16xi32>
      tpu.vector_store_idx %arg9[%add3A_2303], %broadcast_in_dim3A_6 : memref<1024xi32, #tpu.memory_space<vmem>>[vector<16xi32>], vector<16xi32>,
      %mul3A_2304 = arith.constant 16 : i32
      %mul3A_2305 = arith.muli %add3A_1252, %mul3A_2304 : i32
      %add3A_2306 = arith.addi %mul3A_2, %mul3A_2305 : i32
      %mul3A_2307 = arith.constant 64 : i32
      %mul3A_2308 = arith.muli %add3A_2306, %mul3A_2307 : i32
      "tpu.region"() ({
        %run_scoped3A = tpu.sem_alloc : memref<!tpu.dma_semaphore, #tpu.memory_space<semaphore_mem>>
        %dma_start3A_2311 = tpu.memref_slice %arg4[%mul3A_2308] : memref<327680xi32, #tpu.memory_space<hbm>> -> memref<1024xi32, #tpu.memory_space<hbm>>
        %dma_start3A_2312 = tpu.memref_slice %arg4[%mul3A_2308] : memref<327680xi32, #tpu.memory_space<hbm>> -> memref<1024xi32, #tpu.memory_space<hbm>>
        tpu.enqueue_dma source(%arg9 : memref<1024xi32, #tpu.memory_space<vmem>>) target(%dma_start3A_2312 : memref<1024xi32, #tpu.memory_space<hbm>>) target_semaphore(%run_scoped3A : memref<!tpu.dma_semaphore, #tpu.memory_space<semaphore_mem>>)
        %dma_wait3A_2313 = tpu.memref_slice %arg4[%mul3A_2308] : memref<327680xi32, #tpu.memory_space<hbm>> -> memref<1024xi32, #tpu.memory_space<hbm>>
        %dma_wait3A_2314 = tpu.memref_slice %arg4[%mul3A_2308] : memref<327680xi32, #tpu.memory_space<hbm>> -> memref<1024xi32, #tpu.memory_space<hbm>>
        tpu.wait_dma2 semaphore(%run_scoped3A : memref<!tpu.dma_semaphore, #tpu.memory_space<semaphore_mem>>) src(%arg9 : memref<1024xi32, #tpu.memory_space<vmem>>) dst(%dma_wait3A_2314 : memref<1024xi32, #tpu.memory_space<hbm>>)
        tpu.yield
      }) : () -> ()
      %add3A_2309 = arith.addi %mul3A_5, %shift_right_logical3A_2302 : vector<16xi32>
      tpu.vector_store_idx %arg9[%add3A_2309], %broadcast_in_dim3A_8 : memref<1024xi32, #tpu.memory_space<vmem>>[vector<16xi32>], vector<16xi32>,
      %scan3A_2310 = arith.constant 0 : i32
      scf.yield %scan3A_2310 : i32
    }
    %scan3A_150 = arith.constant 5 : i32
    %add3A_151 = arith.constant 11264 : i32
    %add3A_152 = arith.addi %add3A_151, %mul3A_2 : i32
    %add3A_153 = arith.constant 0 : i32
    %add3A_154 = arith.addi %add3A_152, %add3A_153 : i32
    %dma_wait3A = arith.constant 0 : i32
    %dma_wait3A_155 = tpu.memref_slice %arg2[%add3A_154, %dma_wait3A] : memref<16384x2016xf32, #tpu.memory_space<hbm>> -> memref<16x2016xf32, #tpu.memory_space<hbm>>
    %dma_wait3A_156 = arith.constant 0 : i32
    %dma_wait3A_157 = tpu.memref_slice %arg2[%add3A_154, %dma_wait3A_156] : memref<16384x2016xf32, #tpu.memory_space<hbm>> -> memref<16x2016xf32, #tpu.memory_space<hbm>>
    tpu.wait_dma2 semaphore(%arg10 : memref<!tpu.dma_semaphore, #tpu.memory_space<semaphore_mem>>) src(%dma_wait3A_157 : memref<16x2016xf32, #tpu.memory_space<hbm>>) dst(%arg5 : memref<16x2016xf32, #tpu.memory_space<vmem>>)
    return
  }
}

module attributes {stable_mosaic.version = 14 : i64} {
  func.func @_tc_body(%arg0: i32, %arg1: memref<1024x2016xf32, #tpu.memory_space<vmem>>, %arg2: memref<2016x64xbf16, #tpu.memory_space<vmem>>, %arg3: memref<2016x64xbf16, #tpu.memory_space<vmem>>, %arg4: memref<1024x64xi32, #tpu.memory_space<vmem>>) attributes {dimension_semantics = [#tpu.dimension_semantics<arbitrary>], iteration_bounds = array<i64: 11>, scalar_prefetch = 0 : i64, scratch_operands = 0 : i64, tpu.core_type = #tpu.core_type<tc>, window_params = [{transform_indices = @transform_0, window_bounds = array<i64: 1024, 2016>}, {pipeline_mode = #tpu.pipeline_mode<synchronous>, transform_indices = @transform_1, window_bounds = array<i64: 2016, 64>}, {pipeline_mode = #tpu.pipeline_mode<synchronous>, transform_indices = @transform_2, window_bounds = array<i64: 2016, 64>}, {transform_indices = @transform_3, window_bounds = array<i64: 1024, 64>}]} {
    %get3A = arith.constant 0 : index
    %get3A_0 = arith.constant 0 : index
    %get3A_1 = vector.load %arg1[%get3A, %get3A_0] : memref<1024x2016xf32, #tpu.memory_space<vmem>>, vector<1024x2016xf32>
    %le3A = arith.constant 4.000000e-01 : f32
    %le3A_2 = vector.broadcast %le3A : f32 to vector<1024x2016xf32>
    %le3A_3 = arith.cmpf ole, %get3A_1, %le3A_2 : vector<1024x2016xf32>
    %convert_element_type3A = arith.extui %le3A_3 : vector<1024x2016xi1> to vector<1024x2016xi32>
    %convert_element_type3A_4 = arith.sitofp %convert_element_type3A : vector<1024x2016xi32> to vector<1024x2016xf32>
    %convert_element_type3A_5 = arith.truncf %convert_element_type3A_4 : vector<1024x2016xf32> to vector<1024x2016xbf16>
    %ge3A = arith.constant 6.000000e-01 : f32
    %ge3A_6 = vector.broadcast %ge3A : f32 to vector<1024x2016xf32>
    %ge3A_7 = arith.cmpf oge, %get3A_1, %ge3A_6 : vector<1024x2016xf32>
    %convert_element_type3A_8 = arith.extui %ge3A_7 : vector<1024x2016xi1> to vector<1024x2016xi32>
    %convert_element_type3A_9 = arith.sitofp %convert_element_type3A_8 : vector<1024x2016xi32> to vector<1024x2016xf32>
    %convert_element_type3A_10 = arith.truncf %convert_element_type3A_9 : vector<1024x2016xf32> to vector<1024x2016xbf16>
    %get3A_11 = arith.constant 0 : index
    %get3A_12 = arith.constant 0 : index
    %get3A_13 = vector.load %arg2[%get3A_11, %get3A_12] : memref<2016x64xbf16, #tpu.memory_space<vmem>>, vector<2016x64xbf16>
    %dot_general3A = arith.constant dense<0.000000e+00> : vector<1024x64xf32>
    %dot_general3A_14 = tpu.matmul %convert_element_type3A_5, %get3A_13, %dot_general3A {dimension_numbers = #tpu.dot_dimension_numbers<[1], [0], [0], [1], [0, 0, 1, 1], [], []>, transpose_lhs_hint = false} : vector<1024x2016xbf16>, vector<2016x64xbf16>, vector<1024x64xf32> -> vector<1024x64xf32>
    %get3A_15 = arith.constant 0 : index
    %get3A_16 = arith.constant 0 : index
    %get3A_17 = vector.load %arg3[%get3A_15, %get3A_16] : memref<2016x64xbf16, #tpu.memory_space<vmem>>, vector<2016x64xbf16>
    %dot_general3A_18 = arith.constant dense<0.000000e+00> : vector<1024x64xf32>
    %dot_general3A_19 = tpu.matmul %convert_element_type3A_10, %get3A_17, %dot_general3A_18 {dimension_numbers = #tpu.dot_dimension_numbers<[1], [0], [0], [1], [0, 0, 1, 1], [], []>, transpose_lhs_hint = false} : vector<1024x2016xbf16>, vector<2016x64xbf16>, vector<1024x64xf32> -> vector<1024x64xf32>
    %add3A = arith.addf %dot_general3A_14, %dot_general3A_19 : vector<1024x64xf32>
    %convert_element_type3A_20 = arith.fptosi %add3A : vector<1024x64xf32> to vector<1024x64xi32>
    %mul3A = arith.constant 64 : i32
    %mul3A_21 = vector.broadcast %mul3A : i32 to vector<1024x64xi32>
    %mul3A_22 = arith.muli %convert_element_type3A_20, %mul3A_21 : vector<1024x64xi32>
    %iota3A = tpu.iota {dimensions = array<i32: 1>} : vector<1024x64xi32>
    %sub3A = arith.constant 63 : i32
    %sub3A_23 = vector.broadcast %sub3A : i32 to vector<1024x64xi32>
    %sub3A_24 = arith.subi %sub3A_23, %iota3A : vector<1024x64xi32>
    %add3A_25 = arith.addi %mul3A_22, %sub3A_24 : vector<1024x64xi32>
    %reduce_max3A = arith.constant dense<-2147483648> : vector<1024xi32>
    %reduce_max3A_26 = vector.multi_reduction <maxsi>, %add3A_25, %reduce_max3A [1] : vector<1024x64xi32> to vector<1024xi32>
    %broadcast_in_dim3A = vector.shape_cast %reduce_max3A_26 : vector<1024xi32> to vector<1024x1xi32>
    %eq3A = vector.broadcast %broadcast_in_dim3A : vector<1024x1xi32> to vector<1024x64xi32>
    %eq3A_27 = arith.cmpi eq, %add3A_25, %eq3A : vector<1024x64xi32>
    %convert_element_type3A_28 = arith.extui %eq3A_27 : vector<1024x64xi1> to vector<1024x64xi32>
    %swap3A = arith.constant 0 : index
    %swap3A_29 = arith.constant 0 : index
    %swap3A_30 = vector.load %arg4[%swap3A, %swap3A_29] : memref<1024x64xi32, #tpu.memory_space<vmem>>, vector<1024x64xi32>
    tpu.vector_store %arg4[%swap3A, %swap3A_29], %convert_element_type3A_28 {strides = array<i32>} : memref<1024x64xi32, #tpu.memory_space<vmem>>, vector<1024x64xi32>,
    return
  }
  func.func @transform_0(%arg0: i32) -> (i32, i32) {
    %c0_i32 = arith.constant 0 : i32
    %c0_i32_0 = arith.constant 0 : i32
    return %arg0, %c0_i32 : i32, i32
  }
  func.func @transform_1(%arg0: i32) -> (i32, i32) {
    %c0_i32 = arith.constant 0 : i32
    %c0_i32_0 = arith.constant 0 : i32
    %c0_i32_1 = arith.constant 0 : i32
    return %c0_i32, %c0_i32_0 : i32, i32
  }
  func.func @transform_2(%arg0: i32) -> (i32, i32) {
    %c0_i32 = arith.constant 0 : i32
    %c0_i32_0 = arith.constant 0 : i32
    %c0_i32_1 = arith.constant 0 : i32
    return %c0_i32, %c0_i32_0 : i32, i32
  }
  func.func @transform_3(%arg0: i32) -> (i32, i32) {
    %c0_i32 = arith.constant 0 : i32
    %c0_i32_0 = arith.constant 0 : i32
    return %arg0, %c0_i32 : i32, i32
  }
}

</mosaic_0001>

<sc_bundles>
// kernel: kernel.4.cloned.1.call-start
scs
__scs_entry_jumppad:
0x0: {  	(pc) =	sbr.rel $0x88, $3  }
0x1: {  	(tag) =	ssettag $0x0;
	lr =	simm.s32 $0x1  }
0x2: {  	[smem:$0x3F9F] =	sst lr;
	_ =	strace $0xD0000000  }
0x3: {  	_ = 	snop  }
0x4: {  	_ = 	snop  }
0x5: {  	_ = 	snop  }
0x6: {  	_ = 	snop  }
0x7: {  	_ = 	snop  }
__scs_overlays_trampoline_lowered:
0x8: {  	[smem:$0x3FAE] =	sst s0  }
0x9: {  	[smem:$0x3FAF] =	sst s1  }
0xa: {  	[smem:$0x3FB0] =	sst s2  }
0xb: {  	[smem:$0x3FB1] =	sst s3  }
0xc: {  	[smem:$0x3FB2] =	sst s4  }
0xd: {  	[smem:$0x3FB3] =	sst s5  }
0xe: {  	[smem:$0x3FB4] =	sst s6  }
0xf: {  	[smem:$0x3FB5] =	sst s7  }
0x10: {  	[smem:$0x3FB6] =	sst s8  }
0x11: {  	[smem:$0x3FB7] =	sst s9;
	s0 =	simm.s32 @!p0 $0x0  }
0x12: {  	s1 =	sld [smem:$0x3F9D];
	s0 =	simm.s32 @p0 $0x1  }
0x13: {  	[smem:$0x3FB8] =	sst s0;
	s0 =	simm.s32 @!p1 $0x0  }
0x14: {  	s2 =	sld [smem:$0x3F9C];
	s0 =	simm.s32 @p1 $0x1  }
0x15: {  	[smem:$0x3FB9] =	sst s0;
	s0 =	simm.s32 @!p2 $0x0  }
0x16: {  	s3 =	sld [smem:$0x3FDB];
	s0 =	simm.s32 @p2 $0x1  }
0x17: {  	s4 =	simm.s32 $0x1BF5;
	[smem:$0x3FBB] =	sst s0  }
0x18: {  	s0 =	sld [smem:$0x3F9E];
	_ =	swait.ge [sflag:s4], $0x0  }
0x19: {  	s7 =	sld [smem:$0x3F9F]  }
0x1a: {  	s8 =	sadd.s32 $0xFFFFE003, lr  }
0x1b: {  	s9 =	sadd.s32 $0xFFFFFEF7, lr;
	s5 =	simm.s32 $0xFFFFFFFF;
	p2 =	slt.u32 s8, $0xFFFFF086  }
0x1c: {  	p1 =	slt.u32 s9, $0xF7A;
	s5 =	simm.s32 @!p2 $0x0  }
0x1d: {  	s5 =	simm.s32 @p1 $0x1;
	p0 =	seq.s32 s7, s2  }
0x1e: {  	s7 =	smul.u32 @!p0 $0xF7A, s2;
	p2 =	seq.s32 @!p0 s5, $0x0  }
0x1f: {  	s9 =	smul.u32 $0xF7A, s1;
	s8 =	simm.s32 @!p0 $0x1BF5;
	p2 =	por !p2, p0  }
0x20: {  	[sflag:s8] =	ssyncset.s32 @!p0 $0xFFFFF086;
	s6 =	sadd.s32 @!p0 s3, s7;
	s7 =	simm.s32 @!p0 $0x108  }
0x21: {  	s3 =	sadd.s32 s3, s9;
	s6 =	sadd.s32 @!p0 $0x88, s6;
	s7 =	simm.s32 @p2 $0x1082  }
0x22: {  	[simem:s7], [sflag:s8] =	dma.local @!p0 [hbm:s6], $0xF7A  }
0x23: {  	s9 =	sor.u32 $0xD0000000, s2;
	s6 =	simm.s32 $0x108;
	_ =	swait.ge @!p0 [sflag:s8], $0x0  }
0x24: {  	s3 =	sadd.s32 $0x88, s3;
	s6 =	simm.s32 @!p1 $0x1082;
	[sflag:s4] =	ssyncset.s32 $0xFFFFF086  }
0x25: {  	[simem:s6], [sflag:s4] =	dma.local [hbm:s3], $0xF7A  }
0x26: {  	[smem:$0x3F9F] =	sst s1;
	(tag) =	ssettag s2;
	_ =	strace s9  }
0x27: {  	s1 =	sld [smem:$0x3FAF]  }
0x28: {  	s2 =	sld [smem:$0x3FB0]  }
0x29: {  	s4 =	sld [smem:$0x3FB2]  }
0x2a: {  	p0 =	seq.s32 s5, $0x0;
	s5 =	sld [smem:$0x3FB3]  }
0x2b: {  	s6 =	sld [smem:$0x3FB4]  }
0x2c: {  	s7 =	sld [smem:$0x3FB5]  }
0x2d: {  	s3 =	simm.s32 $0x108;
	s8 =	sld [smem:$0x3FB6]  }
0x2e: {  	s3 =	simm.s32 @!p0 $0x1082;
	s9 =	sld [smem:$0x3FB7]  }
0x2f: {  	lr =	sadd.s32 s0, s3;
	s0 =	sld [smem:$0x3FAE]  }
0x30: {  	s3 =	sld [smem:$0x3FB1]  }
0x31: {  	[smem:$0x3FBA] =	sst s10  }
0x32: {  	s10 =	sld [smem:$0x3FB8];
	_ =	sdelay $0x3  }
0x33: {  	p0 =	seq.s32 s10, $0x1;
	s10 =	sld [smem:$0x3FBA];
	_ =	sdelay $0x3  }
0x34: {  	[smem:$0x3FBA] =	sst s10  }
0x35: {  	s10 =	sld [smem:$0x3FB9];
	_ =	sdelay $0x3  }
0x36: {  	p1 =	seq.s32 s10, $0x1;
	s10 =	sld [smem:$0x3FBA];
	_ =	sdelay $0x3  }
0x37: {  	[smem:$0x3FBA] =	sst s10  }
0x38: {  	s10 =	sld [smem:$0x3FBB]  }
0x39: {  	_ = 	snop;
	(pc) =	sbr.ind lr, $3  }
0x3a: {  	_ = 	snop  }
0x3b: {  	_ = 	snop  }
0x3c: {  	p2 =	seq.s32 s10, $0x1;
	s10 =	sld [smem:$0x3FBA]  }
0x3d: {  	_ =	shalt  }
0x3e: {  	_ =	shalt  }
0x3f: {  	_ =	shalt  }
0x40: {  	_ =	shalt  }
0x41: {  	_ =	shalt  }
0x42: {  	_ =	shalt  }
0x43: {  	_ =	shalt  }
0x44: {  	_ =	shalt  }
0x45: {  	_ =	shalt  }
0x46: {  	_ =	shalt  }
0x47: {  	_ =	shalt  }
0x48: {  	_ =	shalt  }
0x49: {  	_ =	shalt  }
0x4a: {  	_ =	shalt  }
0x4b: {  	_ =	shalt  }
0x4c: {  	_ =	shalt  }
0x4d: {  	_ =	shalt  }
0x4e: {  	_ =	shalt  }
0x4f: {  	_ =	shalt  }
0x50: {  	_ =	shalt  }
0x51: {  	_ =	shalt  }
0x52: {  	_ =	shalt  }
0x53: {  	_ =	shalt  }
0x54: {  	_ =	shalt  }
0x55: {  	_ =	shalt  }
0x56: {  	_ =	shalt  }
0x57: {  	_ =	shalt  }
0x58: {  	_ =	shalt  }
0x59: {  	_ =	shalt  }
0x5a: {  	_ =	shalt  }
0x5b: {  	_ =	shalt  }
0x5c: {  	_ =	shalt  }
0x5d: {  	_ =	shalt  }
0x5e: {  	_ =	shalt  }
0x5f: {  	_ =	shalt  }
0x60: {  	_ =	shalt  }
0x61: {  	_ =	shalt  }
0x62: {  	_ =	shalt  }
0x63: {  	_ =	shalt  }
0x64: {  	_ =	shalt  }
0x65: {  	_ =	shalt  }
0x66: {  	_ =	shalt  }
0x67: {  	_ =	shalt  }
0x68: {  	_ =	shalt  }
0x69: {  	_ =	shalt  }
0x6a: {  	_ =	shalt  }
0x6b: {  	_ =	shalt  }
0x6c: {  	_ =	shalt  }
0x6d: {  	_ =	shalt  }
0x6e: {  	_ =	shalt  }
0x6f: {  	_ =	shalt  }
0x70: {  	_ =	shalt  }
0x71: {  	_ =	shalt  }
0x72: {  	_ =	shalt  }
0x73: {  	_ =	shalt  }
0x74: {  	_ =	shalt  }
0x75: {  	_ =	shalt  }
0x76: {  	_ =	shalt  }
0x77: {  	_ =	shalt  }
0x78: {  	_ =	shalt  }
0x79: {  	_ =	shalt  }
0x7a: {  	_ =	shalt  }
0x7b: {  	_ =	shalt  }
0x7c: {  	_ =	shalt  }
0x7d: {  	_ =	shalt  }
0x7e: {  	_ =	shalt  }
0x7f: {  	_ =	shalt  }
0x80: {  	_ =	shalt  }
0x81: {  	_ =	shalt  }
0x82: {  	_ =	shalt  }
0x83: {  	_ =	shalt  }
0x84: {  	_ =	shalt  }
0x85: {  	_ =	shalt  }
0x86: {  	_ =	shalt  }
0x87: {  	_ =	shalt  }
.Lfunc_end0:
.L_simem_size_0:
called_computation_lowered:
.L_overlay_start_0:
0x88: {  	s2 =	sld [smem:$0x3FD9]  }
0x89: {  	s3 =	sld [smem:$0x3FFE];
	_ =	sdelay $0x1  }
0x8a: {  	s1 =	srdreg.scid  }
0x8b: {  	s0 =	sand.u32 $0x1, s1  }
0x8c: {  	s17 =	sshll.u32 s0, $0xA;
	s2 =	sadd.s32 s3, s2  }
0x8d: {  	s2 =	sadd.s32 s2, s17  }
0x8e: {  	[smem:$0x3FC6] =	sst s2  }
0x8f: {  	_ = 	snop  }
0x90: {  	s2 =	sld [smem:$0x3FD0];
	(tm) =	ssettm $0x1  }
0x91: {  	s18 =	sld [smem:$0x3FFB];
	_ =	sdelay $0x3  }
0x92: {  	_ =	strace s18  }
0x93: {  	s3 =	sld [smem:$0x3FFC];
	_ =	sdelay $0x3  }
0x94: {  	_ =	strace s3  }
0x95: {  	s3 =	sld [smem:$0x3FFD];
	_ =	sdelay $0x3  }
0x96: {  	_ =	strace s3  }
0x97: {  	_ =	strace $0x8FFFFFFF  }
0x98: {  	s19 =	sld [smem:$0x3FDB];
	_ =	sdelay $0x1  }
0x99: {  	s4 =	simm.s32 $_scs_section_size  }
0x9a: {  	s5 =	simm.s32 $_size__tile_overlayer_lowered;
	s6 =	simm.s32 $_tile_overlayer_lowered  }
0x9b: {  	s22 =	simm.s32 $0x1BFF;
	s21 =	sshll.u32 s6, $0x1;
	s3 =	sadd.s32 s4, s19  }
0x9c: {  	s7 =	simm.s32 $0x0;
	s20 =	sshll.u32 s5, $0x1;
	s5 =	sadd.s32 s21, s3  }
0x9d: {  	[timem:s7], [sflag:s22] =	dma.local [hbm:s5], s20  }
0x9e: {  	_ =	swait.ge [sflag:s22], s20  }
0x9f: {  	s4 =	ssub.s32 $0x0, s20;
	[sflag:s22] =	ssyncset.done $0x0  }
0xa0: {  	[sflag:s22] =	ssyncadd.s32 s4;
	_ =	sdelay $0x1  }
0xa1: {  	s23 =	simm.s32 $0x1B8B  }
0xa2: {  	_ =	swait.ge [sflag:s23], $0x1  }
0xa3: {  	[sflag:s23] =	ssyncset.done $0x0  }
0xa4: {  	s25 =	simm.s32 $0x1B8E;
	s24 =	sld [smem:$0x3FFE];
	[sflag:s23] =	ssyncadd.s32 $0xFFFFFFFF  }
0xa5: {  	s26 =	simm.s32 $execute0_lowered;
	[smem:$0x3FD2] =	sst s25  }
0xa6: {  	s5 =	sshll.u32 s26, $0x1;
	_ =	strace $0x80000046;
	[dreg:$0x1] =	wrdreg $0xFFFFFFFF  }
0xa7: {  	s28 =	simm.s32 $_size_execute0_lowered;
	s3 =	sadd.s32 s3, s5;
	[dreg:$0x0] =	wrdreg $0x0  }
0xa8: {  	s5 =	sshll.u32 s28, $0x1;
	[dreg:$0x2] =	wrdreg s3  }
0xa9: {  	[dreg:$0x3] =	wrdreg s5  }
0xaa: {  	[dreg:$0x4] =	wrdreg $0xC0  }
0xab: {  	_ =	task [dreg:s7], $0x5FFFF  }
0xac: {  	[dreg:$0x1] =	wrdreg $0xFFFFFFFF  }
0xad: {  	[dreg:$0x0] =	wrdreg $0x60  }
0xae: {  	[dreg:$0x2] =	wrdreg s24  }
0xaf: {  	[dreg:$0x3] =	wrdreg s2  }
0xb0: {  	[dreg:$0x4] =	wrdreg $0x9  }
0xb1: {  	_ =	task.clear_ibuf [dreg:s7], $0x5FFFF;
	_ =	strace $0x90000046  }
0xb2: {  	s29 =	simm.s32 $0x9;
	_ =	strace $0x80000048  }
0xb3: {  	_ =	swait.ge [sflag:s29], $0x1  }
0xb4: {  	[sflag:s29] =	ssyncadd.s32 $0xFFFFFFFF  }
0xb5: {  	_ =	strace $0x90000048  }
0xb6: {  	_ =	sfence  }
0xb7: {  	s30 =	sld [smem:$0x0];
	_ =	sdelay $0x2  }
0xb8: {  	s31 =	sshll.u32 s1, $0xD;
	s1 =	sshrl.u32 s1, $0x2  }
0xb9: {  	s3 =	sand.u32 $0x4000, s31;
	s1 =	sadd.s32 s1, s30  }
0xba: {  	s0 =	sor.u32 s3, s0;
	s1 =	sshll.u32 s1, $0x11  }
0xbb: {  	s0 =	sor.u32 s1, s0  }
0xbc: {  	s0 =	sadd.s32 $0x8F2B, s0  }
0xbd: {  	[sflag:s0] =	ssyncadd.remote.s32 $0x1  }
0xbe: {  	_ =	sfence.sel $0xFFFF  }
0xbf: {  	[dreg:$0x0] =	wrdreg $0xFFFFFFFF;
	(pc) =	sbr.abs _section_cstart, $3  }
0xc0: {  	[dreg:$0x1] =	wrdreg $0xFFFFFFFF  }
0xc1: {  	_ =	task.clear_ibuf [dreg:s7], $0x2FFFF;
	_ =	strace $0x9FFFFFFF  }
0xc2: {  	(tm) =	ssettm $0x7FFFFFFF  }
0xc3: {  	_ =	shalt  }
tec
execute0_lowered:
.L_overlay_start_1:
0x0: {  	(tag) =	ssettag $0x1  }
0x1: {  	vm13 =	vcmask $0x300;
	v3 =	vimm.s32 $0x7FDF  }
0x2: {  	vm14 =	vcmask $0x704;
	v3 =	vsel vm13, $0x3C50, v3  }
0x3: {  	vm11 =	vcmask $0xB08;
	v3 =	vsel vm14, $0x3CD1, v3  }
0x4: {  	vm12 =	vcmask $0xF0C;
	v3 =	vsel vm11, $0x3D52, v3  }
0x5: {  	vm10 =	vcmask $0x1310;
	v3 =	vsel vm12, $0x3DD3, v3  }
0x6: {  	vm9 =	vcmask $0x1714;
	v3 =	vsel vm10, $0x3E54, v3  }
0x7: {  	vm8 =	vcmask $0x1B18;
	v3 =	vsel vm9, $0x3ED5, v3  }
0x8: {  	vm7 =	vcmask $0x1F1C;
	v3 =	vsel vm8, $0x3F56, v3  }
0x9: {  	vm6 =	vcmask $0x2320;
	v3 =	vsel vm7, $0x3FD7, v3  }
0xa: {  	vm5 =	vcmask $0x2724;
	v3 =	vsel vm6, $0x7C58, v3  }
0xb: {  	vm4 =	vcmask $0x2B28;
	v3 =	vsel vm5, $0x7CD9, v3  }
0xc: {  	vm3 =	vcmask $0x2F2C;
	v3 =	vsel vm4, $0x7D5A, v3  }
0xd: {  	v4 =	vimm.s32 $0x4380;
	vm2 =	vcmask $0x3330;
	v5 =	vsel vm3, $0x7DDB, v3  }
0xe: {  	vm1 =	vcmask $0x3734;
	vm0 =	vcmask $0x3B38;
	v5 =	vsel vm2, $0x7E5C, v5  }
0xf: {  	v2 =	vsel vm13, $0x0, v4;
	v4 =	vsel vm13, $0x3C51, v4;
	v5 =	vsel vm1, $0x7EDD, v5  }
0x10: {  	v4 =	vsel vm14, $0x3CD2, v4;
	v42 =	vsel vm0, $0x7F5E, v5;
	v5 =	vimm.s32 $0x4381  }
0x11: {  	v4 =	vsel vm11, $0x3D53, v4;
	v5 =	vsel vm13, $0x3C52, v5  }
0x12: {  	v6 =	vimm.s32 $0x4382;
	v4 =	vsel vm12, $0x3DD4, v4;
	v5 =	vsel vm14, $0x3CD3, v5  }
0x13: {  	v6 =	vsel vm13, $0x3C53, v6;
	v4 =	vsel vm10, $0x3E55, v4;
	v5 =	vsel vm11, $0x3D54, v5  }
0x14: {  	v6 =	vsel vm14, $0x3CD4, v6;
	v4 =	vsel vm9, $0x3ED6, v4;
	v5 =	vsel vm12, $0x3DD5, v5  }
0x15: {  	v6 =	vsel vm11, $0x3D55, v6;
	v4 =	vsel vm8, $0x3F57, v4;
	v5 =	vsel vm10, $0x3E56, v5  }
0x16: {  	v6 =	vsel vm12, $0x3DD6, v6;
	v4 =	vsel vm7, $0x3FD8, v4;
	v5 =	vsel vm9, $0x3ED7, v5  }
0x17: {  	v6 =	vsel vm10, $0x3E57, v6;
	v4 =	vsel vm6, $0x7C59, v4;
	v5 =	vsel vm8, $0x3F58, v5  }
0x18: {  	v6 =	vsel vm9, $0x3ED8, v6;
	v4 =	vsel vm5, $0x7CDA, v4;
	v5 =	vsel vm7, $0x3FD9, v5  }
0x19: {  	v6 =	vsel vm8, $0x3F59, v6;
	v4 =	vsel vm4, $0x7D5B, v4;
	v5 =	vsel vm6, $0x7C5A, v5  }
0x1a: {  	v6 =	vsel vm7, $0x3FDA, v6;
	v4 =	vsel vm3, $0x7DDC, v4;
	v5 =	vsel vm5, $0x7CDB, v5  }
0x1b: {  	v6 =	vsel vm6, $0x7C5B, v6;
	v4 =	vsel vm2, $0x7E5D, v4;
	v5 =	vsel vm4, $0x7D5C, v5  }
0x1c: {  	v6 =	vsel vm5, $0x7CDC, v6;
	v4 =	vsel vm1, $0x7EDE, v4;
	v5 =	vsel vm3, $0x7DDD, v5  }
0x1d: {  	v44 =	vsel vm0, $0x7F5F, v4;
	v4 =	vsel vm2, $0x7E5E, v5;
	v5 =	vsel vm4, $0x7D5D, v6  }
0x1e: {  	v4 =	vsel vm1, $0x7EDF, v4;
	v5 =	vsel vm3, $0x7DDE, v5  }
0x1f: {  	v46 =	vsel vm0, $0x4300, v4;
	v4 =	vsel vm2, $0x7E5F, v5;
	v5 =	vimm.s32 $0x4383  }
0x20: {  	v4 =	vsel vm1, $0x4280, v4;
	v5 =	vsel vm13, $0x3C54, v5  }
0x21: {  	v48 =	vsel vm0, $0x4301, v4;
	v4 =	vsel vm14, $0x3CD5, v5;
	v5 =	vimm.s32 $0x4384  }
0x22: {  	v4 =	vsel vm11, $0x3D56, v4;
	v5 =	vsel vm13, $0x3C55, v5  }
0x23: {  	v35 =	vimm.s32 $0x4385;
	v4 =	vsel vm12, $0x3DD7, v4;
	v5 =	vsel vm14, $0x3CD6, v5  }
0x24: {  	v6 =	vsel vm13, $0x3C56, v35;
	v4 =	vsel vm10, $0x3E58, v4;
	v5 =	vsel vm11, $0x3D57, v5  }
0x25: {  	v6 =	vsel vm14, $0x3CD7, v6;
	v4 =	vsel vm9, $0x3ED9, v4;
	v5 =	vsel vm12, $0x3DD8, v5  }
0x26: {  	v6 =	vsel vm11, $0x3D58, v6;
	v4 =	vsel vm8, $0x3F5A, v4;
	v5 =	vsel vm10, $0x3E59, v5  }
0x27: {  	v6 =	vsel vm12, $0x3DD9, v6;
	v4 =	vsel vm7, $0x3FDB, v4;
	v5 =	vsel vm9, $0x3EDA, v5  }
0x28: {  	v6 =	vsel vm10, $0x3E5A, v6;
	v4 =	vsel vm6, $0x7C5C, v4;
	v5 =	vsel vm8, $0x3F5B, v5  }
0x29: {  	v6 =	vsel vm9, $0x3EDB, v6;
	v4 =	vsel vm5, $0x7CDD, v4;
	v5 =	vsel vm7, $0x3FDC, v5  }
0x2a: {  	v6 =	vsel vm8, $0x3F5C, v6;
	v4 =	vsel vm4, $0x7D5E, v4;
	v5 =	vsel vm6, $0x7C5D, v5  }
0x2b: {  	v6 =	vsel vm7, $0x3FDD, v6;
	v4 =	vsel vm3, $0x7DDF, v4;
	v5 =	vsel vm5, $0x7CDE, v5  }
0x2c: {  	v6 =	vsel vm6, $0x7C5E, v6;
	v4 =	vsel vm2, $0x4200, v4;
	v5 =	vsel vm4, $0x7D5F, v5  }
0x2d: {  	v6 =	vsel vm5, $0x7CDF, v6;
	v4 =	vsel vm1, $0x4281, v4;
	v5 =	vsel vm3, $0x4180, v5  }
0x2e: {  	v50 =	vsel vm0, $0x4302, v4;
	v4 =	vsel vm2, $0x4201, v5;
	v5 =	vsel vm4, $0x4100, v6  }
0x2f: {  	v4 =	vsel vm1, $0x4282, v4;
	v5 =	vsel vm3, $0x4181, v5  }
0x30: {  	v52 =	vsel vm0, $0x4303, v4;
	v4 =	vsel vm2, $0x4202, v5;
	v5 =	vimm.s32 $0x4386  }
0x31: {  	v4 =	vsel vm1, $0x4283, v4;
	v5 =	vsel vm13, $0x3C57, v5  }
0x32: {  	v54 =	vsel vm0, $0x4304, v4;
	v4 =	vsel vm14, $0x3CD8, v5;
	v5 =	vimm.s32 $0x4387  }
0x33: {  	v4 =	vsel vm11, $0x3D59, v4;
	v5 =	vsel vm13, $0x3C58, v5  }
0x34: {  	v36 =	vimm.s32 $0x4388;
	v4 =	vsel vm12, $0x3DDA, v4;
	v5 =	vsel vm14, $0x3CD9, v5  }
0x35: {  	v6 =	vsel vm13, $0x3C59, v36;
	v4 =	vsel vm10, $0x3E5B, v4;
	v5 =	vsel vm11, $0x3D5A, v5  }
0x36: {  	v6 =	vsel vm14, $0x3CDA, v6;
	v4 =	vsel vm9, $0x3EDC, v4;
	v5 =	vsel vm12, $0x3DDB, v5  }
0x37: {  	v6 =	vsel vm11, $0x3D5B, v6;
	v4 =	vsel vm8, $0x3F5D, v4;
	v5 =	vsel vm10, $0x3E5C, v5  }
0x38: {  	v6 =	vsel vm12, $0x3DDC, v6;
	v4 =	vsel vm7, $0x3FDE, v4;
	v5 =	vsel vm9, $0x3EDD, v5  }
0x39: {  	v6 =	vsel vm10, $0x3E5D, v6;
	v4 =	vsel vm6, $0x7C5F, v4;
	v5 =	vsel vm8, $0x3F5E, v5  }
0x3a: {  	v6 =	vsel vm9, $0x3EDE, v6;
	v4 =	vsel vm5, $0x4080, v4;
	v5 =	vsel vm7, $0x3FDF, v5  }
0x3b: {  	v6 =	vsel vm8, $0x3F5F, v6;
	v4 =	vsel vm4, $0x4101, v4;
	v5 =	vsel vm6, $0x4000, v5  }
0x3c: {  	v6 =	vsel vm7, $0x380, v6;
	v4 =	vsel vm3, $0x4182, v4;
	v5 =	vsel vm5, $0x4081, v5  }
0x3d: {  	v6 =	vsel vm6, $0x4001, v6;
	v4 =	vsel vm2, $0x4203, v4;
	v5 =	vsel vm4, $0x4102, v5  }
0x3e: {  	v6 =	vsel vm5, $0x4082, v6;
	v4 =	vsel vm1, $0x4284, v4;
	v5 =	vsel vm3, $0x4183, v5  }
0x3f: {  	v56 =	vsel vm0, $0x4305, v4;
	v4 =	vsel vm2, $0x4204, v5;
	v5 =	vsel vm4, $0x4103, v6  }
0x40: {  	v4 =	vsel vm1, $0x4285, v4;
	v5 =	vsel vm3, $0x4184, v5  }
0x41: {  	v58 =	vsel vm0, $0x4306, v4;
	v4 =	vsel vm2, $0x4205, v5;
	v5 =	vimm.s32 $0x4389  }
0x42: {  	v4 =	vsel vm1, $0x4286, v4;
	v5 =	vsel vm13, $0x3C5A, v5  }
0x43: {  	v60 =	vsel vm0, $0x4307, v4;
	v4 =	vsel vm14, $0x3CDB, v5;
	v5 =	vimm.s32 $0x438A  }
0x44: {  	v4 =	vsel vm11, $0x3D5C, v4;
	v5 =	vsel vm13, $0x3C5B, v5  }
0x45: {  	v4 =	vsel vm12, $0x3DDD, v4;
	v5 =	vsel vm14, $0x3CDC, v5  }
0x46: {  	v37 =	vimm.s32 $0x438B;
	v4 =	vsel vm10, $0x3E5E, v4;
	v5 =	vsel vm11, $0x3D5D, v5  }
0x47: {  	v6 =	vsel vm13, $0x3C5C, v37;
	v4 =	vsel vm9, $0x3EDF, v4;
	v5 =	vsel vm12, $0x3DDE, v5  }
0x48: {  	v6 =	vsel vm14, $0x3CDD, v6;
	v4 =	vsel vm8, $0x300, v4;
	v5 =	vsel vm10, $0x3E5F, v5  }
0x49: {  	v6 =	vsel vm11, $0x3D5E, v6;
	v4 =	vsel vm7, $0x381, v4;
	v5 =	vsel vm9, $0x280, v5  }
0x4a: {  	v6 =	vsel vm12, $0x3DDF, v6;
	v4 =	vsel vm6, $0x4002, v4;
	v5 =	vsel vm8, $0x301, v5  }
0x4b: {  	v6 =	vsel vm10, $0x200, v6;
	v4 =	vsel vm5, $0x4083, v4;
	v5 =	vsel vm7, $0x382, v5  }
0x4c: {  	v6 =	vsel vm9, $0x281, v6;
	v4 =	vsel vm4, $0x4104, v4;
	v5 =	vsel vm6, $0x4003, v5  }
0x4d: {  	v6 =	vsel vm8, $0x302, v6;
	v4 =	vsel vm3, $0x4185, v4;
	v5 =	vsel vm5, $0x4084, v5  }
0x4e: {  	v6 =	vsel vm7, $0x383, v6;
	v4 =	vsel vm2, $0x4206, v4;
	v5 =	vsel vm4, $0x4105, v5  }
0x4f: {  	v6 =	vsel vm6, $0x4004, v6;
	v4 =	vsel vm1, $0x4287, v4;
	v5 =	vsel vm3, $0x4186, v5  }
0x50: {  	v6 =	vsel vm5, $0x4085, v6;
	v62 =	vsel vm0, $0x4308, v4;
	v4 =	vsel vm2, $0x4207, v5  }
0x51: {  	v5 =	vsel vm4, $0x4106, v6;
	v4 =	vsel vm1, $0x4288, v4  }
0x52: {  	v5 =	vsel vm3, $0x4187, v5;
	v4 =	vsel vm0, $0x4309, v4  }
0x53: {  	v1 =	vlaneseq.u32;
	[tilespmem:$0x1FDD0] =	vst v4;
	v4 =	vsel vm2, $0x4208, v5  }
0x54: {  	v38 =	vadd.s32 $0x7DC, v1;
	v4 =	vsel vm1, $0x4289, v4  }
0x55: {  	s7 =	rddreg [dreg:$0x0];
	[tilespmem:$0x1FDE0] =	vst v38;
	v4 =	vsel vm0, $0x430A, v4  }
0x56: {  	s2 =	rddreg [dreg:$0x1];
	s3 =	simm.s32 $0x0;
	[tilespmem:$0x1FDF0] =	vst v4;
	v4 =	vadd.s32 $0x7DD, v1  }
0x57: {  	s1 =	srdreg.scid;
	[smem:$0x7FF] =	sst s3;
	v40 =	vadd.s32 $0x7DE, v1;
	[tilespmem:$0x1FE00] =	vst v4  }
0x58: {  	v41 =	vor.u32 $0x7D0, v1;
	s8 =	sand.u32 $0x1, s1;
	s1 =	rddreg [dreg:$0x2];
	_ =	strace $0x80000047;
	[tilespmem:$0x1FE20] =	vst v40  }
0x59: {  	[tilespmem:$0x1FE90] =	vst v41  }
0x5a: {  	v43 =	vadd.s32 $0x7D1, v1;
	[tilespmem:$0x1FEA0] =	vst v42  }
0x5b: {  	v39 =	vimm.s32 $0x438E;
	v45 =	vadd.s32 $0x7D2, v1;
	[tilespmem:$0x1FEB0] =	vst v43  }
0x5c: {  	v47 =	vadd.s32 $0x7D3, v1;
	v49 =	vadd.s32 $0x7D4, v1;
	v51 =	vadd.s32 $0x7D5, v1;
	[tilespmem:$0x1FEC0] =	vst v44  }
0x5d: {  	v53 =	vadd.s32 $0x7D6, v1;
	v55 =	vadd.s32 $0x7D7, v1;
	v5 =	vimm.s32 $0x438C;
	[tilespmem:$0x1FED0] =	vst v45  }
0x5e: {  	v57 =	vadd.s32 $0x7D8, v1;
	v59 =	vadd.s32 $0x7D9, v1;
	v5 =	vsel vm13, $0x3C5D, v5;
	[tilespmem:$0x1FEE0] =	vst v46  }
0x5f: {  	v61 =	vadd.s32 $0x7DA, v1;
	v63 =	vadd.s32 $0x7DB, v1;
	v4 =	vsel vm14, $0x3CDE, v5;
	[tilespmem:$0x1FEF0] =	vst v47  }
0x60: {  	v33 =	vmul.u32 $0x40, v1;
	v2 =	vsel vm14, $0x80, v2;
	v4 =	vsel vm11, $0x3D5F, v4;
	[tilespmem:$0x1FF00] =	vst v48  }
0x61: {  	v2 =	vsel vm11, $0x100, v2;
	v5 =	vimm.s32 $0x438D;
	[tilespmem:$0x1FF10] =	vst v49;
	v4 =	vsel vm12, $0x180, v4  }
0x62: {  	v2 =	vsel vm12, $0x180, v2;
	v5 =	vsel vm13, $0x3C5E, v5;
	[tilespmem:$0x1FF20] =	vst v50;
	v4 =	vsel vm10, $0x201, v4  }
0x63: {  	v2 =	vsel vm10, $0x200, v2;
	[tilespmem:$0x1FF30] =	vst v51;
	v5 =	vsel vm14, $0x3CDF, v5;
	v4 =	vsel vm9, $0x282, v4  }
0x64: {  	v6 =	vsel vm13, $0x3C5F, v39;
	[tilespmem:$0x1FF40] =	vst v52;
	v5 =	vsel vm11, $0x100, v5;
	v4 =	vsel vm8, $0x303, v4  }
0x65: {  	v6 =	vsel vm14, $0x80, v6;
	[tilespmem:$0x1FF50] =	vst v53;
	v5 =	vsel vm12, $0x181, v5;
	v4 =	vsel vm7, $0x384, v4  }
0x66: {  	v6 =	vsel vm11, $0x101, v6;
	[tilespmem:$0x1FF60] =	vst v54;
	v5 =	vsel vm10, $0x202, v5;
	v4 =	vsel vm6, $0x4005, v4  }
0x67: {  	v6 =	vsel vm12, $0x182, v6;
	[tilespmem:$0x1FF70] =	vst v55;
	v5 =	vsel vm9, $0x283, v5;
	v4 =	vsel vm5, $0x4086, v4  }
0x68: {  	v6 =	vsel vm10, $0x203, v6;
	[tilespmem:$0x1FF80] =	vst v56;
	v5 =	vsel vm8, $0x304, v5;
	v4 =	vsel vm4, $0x4107, v4  }
0x69: {  	v6 =	vsel vm9, $0x284, v6;
	[tilespmem:$0x1FF90] =	vst v57;
	v5 =	vsel vm7, $0x385, v5;
	v4 =	vsel vm3, $0x4188, v4  }
0x6a: {  	v6 =	vsel vm8, $0x305, v6;
	[tilespmem:$0x1FFA0] =	vst v58;
	v5 =	vsel vm6, $0x4006, v5;
	v4 =	vsel vm2, $0x4209, v4  }
0x6b: {  	v6 =	vsel vm7, $0x386, v6;
	[tilespmem:$0x1FFB0] =	vst v59;
	v5 =	vsel vm5, $0x4087, v5;
	v4 =	vsel vm1, $0x428A, v4  }
0x6c: {  	v6 =	vsel vm6, $0x4007, v6;
	[tilespmem:$0x1FFC0] =	vst v60;
	v5 =	vsel vm4, $0x4108, v5;
	v4 =	vsel vm0, $0x430B, v4  }
0x6d: {  	v2 =	vsel vm9, $0x280, v2;
	v6 =	vsel vm5, $0x4088, v6;
	[tilespmem:$0x1FE10] =	vst v4;
	v4 =	vsel vm3, $0x4189, v5  }
0x6e: {  	s0 =	stileid.u32;
	v2 =	vsel vm8, $0x300, v2;
	[tilespmem:$0x1FFD0] =	vst v61;
	v6 =	vsel vm4, $0x4109, v6;
	v4 =	vsel vm2, $0x420A, v4  }
0x6f: {  	s30 =	sshll.u32 s0, $0x1;
	v2 =	vsel vm7, $0x380, v2;
	[tilespmem:$0x1FFE0] =	vst v62;
	v5 =	vsel vm3, $0x418A, v6;
	v4 =	vsel vm1, $0x428B, v4  }
0x70: {  	s12 =	simm.s32 $0x10000;
	s13 =	simm.s32 $0x3;
	s9 =	sor.u32 s8, s30;
	v2 =	vsel vm6, $0x4000, v2;
	[tilespmem:$0x1FFF0] =	vst v63;
	v5 =	vsel vm2, $0x420B, v5;
	v4 =	vsel vm0, $0x430C, v4  }
0x71: {  	s14 =	simm.s32 $0x8000;
	s15 =	simm.s32 $0x1;
	s4 =	smul.u32 $0xA0, s9;
	v2 =	vsel vm5, $0x4080, v2;
	v5 =	vsel vm1, $0x428C, v5;
	[tilespmem:$0x1FE30] =	vst v4;
	v4 =	vadd.s32 $0x7DF, v1  }
0x72: {  	s16 =	simm.s32 $0x10800;
	s17 =	simm.s32 $0x10C80;
	s18 =	simm.s32 $0x2;
	v2 =	vsel vm4, $0x4100, v2;
	[tilespmem:$0x1FE40] =	vst v4;
	v4 =	vsel vm0, $0x430D, v5  }
0x73: {  	s19 =	simm.s32 $0x0;
	s10 =	ssub.s32 $0x2, s8;
	s5 =	sadd.s32 $0x2C00, s4;
	v2 =	vsel vm3, $0x4180, v2;
	[tilespmem:$0x1FE50] =	vst v4;
	v4 =	vor.u32 $0x1, v33  }
0x74: {  	s6 =	sadd.s32 $0x800, s7;
	s11 =	sshrl.u32 s10, $0x1;
	s31 =	sshll.u32 s5, $0x8;
	v2 =	vsel vm2, $0x4200, v2;
	[tilespmem:$0x1FE60] =	vst v4;
	v4 =	vor.u32 $0x2, v33  }
0x75: {  	s7 =	sadd.s32 $0x400800, s7;
	s11 =	ssub.s32 s10, s11;
	s8 =	sadd.s32 s6, s31;
	v2 =	vsel vm1, $0x4280, v2;
	[tilespmem:$0x1FE70] =	vst v4;
	v4 =	vor.u32 $0x3, v33  }
0x76: {  	v0 =	vimm.s32 $0x0;
	s9 =	smul.u32 $0x2800, s9;
	s11 =	smax.u32 s11, $0x1;
	s10 =	sadd.s32 $0x2000, s8;
	v3 =	vimm.s32 $0x1;
	v2 =	vsel vm0, $0x4300, v2;
	[tilespmem:$0x1FE80] =	vst v4  }
.LBB2_1:
0x77: {  	[tilespmem:s12], [sflag:$0x3] =	stream.linear.gather [hbm4b:s7+s3], $0x800, $0x38;
	[tilespmem:$0x11080] =	vst v63  }
0x78: {  	_ =	swait.ge [sflag:s13], $0x800  }
0x79: {  	[sflag:s13] =	ssyncset.done $0x0  }
0x7a: {  	[sflag:s13] =	ssyncadd.s32 $0xFFFFF800  }
0x7b: {  	[tilespmem:$0x10C80] =	vst v0  }
0x7c: {  	[tilespmem:$0x10C90] =	vst v0  }
0x7d: {  	[tilespmem:$0x10CA0] =	vst v0  }
0x7e: {  	[tilespmem:$0x10CB0] =	vst v0  }
0x7f: {  	[tilespmem:$0x10CC0] =	vst v0  }
0x80: {  	[tilespmem:$0x10CD0] =	vst v0  }
0x81: {  	[tilespmem:$0x10CE0] =	vst v0  }
0x82: {  	[tilespmem:$0x10CF0] =	vst v0  }
0x83: {  	[tilespmem:$0x10D00] =	vst v0  }
0x84: {  	[tilespmem:$0x10D10] =	vst v0  }
0x85: {  	[tilespmem:$0x10D20] =	vst v0  }
0x86: {  	[tilespmem:$0x10D30] =	vst v0  }
0x87: {  	[tilespmem:$0x10D40] =	vst v0  }
0x88: {  	[tilespmem:$0x10D50] =	vst v0  }
0x89: {  	[tilespmem:$0x10D60] =	vst v0  }
0x8a: {  	[tilespmem:$0x10D70] =	vst v0  }
0x8b: {  	[tilespmem:$0x10D80] =	vst v0  }
0x8c: {  	[tilespmem:$0x10D90] =	vst v0  }
0x8d: {  	[tilespmem:$0x10DA0] =	vst v0  }
0x8e: {  	[tilespmem:$0x10DB0] =	vst v0  }
0x8f: {  	[tilespmem:$0x10DC0] =	vst v0  }
0x90: {  	[tilespmem:$0x10DD0] =	vst v0  }
0x91: {  	[tilespmem:$0x10DE0] =	vst v0  }
0x92: {  	[tilespmem:$0x10DF0] =	vst v0  }
0x93: {  	[tilespmem:$0x10E00] =	vst v0  }
0x94: {  	[tilespmem:$0x10E10] =	vst v0  }
0x95: {  	[tilespmem:$0x10E20] =	vst v0  }
0x96: {  	[tilespmem:$0x10E30] =	vst v0  }
0x97: {  	[tilespmem:$0x10E40] =	vst v0  }
0x98: {  	[tilespmem:$0x10E50] =	vst v0  }
0x99: {  	[tilespmem:$0x10E60] =	vst v0  }
0x9a: {  	[tilespmem:$0x10E70] =	vst v0  }
0x9b: {  	[tilespmem:$0x10E80] =	vst v0  }
0x9c: {  	[tilespmem:$0x10E90] =	vst v0  }
0x9d: {  	[tilespmem:$0x10EA0] =	vst v0  }
0x9e: {  	[tilespmem:$0x10EB0] =	vst v0  }
0x9f: {  	[tilespmem:$0x10EC0] =	vst v0  }
0xa0: {  	[tilespmem:$0x10ED0] =	vst v0  }
0xa1: {  	[tilespmem:$0x10EE0] =	vst v0  }
0xa2: {  	[tilespmem:$0x10EF0] =	vst v0  }
0xa3: {  	[tilespmem:$0x10F00] =	vst v0  }
0xa4: {  	[tilespmem:$0x10F10] =	vst v0  }
0xa5: {  	[tilespmem:$0x10F20] =	vst v0  }
0xa6: {  	[tilespmem:$0x10F30] =	vst v0  }
0xa7: {  	[tilespmem:$0x10F40] =	vst v0  }
0xa8: {  	[tilespmem:$0x10F50] =	vst v0  }
0xa9: {  	[tilespmem:$0x10F60] =	vst v0  }
0xaa: {  	[tilespmem:$0x10F70] =	vst v0  }
0xab: {  	[tilespmem:$0x10F80] =	vst v0  }
0xac: {  	[tilespmem:$0x10F90] =	vst v0  }
0xad: {  	[tilespmem:$0x10FA0] =	vst v0  }
0xae: {  	[tilespmem:$0x10FB0] =	vst v0  }
0xaf: {  	[tilespmem:$0x10FC0] =	vst v0  }
0xb0: {  	[tilespmem:$0x10FD0] =	vst v0  }
0xb1: {  	[tilespmem:$0x10FE0] =	vst v0  }
0xb2: {  	[tilespmem:$0x10FF0] =	vst v0  }
0xb3: {  	[tilespmem:$0x11000] =	vst v0  }
0xb4: {  	[tilespmem:$0x11010] =	vst v0  }
0xb5: {  	[tilespmem:$0x11020] =	vst v0  }
0xb6: {  	[tilespmem:$0x11030] =	vst v0  }
0xb7: {  	[tilespmem:$0x11040] =	vst v0  }
0xb8: {  	[tilespmem:$0x11050] =	vst v0  }
0xb9: {  	[tilespmem:$0x11060] =	vst v0  }
0xba: {  	s20 =	simm.s32 $0x0;
	[tilespmem:$0x11070] =	vst v0  }
0xbb: {  	[tilespmem:s3], [sflag:$0x1] =	stream.linear.gather [hbm4b:s8+s3], $0x8000, $0x38;
	[tilespmem:$0x11080] =	vst v63  }
.LBB2_2:
0xbc: {  	s21 =	sshll.u32 s20, $0x5  }
0xbd: {  	s21 =	sor.u32 $0x10, s21  }
0xbe: {  	s22 =	sadd.s32 s5, s21  }
0xbf: {  	s22 =	sshll.u32 s22, $0x8  }
0xc0: {  	s24 =	simm.s32 $0x0;
	s23 =	sadd.s32 s6, s22  }
0xc1: {  	[tilespmem:s14], [sflag:$0x2] =	stream.linear.gather [hbm4b:s23+s24], $0x8000, $0x38;
	[tilespmem:$0x11080] =	vst v63  }
0xc2: {  	_ =	swait.ge [sflag:s15], $0x8000  }
0xc3: {  	[sflag:s15] =	ssyncset.done $0x0  }
0xc4: {  	[sflag:s15] =	ssyncadd.s32 $0xFFFF8000  }
0xc5: {  	[tilespmem:$0x10800] =	vst v0  }
0xc6: {  	[tilespmem:$0x10810] =	vst v0  }
0xc7: {  	[tilespmem:$0x10820] =	vst v0  }
0xc8: {  	[tilespmem:$0x10830] =	vst v0  }
0xc9: {  	[tilespmem:$0x10840] =	vst v0  }
0xca: {  	[tilespmem:$0x10850] =	vst v0  }
0xcb: {  	[tilespmem:$0x10860] =	vst v0  }
0xcc: {  	[tilespmem:$0x10870] =	vst v0  }
0xcd: {  	[tilespmem:$0x10880] =	vst v0  }
0xce: {  	[tilespmem:$0x10890] =	vst v0  }
0xcf: {  	[tilespmem:$0x108A0] =	vst v0  }
0xd0: {  	[tilespmem:$0x108B0] =	vst v0  }
0xd1: {  	[tilespmem:$0x108C0] =	vst v0  }
0xd2: {  	[tilespmem:$0x108D0] =	vst v0  }
0xd3: {  	[tilespmem:$0x108E0] =	vst v0  }
0xd4: {  	[tilespmem:$0x108F0] =	vst v0  }
0xd5: {  	[tilespmem:$0x10900] =	vst v0  }
0xd6: {  	[tilespmem:$0x10910] =	vst v0  }
0xd7: {  	[tilespmem:$0x10920] =	vst v0  }
0xd8: {  	[tilespmem:$0x10930] =	vst v0  }
0xd9: {  	[tilespmem:$0x10940] =	vst v0  }
0xda: {  	[tilespmem:$0x10950] =	vst v0  }
0xdb: {  	[tilespmem:$0x10960] =	vst v0  }
0xdc: {  	[tilespmem:$0x10970] =	vst v0  }
0xdd: {  	[tilespmem:$0x10980] =	vst v0  }
0xde: {  	[tilespmem:$0x10990] =	vst v0  }
0xdf: {  	[tilespmem:$0x109A0] =	vst v0  }
0xe0: {  	[tilespmem:$0x109B0] =	vst v0  }
0xe1: {  	[tilespmem:$0x109C0] =	vst v0  }
0xe2: {  	[tilespmem:$0x109D0] =	vst v0  }
0xe3: {  	[tilespmem:$0x109E0] =	vst v0  }
0xe4: {  	[tilespmem:$0x109F0] =	vst v0  }
0xe5: {  	[tilespmem:$0x10A00] =	vst v0  }
0xe6: {  	[tilespmem:$0x10A10] =	vst v0  }
0xe7: {  	[tilespmem:$0x10A20] =	vst v0  }
0xe8: {  	[tilespmem:$0x10A30] =	vst v0  }
0xe9: {  	[tilespmem:$0x10A40] =	vst v0  }
0xea: {  	[tilespmem:$0x10A50] =	vst v0  }
0xeb: {  	[tilespmem:$0x10A60] =	vst v0  }
0xec: {  	[tilespmem:$0x10A70] =	vst v0  }
0xed: {  	[tilespmem:$0x10A80] =	vst v0  }
0xee: {  	[tilespmem:$0x10A90] =	vst v0  }
0xef: {  	[tilespmem:$0x10AA0] =	vst v0  }
0xf0: {  	[tilespmem:$0x10AB0] =	vst v0  }
0xf1: {  	[tilespmem:$0x10AC0] =	vst v0  }
0xf2: {  	[tilespmem:$0x10AD0] =	vst v0  }
0xf3: {  	[tilespmem:$0x10AE0] =	vst v0  }
0xf4: {  	[tilespmem:$0x10AF0] =	vst v0  }
0xf5: {  	[tilespmem:$0x10B00] =	vst v0  }
0xf6: {  	[tilespmem:$0x10B10] =	vst v0  }
0xf7: {  	[tilespmem:$0x10B20] =	vst v0  }
0xf8: {  	[tilespmem:$0x10B30] =	vst v0  }
0xf9: {  	[tilespmem:$0x10B40] =	vst v0  }
0xfa: {  	[tilespmem:$0x10B50] =	vst v0  }
0xfb: {  	[tilespmem:$0x10B60] =	vst v0  }
0xfc: {  	[tilespmem:$0x10B70] =	vst v0  }
0xfd: {  	[tilespmem:$0x10B80] =	vst v0  }
0xfe: {  	s25 =	simm.s32 $0x1;
	[tilespmem:$0x10B90] =	vst v0  }
0xff: {  	s26 =	simm.s32 $0x2;
	s28 =	simm.s32 $0x4;
	s29 =	simm.s32 $0x7;
	v4 =	vadd.s32 s24, v1;
	v5 =	vadd.s32 s25, v1;
	[tilespmem:$0x10BA0] =	vst v0  }
0x100: {  	s30 =	simm.s32 $0x3;
	s31 =	simm.s32 $0x6;
	v6 =	vadd.s32 s26, v1;
	v7 =	vadd.s32 s28, v1;
	v11 =	vadd.s32 s29, v1;
	[tilespmem:$0x10BB0] =	vst v0  }
0x101: {  	v12 =	vadd.s32 s30, v1;
	v18 =	vadd.s32 s31, v1;
	v9 =	vand.u32 $0x7F, v4;
	[tilespmem:$0x10BC0] =	vst v0  }
0x102: {  	v10 =	vshll.u32 v5, $0x3;
	v13 =	vshll.u32 v11, $0x3;
	v21 =	vshll.u32 v6, $0x3;
	[tilespmem:$0x10BD0] =	vst v0  }
0x103: {  	v14 =	vand.u32 $0x7F, v6;
	v15 =	vshll.u32 v12, $0x3;
	v21 =	vand.u32 $0x7C00, v21;
	[tilespmem:$0x10BE0] =	vst v0  }
0x104: {  	v16 =	vand.u32 $0x7F, v11;
	v23 =	vand.u32 $0x7F, v18;
	v14 =	vor.u32 v14, v21;
	[tilespmem:$0x10BF0] =	vst v0  }
0x105: {  	v39 =	vand.u32 $0x7F, v7;
	v13 =	vand.u32 $0x7C00, v13;
	s24 =	simm.s32 $0x5;
	v14 =	vadd.s32 v2, v14;
	[tilespmem:$0x10C00] =	vst v0  }
0x106: {  	v13 =	vor.u32 v16, v13;
	v16 =	vshll.u32 v7, $0x3;
	v8 =	vadd.s32 s24, v1;
	v19 =	vld.idx.msk [tilespmem:v4+s12+$0x0], $0xffff  }
0x107: {  	v10 =	vand.u32 $0x7C00, v10;
	v13 =	vadd.s32 v2, v13;
	v16 =	vand.u32 $0x7C00, v16;
	v22 =	vld.idx.msk [tilespmem:v5+s12+$0x0], $0xffff  }
0x108: {  	v16 =	vor.u32 v39, v16;
	v17 =	vshll.u32 v8, $0x3;
	v20 =	vand.u32 $0x7F, v8;
	v21 =	vld.idx.msk [tilespmem:v12+s12+$0x0], $0xffff  }
0x109: {  	v40 =	vadd.s32 v2, v16;
	v17 =	vand.u32 $0x7C00, v17;
	v4 =	vshll.u32 v4, $0x3;
	v24 =	vld.idx.msk [tilespmem:v6+s12+$0x0], $0xffff  }
0x10a: {  	v5 =	vand.u32 $0x7F, v5;
	v6 =	vand.u32 $0x7F, v12;
	v14 =	vld.idx.msk [tilespmem:v14+s3+$0x0], $0xffff;
	v25 =	vand.u32 $0x7C00, v4  }
0x10b: {  	v8 =	vld.idx.msk [tilespmem:v8+s12+$0x0], $0xffff;
	v4 =	vor.u32 v5, v10;
	v5 =	vor.u32 v20, v17;
	v10 =	vand.u32 $0x7C00, v15  }
0x10c: {  	v20 =	vld.idx.msk [tilespmem:v11+s12+$0x0], $0xffff;
	v11 =	vadd.s32 v2, v4;
	v4 =	vor.u32 v6, v10;
	v6 =	vshll.u32 v18, $0x3  }
0x10d: {  	v17 =	vld.idx.msk [tilespmem:v7+s12+$0x0], $0xffff;
	v12 =	vadd.s32 v2, v5;
	v15 =	vadd.s32 v2, v4;
	v26 =	vand.u32 $0x7C00, v6  }
0x10e: {  	v5 =	vshrl.u32 v19, $0x10;
	v29 =	vshrl.u32 v21, $0x10;
	v4 =	vand.u32 $0xFFFF, v21  }
0x10f: {  	v18 =	vld.idx.msk [tilespmem:v18+s12+$0x0], $0xffff;
	v21 =	vand.u32 $0xFFFF, v24;
	v10 =	vand.u32 $0xFFFF, v22;
	v24 =	vshrl.u32 v24, $0x10  }
0x110: {  	vm0 =	vge.f32 v14, $6.000000240e-01;
	v27 =	vshrl.u32 v8, $0x10;
	v28 =	vand.u32 $0xFFFF, v8;
	v8 =	vld.idx.msk [tilespmem:v13+s3+$0x0], $0xffff  }
0x111: {  	vm3 =	vle.f32 v14, $4.000000060e-01;
	v13 =	vshrl.u32 v22, $0x10;
	v22 =	vor.u32 v23, v26;
	v38 =	vld.idx.msk [tilespmem:v11+s3+$0x0], $0xffff  }
0x112: {  	v6 =	vshrl.u32 v17, $0x10;
	v23 =	vor.u32 v9, v25;
	v22 =	vadd.s32 v2, v22;
	v12 =	vld.idx.msk [tilespmem:v12+s3+$0x0], $0xffff  }
0x113: {  	v9 =	vand.u32 $0xFFFF, v19;
	v19 =	vshrl.u32 v20, $0x10;
	v14 =	vnsel vm0, $0x400, v24  }
0x114: {  	v23 =	vadd.s32 v2, v23;
	v7 =	vand.u32 $0xFFFF, v18;
	v11 =	vshrl.u32 v18, $0x10;
	v15 =	vld.idx.msk [tilespmem:v15+s3+$0x0], $0xffff  }
0x115: {  	v14 =	vsel vm3, v21, v14;
	v21 =	vand.u32 $0xFFFF, v20;
	vm1 =	vle.f32 v8, $4.000000060e-01  }
0x116: {  	vm2 =	vge.f32 v8, $6.000000240e-01;
	v8 =	vand.u32 $0xFFFF, v17;
	v17 =	vadd.s32 v1, v14  }
0x117: {  	vm0 =	vle.f32 v38, $4.000000060e-01;
	vm4 =	vge.f32 v38, $6.000000240e-01;
	vm5 =	vge.f32 v12, $6.000000240e-01;
	v18 =	vld.idx.msk [tilespmem:v22+s3+$0x0], $0xffff  }
0x118: {  	vm3 =	vle.f32 v12, $4.000000060e-01;
	v22 =	vnsel vm2, $0x400, v19;
	v12 =	vnsel vm5, $0x400, v27  }
0x119: {  	v14 =	vld.idx.msk [tilespmem:v40+s3+$0x0], $0xffff;
	v20 =	vnsel vm4, $0x400, v13;
	vm2 =	vge.f32 v15, $6.000000240e-01;
	v13 =	vsel vm3, v28, v12  }
0x11a: {  	s22 =	simm.s32 $0x8;
	v16 =	vld.idx.msk [tilespmem:v23+s3+$0x0], $0xffff;
	v12 =	vnsel vm2, $0x400, v29;
	v19 =	vadd.s32 v1, v13;
	v13 =	vsel vm1, v21, v22  }
.LBB2_3:
0x11b: {  	v21 =	vadd.s32 s22, v1;
	s23 =	sadd.s32 $0x1, s22;
	s24 =	sadd.s32 $0x2, s22;
	s25 =	sadd.s32 $0x3, s22;
	v10 =	vsel vm0, v10, v20;
	vm0 =	vle.f32 v15, $4.000000060e-01  }
0x11c: {  	s26 =	sadd.s32 $0x6, s22;
	vm1 =	vle.f32 v18, $4.000000060e-01;
	v15 =	vadd.s32 s23, v1;
	v20 =	vadd.s32 s24, v1;
	s23 =	sadd.s32 $0x4, s22;
	s24 =	sadd.s32 $0x5, s22;
	[tilespmem:v17+s16+$0x0] =	vst.idx.add.s32.msk $0xffff, v3  }
0x11d: {  	p0 =	slt.u32 s22, $0x7C8;
	vm2 =	vge.f32 v18, $6.000000240e-01;
	v17 =	vadd.s32 s23, v1;
	v22 =	vadd.s32 s24, v1;
	s23 =	sadd.s32 $0x7, s22;
	s22 =	sadd.s32 $0x8, s22  }
0x11e: {  	v18 =	vand.u32 $0x7F, v21;
	v23 =	vshll.u32 v15, $0x3;
	v24 =	vadd.s32 s23, v1  }
0x11f: {  	v25 =	vadd.s32 s25, v1;
	v11 =	vnsel vm2, $0x400, v11;
	v26 =	vshll.u32 v24, $0x3;
	[tilespmem:v19+s16+$0x0] =	vst.idx.add.s32.msk $0xffff, v3  }
0x120: {  	v27 =	vand.u32 $0x7F, v20;
	vm2 =	vle.f32 v16, $4.000000060e-01;
	v19 =	vld.idx.msk [tilespmem:v21+s12+$0x0], $0xffff;
	v26 =	vand.u32 $0x7C00, v26  }
0x121: {  	v29 =	vshll.u32 v25, $0x3;
	vm3 =	vge.f32 v16, $6.000000240e-01;
	v30 =	vand.u32 $0x7F, v24;
	v28 =	vld.idx.msk [tilespmem:v15+s12+$0x0], $0xffff  }
0x122: {  	v32 =	vadd.s32 s26, v1;
	v31 =	vshll.u32 v22, $0x3;
	v5 =	vnsel vm3, $0x400, v5;
	v16 =	vld.idx.msk [tilespmem:v22+s12+$0x0], $0xffff  }
0x123: {  	v23 =	vand.u32 $0x7C00, v23;
	v9 =	vsel vm2, v9, v5;
	v22 =	vand.u32 $0x7F, v22;
	v34 =	vld.idx.msk [tilespmem:v20+s12+$0x0], $0xffff  }
0x124: {  	v5 =	vshll.u32 v21, $0x3;
	vm2 =	vle.f32 v14, $4.000000060e-01;
	v15 =	vand.u32 $0x7F, v15;
	v21 =	vld.idx.msk [tilespmem:v17+s12+$0x0], $0xffff  }
0x125: {  	v35 =	vand.u32 $0x7F, v32;
	v31 =	vand.u32 $0x7C00, v31;
	vm3 =	vge.f32 v14, $6.000000240e-01;
	v24 =	vld.idx.msk [tilespmem:v24+s12+$0x0], $0xffff  }
0x126: {  	v14 =	vshll.u32 v20, $0x3;
	v6 =	vnsel vm3, $0x400, v6;
	v20 =	vor.u32 v30, v26  }
0x127: {  	v7 =	vsel vm1, v7, v11;
	v14 =	vand.u32 $0x7C00, v14;
	v20 =	vadd.s32 v2, v20  }
0x128: {  	v13 =	vadd.s32 v1, v13;
	v11 =	vor.u32 v27, v14;
	v14 =	vshll.u32 v17, $0x3  }
0x129: {  	v4 =	vsel vm0, v4, v12;
	v6 =	vsel vm2, v8, v6;
	v11 =	vadd.s32 v2, v11;
	v26 =	vld.idx.msk [tilespmem:v25+s12+$0x0], $0xffff  }
0x12a: {  	v10 =	vadd.s32 v1, v10;
	v8 =	vand.u32 $0x7C00, v5;
	v5 =	vor.u32 v15, v23  }
0x12b: {  	v12 =	vand.u32 $0x7F, v25;
	v15 =	vor.u32 v22, v31;
	v22 =	vld.idx.msk [tilespmem:v32+s12+$0x0], $0xffff  }
0x12c: {  	v23 =	vand.u32 $0x7C00, v29;
	v15 =	vadd.s32 v2, v15;
	v25 =	vadd.s32 v1, v4;
	v20 =	vld.idx.msk [tilespmem:v20+s3+$0x0], $0xffff  }
0x12d: {  	v27 =	vadd.s32 v2, v5;
	v4 =	vor.u32 v12, v23;
	v12 =	vshll.u32 v32, $0x3;
	[tilespmem:v13+s16+$0x0] =	vst.idx.add.s32.msk $0xffff, v3  }
0x12e: {  	v5 =	vshrl.u32 v19, $0x10;
	v12 =	vand.u32 $0x7C00, v12;
	v13 =	vadd.s32 v2, v4  }
0x12f: {  	v29 =	vand.u32 $0xFFFF, v16;
	v23 =	vshrl.u32 v16, $0x10;
	v16 =	vadd.s32 v1, v9;
	[tilespmem:v10+s16+$0x0] =	vst.idx.add.s32.msk $0xffff, v3  }
0x130: {  	v30 =	vshrl.u32 v26, $0x10;
	v4 =	vand.u32 $0xFFFF, v26;
	v26 =	vadd.s32 v1, v7  }
0x131: {  	v37 =	vadd.s32 v1, v6;
	v31 =	vshrl.u32 v28, $0x10;
	v36 =	vand.u32 $0xFFFF, v34;
	v32 =	vld.idx.msk [tilespmem:v11+s3+$0x0], $0xffff  }
0x132: {  	v6 =	vshrl.u32 v21, $0x10;
	v7 =	vor.u32 v35, v12;
	v10 =	vand.u32 $0xFFFF, v28;
	v27 =	vld.idx.msk [tilespmem:v27+s3+$0x0], $0xffff  }
0x133: {  	v8 =	vor.u32 v18, v8;
	v9 =	vand.u32 $0xFFFF, v19;
	v19 =	vshrl.u32 v24, $0x10;
	v12 =	vld.idx.msk [tilespmem:v15+s3+$0x0], $0xffff  }
0x134: {  	v28 =	vadd.s32 v2, v8;
	v8 =	vand.u32 $0x7C00, v14;
	v14 =	vadd.s32 v2, v7;
	[tilespmem:v25+s16+$0x0] =	vst.idx.add.s32.msk $0xffff, v3  }
0x135: {  	v18 =	vshrl.u32 v34, $0x10;
	v7 =	vand.u32 $0xFFFF, v22;
	v15 =	vld.idx.msk [tilespmem:v13+s3+$0x0], $0xffff;
	v13 =	vand.u32 $0x7F, v17  }
0x136: {  	v11 =	vshrl.u32 v22, $0x10;
	vm1 =	vle.f32 v20, $4.000000060e-01;
	vm2 =	vge.f32 v20, $6.000000240e-01;
	[tilespmem:v16+s16+$0x0] =	vst.idx.add.s32.msk $0xffff, v3  }
0x137: {  	vm0 =	vge.f32 v32, $6.000000240e-01;
	v13 =	vor.u32 v13, v8;
	v8 =	vand.u32 $0xFFFF, v21;
	[tilespmem:v26+s16+$0x0] =	vst.idx.add.s32.msk $0xffff, v3  }
0x138: {  	vm3 =	vle.f32 v32, $4.000000060e-01;
	v16 =	vnsel vm0, $0x400, v18;
	v13 =	vadd.s32 v2, v13;
	[tilespmem:v37+s16+$0x0] =	vst.idx.add.s32.msk $0xffff, v3  }
.Ltmp0:
0x139: {  	vm0 =	vle.f32 v27, $4.000000060e-01;
	vm4 =	vge.f32 v27, $6.000000240e-01;
	v16 =	vsel vm3, v36, v16;
	v18 =	vld.idx.msk [tilespmem:v14+s3+$0x0], $0xffff;
	(pc) =	sbr.rel @p0 .LBB2_3-.Ltmp0, $4  }
0x13a: {  	vm3 =	vle.f32 v12, $4.000000060e-01;
	vm5 =	vge.f32 v12, $6.000000240e-01;
	v17 =	vadd.s32 v1, v16  }
0x13b: {  	v22 =	vnsel vm2, $0x400, v19;
	v21 =	vand.u32 $0xFFFF, v24;
	v12 =	vnsel vm5, $0x400, v23;
	v16 =	vld.idx.msk [tilespmem:v28+s3+$0x0], $0xffff  }
0x13c: {  	v20 =	vnsel vm4, $0x400, v31;
	vm2 =	vge.f32 v15, $6.000000240e-01;
	v19 =	vsel vm3, v29, v12  }
0x13d: {  	v12 =	vnsel vm2, $0x400, v30;
	v19 =	vadd.s32 v1, v19;
	v14 =	vld.idx.msk [tilespmem:v13+s3+$0x0], $0xffff;
	v13 =	vsel vm1, v21, v22  }
0x13e: {  	v10 =	vsel vm0, v10, v20;
	vm0 =	vle.f32 v15, $4.000000060e-01;
	vm1 =	vge.f32 v18, $6.000000240e-01  }
0x13f: {  	vm2 =	vle.f32 v18, $4.000000060e-01;
	v13 =	vadd.s32 v1, v13;
	v11 =	vnsel vm1, $0x400, v11  }
0x140: {  	v4 =	vsel vm0, v4, v12;
	v32 =	vadd.s32 v1, v10;
	vm1 =	vge.f32 v16, $6.000000240e-01  }
0x141: {  	vm3 =	vle.f32 v16, $4.000000060e-01;
	v4 =	vadd.s32 v1, v4;
	v7 =	vsel vm2, v7, v11  }
0x142: {  	v5 =	vnsel vm1, $0x400, v5;
	v7 =	vadd.s32 v1, v7;
	vm1 =	vge.f32 v14, $6.000000240e-01  }
0x143: {  	[tilespmem:v17+s16+$0x0] =	vst.idx.add.s32.msk $0xffff, v3;
	v5 =	vsel vm3, v9, v5;
	vm0 =	vle.f32 v14, $4.000000060e-01;
	v6 =	vnsel vm1, $0x400, v6  }
0x144: {  	[tilespmem:v19+s16+$0x0] =	vst.idx.add.s32.msk $0xffff, v3;
	v5 =	vadd.s32 v1, v5;
	v6 =	vsel vm0, v8, v6  }
0x145: {  	[tilespmem:v13+s16+$0x0] =	vst.idx.add.s32.msk $0xffff, v3;
	v6 =	vadd.s32 v1, v6  }
0x146: {  	[tilespmem:v32+s16+$0x0] =	vst.idx.add.s32.msk $0xffff, v3  }
0x147: {  	[tilespmem:v4+s16+$0x0] =	vst.idx.add.s32.msk $0xffff, v3  }
0x148: {  	[tilespmem:v7+s16+$0x0] =	vst.idx.add.s32.msk $0xffff, v3  }
0x149: {  	[tilespmem:v5+s16+$0x0] =	vst.idx.add.s32.msk $0xffff, v3  }
0x14a: {  	[tilespmem:v6+s16+$0x0] =	vst.idx.add.s32.msk $0xffff, v3  }
0x14b: {  	s22 =	simm.s32 $0x0;
	v4 =	vld.idx.msk [tilespmem:v41+s12+$0x0], $0xffff  }
0x14c: {  	v5 =	vld.idx.msk [tilespmem:v42+s22+$0x0], $0xffff;
	_ =	sdelay $0x4  }
0x14d: {  	v34 =	vshrl.u32 v4, $0x10;
	vm0 =	vge.f32 v5, $6.000000240e-01  }
0x14e: {  	v4 =	vand.u32 $0xFFFF, v4;
	vm1 =	vle.f32 v5, $4.000000060e-01;
	v5 =	vnsel vm0, $0x400, v34  }
0x14f: {  	v4 =	vsel vm1, v4, v5  }
0x150: {  	v4 =	vadd.s32 v1, v4;
	_ =	sdelay $0x4  }
0x151: {  	[tilespmem:v4+s16+$0x0] =	vst.idx.add.s32.msk $0xffff, v3  }
0x152: {  	v4 =	vld.idx.msk [tilespmem:v43+s12+$0x0], $0xffff  }
0x153: {  	v5 =	vld.idx.msk [tilespmem:v44+s22+$0x0], $0xffff;
	_ =	sdelay $0x4  }
0x154: {  	v35 =	vshrl.u32 v4, $0x10;
	vm0 =	vge.f32 v5, $6.000000240e-01  }
0x155: {  	v4 =	vand.u32 $0xFFFF, v4;
	vm1 =	vle.f32 v5, $4.000000060e-01;
	v5 =	vnsel vm0, $0x400, v35  }
0x156: {  	v4 =	vsel vm1, v4, v5  }
0x157: {  	v4 =	vadd.s32 v1, v4;
	_ =	sdelay $0x4  }
0x158: {  	[tilespmem:v4+s16+$0x0] =	vst.idx.add.s32.msk $0xffff, v3  }
0x159: {  	v4 =	vld.idx.msk [tilespmem:v45+s12+$0x0], $0xffff  }
0x15a: {  	v5 =	vld.idx.msk [tilespmem:v46+s22+$0x0], $0xffff;
	_ =	sdelay $0x4  }
0x15b: {  	v36 =	vshrl.u32 v4, $0x10;
	vm0 =	vge.f32 v5, $6.000000240e-01  }
0x15c: {  	v4 =	vand.u32 $0xFFFF, v4;
	vm1 =	vle.f32 v5, $4.000000060e-01;
	v5 =	vnsel vm0, $0x400, v36  }
0x15d: {  	v4 =	vsel vm1, v4, v5  }
0x15e: {  	v4 =	vadd.s32 v1, v4;
	_ =	sdelay $0x4  }
0x15f: {  	[tilespmem:v4+s16+$0x0] =	vst.idx.add.s32.msk $0xffff, v3  }
0x160: {  	v4 =	vld.idx.msk [tilespmem:v47+s12+$0x0], $0xffff  }
0x161: {  	v5 =	vld.idx.msk [tilespmem:v48+s22+$0x0], $0xffff;
	_ =	sdelay $0x4  }
0x162: {  	v37 =	vshrl.u32 v4, $0x10;
	vm0 =	vge.f32 v5, $6.000000240e-01  }
0x163: {  	v4 =	vand.u32 $0xFFFF, v4;
	vm1 =	vle.f32 v5, $4.000000060e-01;
	v5 =	vnsel vm0, $0x400, v37  }
0x164: {  	v4 =	vsel vm1, v4, v5  }
0x165: {  	v4 =	vadd.s32 v1, v4;
	_ =	sdelay $0x4  }
0x166: {  	[tilespmem:v4+s16+$0x0] =	vst.idx.add.s32.msk $0xffff, v3  }
0x167: {  	v4 =	vld.idx.msk [tilespmem:v49+s12+$0x0], $0xffff  }
0x168: {  	v5 =	vld.idx.msk [tilespmem:v50+s22+$0x0], $0xffff;
	_ =	sdelay $0x4  }
0x169: {  	v38 =	vshrl.u32 v4, $0x10;
	vm0 =	vge.f32 v5, $6.000000240e-01  }
0x16a: {  	v4 =	vand.u32 $0xFFFF, v4;
	vm1 =	vle.f32 v5, $4.000000060e-01;
	v5 =	vnsel vm0, $0x400, v38  }
0x16b: {  	v4 =	vsel vm1, v4, v5  }
0x16c: {  	v4 =	vadd.s32 v1, v4;
	_ =	sdelay $0x4  }
0x16d: {  	[tilespmem:v4+s16+$0x0] =	vst.idx.add.s32.msk $0xffff, v3  }
0x16e: {  	v4 =	vld.idx.msk [tilespmem:v51+s12+$0x0], $0xffff  }
0x16f: {  	v5 =	vld.idx.msk [tilespmem:v52+s22+$0x0], $0xffff;
	_ =	sdelay $0x4  }
0x170: {  	v39 =	vshrl.u32 v4, $0x10;
	vm0 =	vge.f32 v5, $6.000000240e-01  }
0x171: {  	v4 =	vand.u32 $0xFFFF, v4;
	vm1 =	vle.f32 v5, $4.000000060e-01;
	v5 =	vnsel vm0, $0x400, v39  }
0x172: {  	v4 =	vsel vm1, v4, v5  }
0x173: {  	v4 =	vadd.s32 v1, v4;
	_ =	sdelay $0x4  }
0x174: {  	[tilespmem:v4+s16+$0x0] =	vst.idx.add.s32.msk $0xffff, v3  }
0x175: {  	v4 =	vld.idx.msk [tilespmem:v53+s12+$0x0], $0xffff  }
0x176: {  	v5 =	vld.idx.msk [tilespmem:v54+s22+$0x0], $0xffff;
	_ =	sdelay $0x4  }
0x177: {  	v40 =	vshrl.u32 v4, $0x10;
	vm0 =	vge.f32 v5, $6.000000240e-01  }
0x178: {  	v4 =	vand.u32 $0xFFFF, v4;
	vm1 =	vle.f32 v5, $4.000000060e-01;
	v5 =	vnsel vm0, $0x400, v40  }
0x179: {  	v4 =	vsel vm1, v4, v5  }
0x17a: {  	v4 =	vadd.s32 v1, v4;
	_ =	sdelay $0x4  }
0x17b: {  	[tilespmem:v4+s16+$0x0] =	vst.idx.add.s32.msk $0xffff, v3  }
0x17c: {  	v4 =	vld.idx.msk [tilespmem:v55+s12+$0x0], $0xffff  }
0x17d: {  	v5 =	vld.idx.msk [tilespmem:v56+s22+$0x0], $0xffff;
	_ =	sdelay $0x4  }
0x17e: {  	v41 =	vshrl.u32 v4, $0x10;
	vm0 =	vge.f32 v5, $6.000000240e-01  }
0x17f: {  	v4 =	vand.u32 $0xFFFF, v4;
	vm1 =	vle.f32 v5, $4.000000060e-01;
	v5 =	vnsel vm0, $0x400, v41  }
0x180: {  	v4 =	vsel vm1, v4, v5  }
0x181: {  	v4 =	vadd.s32 v1, v4;
	_ =	sdelay $0x4  }
0x182: {  	[tilespmem:v4+s16+$0x0] =	vst.idx.add.s32.msk $0xffff, v3  }
0x183: {  	v4 =	vld.idx.msk [tilespmem:v57+s12+$0x0], $0xffff  }
0x184: {  	v5 =	vld.idx.msk [tilespmem:v58+s22+$0x0], $0xffff;
	_ =	sdelay $0x4  }
0x185: {  	v42 =	vshrl.u32 v4, $0x10;
	vm0 =	vge.f32 v5, $6.000000240e-01  }
0x186: {  	v4 =	vand.u32 $0xFFFF, v4;
	vm1 =	vle.f32 v5, $4.000000060e-01;
	v5 =	vnsel vm0, $0x400, v42  }
0x187: {  	v4 =	vsel vm1, v4, v5  }
0x188: {  	v4 =	vadd.s32 v1, v4;
	_ =	sdelay $0x4  }
0x189: {  	[tilespmem:v4+s16+$0x0] =	vst.idx.add.s32.msk $0xffff, v3  }
0x18a: {  	v4 =	vld.idx.msk [tilespmem:v59+s12+$0x0], $0xffff  }
0x18b: {  	v5 =	vld.idx.msk [tilespmem:v60+s22+$0x0], $0xffff;
	_ =	sdelay $0x4  }
0x18c: {  	v43 =	vshrl.u32 v4, $0x10;
	vm0 =	vge.f32 v5, $6.000000240e-01  }
0x18d: {  	v4 =	vand.u32 $0xFFFF, v4;
	vm1 =	vle.f32 v5, $4.000000060e-01;
	v5 =	vnsel vm0, $0x400, v43  }
0x18e: {  	v4 =	vsel vm1, v4, v5  }
0x18f: {  	v4 =	vadd.s32 v1, v4;
	_ =	sdelay $0x4  }
0x190: {  	[tilespmem:v4+s16+$0x0] =	vst.idx.add.s32.msk $0xffff, v3  }
0x191: {  	v4 =	vld.idx.msk [tilespmem:v61+s12+$0x0], $0xffff  }
0x192: {  	v5 =	vld.idx.msk [tilespmem:v62+s22+$0x0], $0xffff;
	_ =	sdelay $0x4  }
0x193: {  	v44 =	vshrl.u32 v4, $0x10;
	vm0 =	vge.f32 v5, $6.000000240e-01  }
0x194: {  	v4 =	vand.u32 $0xFFFF, v4;
	vm1 =	vle.f32 v5, $4.000000060e-01;
	v5 =	vnsel vm0, $0x400, v44  }
0x195: {  	v4 =	vsel vm1, v4, v5;
	v5 =	vld [tilespmem:$0x1FDD0]  }
0x196: {  	v4 =	vadd.s32 v1, v4;
	_ =	sdelay $0x4  }
0x197: {  	[tilespmem:v4+s16+$0x0] =	vst.idx.add.s32.msk $0xffff, v3  }
0x198: {  	v4 =	vld.idx.msk [tilespmem:v63+s12+$0x0], $0xffff  }
0x199: {  	v5 =	vld.idx.msk [tilespmem:v5+s22+$0x0], $0xffff;
	_ =	sdelay $0x4  }
0x19a: {  	v45 =	vshrl.u32 v4, $0x10;
	vm0 =	vge.f32 v5, $6.000000240e-01  }
0x19b: {  	v4 =	vand.u32 $0xFFFF, v4;
	vm1 =	vle.f32 v5, $4.000000060e-01;
	v5 =	vnsel vm0, $0x400, v45  }
0x19c: {  	v4 =	vsel vm1, v4, v5  }
0x19d: {  	v4 =	vadd.s32 v1, v4;
	_ =	sdelay $0x3  }
0x19e: {  	v5 =	vld [tilespmem:$0x1FDF0]  }
0x19f: {  	[tilespmem:v4+s16+$0x0] =	vst.idx.add.s32.msk $0xffff, v3  }
0x1a0: {  	v4 =	vld [tilespmem:$0x1FDE0];
	_ =	sdelay $0x6  }
0x1a1: {  	v5 =	vld.idx.msk [tilespmem:v5+s22+$0x0], $0xffff  }
0x1a2: {  	v4 =	vld.idx.msk [tilespmem:v4+s12+$0x0], $0xffff;
	_ =	sdelay $0x4  }
0x1a3: {  	vm0 =	vge.f32 v5, $6.000000240e-01;
	v46 =	vshrl.u32 v4, $0x10  }
0x1a4: {  	vm1 =	vle.f32 v5, $4.000000060e-01;
	v4 =	vand.u32 $0xFFFF, v4;
	v5 =	vnsel vm0, $0x400, v46  }
0x1a5: {  	v4 =	vsel vm1, v4, v5  }
0x1a6: {  	v4 =	vadd.s32 v1, v4;
	_ =	sdelay $0x3  }
0x1a7: {  	v5 =	vld [tilespmem:$0x1FE10]  }
0x1a8: {  	[tilespmem:v4+s16+$0x0] =	vst.idx.add.s32.msk $0xffff, v3  }
0x1a9: {  	v4 =	vld [tilespmem:$0x1FE00];
	_ =	sdelay $0x6  }
0x1aa: {  	v5 =	vld.idx.msk [tilespmem:v5+s22+$0x0], $0xffff  }
0x1ab: {  	v4 =	vld.idx.msk [tilespmem:v4+s12+$0x0], $0xffff;
	_ =	sdelay $0x4  }
0x1ac: {  	vm0 =	vge.f32 v5, $6.000000240e-01;
	v47 =	vshrl.u32 v4, $0x10  }
0x1ad: {  	vm1 =	vle.f32 v5, $4.000000060e-01;
	v4 =	vand.u32 $0xFFFF, v4;
	v5 =	vnsel vm0, $0x400, v47  }
0x1ae: {  	v4 =	vsel vm1, v4, v5  }
0x1af: {  	v4 =	vadd.s32 v1, v4;
	_ =	sdelay $0x3  }
0x1b0: {  	v5 =	vld [tilespmem:$0x1FE30]  }
0x1b1: {  	[tilespmem:v4+s16+$0x0] =	vst.idx.add.s32.msk $0xffff, v3  }
0x1b2: {  	v4 =	vld [tilespmem:$0x1FE20];
	_ =	sdelay $0x6  }
0x1b3: {  	v5 =	vld.idx.msk [tilespmem:v5+s22+$0x0], $0xffff  }
0x1b4: {  	v4 =	vld.idx.msk [tilespmem:v4+s12+$0x0], $0xffff;
	_ =	sdelay $0x4  }
0x1b5: {  	vm0 =	vge.f32 v5, $6.000000240e-01;
	v48 =	vshrl.u32 v4, $0x10  }
0x1b6: {  	vm1 =	vle.f32 v5, $4.000000060e-01;
	v4 =	vand.u32 $0xFFFF, v4;
	v5 =	vnsel vm0, $0x400, v48  }
0x1b7: {  	v4 =	vsel vm1, v4, v5  }
0x1b8: {  	v4 =	vadd.s32 v1, v4;
	_ =	sdelay $0x3  }
0x1b9: {  	v5 =	vld [tilespmem:$0x1FE50]  }
0x1ba: {  	[tilespmem:v4+s16+$0x0] =	vst.idx.add.s32.msk $0xffff, v3  }
0x1bb: {  	v4 =	vld [tilespmem:$0x1FE40];
	_ =	sdelay $0x6  }
0x1bc: {  	v5 =	vld.idx.msk [tilespmem:v5+s22+$0x0], $0xffff  }
0x1bd: {  	v4 =	vld.idx.msk [tilespmem:v4+s12+$0x0], $0xffff;
	_ =	sdelay $0x4  }
0x1be: {  	vm0 =	vge.f32 v5, $6.000000240e-01;
	v49 =	vshrl.u32 v4, $0x10  }
0x1bf: {  	vm1 =	vle.f32 v5, $4.000000060e-01;
	v4 =	vand.u32 $0xFFFF, v4;
	v5 =	vnsel vm0, $0x400, v49  }
0x1c0: {  	v4 =	vsel vm1, v4, v5  }
0x1c1: {  	v4 =	vadd.s32 v1, v4;
	_ =	sdelay $0x4  }
0x1c2: {  	[tilespmem:v4+s16+$0x0] =	vst.idx.add.s32.msk $0xffff, v3  }
0x1c3: {  	v4 =	vld [tilespmem:$0x10800];
	_ =	sdelay $0x1  }
0x1c4: {  	v5 =	vld [tilespmem:$0x10810];
	_ =	sdelay $0x1  }
0x1c5: {  	v50 =	vld [tilespmem:$0x10820]  }
0x1c6: {  	v51 =	vshra.s32 v4, $0x1F  }
0x1c7: {  	v52 =	vld [tilespmem:$0x10830];
	v4 =	vor.u32 v51, v4  }
0x1c8: {  	vm4 =	vgt.s32 v5, v4  }
0x1c9: {  	v4 =	vsel vm4, v5, v4;
	v5 =	vld [tilespmem:$0x10840]  }
0x1ca: {  	vm5 =	vgt.s32 v50, v4  }
0x1cb: {  	v53 =	vld [tilespmem:$0x10850];
	v4 =	vsel vm5, v50, v4  }
0x1cc: {  	vm1 =	vgt.s32 v52, v4  }
0x1cd: {  	v54 =	vld [tilespmem:$0x10860];
	v4 =	vsel vm1, v52, v4  }
0x1ce: {  	vm2 =	vgt.s32 v5, v4  }
0x1cf: {  	v4 =	vsel vm2, v5, v4;
	v5 =	vld [tilespmem:$0x10870]  }
0x1d0: {  	vm3 =	vgt.s32 v53, v4  }
0x1d1: {  	v55 =	vld [tilespmem:$0x10880];
	v4 =	vsel vm3, v53, v4  }
0x1d2: {  	vm8 =	vgt.s32 v54, v4  }
0x1d3: {  	v56 =	vld [tilespmem:$0x10890];
	v4 =	vsel vm8, v54, v4  }
0x1d4: {  	vm6 =	vgt.s32 v5, v4  }
0x1d5: {  	v4 =	vsel vm6, v5, v4;
	v5 =	vld [tilespmem:$0x108A0]  }
0x1d6: {  	vm9 =	vgt.s32 v55, v4  }
0x1d7: {  	v57 =	vld [tilespmem:$0x108B0];
	v4 =	vsel vm9, v55, v4  }
0x1d8: {  	vm7 =	vgt.s32 v56, v4  }
0x1d9: {  	v58 =	vld [tilespmem:$0x108C0];
	v4 =	vsel vm7, v56, v4  }
0x1da: {  	vm11 =	vgt.s32 v5, v4  }
0x1db: {  	v4 =	vsel vm11, v5, v4;
	v5 =	vld [tilespmem:$0x108D0]  }
0x1dc: {  	vm10 =	vgt.s32 v57, v4  }
0x1dd: {  	v59 =	vld [tilespmem:$0x108E0];
	v4 =	vsel vm10, v57, v4  }
0x1de: {  	vm13 =	vgt.s32 v58, v4  }
0x1df: {  	v60 =	vld [tilespmem:$0x108F0];
	v4 =	vsel vm13, v58, v4  }
0x1e0: {  	vm12 =	vgt.s32 v5, v4  }
0x1e1: {  	v4 =	vsel vm12, v5, v4;
	v5 =	vld [tilespmem:$0x10900]  }
0x1e2: {  	vm15 =	vgt.s32 v59, v4  }
0x1e3: {  	v61 =	vld [tilespmem:$0x10910];
	v4 =	vsel vm15, v59, v4  }
0x1e4: {  	vm14 =	vgt.s32 v60, v4  }
0x1e5: {  	v62 =	vld [tilespmem:$0x10920];
	v4 =	vsel vm14, v60, v4  }
0x1e6: {  	vm0 =	vgt.s32 v5, v4  }
0x1e7: {  	v63 =	vimm.s32 $0x0;
	v4 =	vsel vm0, v5, v4;
	v5 =	vld [tilespmem:$0x10930]  }
0x1e8: {  	v8 =	vsel vm0, $0xFFFFFFFF, v63;
	vm0 =	vgt.s32 v61, v4  }
0x1e9: {  	v32 =	vimm.s32 $0x0;
	v34 =	vld [tilespmem:$0x10940];
	v4 =	vsel vm0, v61, v4  }
0x1ea: {  	[tilespmem:$0x1FB50] =	vst v8;
	v8 =	vsel vm0, $0xFFFFFFFF, v32;
	vm0 =	vgt.s32 v62, v4  }
0x1eb: {  	v35 =	vimm.s32 $0x0;
	v36 =	vld [tilespmem:$0x10950];
	v4 =	vsel vm0, v62, v4  }
0x1ec: {  	[tilespmem:$0x1FB70] =	vst v8;
	v8 =	vsel vm0, $0xFFFFFFFF, v35;
	vm0 =	vgt.s32 v5, v4  }
0x1ed: {  	v37 =	vimm.s32 $0x0;
	v4 =	vsel vm0, v5, v4;
	v5 =	vld [tilespmem:$0x10960]  }
0x1ee: {  	[tilespmem:$0x1FB90] =	vst v8;
	v8 =	vsel vm0, $0xFFFFFFFF, v37;
	vm0 =	vgt.s32 v34, v4  }
0x1ef: {  	v38 =	vimm.s32 $0x0;
	v39 =	vld [tilespmem:$0x10970];
	v4 =	vsel vm0, v34, v4  }
0x1f0: {  	[tilespmem:$0x1FBB0] =	vst v8;
	v8 =	vsel vm0, $0xFFFFFFFF, v38;
	vm0 =	vgt.s32 v36, v4  }
0x1f1: {  	v40 =	vimm.s32 $0x0;
	v41 =	vld [tilespmem:$0x10980];
	v4 =	vsel vm0, v36, v4  }
0x1f2: {  	[tilespmem:$0x1FBD0] =	vst v8;
	v8 =	vsel vm0, $0xFFFFFFFF, v40;
	vm0 =	vgt.s32 v5, v4  }
0x1f3: {  	v42 =	vimm.s32 $0x0;
	v4 =	vsel vm0, v5, v4;
	v5 =	vld [tilespmem:$0x10990]  }
0x1f4: {  	[tilespmem:$0x1FBF0] =	vst v8;
	v8 =	vsel vm0, $0xFFFFFFFF, v42;
	vm0 =	vgt.s32 v39, v4  }
0x1f5: {  	v43 =	vimm.s32 $0x0;
	v44 =	vld [tilespmem:$0x109A0];
	v4 =	vsel vm0, v39, v4  }
0x1f6: {  	[tilespmem:$0x1FC10] =	vst v8;
	v8 =	vsel vm0, $0xFFFFFFFF, v43;
	vm0 =	vgt.s32 v41, v4  }
0x1f7: {  	v45 =	vimm.s32 $0x0;
	v46 =	vld [tilespmem:$0x109B0];
	v4 =	vsel vm0, v41, v4  }
0x1f8: {  	[tilespmem:$0x1FC30] =	vst v8;
	v8 =	vsel vm0, $0xFFFFFFFF, v45;
	vm0 =	vgt.s32 v5, v4  }
0x1f9: {  	v47 =	vimm.s32 $0x0;
	v48 =	vimm.s32 $0x0;
	v4 =	vsel vm0, v5, v4;
	v5 =	vld [tilespmem:$0x109C0]  }
0x1fa: {  	v50 =	vimm.s32 $0x0;
	[tilespmem:$0x1FC50] =	vst v8;
	v8 =	vsel vm0, $0xFFFFFFFF, v47;
	vm0 =	vgt.s32 v44, v4  }
0x1fb: {  	v49 =	vld [tilespmem:$0x109D0];
	v52 =	vimm.s32 $0x0;
	v53 =	vimm.s32 $0x0;
	v4 =	vsel vm0, v44, v4  }
0x1fc: {  	v55 =	vimm.s32 $0x0;
	[tilespmem:$0x1FC70] =	vst v8;
	v8 =	vsel vm0, $0xFFFFFFFF, v48;
	vm0 =	vgt.s32 v46, v4  }
0x1fd: {  	v51 =	vld [tilespmem:$0x109E0];
	v57 =	vimm.s32 $0x0;
	v58 =	vimm.s32 $0x0;
	v4 =	vsel vm0, v46, v4  }
0x1fe: {  	v9 =	vld [tilespmem:$0x1FE70];
	v61 =	vimm.s32 $0x0;
	[tilespmem:$0x1FC90] =	vst v8;
	v8 =	vsel vm0, $0xFFFFFFFF, v50;
	vm0 =	vgt.s32 v5, v4  }
0x1ff: {  	v32 =	vor.u32 $0x4, v33;
	v35 =	vimm.s32 $0x0;
	v4 =	vsel vm0, v5, v4;
	v5 =	vld [tilespmem:$0x109F0]  }
0x200: {  	v54 =	vld [tilespmem:$0x10A00];
	v37 =	vor.u32 $0x7, v33;
	[tilespmem:$0x1FCB0] =	vst v8;
	v8 =	vsel vm0, $0xFFFFFFFF, v52;
	vm0 =	vgt.s32 v49, v4  }
0x201: {  	v56 =	vld [tilespmem:$0x10A10];
	v34 =	vor.u32 $0x5, v33;
	v36 =	vor.u32 $0x6, v33;
	v4 =	vsel vm0, v49, v4  }
0x202: {  	v59 =	vld [tilespmem:$0x1FE60];
	v40 =	vor.u32 $0x9, v33;
	[tilespmem:$0x1FCD0] =	vst v8;
	v8 =	vsel vm0, $0xFFFFFFFF, v53;
	vm0 =	vgt.s32 v51, v4  }
0x203: {  	v60 =	vld [tilespmem:$0x10A30];
	v42 =	vor.u32 $0xA, v33;
	v39 =	vor.u32 $0x8, v33;
	v4 =	vsel vm0, v51, v4  }
0x204: {  	v63 =	vld [tilespmem:$0x10A40];
	v43 =	vor.u32 $0xB, v33;
	[tilespmem:$0x1FCF0] =	vst v8;
	v8 =	vsel vm0, $0xFFFFFFFF, v55;
	vm0 =	vgt.s32 v5, v4  }
0x205: {  	v62 =	vld [tilespmem:$0x1FE80];
	v45 =	vor.u32 $0xD, v33;
	v47 =	vor.u32 $0xE, v33;
	v4 =	vsel vm0, v5, v4  }
0x206: {  	v44 =	vor.u32 $0xC, v33;
	[tilespmem:$0x1FD10] =	vst v8;
	v8 =	vsel vm0, $0xFFFFFFFF, v57;
	v5 =	vld [tilespmem:$0x10A20];
	vm0 =	vgt.s32 v54, v4  }
0x207: {  	v38 =	vld [tilespmem:$0x10A60];
	v48 =	vor.u32 $0xF, v33;
	v50 =	vor.u32 $0x10, v33;
	[tilespmem:$0x1FD30] =	vst v8;
	v8 =	vsel vm0, $0xFFFFFFFF, v58  }
0x208: {  	v41 =	vld [tilespmem:$0x10A70];
	v52 =	vor.u32 $0x11, v33;
	v4 =	vsel vm0, v54, v4;
	[tilespmem:$0x1FD50] =	vst v8;
	v8 =	vsel vm4, v59, v33  }
0x209: {  	v46 =	vld [tilespmem:$0x10A90];
	v54 =	vor.u32 $0x12, v33;
	vm0 =	vgt.s32 v56, v4;
	v8 =	vsel vm5, v9, v8  }
0x20a: {  	v49 =	vld [tilespmem:$0x10AA0];
	v59 =	vor.u32 $0x14, v33;
	v4 =	vsel vm0, v56, v4;
	v8 =	vsel vm1, v62, v8  }
0x20b: {  	v55 =	vld [tilespmem:$0x1FB90];
	v9 =	vsel vm0, $0xFFFFFFFF, v61;
	vm0 =	vgt.s32 v5, v4;
	v8 =	vsel vm2, v32, v8  }
0x20c: {  	v56 =	vor.u32 $0x13, v33;
	v4 =	vsel vm0, v5, v4;
	v5 =	vld [tilespmem:$0x10A50];
	v8 =	vsel vm3, v34, v8  }
0x20d: {  	v53 =	vld [tilespmem:$0x1FB70];
	v61 =	vor.u32 $0x15, v33;
	v8 =	vsel vm8, v36, v8;
	vm8 =	vgt.s32 v60, v4  }
0x20e: {  	v51 =	vld [tilespmem:$0x1FB50];
	v10 =	vsel vm0, $0xFFFFFFFF, v35;
	v8 =	vsel vm6, v37, v8;
	v4 =	vsel vm8, v60, v4  }
0x20f: {  	[tilespmem:$0x1FA80] =	vst v32;
	v57 =	vld [tilespmem:$0x1FBB0];
	v32 =	vor.u32 $0x16, v33;
	v8 =	vsel vm9, v39, v8;
	vm0 =	vgt.s32 v63, v4  }
0x210: {  	v35 =	vor.u32 $0x17, v33;
	v60 =	vld [tilespmem:$0x1FBD0];
	v8 =	vsel vm7, v40, v8;
	v4 =	vsel vm0, v63, v4  }
0x211: {  	[tilespmem:$0x1FA90] =	vst v34;
	v58 =	vld [tilespmem:$0x10AC0];
	vm9 =	vnez.u8 v55;
	v8 =	vsel vm11, v42, v8;
	vm1 =	vgt.s32 v5, v4  }
0x212: {  	[tilespmem:$0x1FAC0] =	vst v39;
	v39 =	vor.u32 $0x19, v33;
	v8 =	vsel vm10, v43, v8;
	v4 =	vsel vm1, v5, v4;
	v5 =	vld [tilespmem:$0x10A80]  }
0x213: {  	[tilespmem:$0x1FAE0] =	vst v42;
	v34 =	vld [tilespmem:$0x1FC10];
	v42 =	vor.u32 $0x1A, v33;
	v8 =	vsel vm13, v44, v8;
	vm2 =	vgt.s32 v38, v4  }
0x214: {  	v62 =	vld [tilespmem:$0x1FBF0];
	vm10 =	vnez.u8 v57;
	v8 =	vsel vm12, v45, v8;
	v4 =	vsel vm2, v38, v4  }
0x215: {  	[tilespmem:$0x1FAA0] =	vst v36;
	v36 =	vld [tilespmem:$0x1FC30];
	vm11 =	vnez.u8 v60;
	v8 =	vsel vm15, v47, v8;
	vm3 =	vgt.s32 v41, v4  }
0x216: {  	[tilespmem:$0x1FAD0] =	vst v40;
	v40 =	vld [tilespmem:$0x1FC70];
	v8 =	vsel vm14, v48, v8;
	v4 =	vsel vm3, v41, v4;
	vm14 =	vnez.u8 v51  }
0x217: {  	v38 =	vld [tilespmem:$0x1FC50];
	vm15 =	vnez.u8 v53;
	v8 =	vsel vm14, v50, v8;
	vm4 =	vgt.s32 v5, v4  }
0x218: {  	vm13 =	vnez.u8 v34;
	v8 =	vsel vm15, v52, v8;
	v4 =	vsel vm4, v5, v4;
	v5 =	vld [tilespmem:$0x10AB0]  }
0x219: {  	[tilespmem:$0x1FB00] =	vst v44;
	v63 =	vld [tilespmem:$0x10AD0];
	v44 =	vor.u32 $0x1B, v33;
	v8 =	vsel vm9, v54, v8;
	vm5 =	vgt.s32 v46, v4  }
0x21a: {  	[tilespmem:$0x1FAF0] =	vst v43;
	v43 =	vld [tilespmem:$0x1FC90];
	vm12 =	vnez.u8 v62;
	v8 =	vsel vm10, v56, v8;
	v4 =	vsel vm5, v46, v4  }
0x21b: {  	[tilespmem:$0x1FB10] =	vst v45;
	v45 =	vld [tilespmem:$0x1FCB0];
	vm14 =	vnez.u8 v36;
	v8 =	vsel vm11, v59, v8;
	vm6 =	vgt.s32 v49, v4  }
0x21c: {  	[tilespmem:$0x1FB30] =	vst v48;
	v48 =	vld [tilespmem:$0x1FCD0];
	vm15 =	vnez.u8 v38;
	v8 =	vsel vm12, v61, v8;
	v4 =	vsel vm6, v49, v4  }
0x21d: {  	vm12 =	vnez.u8 v40;
	v8 =	vsel vm13, v32, v8;
	vm7 =	vgt.s32 v5, v4  }
0x21e: {  	v8 =	vsel vm14, v35, v8;
	v4 =	vsel vm7, v5, v4;
	v5 =	vor.u32 $0x18, v33  }
0x21f: {  	vm13 =	vnez.u8 v43;
	[tilespmem:$0x1FC40] =	vst v5;
	v5 =	vsel vm15, v5, v8;
	vm9 =	vgt.s32 v58, v4  }
0x220: {  	vm14 =	vnez.u8 v45;
	v5 =	vsel vm12, v39, v5;
	v4 =	vsel vm9, v58, v4  }
0x221: {  	vm15 =	vnez.u8 v48;
	v5 =	vsel vm13, v42, v5;
	vm10 =	vgt.s32 v63, v4  }
0x222: {  	v5 =	vsel vm14, v44, v5;
	v46 =	vsel vm10, v63, v4;
	v4 =	vor.u32 $0x1C, v33  }
0x223: {  	v7 =	vsel vm15, v4, v5;
	v5 =	vld [tilespmem:$0x1FCF0];
	_ =	sdelay $0x4  }
0x224: {  	vm12 =	vnez.u8 v5;
	v5 =	vld [tilespmem:$0x1FD10];
	_ =	sdelay $0x3  }
0x225: {  	[tilespmem:$0x1FCC0] =	vst v4;
	v4 =	vor.u32 $0x1D, v33  }
0x226: {  	v7 =	vsel vm12, v4, v7;
	vm12 =	vnez.u8 v5;
	v5 =	vld [tilespmem:$0x1FD30];
	_ =	sdelay $0x4  }
0x227: {  	vm13 =	vnez.u8 v5;
	v5 =	vld [tilespmem:$0x1FD50]  }
0x228: {  	[tilespmem:$0x1FAB0] =	vst v37  }
0x229: {  	[tilespmem:$0x1FD70] =	vst v9  }
0x22a: {  	[tilespmem:$0x1FCE0] =	vst v4;
	v4 =	vor.u32 $0x1E, v33  }
0x22b: {  	v37 =	vld [tilespmem:$0x10AE0];
	[tilespmem:$0x1FD00] =	vst v4;
	v49 =	vsel vm12, v4, v7;
	v4 =	vor.u32 $0x1F, v33  }
0x22c: {  	v11 =	vsel vm13, v4, v49;
	vm13 =	vnez.u8 v5;
	v5 =	vld [tilespmem:$0x1FD70]  }
0x22d: {  	v41 =	vld [tilespmem:$0x10AF0];
	_ =	sdelay $0x1  }
0x22e: {  	[tilespmem:$0x1FB20] =	vst v47;
	v47 =	vld [tilespmem:$0x10B00]  }
0x22f: {  	[tilespmem:$0x1FD90] =	vst v10;
	vm11 =	vgt.s32 v37, v46  }
0x230: {  	v9 =	vsel vm11, v37, v46;
	vm14 =	vnez.u8 v5;
	v5 =	vld [tilespmem:$0x1FD90]  }
0x231: {  	v12 =	vld [tilespmem:$0x10B10];
	vm12 =	vgt.s32 v41, v9  }
0x232: {  	[tilespmem:$0x1FD20] =	vst v4;
	v13 =	vsel vm12, v41, v9;
	v4 =	vor.u32 $0x20, v33  }
0x233: {  	v14 =	vld [tilespmem:$0x10B20];
	v11 =	vsel vm13, v4, v11;
	vm13 =	vgt.s32 v47, v13  }
0x234: {  	[tilespmem:$0x1FD40] =	vst v4;
	v4 =	vor.u32 $0x21, v33;
	v13 =	vsel vm13, v47, v13  }
0x235: {  	v16 =	vld [tilespmem:$0x10B30];
	[tilespmem:$0x1FD60] =	vst v4;
	v11 =	vsel vm14, v4, v11;
	v4 =	vor.u32 $0x22, v33;
	vm14 =	vnez.u8 v5  }
0x236: {  	[tilespmem:$0x1FD80] =	vst v4;
	v15 =	vsel vm14, v4, v11;
	vm14 =	vgt.s32 v12, v13;
	v4 =	vor.u32 $0x23, v33  }
0x237: {  	v18 =	vld [tilespmem:$0x10B40];
	[tilespmem:$0x1FDA0] =	vst v4;
	v15 =	vsel vm8, v4, v15;
	v17 =	vsel vm14, v12, v13;
	v4 =	vor.u32 $0x24, v33  }
0x238: {  	[tilespmem:$0x1FDB0] =	vst v4;
	v15 =	vsel vm0, v4, v15;
	vm0 =	vgt.s32 v14, v17;
	v4 =	vor.u32 $0x25, v33  }
0x239: {  	v20 =	vld [tilespmem:$0x10B50];
	v15 =	vsel vm1, v4, v15;
	v17 =	vsel vm0, v14, v17;
	v14 =	vor.u32 $0x26, v33  }
0x23a: {  	v19 =	vsel vm2, v14, v15;
	vm1 =	vgt.s32 v16, v17;
	v15 =	vor.u32 $0x27, v33  }
0x23b: {  	v22 =	vld [tilespmem:$0x10B60];
	v19 =	vsel vm3, v15, v19;
	v21 =	vsel vm1, v16, v17;
	v16 =	vor.u32 $0x28, v33  }
0x23c: {  	v17 =	vor.u32 $0x29, v33;
	v19 =	vsel vm4, v16, v19;
	vm2 =	vgt.s32 v18, v21  }
0x23d: {  	v24 =	vld [tilespmem:$0x10B70];
	v19 =	vsel vm5, v17, v19;
	v21 =	vsel vm2, v18, v21;
	v18 =	vor.u32 $0x2A, v33  }
0x23e: {  	v23 =	vsel vm6, v18, v19;
	vm3 =	vgt.s32 v20, v21;
	v19 =	vor.u32 $0x2B, v33  }
0x23f: {  	v26 =	vld [tilespmem:$0x10B80];
	v23 =	vsel vm7, v19, v23;
	v25 =	vsel vm3, v20, v21;
	v20 =	vor.u32 $0x2C, v33  }
0x240: {  	v21 =	vor.u32 $0x2D, v33;
	v23 =	vsel vm9, v20, v23;
	vm9 =	vgt.s32 v22, v25  }
0x241: {  	v28 =	vld [tilespmem:$0x10B90];
	v23 =	vsel vm10, v21, v23;
	v25 =	vsel vm9, v22, v25;
	v22 =	vor.u32 $0x2E, v33  }
0x242: {  	v27 =	vsel vm11, v22, v23;
	vm11 =	vgt.s32 v24, v25;
	v23 =	vor.u32 $0x2F, v33  }
0x243: {  	v30 =	vld [tilespmem:$0x10BA0];
	v27 =	vsel vm12, v23, v27;
	v29 =	vsel vm11, v24, v25;
	v24 =	vor.u32 $0x30, v33  }
0x244: {  	v25 =	vor.u32 $0x31, v33;
	v27 =	vsel vm13, v24, v27;
	vm15 =	vgt.s32 v26, v29  }
0x245: {  	[tilespmem:$0x1FC00] =	vst v32;
	v32 =	vld [tilespmem:$0x10BB0];
	v27 =	vsel vm14, v25, v27;
	v29 =	vsel vm15, v26, v29;
	v26 =	vor.u32 $0x32, v33  }
0x246: {  	v31 =	vsel vm0, v26, v27;
	vm0 =	vgt.s32 v28, v29;
	v27 =	vor.u32 $0x33, v33  }
0x247: {  	[tilespmem:$0x1FC20] =	vst v35;
	v35 =	vld [tilespmem:$0x10BC0];
	v31 =	vsel vm1, v27, v31;
	v34 =	vsel vm0, v28, v29;
	v28 =	vor.u32 $0x34, v33  }
0x248: {  	v29 =	vor.u32 $0x35, v33;
	v31 =	vsel vm2, v28, v31;
	vm1 =	vgt.s32 v30, v34  }
0x249: {  	v37 =	vld [tilespmem:$0x10BD0];
	v31 =	vsel vm3, v29, v31;
	v34 =	vsel vm1, v30, v34;
	v30 =	vor.u32 $0x36, v33  }
0x24a: {  	v36 =	vsel vm9, v30, v31;
	vm2 =	vgt.s32 v32, v34;
	v31 =	vor.u32 $0x37, v33  }
0x24b: {  	[tilespmem:$0x1FC60] =	vst v39;
	v39 =	vld [tilespmem:$0x10BE0];
	v36 =	vsel vm11, v31, v36;
	v38 =	vsel vm2, v32, v34;
	v32 =	vor.u32 $0x38, v33  }
0x24c: {  	v34 =	vor.u32 $0x39, v33;
	v36 =	vsel vm15, v32, v36;
	vm3 =	vgt.s32 v35, v38  }
0x24d: {  	v40 =	vld [tilespmem:$0x10BF0];
	v36 =	vsel vm0, v34, v36;
	v38 =	vsel vm3, v35, v38;
	v35 =	vor.u32 $0x3A, v33  }
0x24e: {  	[tilespmem:$0x1FB40] =	vst v50;
	v50 =	vsel vm1, v35, v36;
	vm0 =	vgt.s32 v37, v38;
	v36 =	vor.u32 $0x3B, v33  }
0x24f: {  	[tilespmem:$0x1FB60] =	vst v52;
	v51 =	vsel vm0, v37, v38;
	v52 =	vsel vm2, v36, v50;
	v37 =	vor.u32 $0x3C, v33  }
0x250: {  	v38 =	vor.u32 $0x3D, v33;
	vm1 =	vgt.s32 v39, v51;
	v41 =	vsel vm3, v37, v52  }
0x251: {  	[tilespmem:$0x1FC80] =	vst v42;
	v42 =	vsel vm1, v39, v51;
	v41 =	vsel vm0, v38, v41;
	v39 =	vor.u32 $0x3E, v33  }
0x252: {  	[tilespmem:$0x1FB80] =	vst v54;
	vm0 =	vgt.s32 v40, v42;
	v41 =	vsel vm1, v39, v41;
	v40 =	vor.u32 $0x3F, v33  }
0x253: {  	[tilespmem:$0x1FBC0] =	vst v59;
	v41 =	vsel vm0, v40, v41  }
0x254: {  	[tilespmem:$0x1FBA0] =	vst v56  }
0x255: {  	s23 =	sshll.u32 s20, $0xB;
	[tilespmem:$0x1FBE0] =	vst v61  }
0x256: {  	s23 =	sadd.s32 s9, s23;
	[tilespmem:$0x1FCA0] =	vst v44  }
0x257: {  	s23 =	sshrl.u32 s23, $0x3;
	[tilespmem:$0x1FDC0] =	vst v4  }
0x258: {  	s23 =	sadd.s32 s2, s23;
	[tilespmem:v41+s17+$0x0] =	vst.idx.msk $0xffff, v3  }
0x259: {  	[hbm4b:s23+s22] =	stream.linear.scatter [tilespmem:s17], [sflag:$0x3], $0x400, $0x38;
	[tilespmem:$0x11080] =	vst v63  }
0x25a: {  	s24 =	sshll.u32 s20, $0x1;
	_ =	swait.ge [sflag:s13], $0x400  }
0x25b: {  	s23 =	smin.u32 s24, $0x7;
	[sflag:s13] =	ssyncset.done $0x0  }
0x25c: {  	s23 =	sshll.u32 s23, $0xC;
	[sflag:s13] =	ssyncadd.s32 $0xFFFFFC00  }
0x25d: {  	s23 =	sadd.s32 s23, s10;
	[tilespmem:v41+s17+$0x0] =	vst.idx.msk $0xffff, v0  }
0x25e: {  	[tilespmem:s22], [sflag:$0x1] =	stream.linear.gather [hbm4b:s23+s22], $0x8000, $0x38;
	[tilespmem:$0x11080] =	vst v63  }
0x25f: {  	_ =	swait.ge [sflag:s18], $0x8000  }
0x260: {  	[sflag:s18] =	ssyncset.done $0x0  }
0x261: {  	[sflag:s18] =	ssyncadd.s32 $0xFFFF8000  }
0x262: {  	[tilespmem:$0x10800] =	vst v0  }
0x263: {  	[tilespmem:$0x10810] =	vst v0  }
0x264: {  	[tilespmem:$0x10820] =	vst v0  }
0x265: {  	[tilespmem:$0x10830] =	vst v0  }
0x266: {  	[tilespmem:$0x10840] =	vst v0  }
0x267: {  	[tilespmem:$0x10850] =	vst v0  }
0x268: {  	[tilespmem:$0x10860] =	vst v0  }
0x269: {  	[tilespmem:$0x10870] =	vst v0  }
0x26a: {  	[tilespmem:$0x10880] =	vst v0  }
0x26b: {  	[tilespmem:$0x10890] =	vst v0  }
0x26c: {  	[tilespmem:$0x108A0] =	vst v0  }
0x26d: {  	[tilespmem:$0x108B0] =	vst v0  }
0x26e: {  	[tilespmem:$0x108C0] =	vst v0  }
0x26f: {  	[tilespmem:$0x108D0] =	vst v0  }
0x270: {  	[tilespmem:$0x108E0] =	vst v0  }
0x271: {  	[tilespmem:$0x108F0] =	vst v0  }
0x272: {  	[tilespmem:$0x10900] =	vst v0  }
0x273: {  	[tilespmem:$0x10910] =	vst v0  }
0x274: {  	[tilespmem:$0x10920] =	vst v0  }
0x275: {  	[tilespmem:$0x10930] =	vst v0  }
0x276: {  	[tilespmem:$0x10940] =	vst v0  }
0x277: {  	[tilespmem:$0x10950] =	vst v0  }
0x278: {  	[tilespmem:$0x10960] =	vst v0  }
0x279: {  	[tilespmem:$0x10970] =	vst v0  }
0x27a: {  	[tilespmem:$0x10980] =	vst v0  }
0x27b: {  	[tilespmem:$0x10990] =	vst v0  }
0x27c: {  	[tilespmem:$0x109A0] =	vst v0  }
0x27d: {  	[tilespmem:$0x109B0] =	vst v0  }
0x27e: {  	[tilespmem:$0x109C0] =	vst v0  }
0x27f: {  	[tilespmem:$0x109D0] =	vst v0  }
0x280: {  	[tilespmem:$0x109E0] =	vst v0  }
0x281: {  	[tilespmem:$0x109F0] =	vst v0  }
0x282: {  	[tilespmem:$0x10A00] =	vst v0  }
0x283: {  	[tilespmem:$0x10A10] =	vst v0  }
0x284: {  	[tilespmem:$0x10A20] =	vst v0  }
0x285: {  	[tilespmem:$0x10A30] =	vst v0  }
0x286: {  	[tilespmem:$0x10A40] =	vst v0  }
0x287: {  	[tilespmem:$0x10A50] =	vst v0  }
0x288: {  	[tilespmem:$0x10A60] =	vst v0  }
0x289: {  	[tilespmem:$0x10A70] =	vst v0  }
0x28a: {  	[tilespmem:$0x10A80] =	vst v0  }
0x28b: {  	[tilespmem:$0x10A90] =	vst v0  }
0x28c: {  	[tilespmem:$0x10AA0] =	vst v0  }
0x28d: {  	[tilespmem:$0x10AB0] =	vst v0  }
0x28e: {  	[tilespmem:$0x10AC0] =	vst v0  }
0x28f: {  	[tilespmem:$0x10AD0] =	vst v0  }
0x290: {  	[tilespmem:$0x10AE0] =	vst v0  }
0x291: {  	[tilespmem:$0x10AF0] =	vst v0  }
0x292: {  	[tilespmem:$0x10B00] =	vst v0  }
0x293: {  	[tilespmem:$0x10B10] =	vst v0  }
0x294: {  	[tilespmem:$0x10B20] =	vst v0  }
0x295: {  	[tilespmem:$0x10B30] =	vst v0  }
0x296: {  	[tilespmem:$0x10B40] =	vst v0  }
0x297: {  	[tilespmem:$0x10B50] =	vst v0  }
0x298: {  	[tilespmem:$0x10B60] =	vst v0  }
0x299: {  	s25 =	simm.s32 $0x2;
	[tilespmem:$0x10B70] =	vst v0  }
0x29a: {  	v53 =	vadd.s32 s25, v1;
	[tilespmem:$0x10B80] =	vst v0  }
0x29b: {  	s26 =	simm.s32 $0x5;
	v54 =	vshll.u32 v53, $0x3;
	[tilespmem:$0x10B90] =	vst v0  }
0x29c: {  	v55 =	vand.u32 $0x7F, v53;
	v56 =	vadd.s32 s26, v1;
	v42 =	vand.u32 $0x7C00, v54;
	[tilespmem:$0x10BA0] =	vst v0  }
0x29d: {  	v57 =	vshll.u32 v56, $0x3;
	v60 =	vand.u32 $0x7F, v56;
	v42 =	vor.u32 v55, v42;
	s24 =	simm.s32 $0x7;
	[tilespmem:$0x10BB0] =	vst v0  }
0x29e: {  	v43 =	vand.u32 $0x7C00, v57;
	v42 =	vadd.s32 v2, v42;
	v46 =	vadd.s32 s24, v1;
	[tilespmem:$0x10BC0] =	vst v0  }
0x29f: {  	v10 =	vadd.s32 s22, v1;
	v43 =	vor.u32 v60, v43;
	v59 =	vshll.u32 v46, $0x3;
	[tilespmem:$0x10BD0] =	vst v0  }
0x2a0: {  	s28 =	simm.s32 $0x1;
	v43 =	vadd.s32 v2, v43;
	v61 =	vand.u32 $0x7F, v46;
	v48 =	vand.u32 $0x7C00, v59;
	[tilespmem:$0x10BE0] =	vst v0  }
0x2a1: {  	s31 =	simm.s32 $0x4;
	v57 =	vshll.u32 v10, $0x3;
	v45 =	vadd.s32 s28, v1;
	v48 =	vor.u32 v61, v48;
	[tilespmem:$0x10BF0] =	vst v0  }
0x2a2: {  	s29 =	simm.s32 $0x3;
	v60 =	vadd.s32 s31, v1;
	v58 =	vshll.u32 v45, $0x3;
	v48 =	vadd.s32 v2, v48;
	[tilespmem:$0x10C00] =	vst v0  }
0x2a3: {  	v62 =	vand.u32 $0x7F, v45;
	v49 =	vadd.s32 s29, v1;
	v47 =	vand.u32 $0x7C00, v58;
	v42 =	vld.idx.msk [tilespmem:v42+s14+$0x0], $0xffff  }
0x2a4: {  	s30 =	simm.s32 $0x6;
	v44 =	vand.u32 $0x7C00, v57;
	v63 =	vshll.u32 v49, $0x3;
	v47 =	vor.u32 v62, v47;
	v41 =	vld.idx.msk [tilespmem:v53+s12+$0x0], $0xffff  }
0x2a5: {  	v6 =	vand.u32 $0x7F, v49;
	v47 =	vadd.s32 v2, v47;
	v51 =	vadd.s32 s30, v1;
	v43 =	vld.idx.msk [tilespmem:v43+s14+$0x0], $0xffff  }
0x2a6: {  	v62 =	vshll.u32 v60, $0x3;
	v50 =	vand.u32 $0x7C00, v63;
	v7 =	vshll.u32 v51, $0x3;
	v11 =	vld.idx.msk [tilespmem:v56+s12+$0x0], $0xffff  }
0x2a7: {  	v50 =	vor.u32 v6, v50;
	v9 =	vand.u32 $0x7F, v51;
	v8 =	vand.u32 $0x7C00, v7;
	v48 =	vld.idx.msk [tilespmem:v48+s14+$0x0], $0xffff  }
0x2a8: {  	v6 =	vand.u32 $0x7F, v60;
	v50 =	vadd.s32 v2, v50;
	v52 =	vor.u32 v9, v8;
	v45 =	vld.idx.msk [tilespmem:v45+s12+$0x0], $0xffff  }
0x2a9: {  	v59 =	vand.u32 $0x7F, v10;
	v49 =	vld.idx.msk [tilespmem:v49+s12+$0x0], $0xffff;
	vm0 =	vge.f32 v42, $6.000000240e-01;
	v58 =	vshrl.u32 v41, $0x10  }
0x2aa: {  	v61 =	vld.idx.msk [tilespmem:v47+s14+$0x0], $0xffff;
	vm1 =	vle.f32 v42, $4.000000060e-01;
	v41 =	vand.u32 $0xFFFF, v41;
	v54 =	vnsel vm0, $0x400, v58  }
0x2ab: {  	v44 =	vor.u32 v59, v44;
	v47 =	vand.u32 $0x7C00, v62;
	v55 =	vsel vm1, v41, v54;
	v41 =	vld.idx.msk [tilespmem:v46+s12+$0x0], $0xffff  }
0x2ac: {  	v8 =	vld.idx.msk [tilespmem:v10+s12+$0x0], $0xffff;
	v10 =	vadd.s32 v2, v44;
	v47 =	vor.u32 v6, v47;
	v63 =	vshrl.u32 v11, $0x10  }
0x2ad: {  	v51 =	vld.idx.msk [tilespmem:v51+s12+$0x0], $0xffff;
	v42 =	vand.u32 $0xFFFF, v11;
	vm2 =	vle.f32 v48, $4.000000060e-01;
	v11 =	vadd.s32 v2, v52  }
0x2ae: {  	v9 =	vld.idx.msk [tilespmem:v60+s12+$0x0], $0xffff;
	v62 =	vshrl.u32 v49, $0x10;
	v52 =	vand.u32 $0xFFFF, v45;
	vm1 =	vge.f32 v43, $6.000000240e-01  }
0x2af: {  	vm0 =	vle.f32 v43, $4.000000060e-01;
	v54 =	vnsel vm1, $0x400, v63;
	vm1 =	vge.f32 v48, $6.000000240e-01  }
0x2b0: {  	v50 =	vld.idx.msk [tilespmem:v50+s14+$0x0], $0xffff;
	v7 =	vsel vm0, v42, v54;
	vm0 =	vle.f32 v61, $4.000000060e-01;
	v60 =	vshrl.u32 v41, $0x10  }
0x2b1: {  	v46 =	vnsel vm1, $0x400, v60;
	vm1 =	vge.f32 v61, $6.000000240e-01;
	v61 =	vadd.s32 v2, v47  }
0x2b2: {  	v44 =	vand.u32 $0xFFFF, v51;
	v43 =	vshrl.u32 v8, $0x10;
	v63 =	vshrl.u32 v45, $0x10  }
0x2b3: {  	v45 =	vand.u32 $0xFFFF, v9;
	v56 =	vadd.s32 v1, v55;
	v54 =	vld.idx.msk [tilespmem:v11+s14+$0x0], $0xffff;
	v41 =	vand.u32 $0xFFFF, v41  }
0x2b4: {  	v42 =	vshrl.u32 v9, $0x10;
	v55 =	vadd.s32 v1, v7;
	v48 =	vsel vm2, v41, v46  }
0x2b5: {  	v53 =	vld.idx.msk [tilespmem:v10+s14+$0x0], $0xffff;
	vm2 =	vge.f32 v50, $6.000000240e-01;
	v57 =	vnsel vm1, $0x400, v63;
	v41 =	vand.u32 $0xFFFF, v49  }
0x2b6: {  	s22 =	simm.s32 $0x8;
	v46 =	vand.u32 $0xFFFF, v8;
	v49 =	vshrl.u32 v51, $0x10;
	v47 =	vnsel vm2, $0x400, v62;
	v51 =	vld.idx.msk [tilespmem:v61+s14+$0x0], $0xffff  }
.LBB2_5:
0x2b7: {  	v58 =	vadd.s32 s22, v1;
	s23 =	sadd.s32 $0x1, s22;
	s24 =	sadd.s32 $0x2, s22;
	s25 =	sadd.s32 $0x3, s22;
	v52 =	vsel vm0, v52, v57;
	vm0 =	vle.f32 v50, $4.000000060e-01  }
0x2b8: {  	s26 =	sadd.s32 $0x6, s22;
	vm1 =	vle.f32 v54, $4.000000060e-01;
	v50 =	vadd.s32 s23, v1;
	v57 =	vadd.s32 s24, v1;
	s23 =	sadd.s32 $0x4, s22;
	s24 =	sadd.s32 $0x5, s22;
	[tilespmem:v56+s16+$0x0] =	vst.idx.add.s32.msk $0xffff, v3  }
0x2b9: {  	p0 =	slt.u32 s22, $0x7C8;
	vm2 =	vge.f32 v54, $6.000000240e-01;
	v56 =	vadd.s32 s23, v1;
	v59 =	vadd.s32 s24, v1;
	s23 =	sadd.s32 $0x7, s22;
	s22 =	sadd.s32 $0x8, s22  }
0x2ba: {  	v54 =	vand.u32 $0x7F, v58;
	v60 =	vshll.u32 v50, $0x3;
	v61 =	vadd.s32 s23, v1  }
0x2bb: {  	v62 =	vadd.s32 s25, v1;
	v49 =	vnsel vm2, $0x400, v49;
	v63 =	vshll.u32 v61, $0x3;
	[tilespmem:v55+s16+$0x0] =	vst.idx.add.s32.msk $0xffff, v3  }
0x2bc: {  	v4 =	vand.u32 $0x7F, v57;
	vm2 =	vle.f32 v53, $4.000000060e-01;
	v55 =	vld.idx.msk [tilespmem:v58+s12+$0x0], $0xffff;
	v63 =	vand.u32 $0x7C00, v63  }
0x2bd: {  	v6 =	vshll.u32 v62, $0x3;
	vm3 =	vge.f32 v53, $6.000000240e-01;
	v7 =	vand.u32 $0x7F, v61;
	v5 =	vld.idx.msk [tilespmem:v50+s12+$0x0], $0xffff  }
0x2be: {  	v9 =	vadd.s32 s26, v1;
	v8 =	vshll.u32 v59, $0x3;
	v43 =	vnsel vm3, $0x400, v43;
	v53 =	vld.idx.msk [tilespmem:v59+s12+$0x0], $0xffff  }
0x2bf: {  	v60 =	vand.u32 $0x7C00, v60;
	v46 =	vsel vm2, v46, v43;
	v59 =	vand.u32 $0x7F, v59;
	v10 =	vld.idx.msk [tilespmem:v57+s12+$0x0], $0xffff  }
0x2c0: {  	v43 =	vshll.u32 v58, $0x3;
	vm2 =	vle.f32 v51, $4.000000060e-01;
	v50 =	vand.u32 $0x7F, v50;
	v58 =	vld.idx.msk [tilespmem:v56+s12+$0x0], $0xffff  }
0x2c1: {  	v11 =	vand.u32 $0x7F, v9;
	v8 =	vand.u32 $0x7C00, v8;
	vm3 =	vge.f32 v51, $6.000000240e-01;
	v61 =	vld.idx.msk [tilespmem:v61+s12+$0x0], $0xffff  }
0x2c2: {  	v51 =	vshll.u32 v57, $0x3;
	v42 =	vnsel vm3, $0x400, v42;
	v7 =	vor.u32 v7, v63  }
0x2c3: {  	v44 =	vsel vm1, v44, v49;
	v51 =	vand.u32 $0x7C00, v51;
	v7 =	vadd.s32 v2, v7  }
0x2c4: {  	v48 =	vadd.s32 v1, v48;
	v49 =	vshll.u32 v56, $0x3;
	v4 =	vor.u32 v4, v51  }
0x2c5: {  	v41 =	vsel vm0, v41, v47;
	v42 =	vsel vm2, v45, v42;
	v4 =	vadd.s32 v2, v4;
	v51 =	vld.idx.msk [tilespmem:v62+s12+$0x0], $0xffff  }
0x2c6: {  	v47 =	vadd.s32 v1, v52;
	v45 =	vand.u32 $0x7C00, v43;
	v43 =	vor.u32 v50, v60  }
0x2c7: {  	v50 =	vand.u32 $0x7F, v62;
	v8 =	vor.u32 v59, v8;
	v57 =	vld.idx.msk [tilespmem:v9+s12+$0x0], $0xffff  }
0x2c8: {  	v6 =	vand.u32 $0x7C00, v6;
	v59 =	vadd.s32 v1, v41;
	v8 =	vadd.s32 v2, v8;
	v7 =	vld.idx.msk [tilespmem:v7+s14+$0x0], $0xffff  }
0x2c9: {  	v52 =	vadd.s32 v2, v43;
	v6 =	vor.u32 v50, v6;
	v9 =	vshll.u32 v9, $0x3;
	[tilespmem:v48+s16+$0x0] =	vst.idx.add.s32.msk $0xffff, v3  }
0x2ca: {  	v6 =	vadd.s32 v2, v6;
	v43 =	vshrl.u32 v55, $0x10;
	v9 =	vand.u32 $0x7C00, v9  }
0x2cb: {  	v60 =	vand.u32 $0xFFFF, v53;
	v48 =	vshrl.u32 v53, $0x10;
	v53 =	vadd.s32 v1, v46;
	[tilespmem:v47+s16+$0x0] =	vst.idx.add.s32.msk $0xffff, v3  }
0x2cc: {  	v41 =	vand.u32 $0xFFFF, v51;
	v47 =	vshrl.u32 v51, $0x10;
	v51 =	vadd.s32 v1, v44  }
0x2cd: {  	v12 =	vadd.s32 v1, v42;
	v63 =	vand.u32 $0xFFFF, v10;
	v62 =	vshrl.u32 v5, $0x10;
	v4 =	vld.idx.msk [tilespmem:v4+s14+$0x0], $0xffff  }
0x2ce: {  	v42 =	vshrl.u32 v58, $0x10;
	v13 =	vld.idx.msk [tilespmem:v52+s14+$0x0], $0xffff;
	v52 =	vand.u32 $0xFFFF, v5;
	v5 =	vor.u32 v11, v9  }
0x2cf: {  	v46 =	vand.u32 $0xFFFF, v55;
	v9 =	vor.u32 v54, v45;
	v11 =	vshrl.u32 v61, $0x10;
	v8 =	vld.idx.msk [tilespmem:v8+s14+$0x0], $0xffff  }
0x2d0: {  	v45 =	vand.u32 $0x7C00, v49;
	v9 =	vadd.s32 v2, v9;
	v5 =	vadd.s32 v2, v5;
	[tilespmem:v59+s16+$0x0] =	vst.idx.add.s32.msk $0xffff, v3  }
0x2d1: {  	v10 =	vshrl.u32 v10, $0x10;
	v44 =	vand.u32 $0xFFFF, v57;
	v50 =	vld.idx.msk [tilespmem:v6+s14+$0x0], $0xffff;
	v6 =	vand.u32 $0x7F, v56  }
0x2d2: {  	vm1 =	vle.f32 v7, $4.000000060e-01;
	vm2 =	vge.f32 v7, $6.000000240e-01;
	v49 =	vshrl.u32 v57, $0x10;
	[tilespmem:v53+s16+$0x0] =	vst.idx.add.s32.msk $0xffff, v3  }
0x2d3: {  	vm0 =	vge.f32 v4, $6.000000240e-01;
	v6 =	vor.u32 v6, v45;
	v45 =	vand.u32 $0xFFFF, v58;
	[tilespmem:v51+s16+$0x0] =	vst.idx.add.s32.msk $0xffff, v3  }
0x2d4: {  	vm3 =	vle.f32 v4, $4.000000060e-01;
	v4 =	vnsel vm0, $0x400, v10;
	v6 =	vadd.s32 v2, v6;
	[tilespmem:v12+s16+$0x0] =	vst.idx.add.s32.msk $0xffff, v3  }
.Ltmp1:
0x2d5: {  	vm0 =	vle.f32 v13, $4.000000060e-01;
	vm4 =	vge.f32 v13, $6.000000240e-01;
	v4 =	vsel vm3, v63, v4;
	v54 =	vld.idx.msk [tilespmem:v5+s14+$0x0], $0xffff;
	(pc) =	sbr.rel @p0 .LBB2_5-.Ltmp1, $4  }
0x2d6: {  	vm3 =	vle.f32 v8, $4.000000060e-01;
	vm5 =	vge.f32 v8, $6.000000240e-01;
	v56 =	vadd.s32 v1, v4  }
0x2d7: {  	v7 =	vnsel vm2, $0x400, v11;
	v4 =	vnsel vm5, $0x400, v48;
	v5 =	vand.u32 $0xFFFF, v61;
	v53 =	vld.idx.msk [tilespmem:v9+s14+$0x0], $0xffff  }
0x2d8: {  	v57 =	vnsel vm4, $0x400, v62;
	vm2 =	vge.f32 v50, $6.000000240e-01;
	v4 =	vsel vm3, v60, v4  }
0x2d9: {  	v48 =	vsel vm1, v5, v7;
	v47 =	vnsel vm2, $0x400, v47;
	v55 =	vadd.s32 v1, v4;
	v51 =	vld.idx.msk [tilespmem:v6+s14+$0x0], $0xffff  }
0x2da: {  	v4 =	vsel vm0, v52, v57;
	vm14 =	vle.f32 v50, $4.000000060e-01;
	vm3 =	vle.f32 v54, $4.000000060e-01  }
0x2db: {  	vm15 =	vge.f32 v54, $6.000000240e-01;
	v6 =	vadd.s32 v1, v48;
	v7 =	vsel vm14, v41, v47  }
0x2dc: {  	v4 =	vadd.s32 v1, v4;
	v8 =	vnsel vm15, $0x400, v49;
	vm1 =	vge.f32 v53, $6.000000240e-01  }
0x2dd: {  	vm2 =	vle.f32 v53, $4.000000060e-01;
	v7 =	vadd.s32 v1, v7;
	v8 =	vsel vm3, v44, v8  }
0x2de: {  	v5 =	vnsel vm1, $0x400, v43;
	v8 =	vadd.s32 v1, v8;
	vm5 =	vge.f32 v51, $6.000000240e-01  }
0x2df: {  	[tilespmem:v56+s16+$0x0] =	vst.idx.add.s32.msk $0xffff, v3;
	v5 =	vsel vm2, v46, v5;
	vm4 =	vle.f32 v51, $4.000000060e-01;
	v9 =	vnsel vm5, $0x400, v42  }
0x2e0: {  	[tilespmem:v55+s16+$0x0] =	vst.idx.add.s32.msk $0xffff, v3;
	v5 =	vadd.s32 v1, v5;
	v9 =	vsel vm4, v45, v9  }
0x2e1: {  	[tilespmem:v6+s16+$0x0] =	vst.idx.add.s32.msk $0xffff, v3;
	v53 =	vadd.s32 v1, v9  }
0x2e2: {  	[tilespmem:v4+s16+$0x0] =	vst.idx.add.s32.msk $0xffff, v3  }
0x2e3: {  	[tilespmem:v7+s16+$0x0] =	vst.idx.add.s32.msk $0xffff, v3  }
0x2e4: {  	[tilespmem:v8+s16+$0x0] =	vst.idx.add.s32.msk $0xffff, v3  }
0x2e5: {  	[tilespmem:v5+s16+$0x0] =	vst.idx.add.s32.msk $0xffff, v3  }
0x2e6: {  	[tilespmem:v53+s16+$0x0] =	vst.idx.add.s32.msk $0xffff, v3  }
0x2e7: {  	v41 =	vld [tilespmem:$0x1FE90]  }
0x2e8: {  	v42 =	vld [tilespmem:$0x1FEA0];
	_ =	sdelay $0x6  }
0x2e9: {  	v4 =	vld.idx.msk [tilespmem:v41+s12+$0x0], $0xffff  }
0x2ea: {  	v5 =	vld.idx.msk [tilespmem:v42+s14+$0x0], $0xffff;
	_ =	sdelay $0x4  }
0x2eb: {  	v54 =	vshrl.u32 v4, $0x10;
	vm6 =	vge.f32 v5, $6.000000240e-01  }
0x2ec: {  	v43 =	vld [tilespmem:$0x1FEB0];
	v4 =	vand.u32 $0xFFFF, v4;
	vm7 =	vle.f32 v5, $4.000000060e-01;
	v5 =	vnsel vm6, $0x400, v54  }
0x2ed: {  	v44 =	vld [tilespmem:$0x1FEC0];
	v4 =	vsel vm7, v4, v5  }
0x2ee: {  	v4 =	vadd.s32 v1, v4;
	_ =	sdelay $0x4  }
0x2ef: {  	[tilespmem:v4+s16+$0x0] =	vst.idx.add.s32.msk $0xffff, v3  }
0x2f0: {  	v4 =	vld.idx.msk [tilespmem:v43+s12+$0x0], $0xffff  }
0x2f1: {  	v5 =	vld.idx.msk [tilespmem:v44+s14+$0x0], $0xffff;
	_ =	sdelay $0x4  }
0x2f2: {  	v55 =	vshrl.u32 v4, $0x10;
	vm8 =	vge.f32 v5, $6.000000240e-01  }
0x2f3: {  	v45 =	vld [tilespmem:$0x1FED0];
	v4 =	vand.u32 $0xFFFF, v4;
	vm9 =	vle.f32 v5, $4.000000060e-01;
	v5 =	vnsel vm8, $0x400, v55  }
0x2f4: {  	v46 =	vld [tilespmem:$0x1FEE0];
	v4 =	vsel vm9, v4, v5  }
0x2f5: {  	v4 =	vadd.s32 v1, v4;
	_ =	sdelay $0x4  }
0x2f6: {  	[tilespmem:v4+s16+$0x0] =	vst.idx.add.s32.msk $0xffff, v3  }
0x2f7: {  	v4 =	vld.idx.msk [tilespmem:v45+s12+$0x0], $0xffff  }
0x2f8: {  	v5 =	vld.idx.msk [tilespmem:v46+s14+$0x0], $0xffff;
	_ =	sdelay $0x4  }
0x2f9: {  	v56 =	vshrl.u32 v4, $0x10;
	vm10 =	vge.f32 v5, $6.000000240e-01  }
0x2fa: {  	v47 =	vld [tilespmem:$0x1FEF0];
	v4 =	vand.u32 $0xFFFF, v4;
	vm11 =	vle.f32 v5, $4.000000060e-01;
	v5 =	vnsel vm10, $0x400, v56  }
0x2fb: {  	v48 =	vld [tilespmem:$0x1FF00];
	v4 =	vsel vm11, v4, v5  }
0x2fc: {  	v4 =	vadd.s32 v1, v4;
	_ =	sdelay $0x4  }
0x2fd: {  	[tilespmem:v4+s16+$0x0] =	vst.idx.add.s32.msk $0xffff, v3  }
0x2fe: {  	v4 =	vld.idx.msk [tilespmem:v47+s12+$0x0], $0xffff  }
0x2ff: {  	v5 =	vld.idx.msk [tilespmem:v48+s14+$0x0], $0xffff;
	_ =	sdelay $0x4  }
0x300: {  	v57 =	vshrl.u32 v4, $0x10;
	vm12 =	vge.f32 v5, $6.000000240e-01  }
0x301: {  	v49 =	vld [tilespmem:$0x1FF10];
	v4 =	vand.u32 $0xFFFF, v4;
	vm13 =	vle.f32 v5, $4.000000060e-01;
	v5 =	vnsel vm12, $0x400, v57  }
0x302: {  	v50 =	vld [tilespmem:$0x1FF20];
	v4 =	vsel vm13, v4, v5  }
0x303: {  	v4 =	vadd.s32 v1, v4;
	_ =	sdelay $0x4  }
0x304: {  	[tilespmem:v4+s16+$0x0] =	vst.idx.add.s32.msk $0xffff, v3  }
0x305: {  	v4 =	vld.idx.msk [tilespmem:v49+s12+$0x0], $0xffff  }
0x306: {  	v5 =	vld.idx.msk [tilespmem:v50+s14+$0x0], $0xffff;
	_ =	sdelay $0x4  }
0x307: {  	v58 =	vshrl.u32 v4, $0x10;
	vm14 =	vge.f32 v5, $6.000000240e-01  }
0x308: {  	v51 =	vld [tilespmem:$0x1FF30];
	v4 =	vand.u32 $0xFFFF, v4;
	vm15 =	vle.f32 v5, $4.000000060e-01;
	v5 =	vnsel vm14, $0x400, v58  }
0x309: {  	v52 =	vld [tilespmem:$0x1FF40];
	v4 =	vsel vm15, v4, v5  }
0x30a: {  	v4 =	vadd.s32 v1, v4;
	_ =	sdelay $0x4  }
0x30b: {  	[tilespmem:v4+s16+$0x0] =	vst.idx.add.s32.msk $0xffff, v3  }
0x30c: {  	v4 =	vld.idx.msk [tilespmem:v51+s12+$0x0], $0xffff  }
0x30d: {  	v5 =	vld.idx.msk [tilespmem:v52+s14+$0x0], $0xffff;
	_ =	sdelay $0x4  }
0x30e: {  	v59 =	vshrl.u32 v4, $0x10;
	vm4 =	vge.f32 v5, $6.000000240e-01  }
0x30f: {  	v53 =	vld [tilespmem:$0x1FF50];
	v4 =	vand.u32 $0xFFFF, v4;
	vm5 =	vle.f32 v5, $4.000000060e-01;
	v5 =	vnsel vm4, $0x400, v59  }
0x310: {  	v54 =	vld [tilespmem:$0x1FF60];
	v4 =	vsel vm5, v4, v5  }
0x311: {  	v4 =	vadd.s32 v1, v4;
	_ =	sdelay $0x4  }
0x312: {  	[tilespmem:v4+s16+$0x0] =	vst.idx.add.s32.msk $0xffff, v3  }
0x313: {  	v4 =	vld.idx.msk [tilespmem:v53+s12+$0x0], $0xffff  }
0x314: {  	v5 =	vld.idx.msk [tilespmem:v54+s14+$0x0], $0xffff;
	_ =	sdelay $0x4  }
0x315: {  	v60 =	vshrl.u32 v4, $0x10;
	vm6 =	vge.f32 v5, $6.000000240e-01  }
0x316: {  	v55 =	vld [tilespmem:$0x1FF70];
	v4 =	vand.u32 $0xFFFF, v4;
	vm7 =	vle.f32 v5, $4.000000060e-01;
	v5 =	vnsel vm6, $0x400, v60  }
0x317: {  	v56 =	vld [tilespmem:$0x1FF80];
	v4 =	vsel vm7, v4, v5  }
0x318: {  	v4 =	vadd.s32 v1, v4;
	_ =	sdelay $0x4  }
0x319: {  	[tilespmem:v4+s16+$0x0] =	vst.idx.add.s32.msk $0xffff, v3  }
0x31a: {  	v4 =	vld.idx.msk [tilespmem:v55+s12+$0x0], $0xffff  }
0x31b: {  	v5 =	vld.idx.msk [tilespmem:v56+s14+$0x0], $0xffff;
	_ =	sdelay $0x4  }
0x31c: {  	v61 =	vshrl.u32 v4, $0x10;
	vm8 =	vge.f32 v5, $6.000000240e-01  }
0x31d: {  	v57 =	vld [tilespmem:$0x1FF90];
	v4 =	vand.u32 $0xFFFF, v4;
	vm9 =	vle.f32 v5, $4.000000060e-01;
	v5 =	vnsel vm8, $0x400, v61  }
0x31e: {  	v58 =	vld [tilespmem:$0x1FFA0];
	v4 =	vsel vm9, v4, v5  }
0x31f: {  	v4 =	vadd.s32 v1, v4;
	_ =	sdelay $0x4  }
0x320: {  	[tilespmem:v4+s16+$0x0] =	vst.idx.add.s32.msk $0xffff, v3  }
0x321: {  	v4 =	vld.idx.msk [tilespmem:v57+s12+$0x0], $0xffff  }
0x322: {  	v5 =	vld.idx.msk [tilespmem:v58+s14+$0x0], $0xffff;
	_ =	sdelay $0x4  }
0x323: {  	v62 =	vshrl.u32 v4, $0x10;
	vm10 =	vge.f32 v5, $6.000000240e-01  }
0x324: {  	v59 =	vld [tilespmem:$0x1FFB0];
	v4 =	vand.u32 $0xFFFF, v4;
	vm11 =	vle.f32 v5, $4.000000060e-01;
	v5 =	vnsel vm10, $0x400, v62  }
0x325: {  	v60 =	vld [tilespmem:$0x1FFC0];
	v4 =	vsel vm11, v4, v5  }
0x326: {  	v4 =	vadd.s32 v1, v4;
	_ =	sdelay $0x4  }
0x327: {  	[tilespmem:v4+s16+$0x0] =	vst.idx.add.s32.msk $0xffff, v3  }
0x328: {  	v4 =	vld.idx.msk [tilespmem:v59+s12+$0x0], $0xffff  }
0x329: {  	v5 =	vld.idx.msk [tilespmem:v60+s14+$0x0], $0xffff;
	_ =	sdelay $0x4  }
0x32a: {  	v63 =	vshrl.u32 v4, $0x10;
	vm12 =	vge.f32 v5, $6.000000240e-01  }
0x32b: {  	v61 =	vld [tilespmem:$0x1FFD0];
	v4 =	vand.u32 $0xFFFF, v4;
	vm13 =	vle.f32 v5, $4.000000060e-01;
	v5 =	vnsel vm12, $0x400, v63  }
0x32c: {  	v62 =	vld [tilespmem:$0x1FFE0];
	v4 =	vsel vm13, v4, v5  }
0x32d: {  	v4 =	vadd.s32 v1, v4;
	_ =	sdelay $0x4  }
0x32e: {  	[tilespmem:v4+s16+$0x0] =	vst.idx.add.s32.msk $0xffff, v3  }
0x32f: {  	v4 =	vld.idx.msk [tilespmem:v61+s12+$0x0], $0xffff  }
0x330: {  	v5 =	vld.idx.msk [tilespmem:v62+s14+$0x0], $0xffff;
	_ =	sdelay $0x4  }
0x331: {  	v9 =	vshrl.u32 v4, $0x10;
	vm14 =	vge.f32 v5, $6.000000240e-01  }
0x332: {  	v63 =	vld [tilespmem:$0x1FFF0];
	v4 =	vand.u32 $0xFFFF, v4;
	vm15 =	vle.f32 v5, $4.000000060e-01;
	v5 =	vnsel vm14, $0x400, v9  }
0x333: {  	v4 =	vsel vm15, v4, v5;
	v5 =	vld [tilespmem:$0x1FDD0]  }
0x334: {  	v4 =	vadd.s32 v1, v4;
	_ =	sdelay $0x4  }
0x335: {  	[tilespmem:v4+s16+$0x0] =	vst.idx.add.s32.msk $0xffff, v3  }
0x336: {  	v4 =	vld.idx.msk [tilespmem:v63+s12+$0x0], $0xffff  }
0x337: {  	v5 =	vld.idx.msk [tilespmem:v5+s14+$0x0], $0xffff;
	_ =	sdelay $0x4  }
0x338: {  	v10 =	vshrl.u32 v4, $0x10;
	vm4 =	vge.f32 v5, $6.000000240e-01  }
0x339: {  	v4 =	vand.u32 $0xFFFF, v4;
	vm5 =	vle.f32 v5, $4.000000060e-01;
	v5 =	vnsel vm4, $0x400, v10  }
0x33a: {  	v4 =	vsel vm5, v4, v5  }
0x33b: {  	v4 =	vadd.s32 v1, v4;
	_ =	sdelay $0x3  }
0x33c: {  	v5 =	vld [tilespmem:$0x1FDF0]  }
0x33d: {  	[tilespmem:v4+s16+$0x0] =	vst.idx.add.s32.msk $0xffff, v3  }
0x33e: {  	v4 =	vld [tilespmem:$0x1FDE0];
	_ =	sdelay $0x6  }
0x33f: {  	v5 =	vld.idx.msk [tilespmem:v5+s14+$0x0], $0xffff  }
0x340: {  	v4 =	vld.idx.msk [tilespmem:v4+s12+$0x0], $0xffff;
	_ =	sdelay $0x4  }
0x341: {  	vm6 =	vge.f32 v5, $6.000000240e-01;
	v11 =	vshrl.u32 v4, $0x10  }
0x342: {  	vm7 =	vle.f32 v5, $4.000000060e-01;
	v4 =	vand.u32 $0xFFFF, v4;
	v5 =	vnsel vm6, $0x400, v11  }
0x343: {  	v4 =	vsel vm7, v4, v5  }
0x344: {  	v4 =	vadd.s32 v1, v4;
	_ =	sdelay $0x3  }
0x345: {  	v5 =	vld [tilespmem:$0x1FE10]  }
0x346: {  	[tilespmem:v4+s16+$0x0] =	vst.idx.add.s32.msk $0xffff, v3  }
0x347: {  	v4 =	vld [tilespmem:$0x1FE00];
	_ =	sdelay $0x6  }
0x348: {  	v5 =	vld.idx.msk [tilespmem:v5+s14+$0x0], $0xffff  }
0x349: {  	v4 =	vld.idx.msk [tilespmem:v4+s12+$0x0], $0xffff;
	_ =	sdelay $0x4  }
0x34a: {  	vm8 =	vge.f32 v5, $6.000000240e-01;
	v12 =	vshrl.u32 v4, $0x10  }
0x34b: {  	vm9 =	vle.f32 v5, $4.000000060e-01;
	v4 =	vand.u32 $0xFFFF, v4;
	v5 =	vnsel vm8, $0x400, v12  }
0x34c: {  	v4 =	vsel vm9, v4, v5  }
0x34d: {  	v4 =	vadd.s32 v1, v4;
	_ =	sdelay $0x3  }
0x34e: {  	v5 =	vld [tilespmem:$0x1FE30]  }
0x34f: {  	[tilespmem:v4+s16+$0x0] =	vst.idx.add.s32.msk $0xffff, v3  }
0x350: {  	v4 =	vld [tilespmem:$0x1FE20];
	_ =	sdelay $0x6  }
0x351: {  	v5 =	vld.idx.msk [tilespmem:v5+s14+$0x0], $0xffff  }
0x352: {  	v4 =	vld.idx.msk [tilespmem:v4+s12+$0x0], $0xffff;
	_ =	sdelay $0x4  }
0x353: {  	vm10 =	vge.f32 v5, $6.000000240e-01;
	v13 =	vshrl.u32 v4, $0x10  }
0x354: {  	vm11 =	vle.f32 v5, $4.000000060e-01;
	v4 =	vand.u32 $0xFFFF, v4;
	v5 =	vnsel vm10, $0x400, v13  }
0x355: {  	v4 =	vsel vm11, v4, v5  }
0x356: {  	v4 =	vadd.s32 v1, v4;
	_ =	sdelay $0x3  }
0x357: {  	v5 =	vld [tilespmem:$0x1FE50]  }
0x358: {  	[tilespmem:v4+s16+$0x0] =	vst.idx.add.s32.msk $0xffff, v3  }
0x359: {  	v4 =	vld [tilespmem:$0x1FE40];
	_ =	sdelay $0x6  }
0x35a: {  	v5 =	vld.idx.msk [tilespmem:v5+s14+$0x0], $0xffff  }
0x35b: {  	v4 =	vld.idx.msk [tilespmem:v4+s12+$0x0], $0xffff;
	_ =	sdelay $0x4  }
0x35c: {  	vm12 =	vge.f32 v5, $6.000000240e-01;
	v9 =	vshrl.u32 v4, $0x10  }
0x35d: {  	vm13 =	vle.f32 v5, $4.000000060e-01;
	v4 =	vand.u32 $0xFFFF, v4;
	v5 =	vnsel vm12, $0x400, v9  }
0x35e: {  	v4 =	vsel vm13, v4, v5  }
0x35f: {  	v4 =	vadd.s32 v1, v4;
	_ =	sdelay $0x4  }
0x360: {  	[tilespmem:v4+s16+$0x0] =	vst.idx.add.s32.msk $0xffff, v3  }
0x361: {  	v4 =	vld [tilespmem:$0x10800];
	_ =	sdelay $0x1  }
0x362: {  	v5 =	vld [tilespmem:$0x10810];
	_ =	sdelay $0x1  }
0x363: {  	v10 =	vld [tilespmem:$0x10820]  }
0x364: {  	v11 =	vshra.s32 v4, $0x1F  }
0x365: {  	v12 =	vld [tilespmem:$0x10830];
	v4 =	vor.u32 v11, v4  }
0x366: {  	vm14 =	vgt.s32 v5, v4  }
0x367: {  	v4 =	vsel vm14, v5, v4;
	v5 =	vld [tilespmem:$0x10840]  }
0x368: {  	vm15 =	vgt.s32 v10, v4  }
0x369: {  	v13 =	vld [tilespmem:$0x10850];
	v4 =	vsel vm15, v10, v4  }
0x36a: {  	vm2 =	vgt.s32 v12, v4  }
0x36b: {  	v9 =	vld [tilespmem:$0x10860];
	v4 =	vsel vm2, v12, v4  }
0x36c: {  	vm3 =	vgt.s32 v5, v4  }
0x36d: {  	v4 =	vsel vm3, v5, v4;
	v5 =	vld [tilespmem:$0x10870]  }
0x36e: {  	vm4 =	vgt.s32 v13, v4  }
0x36f: {  	v10 =	vld [tilespmem:$0x10880];
	v4 =	vsel vm4, v13, v4  }
0x370: {  	vm5 =	vgt.s32 v9, v4  }
0x371: {  	v11 =	vld [tilespmem:$0x10890];
	v4 =	vsel vm5, v9, v4  }
0x372: {  	vm6 =	vgt.s32 v5, v4  }
0x373: {  	v4 =	vsel vm6, v5, v4;
	v5 =	vld [tilespmem:$0x108A0]  }
0x374: {  	vm7 =	vgt.s32 v10, v4  }
0x375: {  	v12 =	vld [tilespmem:$0x108B0];
	v4 =	vsel vm7, v10, v4  }
0x376: {  	vm8 =	vgt.s32 v11, v4  }
0x377: {  	v7 =	vld [tilespmem:$0x108C0];
	v4 =	vsel vm8, v11, v4  }
0x378: {  	vm9 =	vgt.s32 v5, v4  }
0x379: {  	v4 =	vsel vm9, v5, v4;
	v5 =	vld [tilespmem:$0x108D0]  }
0x37a: {  	vm10 =	vgt.s32 v12, v4  }
0x37b: {  	v6 =	vld [tilespmem:$0x108E0];
	v13 =	vimm.s32 $0x0;
	v4 =	vsel vm10, v12, v4  }
0x37c: {  	v8 =	vsel vm10, $0xFFFFFFFF, v13;
	vm10 =	vgt.s32 v7, v4  }
0x37d: {  	v12 =	vimm.s32 $0x0;
	v4 =	vsel vm10, v7, v4;
	v7 =	vld [tilespmem:$0x108F0]  }
0x37e: {  	[tilespmem:$0x1F920] =	vst v8;
	v8 =	vsel vm10, $0xFFFFFFFF, v12;
	vm10 =	vgt.s32 v5, v4  }
0x37f: {  	v13 =	vimm.s32 $0x0;
	v4 =	vsel vm10, v5, v4;
	v5 =	vld [tilespmem:$0x10900]  }
0x380: {  	[tilespmem:$0x1F930] =	vst v8;
	v8 =	vsel vm10, $0xFFFFFFFF, v13;
	vm10 =	vgt.s32 v6, v4  }
0x381: {  	v12 =	vimm.s32 $0x0;
	v4 =	vsel vm10, v6, v4;
	v6 =	vld [tilespmem:$0x10910]  }
0x382: {  	[tilespmem:$0x1F940] =	vst v8;
	v8 =	vsel vm10, $0xFFFFFFFF, v12;
	vm10 =	vgt.s32 v7, v4  }
0x383: {  	v13 =	vimm.s32 $0x0;
	v4 =	vsel vm10, v7, v4;
	v7 =	vld [tilespmem:$0x10920]  }
0x384: {  	[tilespmem:$0x1F950] =	vst v8;
	v8 =	vsel vm10, $0xFFFFFFFF, v13;
	vm10 =	vgt.s32 v5, v4  }
0x385: {  	v12 =	vimm.s32 $0x0;
	v4 =	vsel vm10, v5, v4;
	v5 =	vld [tilespmem:$0x10930]  }
0x386: {  	[tilespmem:$0x1F960] =	vst v8;
	v8 =	vsel vm10, $0xFFFFFFFF, v12;
	vm10 =	vgt.s32 v6, v4  }
0x387: {  	v13 =	vimm.s32 $0x0;
	v4 =	vsel vm10, v6, v4;
	v6 =	vld [tilespmem:$0x10940]  }
0x388: {  	[tilespmem:$0x1F970] =	vst v8;
	v8 =	vsel vm10, $0xFFFFFFFF, v13;
	vm10 =	vgt.s32 v7, v4  }
0x389: {  	v12 =	vimm.s32 $0x0;
	v4 =	vsel vm10, v7, v4;
	v7 =	vld [tilespmem:$0x10950]  }
0x38a: {  	[tilespmem:$0x1F980] =	vst v8;
	v8 =	vsel vm10, $0xFFFFFFFF, v12;
	vm10 =	vgt.s32 v5, v4  }
0x38b: {  	v13 =	vimm.s32 $0x0;
	v4 =	vsel vm10, v5, v4;
	v5 =	vld [tilespmem:$0x10960]  }
0x38c: {  	[tilespmem:$0x1F990] =	vst v8;
	v8 =	vsel vm10, $0xFFFFFFFF, v13;
	vm10 =	vgt.s32 v6, v4  }
0x38d: {  	v12 =	vimm.s32 $0x0;
	v4 =	vsel vm10, v6, v4;
	v6 =	vld [tilespmem:$0x10970]  }
0x38e: {  	[tilespmem:$0x1F9A0] =	vst v8;
	v8 =	vsel vm10, $0xFFFFFFFF, v12;
	vm10 =	vgt.s32 v7, v4  }
0x38f: {  	v13 =	vimm.s32 $0x0;
	v4 =	vsel vm10, v7, v4;
	v7 =	vld [tilespmem:$0x10980]  }
0x390: {  	[tilespmem:$0x1F9B0] =	vst v8;
	v8 =	vsel vm10, $0xFFFFFFFF, v13;
	vm10 =	vgt.s32 v5, v4  }
0x391: {  	v12 =	vimm.s32 $0x0;
	v4 =	vsel vm10, v5, v4;
	v5 =	vld [tilespmem:$0x10990]  }
0x392: {  	[tilespmem:$0x1F9C0] =	vst v8;
	v8 =	vsel vm10, $0xFFFFFFFF, v12;
	vm10 =	vgt.s32 v6, v4  }
0x393: {  	v13 =	vimm.s32 $0x0;
	v4 =	vsel vm10, v6, v4;
	v6 =	vld [tilespmem:$0x109A0]  }
0x394: {  	[tilespmem:$0x1F9D0] =	vst v8;
	v8 =	vsel vm10, $0xFFFFFFFF, v13;
	vm10 =	vgt.s32 v7, v4  }
0x395: {  	v12 =	vimm.s32 $0x0;
	v4 =	vsel vm10, v7, v4;
	v7 =	vld [tilespmem:$0x109B0]  }
0x396: {  	[tilespmem:$0x1F9E0] =	vst v8;
	v8 =	vsel vm10, $0xFFFFFFFF, v12;
	vm10 =	vgt.s32 v5, v4  }
0x397: {  	v13 =	vimm.s32 $0x0;
	v4 =	vsel vm10, v5, v4;
	v5 =	vld [tilespmem:$0x109C0]  }
0x398: {  	[tilespmem:$0x1F9F0] =	vst v8;
	v8 =	vsel vm10, $0xFFFFFFFF, v13;
	vm10 =	vgt.s32 v6, v4  }
0x399: {  	v12 =	vimm.s32 $0x0;
	v4 =	vsel vm10, v6, v4;
	v6 =	vld [tilespmem:$0x109D0]  }
0x39a: {  	[tilespmem:$0x1FA00] =	vst v8;
	v8 =	vsel vm10, $0xFFFFFFFF, v12;
	vm10 =	vgt.s32 v7, v4  }
0x39b: {  	v13 =	vimm.s32 $0x0;
	v4 =	vsel vm10, v7, v4;
	v7 =	vld [tilespmem:$0x109E0]  }
0x39c: {  	[tilespmem:$0x1FA10] =	vst v8;
	v8 =	vsel vm10, $0xFFFFFFFF, v13;
	vm10 =	vgt.s32 v5, v4  }
0x39d: {  	v12 =	vimm.s32 $0x0;
	v4 =	vsel vm10, v5, v4;
	v5 =	vld [tilespmem:$0x109F0]  }
0x39e: {  	[tilespmem:$0x1FA20] =	vst v8;
	v8 =	vsel vm10, $0xFFFFFFFF, v12;
	vm10 =	vgt.s32 v6, v4  }
0x39f: {  	v13 =	vimm.s32 $0x0;
	v4 =	vsel vm10, v6, v4  }
0x3a0: {  	[tilespmem:$0x1FA30] =	vst v8;
	v8 =	vsel vm10, $0xFFFFFFFF, v13;
	vm10 =	vgt.s32 v7, v4  }
0x3a1: {  	v12 =	vimm.s32 $0x0;
	v6 =	vld [tilespmem:$0x10A00];
	v4 =	vsel vm10, v7, v4  }
0x3a2: {  	v13 =	vimm.s32 $0x0;
	[tilespmem:$0x1FA40] =	vst v8;
	v8 =	vsel vm10, $0xFFFFFFFF, v12;
	vm10 =	vgt.s32 v5, v4  }
0x3a3: {  	[tilespmem:$0x1FA50] =	vst v8;
	v8 =	vsel vm10, $0xFFFFFFFF, v13;
	v13 =	vld [tilespmem:$0x1FE60];
	_ =	sdelay $0x1  }
0x3a4: {  	v4 =	vsel vm10, v5, v4  }
0x3a5: {  	v12 =	vimm.s32 $0x0;
	vm10 =	vgt.s32 v6, v4  }
0x3a6: {  	[tilespmem:$0x1FA60] =	vst v8;
	v8 =	vsel vm10, $0xFFFFFFFF, v12;
	v12 =	vld [tilespmem:$0x1FE70]  }
0x3a7: {  	[tilespmem:$0x1FA70] =	vst v8;
	v8 =	vsel vm14, v13, v33;
	v13 =	vld [tilespmem:$0x1FE80];
	_ =	sdelay $0x3  }
0x3a8: {  	v8 =	vsel vm15, v12, v8;
	v12 =	vld [tilespmem:$0x1FA80]  }
0x3a9: {  	v8 =	vsel vm2, v13, v8;
	v13 =	vld [tilespmem:$0x1FA90];
	_ =	sdelay $0x3  }
0x3aa: {  	v8 =	vsel vm3, v12, v8;
	v12 =	vld [tilespmem:$0x1FAA0]  }
0x3ab: {  	v8 =	vsel vm4, v13, v8;
	v13 =	vld [tilespmem:$0x1FAB0];
	_ =	sdelay $0x3  }
0x3ac: {  	v8 =	vsel vm5, v12, v8;
	v12 =	vld [tilespmem:$0x1FAC0]  }
0x3ad: {  	v8 =	vsel vm6, v13, v8;
	v13 =	vld [tilespmem:$0x1FAD0];
	_ =	sdelay $0x2  }
0x3ae: {  	v10 =	vld [tilespmem:$0x1F920]  }
0x3af: {  	v8 =	vsel vm7, v12, v8;
	v12 =	vld [tilespmem:$0x1FAE0]  }
0x3b0: {  	v8 =	vsel vm8, v13, v8;
	v13 =	vld [tilespmem:$0x1FAF0];
	_ =	sdelay $0x3  }
0x3b1: {  	vm6 =	vnez.u8 v10;
	v8 =	vsel vm9, v12, v8  }
0x3b2: {  	v8 =	vsel vm6, v13, v8;
	v13 =	vld [tilespmem:$0x1F930]  }
0x3b3: {  	v12 =	vld [tilespmem:$0x1FB00];
	_ =	sdelay $0x3  }
0x3b4: {  	vm7 =	vnez.u8 v13;
	v13 =	vld [tilespmem:$0x1F940]  }
0x3b5: {  	v8 =	vsel vm7, v12, v8;
	v12 =	vld [tilespmem:$0x1FB10];
	_ =	sdelay $0x3  }
0x3b6: {  	vm8 =	vnez.u8 v13;
	v13 =	vld [tilespmem:$0x1F950]  }
0x3b7: {  	v8 =	vsel vm8, v12, v8;
	v12 =	vld [tilespmem:$0x1FB20];
	_ =	sdelay $0x3  }
0x3b8: {  	vm15 =	vnez.u8 v13;
	v13 =	vld [tilespmem:$0x1F960]  }
0x3b9: {  	v8 =	vsel vm15, v12, v8;
	v12 =	vld [tilespmem:$0x1FB30];
	_ =	sdelay $0x3  }
0x3ba: {  	vm4 =	vnez.u8 v13;
	v13 =	vld [tilespmem:$0x1F970]  }
0x3bb: {  	v8 =	vsel vm4, v12, v8;
	v12 =	vld [tilespmem:$0x1FB40];
	_ =	sdelay $0x3  }
0x3bc: {  	vm5 =	vnez.u8 v13;
	v13 =	vld [tilespmem:$0x1F980]  }
0x3bd: {  	v8 =	vsel vm5, v12, v8;
	v12 =	vld [tilespmem:$0x1FB60];
	_ =	sdelay $0x3  }
0x3be: {  	vm6 =	vnez.u8 v13;
	v13 =	vld [tilespmem:$0x1F990]  }
0x3bf: {  	v8 =	vsel vm6, v12, v8;
	v12 =	vld [tilespmem:$0x1FB80];
	_ =	sdelay $0x3  }
0x3c0: {  	vm15 =	vnez.u8 v13;
	v13 =	vld [tilespmem:$0x1F9A0]  }
0x3c1: {  	v8 =	vsel vm15, v12, v8;
	v12 =	vld [tilespmem:$0x1FBA0];
	_ =	sdelay $0x3  }
0x3c2: {  	vm4 =	vnez.u8 v13;
	v13 =	vld [tilespmem:$0x1F9B0]  }
0x3c3: {  	v8 =	vsel vm4, v12, v8;
	v12 =	vld [tilespmem:$0x1FBC0];
	_ =	sdelay $0x3  }
0x3c4: {  	vm5 =	vnez.u8 v13;
	v13 =	vld [tilespmem:$0x1F9C0]  }
0x3c5: {  	v8 =	vsel vm5, v12, v8;
	v12 =	vld [tilespmem:$0x1FBE0];
	_ =	sdelay $0x3  }
0x3c6: {  	vm15 =	vnez.u8 v13;
	v13 =	vld [tilespmem:$0x1F9D0]  }
0x3c7: {  	v8 =	vsel vm15, v12, v8;
	v12 =	vld [tilespmem:$0x1FC00];
	_ =	sdelay $0x3  }
0x3c8: {  	vm4 =	vnez.u8 v13;
	v13 =	vld [tilespmem:$0x1F9E0]  }
0x3c9: {  	v8 =	vsel vm4, v12, v8;
	v12 =	vld [tilespmem:$0x1FC20];
	_ =	sdelay $0x3  }
0x3ca: {  	vm15 =	vnez.u8 v13;
	v13 =	vld [tilespmem:$0x1F9F0]  }
0x3cb: {  	v8 =	vsel vm15, v12, v8;
	v12 =	vld [tilespmem:$0x1FC40];
	_ =	sdelay $0x3  }
0x3cc: {  	vm15 =	vnez.u8 v13;
	v13 =	vld [tilespmem:$0x1FA00]  }
0x3cd: {  	v8 =	vsel vm15, v12, v8;
	v12 =	vld [tilespmem:$0x1FC60];
	_ =	sdelay $0x3  }
0x3ce: {  	vm15 =	vnez.u8 v13;
	v13 =	vld [tilespmem:$0x1FA10]  }
0x3cf: {  	v8 =	vsel vm15, v12, v8;
	v12 =	vld [tilespmem:$0x1FC80];
	_ =	sdelay $0x1  }
0x3d0: {  	v7 =	vld [tilespmem:$0x10A10];
	_ =	sdelay $0x1  }
0x3d1: {  	vm15 =	vnez.u8 v13;
	v13 =	vld [tilespmem:$0x1FA20]  }
0x3d2: {  	v8 =	vsel vm15, v12, v8;
	v12 =	vld [tilespmem:$0x1FCA0]  }
0x3d3: {  	v5 =	vld [tilespmem:$0x10A20];
	v4 =	vsel vm10, v6, v4  }
0x3d4: {  	v6 =	vld [tilespmem:$0x10A30];
	vm14 =	vgt.s32 v7, v4  }
0x3d5: {  	v4 =	vsel vm14, v7, v4;
	v7 =	vld [tilespmem:$0x10A40]  }
0x3d6: {  	vm15 =	vnez.u8 v13;
	v13 =	vld [tilespmem:$0x1FA30]  }
0x3d7: {  	v8 =	vsel vm15, v12, v8;
	v12 =	vld [tilespmem:$0x1FCC0]  }
0x3d8: {  	vm13 =	vgt.s32 v5, v4  }
0x3d9: {  	v4 =	vsel vm13, v5, v4;
	v5 =	vld [tilespmem:$0x10A50]  }
0x3da: {  	vm12 =	vgt.s32 v6, v4  }
0x3db: {  	v4 =	vsel vm12, v6, v4;
	vm15 =	vnez.u8 v13;
	v13 =	vld [tilespmem:$0x1FA40]  }
0x3dc: {  	vm11 =	vgt.s32 v7, v4;
	v8 =	vsel vm15, v12, v8;
	v12 =	vld [tilespmem:$0x1FCE0]  }
0x3dd: {  	v6 =	vld [tilespmem:$0x10A60];
	v4 =	vsel vm11, v7, v4  }
0x3de: {  	v7 =	vld [tilespmem:$0x10A70];
	vm10 =	vgt.s32 v5, v4  }
0x3df: {  	v4 =	vsel vm10, v5, v4;
	v5 =	vld [tilespmem:$0x10A80]  }
0x3e0: {  	vm15 =	vnez.u8 v13;
	v13 =	vld [tilespmem:$0x1FA50]  }
0x3e1: {  	v8 =	vsel vm15, v12, v8;
	v12 =	vld [tilespmem:$0x1FD00]  }
0x3e2: {  	vm9 =	vgt.s32 v6, v4  }
0x3e3: {  	v4 =	vsel vm9, v6, v4;
	v6 =	vld [tilespmem:$0x10A90]  }
0x3e4: {  	vm8 =	vgt.s32 v7, v4  }
0x3e5: {  	v4 =	vsel vm8, v7, v4;
	vm15 =	vnez.u8 v13;
	v13 =	vld [tilespmem:$0x1FA60]  }
0x3e6: {  	vm7 =	vgt.s32 v5, v4;
	v8 =	vsel vm15, v12, v8;
	v12 =	vld [tilespmem:$0x1FD20]  }
0x3e7: {  	v7 =	vld [tilespmem:$0x10AA0];
	v4 =	vsel vm7, v5, v4  }
0x3e8: {  	v5 =	vld [tilespmem:$0x10AB0];
	vm6 =	vgt.s32 v6, v4  }
0x3e9: {  	v4 =	vsel vm6, v6, v4;
	v6 =	vld [tilespmem:$0x10AC0]  }
0x3ea: {  	vm15 =	vnez.u8 v13;
	v13 =	vld [tilespmem:$0x1FA70]  }
0x3eb: {  	v8 =	vsel vm15, v12, v8;
	v12 =	vld [tilespmem:$0x1FD40]  }
0x3ec: {  	vm5 =	vgt.s32 v7, v4  }
0x3ed: {  	v4 =	vsel vm5, v7, v4;
	v7 =	vld [tilespmem:$0x10AD0]  }
0x3ee: {  	vm4 =	vgt.s32 v5, v4  }
0x3ef: {  	v4 =	vsel vm4, v5, v4;
	v5 =	vld [tilespmem:$0x10AE0];
	vm15 =	vnez.u8 v13  }
0x3f0: {  	vm3 =	vgt.s32 v6, v4;
	v8 =	vsel vm15, v12, v8;
	v12 =	vld [tilespmem:$0x1FD60]  }
0x3f1: {  	v4 =	vsel vm3, v6, v4  }
0x3f2: {  	v6 =	vld [tilespmem:$0x10AF0];
	vm2 =	vgt.s32 v7, v4  }
0x3f3: {  	v4 =	vsel vm2, v7, v4;
	v7 =	vld [tilespmem:$0x10B00]  }
0x3f4: {  	v13 =	vld [tilespmem:$0x1FD80]  }
0x3f5: {  	vm1 =	vgt.s32 v5, v4;
	v8 =	vsel vm14, v12, v8;
	v12 =	vld [tilespmem:$0x1FDA0]  }
0x3f6: {  	v4 =	vsel vm1, v5, v4  }
0x3f7: {  	v5 =	vld [tilespmem:$0x10B10];
	vm0 =	vgt.s32 v6, v4  }
0x3f8: {  	v4 =	vsel vm0, v6, v4;
	v6 =	vld [tilespmem:$0x10B20]  }
0x3f9: {  	v8 =	vsel vm13, v13, v8;
	v13 =	vld [tilespmem:$0x1FDB0]  }
0x3fa: {  	vm15 =	vgt.s32 v7, v4;
	v8 =	vsel vm12, v12, v8;
	v12 =	vld [tilespmem:$0x1FDC0]  }
0x3fb: {  	v4 =	vsel vm15, v7, v4;
	v7 =	vld [tilespmem:$0x10B30]  }
0x3fc: {  	vm13 =	vgt.s32 v5, v4  }
0x3fd: {  	v4 =	vsel vm13, v5, v4;
	v5 =	vld [tilespmem:$0x10B40]  }
0x3fe: {  	v8 =	vsel vm11, v13, v8;
	vm11 =	vgt.s32 v6, v4  }
0x3ff: {  	v13 =	vld [tilespmem:$0x10B50];
	v4 =	vsel vm11, v6, v4;
	v8 =	vsel vm10, v12, v8  }
0x400: {  	v8 =	vsel vm9, v14, v8;
	vm9 =	vgt.s32 v7, v4  }
0x401: {  	v8 =	vsel vm8, v15, v8;
	v4 =	vsel vm9, v7, v4;
	v15 =	vld [tilespmem:$0x10B60]  }
0x402: {  	v8 =	vsel vm7, v16, v8;
	vm10 =	vgt.s32 v5, v4  }
0x403: {  	v8 =	vsel vm6, v17, v8;
	v4 =	vsel vm10, v5, v4;
	v5 =	vld [tilespmem:$0x10B70]  }
0x404: {  	v8 =	vsel vm5, v18, v8;
	vm5 =	vgt.s32 v13, v4  }
0x405: {  	v8 =	vsel vm4, v19, v8;
	v4 =	vsel vm5, v13, v4;
	v19 =	vld [tilespmem:$0x10B80]  }
0x406: {  	v8 =	vsel vm3, v20, v8;
	vm12 =	vgt.s32 v15, v4  }
0x407: {  	v8 =	vsel vm2, v21, v8;
	v4 =	vsel vm12, v15, v4;
	v21 =	vld [tilespmem:$0x10B90]  }
0x408: {  	v8 =	vsel vm1, v22, v8;
	vm14 =	vgt.s32 v5, v4  }
0x409: {  	v8 =	vsel vm0, v23, v8;
	v4 =	vsel vm14, v5, v4;
	v5 =	vld [tilespmem:$0x10BA0]  }
0x40a: {  	v8 =	vsel vm15, v24, v8;
	vm15 =	vgt.s32 v19, v4  }
0x40b: {  	v8 =	vsel vm13, v25, v8;
	v4 =	vsel vm15, v19, v4;
	v25 =	vld [tilespmem:$0x10BB0]  }
0x40c: {  	v8 =	vsel vm11, v26, v8;
	vm8 =	vgt.s32 v21, v4  }
0x40d: {  	v8 =	vsel vm9, v27, v8;
	v4 =	vsel vm8, v21, v4;
	v27 =	vld [tilespmem:$0x10BC0]  }
0x40e: {  	v8 =	vsel vm10, v28, v8;
	vm10 =	vgt.s32 v5, v4  }
0x40f: {  	v8 =	vsel vm5, v29, v8;
	v4 =	vsel vm10, v5, v4;
	v5 =	vld [tilespmem:$0x10BD0]  }
0x410: {  	v8 =	vsel vm12, v30, v8;
	vm11 =	vgt.s32 v25, v4  }
0x411: {  	v8 =	vsel vm14, v31, v8;
	v4 =	vsel vm11, v25, v4;
	v31 =	vld [tilespmem:$0x10BE0]  }
0x412: {  	v8 =	vsel vm15, v32, v8;
	vm12 =	vgt.s32 v27, v4  }
0x413: {  	v8 =	vsel vm8, v34, v8;
	v4 =	vsel vm12, v27, v4;
	v34 =	vld [tilespmem:$0x10BF0]  }
0x414: {  	v8 =	vsel vm10, v35, v8;
	vm13 =	vgt.s32 v5, v4  }
0x415: {  	v8 =	vsel vm11, v36, v8;
	v4 =	vsel vm13, v5, v4  }
0x416: {  	v5 =	vsel vm12, v37, v8;
	vm14 =	vgt.s32 v31, v4  }
0x417: {  	v5 =	vsel vm13, v38, v5;
	v4 =	vsel vm14, v31, v4  }
0x418: {  	v5 =	vsel vm14, v39, v5;
	vm15 =	vgt.s32 v34, v4  }
0x419: {  	v4 =	vsel vm15, v40, v5;
	_ =	sdelay $0x1  }
0x41a: {  	s21 =	sadd.s32 s4, s21  }
0x41b: {  	s21 =	sshll.u32 s21, $0x3  }
0x41c: {  	s20 =	sadd.s32 $0x1, s20;
	s21 =	sand.u32 $0x1FFFFF80, s21  }
0x41d: {  	p0 =	sne.s32 s20, $0x5;
	s21 =	sadd.s32 s2, s21;
	[tilespmem:v4+s17+$0x0] =	vst.idx.msk $0xffff, v3  }
0x41e: {  	[hbm4b:s21+s3] =	stream.linear.scatter [tilespmem:s17], [sflag:$0x3], $0x400, $0x38;
	[tilespmem:$0x11080] =	vst v63  }
.Ltmp2:
0x41f: {  	_ = 	snop;
	(pc) =	sbr.rel @p0 .LBB2_2-.Ltmp2, $4  }
0x420: {  	_ =	swait.ge [sflag:s13], $0x400  }
0x421: {  	[sflag:s13] =	ssyncset.done $0x0  }
0x422: {  	[sflag:s13] =	ssyncadd.s32 $0xFFFFFC00  }
0x423: {  	[tilespmem:v4+s17+$0x0] =	vst.idx.msk $0xffff, v0  }
0x424: {  	s19 =	sadd.s32 $0x1, s19  }
0x425: {  	p0 =	sne.s32 s19, s11  }
.Ltmp3:
0x426: {  	_ = 	snop;
	(pc) =	sbr.rel @p0 .LBB2_1-.Ltmp3, $4  }
0x427: {  	_ = 	snop  }
0x428: {  	_ =	swait.ge [sflag:s15], $0x8000  }
0x429: {  	[sflag:s15] =	ssyncset.done $0x0  }
0x42a: {  	[sflag:s15] =	ssyncadd.s32 $0xFFFF8000  }
0x42b: {  	_ =	sfence.sel $0x180000  }
0x42c: {  	[bflag:$0x0] =	sbarrier.arrive $0xFFFF  }
0x42d: {  	p0 =	sne.s32 s0, $0x0;
	_ =	strace $0x90000047  }
0x42e: {  	s0 =	sadd.s32 @!p0 $0x100000, s1;
	[bflag:$0x2] =	sbarrier.arrive $0xFFFF  }
0x42f: {  	[sflag:s0] =	ssyncadd.tile.s32 @!p0 $0x1;
	_ =	shalt  }
.Lfunc_end2:
_tile_overlayer_lowered:
.L_overlay_start_2:
0x430: {  	(tag) =	ssettag $0x2  }
0x431: {  	s0 =	rddreg [dreg:$0x0];
	s2 =	stileid.u32  }
0x432: {  	s1 =	rddreg [dreg:$0x1];
	p0 =	sne.s32 s2, $0x0  }
0x433: {  	s3 =	rddreg [dreg:$0x2];
	[bflag:$0x3] =	sbarrier.arrive $0xFFFF;
	s2 =	simm.s32 @!p0 $0x1C03  }
0x434: {  	[timem:s3], [sflag:s2] =	dma.local @!p0 [hbm:s0], s1  }
0x435: {  	s0 =	simm.s32 @!p0 $0x3  }
0x436: {  	_ =	swait.ge @!p0 [sflag:s0], s1  }
0x437: {  	s1 =	ssub.s32 @!p0 $0x0, s1;
	[sflag:s0] =	ssyncset.done @!p0 $0x0  }
0x438: {  	[sflag:s0] =	ssyncadd.s32 @!p0 s1  }
0x439: {  	[bflag:$0x3] =	sbarrier.arrive $0xFFFF  }
0x43a: {  	_ =	shalt  }

</sc_bundles>
